<compile_context>
chip_gen: v7x
topology: tpu7x:2x2x1
jax: 0.10.2.dev20260603
libtpu: 0.0.44.dev20260713+nightly
codegen_flags: <defaults>
</compile_context>

<pallas_src>
import functools

import jax
import jax.numpy as jnp
from jax import lax
from jax.experimental import pallas as pl
from jax.experimental.pallas import tpu as pltpu
from jax.experimental.pallas import tpu_sc as plsc

K = 512
T_TOTAL = 52
B = 32
L = 2048
LANES = 16
CHUNK = 32
N_CHUNKS = L // CHUNK
VPR = K // LANES

_LOG2_COEF = (-3.028325, 6.065859, -5.2641554, 3.21887,
              -1.2342799, 0.26686278, -0.024825985)
_LN2 = 0.6931471805599453


def _vlog(x):
    bits = plsc.bitcast(x, jnp.int32)
    e = ((bits >> 23) & 0xFF) - 127
    m = plsc.bitcast((bits & 0x007FFFFF) | 0x3F800000, jnp.float32)
    acc = jnp.full((LANES,), _LOG2_COEF[-1], jnp.float32)
    for c in _LOG2_COEF[-2::-1]:
        acc = acc * m + jnp.float32(c)
    return (e.astype(jnp.float32) + acc) * jnp.float32(_LN2)


def _sc_body(table, xs, xe, t, out,
             xs_v, xe_v, t_v, idx1_v, idx2_v, rows1_v, rows2_v,
             gsem0, gsem1, osem0, osem1):
    wid = lax.axis_index("s") * 2 + lax.axis_index("c")
    gsem = (gsem0, gsem1)
    osem = (osem0, osem1)

    pltpu.sync_copy(xs.at[wid], xs_v)
    pltpu.sync_copy(xe.at[wid], xe_v)
    pltpu.sync_copy(t, t_v.at[pl.ds(0, B)])

    t_b = t_v[pl.ds(wid, LANES)][0]
    off1 = jnp.full((LANES,), t_b * K, jnp.int32)
    off2 = jnp.full((LANES,), (T_TOTAL - 1 - t_b) * K, jnp.int32)

    def prep_issue(chunk, b):
        base = chunk * CHUNK
        for j in range(CHUNK // LANES):
            xs_c = xs_v[pl.ds(base + j * LANES, LANES)]
            xe_c = xe_v[pl.ds(base + j * LANES, LANES)]
            idx1_v[b, pl.ds(j * LANES, LANES)] = xs_c + off1
            idx2_v[b, pl.ds(j * LANES, LANES)] = xe_c + off2
        pltpu.async_copy(table.at[idx1_v.at[b]], rows1_v.at[b], gsem[b])
        pltpu.async_copy(table.at[idx2_v.at[b]], rows2_v.at[b], gsem[b])

    def wait_gathers(b):
        pltpu.make_async_copy(table.at[idx1_v.at[b]], rows1_v.at[b],
                              gsem[b]).wait()
        pltpu.make_async_copy(table.at[idx2_v.at[b]], rows2_v.at[b],
                              gsem[b]).wait()

    def out_slice(base):
        return out.at[wid, pl.ds(base, CHUNK)]

    def issue_out(b, base):
        pltpu.async_copy(rows1_v.at[b], out_slice(base), osem[b])

    def wait_out(b, base):
        pltpu.make_async_copy(rows1_v.at[b], out_slice(base), osem[b]).wait()

    def compute(b):
        def token_body(i, tc):
            ss = []
            accs = [jnp.zeros((LANES,), jnp.float32) for _ in range(4)]
            for j in range(VPR):
                a = rows1_v[b, i, pl.ds(j * LANES, LANES)]
                bb = rows2_v[b, i, pl.ds(j * LANES, LANES)]
                s = a + bb
                ss.append(s)
                accs[j % 4] = accs[j % 4] + jnp.exp(s)
            tot = jnp.sum((accs[0] + accs[1]) + (accs[2] + accs[3]))
            lse = _vlog(jnp.full((LANES,), tot, jnp.float32))
            for j in range(VPR):
                rows1_v[b, i, pl.ds(j * LANES, LANES)] = ss[j] - lse
            return tc

        lax.fori_loop(0, CHUNK, token_body, 0, unroll=2)

    def pair_body(h, carry):
        c0 = h * 2
        @pl.when(c0 > 0)
        def _():
            wait_out(1, (c0 - 1) * CHUNK)
        prep_issue(c0 + 1, 1)
        wait_gathers(0)
        compute(0)
        issue_out(0, c0 * CHUNK)
        @pl.when(c0 + 2 < N_CHUNKS)
        def _():
            wait_out(0, c0 * CHUNK)
            prep_issue(c0 + 2, 0)
        wait_gathers(1)
        compute(1)
        issue_out(1, (c0 + 1) * CHUNK)
        return carry

    prep_issue(0, 0)
    lax.fori_loop(0, N_CHUNKS // 2, pair_body, 0)
    wait_out(0, (N_CHUNKS - 2) * CHUNK)
    wait_out(1, (N_CHUNKS - 1) * CHUNK)


@functools.partial(
    pl.kernel,
    out_type=jax.ShapeDtypeStruct((B, L, K), jnp.float32),
    mesh=plsc.VectorSubcoreMesh(core_axis_name="c", subcore_axis_name="s"),
    compiler_params=pltpu.CompilerParams(needs_layout_passes=False),
    scratch_types=[
        pltpu.VMEM((L,), jnp.int32),
        pltpu.VMEM((L,), jnp.int32),
        pltpu.VMEM((B + LANES,), jnp.int32),
        pltpu.VMEM((2, CHUNK), jnp.int32),
        pltpu.VMEM((2, CHUNK), jnp.int32),
        pltpu.VMEM((2, CHUNK, K), jnp.float32),
        pltpu.VMEM((2, CHUNK, K), jnp.float32),
        pltpu.SemaphoreType.DMA,
        pltpu.SemaphoreType.DMA,
        pltpu.SemaphoreType.DMA,
        pltpu.SemaphoreType.DMA,
    ],
)
def _bridge_logits_sc(table, xs, xe, t, out, *scratch):
    _sc_body(table, xs, xe, t, out, *scratch)


def kernel(x_start, x_end, t, log_p_cum):
    table = log_p_cum.reshape(T_TOTAL * K, K)
    return _bridge_logits_sc(table, x_start, x_end, t)

# --- scband reference (transcript-rebuilt; emitter-appended) ---
"""Pipeline reference for scband-prior-42502996361838 (READ-ONLY COPY).

The authoritative reference and input builder live on the scoring server;
editing this copy changes nothing except your own understanding.
"""

import jax, jax.numpy as jnp
import numpy as np

ALPHA = 0.02
NUM_CATEGORIES = 512
NUM_TIMESTEPS = 50
NUM_SKIP_STEPS = 1
B, L = 32, 2048


def _uniform_prior():
    K = NUM_CATEGORIES
    p = np.full((K, K), ALPHA / (K - 1), dtype=np.float64)
    np.fill_diagonal(p, 0.0)
    p = p + np.diag(np.ones(K, dtype=np.float64) - ALPHA)
    p = np.linalg.matrix_power(p, NUM_SKIP_STEPS)
    T = NUM_TIMESTEPS + 2
    cum = np.empty((T, K, K), dtype=np.float64)
    cum[0] = np.eye(K, dtype=np.float64)
    for i in range(1, T):
        cum[i] = cum[i - 1] @ p
    # module registers these (misnamed 'log_') buffers then casts to float32
    return p.T.astype(np.float32), cum.astype(np.float32)


def setup_inputs(seed: int = 0) -> dict:
    key = jax.random.key(seed)
    k1, k2, k3 = jax.random.split(key, 3)
    x_start = jax.random.randint(k1, (B, L), 0, NUM_CATEGORIES, dtype=jnp.int32)
    x_end = jax.random.randint(k2, (B, L), 0, NUM_CATEGORIES, dtype=jnp.int32)
    t = jax.random.randint(k3, (B,), 0, NUM_TIMESTEPS + 1, dtype=jnp.int32)
    p_onestep, p_cum = _uniform_prior()
    return {
        'x_start': x_start,
        'x_end': x_end,
        't': t,
        'log_p_cum': jnp.asarray(p_cum),
    }


def reference(x_start, x_end, t, log_p_cum):
    # Prior.bridge_logits: log p(x_t | x_0, x_1)
    K = NUM_CATEGORIES
    # extract('cumulative', t, row_id=x_start): broadcast(t, 1) -> [B,1]
    log_p_start_t = log_p_cum[t[:, None], x_start]  # [B, L, K]
    # extract('cumulative', T+1-t, column_id=x_end): log_p_cum[t2, :, x_end]
    t2 = (NUM_TIMESTEPS + 1 - t)
    log_p_t_end = log_p_cum[t2[:, None, None], jnp.arange(K)[None, None, :], x_end[:, :, None]]  # [B, L, K]
    log_probs = log_p_start_t + log_p_t_end
    log_probs = log_probs - jax.scipy.special.logsumexp(log_probs, axis=-1, keepdims=True)
    return log_probs

if __name__ == "__main__":
    import jax
    _d = setup_inputs()
    print(jax.jit(kernel)(*tuple(_d.values())))

</pallas_src>

<mosaic_0001>
#map = affine_map<(d0, d1) -> (0, 0)>
#map1 = affine_map<(d0, d1) -> (0)>
#map2 = affine_map<(d0, d1) -> (0, 0, 0)>
module attributes {stable_mosaic.version = 14 : i64} {
  func.func @_bridge_logits_sc(%arg0: i32, %arg1: i32, %arg2: memref<26624x512xf32, #tpu.memory_space<hbm>>, %arg3: memref<32x2048xi32, #tpu.memory_space<hbm>>, %arg4: memref<32x2048xi32, #tpu.memory_space<hbm>>, %arg5: memref<32xi32, #tpu.memory_space<hbm>>, %arg6: memref<32x2048x512xf32, #tpu.memory_space<hbm>>, %arg7: memref<2048xi32, #tpu.memory_space<vmem>>, %arg8: memref<2048xi32, #tpu.memory_space<vmem>>, %arg9: memref<48xi32, #tpu.memory_space<vmem>>, %arg10: memref<2x32xi32, #tpu.memory_space<vmem>>, %arg11: memref<2x32xi32, #tpu.memory_space<vmem>>, %arg12: memref<2x32x512xf32, #tpu.memory_space<vmem>>, %arg13: memref<2x32x512xf32, #tpu.memory_space<vmem>>, %arg14: memref<!tpu.dma_semaphore, #tpu.memory_space<semaphore_mem>>, %arg15: memref<!tpu.dma_semaphore, #tpu.memory_space<semaphore_mem>>, %arg16: memref<!tpu.dma_semaphore, #tpu.memory_space<semaphore_mem>>, %arg17: memref<!tpu.dma_semaphore, #tpu.memory_space<semaphore_mem>>) attributes {dimension_semantics = [#tpu.dimension_semantics<core_parallel>, #tpu.dimension_semantics<subcore_parallel>], iteration_bounds = array<i64: 2, 16>, scalar_prefetch = 0 : i64, scratch_operands = 11 : i64, tpu.core_type = #tpu.core_type<sc_vector_subcore>, window_params = [{transform_indices = #map}, {transform_indices = #map}, {transform_indices = #map}, {transform_indices = #map1}, {transform_indices = #map2}]} {
    %mul3A = arith.constant 2 : i32
    %mul3A_0 = arith.muli %arg1, %mul3A : i32
    %add3A = arith.addi %mul3A_0, %arg0 : i32
    "tpu.region"() ({
      %run_scoped3A = tpu.sem_alloc : memref<!tpu.dma_semaphore, #tpu.memory_space<semaphore_mem>>
      %dma_start3A_96 = arith.constant 0 : i32
      %dma_start3A_97 = tpu.memref_slice %arg3[%add3A, %dma_start3A_96] : memref<32x2048xi32, #tpu.memory_space<hbm>> -> memref<1x2048xi32, #tpu.memory_space<hbm>>
      %dma_start3A_98 = tpu.memref_squeeze %dma_start3A_97 : memref<1x2048xi32, #tpu.memory_space<hbm>> -> memref<2048xi32, #tpu.memory_space<hbm>>
      %dma_start3A_99 = arith.constant 0 : i32
      %dma_start3A_100 = tpu.memref_slice %arg3[%add3A, %dma_start3A_99] : memref<32x2048xi32, #tpu.memory_space<hbm>> -> memref<1x2048xi32, #tpu.memory_space<hbm>>
      %dma_start3A_101 = tpu.memref_squeeze %dma_start3A_100 : memref<1x2048xi32, #tpu.memory_space<hbm>> -> memref<2048xi32, #tpu.memory_space<hbm>>
      tpu.enqueue_dma source(%dma_start3A_101 : memref<2048xi32, #tpu.memory_space<hbm>>) target(%arg7 : memref<2048xi32, #tpu.memory_space<vmem>>) target_semaphore(%run_scoped3A : memref<!tpu.dma_semaphore, #tpu.memory_space<semaphore_mem>>)
      %dma_wait3A_102 = arith.constant 0 : i32
      %dma_wait3A_103 = tpu.memref_slice %arg3[%add3A, %dma_wait3A_102] : memref<32x2048xi32, #tpu.memory_space<hbm>> -> memref<1x2048xi32, #tpu.memory_space<hbm>>
      %dma_wait3A_104 = tpu.memref_squeeze %dma_wait3A_103 : memref<1x2048xi32, #tpu.memory_space<hbm>> -> memref<2048xi32, #tpu.memory_space<hbm>>
      %dma_wait3A_105 = arith.constant 0 : i32
      %dma_wait3A_106 = tpu.memref_slice %arg3[%add3A, %dma_wait3A_105] : memref<32x2048xi32, #tpu.memory_space<hbm>> -> memref<1x2048xi32, #tpu.memory_space<hbm>>
      %dma_wait3A_107 = tpu.memref_squeeze %dma_wait3A_106 : memref<1x2048xi32, #tpu.memory_space<hbm>> -> memref<2048xi32, #tpu.memory_space<hbm>>
      tpu.wait_dma2 semaphore(%run_scoped3A : memref<!tpu.dma_semaphore, #tpu.memory_space<semaphore_mem>>) src(%dma_wait3A_107 : memref<2048xi32, #tpu.memory_space<hbm>>) dst(%arg7 : memref<2048xi32, #tpu.memory_space<vmem>>)
      tpu.yield
    }) : () -> ()
    "tpu.region"() ({
      %run_scoped3A = tpu.sem_alloc : memref<!tpu.dma_semaphore, #tpu.memory_space<semaphore_mem>>
      %dma_start3A_96 = arith.constant 0 : i32
      %dma_start3A_97 = tpu.memref_slice %arg4[%add3A, %dma_start3A_96] : memref<32x2048xi32, #tpu.memory_space<hbm>> -> memref<1x2048xi32, #tpu.memory_space<hbm>>
      %dma_start3A_98 = tpu.memref_squeeze %dma_start3A_97 : memref<1x2048xi32, #tpu.memory_space<hbm>> -> memref<2048xi32, #tpu.memory_space<hbm>>
      %dma_start3A_99 = arith.constant 0 : i32
      %dma_start3A_100 = tpu.memref_slice %arg4[%add3A, %dma_start3A_99] : memref<32x2048xi32, #tpu.memory_space<hbm>> -> memref<1x2048xi32, #tpu.memory_space<hbm>>
      %dma_start3A_101 = tpu.memref_squeeze %dma_start3A_100 : memref<1x2048xi32, #tpu.memory_space<hbm>> -> memref<2048xi32, #tpu.memory_space<hbm>>
      tpu.enqueue_dma source(%dma_start3A_101 : memref<2048xi32, #tpu.memory_space<hbm>>) target(%arg8 : memref<2048xi32, #tpu.memory_space<vmem>>) target_semaphore(%run_scoped3A : memref<!tpu.dma_semaphore, #tpu.memory_space<semaphore_mem>>)
      %dma_wait3A_102 = arith.constant 0 : i32
      %dma_wait3A_103 = tpu.memref_slice %arg4[%add3A, %dma_wait3A_102] : memref<32x2048xi32, #tpu.memory_space<hbm>> -> memref<1x2048xi32, #tpu.memory_space<hbm>>
      %dma_wait3A_104 = tpu.memref_squeeze %dma_wait3A_103 : memref<1x2048xi32, #tpu.memory_space<hbm>> -> memref<2048xi32, #tpu.memory_space<hbm>>
      %dma_wait3A_105 = arith.constant 0 : i32
      %dma_wait3A_106 = tpu.memref_slice %arg4[%add3A, %dma_wait3A_105] : memref<32x2048xi32, #tpu.memory_space<hbm>> -> memref<1x2048xi32, #tpu.memory_space<hbm>>
      %dma_wait3A_107 = tpu.memref_squeeze %dma_wait3A_106 : memref<1x2048xi32, #tpu.memory_space<hbm>> -> memref<2048xi32, #tpu.memory_space<hbm>>
      tpu.wait_dma2 semaphore(%run_scoped3A : memref<!tpu.dma_semaphore, #tpu.memory_space<semaphore_mem>>) src(%dma_wait3A_107 : memref<2048xi32, #tpu.memory_space<hbm>>) dst(%arg8 : memref<2048xi32, #tpu.memory_space<vmem>>)
      tpu.yield
    }) : () -> ()
    "tpu.region"() ({
      %run_scoped3A = tpu.sem_alloc : memref<!tpu.dma_semaphore, #tpu.memory_space<semaphore_mem>>
      %dma_start3A_96 = arith.constant 0 : i32
      %dma_start3A_97 = tpu.memref_slice %arg9[%dma_start3A_96] : memref<48xi32, #tpu.memory_space<vmem>> -> memref<32xi32, #tpu.memory_space<vmem>>
      %dma_start3A_98 = arith.constant 0 : i32
      %dma_start3A_99 = tpu.memref_slice %arg9[%dma_start3A_98] : memref<48xi32, #tpu.memory_space<vmem>> -> memref<32xi32, #tpu.memory_space<vmem>>
      tpu.enqueue_dma source(%arg5 : memref<32xi32, #tpu.memory_space<hbm>>) target(%dma_start3A_99 : memref<32xi32, #tpu.memory_space<vmem>>) target_semaphore(%run_scoped3A : memref<!tpu.dma_semaphore, #tpu.memory_space<semaphore_mem>>)
      %dma_wait3A_100 = arith.constant 0 : i32
      %dma_wait3A_101 = tpu.memref_slice %arg9[%dma_wait3A_100] : memref<48xi32, #tpu.memory_space<vmem>> -> memref<32xi32, #tpu.memory_space<vmem>>
      %dma_wait3A_102 = arith.constant 0 : i32
      %dma_wait3A_103 = tpu.memref_slice %arg9[%dma_wait3A_102] : memref<48xi32, #tpu.memory_space<vmem>> -> memref<32xi32, #tpu.memory_space<vmem>>
      tpu.wait_dma2 semaphore(%run_scoped3A : memref<!tpu.dma_semaphore, #tpu.memory_space<semaphore_mem>>) src(%arg5 : memref<32xi32, #tpu.memory_space<hbm>>) dst(%dma_wait3A_103 : memref<32xi32, #tpu.memory_space<vmem>>)
      tpu.yield
    }) : () -> ()
    %get3A = arith.index_cast %add3A : i32 to index
    %get3A_1 = tpu.vector_load %arg9[%get3A] {strides = array<i32>} : memref<48xi32, #tpu.memory_space<vmem>>, vector<16xi32>,
    %slice3A = vector.extract_strided_slice %get3A_1 {offsets = [0], sizes = [1], strides = [1]} : vector<16xi32> to vector<1xi32>
    %squeeze3A = vector.extract %slice3A[0] : i32 from vector<1xi32>
    %mul3A_2 = arith.constant 512 : i32
    %mul3A_3 = arith.muli %squeeze3A, %mul3A_2 : i32
    %broadcast_in_dim3A = vector.broadcast %mul3A_3 : i32 to vector<16xi32>
    %sub3A = arith.constant 51 : i32
    %sub3A_4 = arith.subi %sub3A, %squeeze3A : i32
    %mul3A_5 = arith.constant 512 : i32
    %mul3A_6 = arith.muli %sub3A_4, %mul3A_5 : i32
    %broadcast_in_dim3A_7 = vector.broadcast %mul3A_6 : i32 to vector<16xi32>
    %get3A_8 = arith.constant 0 : index
    %get3A_9 = tpu.vector_load %arg7[%get3A_8] {strides = array<i32>} : memref<2048xi32, #tpu.memory_space<vmem>>, vector<16xi32>,
    %get3A_10 = arith.constant 0 : index
    %get3A_11 = tpu.vector_load %arg8[%get3A_10] {strides = array<i32>} : memref<2048xi32, #tpu.memory_space<vmem>>, vector<16xi32>,
    %add3A_12 = arith.addi %get3A_9, %broadcast_in_dim3A : vector<16xi32>
    %swap3A = arith.constant 0 : i32
    %swap3A_13 = arith.index_cast %swap3A : i32 to index
    %swap3A_14 = arith.constant 0 : index
    %swap3A_15 = tpu.vector_load %arg10[%swap3A_13, %swap3A_14] {strides = array<i32>} : memref<2x32xi32, #tpu.memory_space<vmem>>, vector<16xi32>,
    tpu.vector_store %arg10[%swap3A_13, %swap3A_14], %add3A_12 {strides = array<i32>} : memref<2x32xi32, #tpu.memory_space<vmem>>, vector<16xi32>,
    %add3A_16 = arith.addi %get3A_11, %broadcast_in_dim3A_7 : vector<16xi32>
    %swap3A_17 = arith.constant 0 : i32
    %swap3A_18 = arith.index_cast %swap3A_17 : i32 to index
    %swap3A_19 = arith.constant 0 : index
    %swap3A_20 = tpu.vector_load %arg11[%swap3A_18, %swap3A_19] {strides = array<i32>} : memref<2x32xi32, #tpu.memory_space<vmem>>, vector<16xi32>,
    tpu.vector_store %arg11[%swap3A_18, %swap3A_19], %add3A_16 {strides = array<i32>} : memref<2x32xi32, #tpu.memory_space<vmem>>, vector<16xi32>,
    %get3A_21 = arith.constant 16 : index
    %get3A_22 = tpu.vector_load %arg7[%get3A_21] {strides = array<i32>} : memref<2048xi32, #tpu.memory_space<vmem>>, vector<16xi32>,
    %get3A_23 = arith.constant 16 : index
    %get3A_24 = tpu.vector_load %arg8[%get3A_23] {strides = array<i32>} : memref<2048xi32, #tpu.memory_space<vmem>>, vector<16xi32>,
    %add3A_25 = arith.addi %get3A_22, %broadcast_in_dim3A : vector<16xi32>
    %swap3A_26 = arith.constant 0 : i32
    %swap3A_27 = arith.index_cast %swap3A_26 : i32 to index
    %swap3A_28 = arith.constant 16 : index
    %swap3A_29 = tpu.vector_load %arg10[%swap3A_27, %swap3A_28] {strides = array<i32>} : memref<2x32xi32, #tpu.memory_space<vmem>>, vector<16xi32>,
    tpu.vector_store %arg10[%swap3A_27, %swap3A_28], %add3A_25 {strides = array<i32>} : memref<2x32xi32, #tpu.memory_space<vmem>>, vector<16xi32>,
    %add3A_30 = arith.addi %get3A_24, %broadcast_in_dim3A_7 : vector<16xi32>
    %swap3A_31 = arith.constant 0 : i32
    %swap3A_32 = arith.index_cast %swap3A_31 : i32 to index
    %swap3A_33 = arith.constant 16 : index
    %swap3A_34 = tpu.vector_load %arg11[%swap3A_32, %swap3A_33] {strides = array<i32>} : memref<2x32xi32, #tpu.memory_space<vmem>>, vector<16xi32>,
    tpu.vector_store %arg11[%swap3A_32, %swap3A_33], %add3A_30 {strides = array<i32>} : memref<2x32xi32, #tpu.memory_space<vmem>>, vector<16xi32>,
    %dma_start3A = arith.constant 0 : i32
    %dma_start3A_35 = arith.constant 0 : i32
    %dma_start3A_36 = arith.constant 0 : i32
    %dma_start3A_37 = arith.constant 0 : i32
    %dma_start3A_38 = tpu.memref_slice %arg12[%dma_start3A_35, %dma_start3A_36, %dma_start3A_37] : memref<2x32x512xf32, #tpu.memory_space<vmem>> -> memref<1x32x512xf32, #tpu.memory_space<vmem>>
    %dma_start3A_39 = tpu.memref_squeeze %dma_start3A_38 : memref<1x32x512xf32, #tpu.memory_space<vmem>> -> memref<32x512xf32, #tpu.memory_space<vmem>>
    %dma_start3A_40 = arith.constant 0 : i32
    %dma_start3A_41 = tpu.memref_slice %arg10[%dma_start3A, %dma_start3A_40] : memref<2x32xi32, #tpu.memory_space<vmem>> -> memref<1x32xi32, #tpu.memory_space<vmem>>
    %dma_start3A_42 = tpu.memref_squeeze %dma_start3A_41 : memref<1x32xi32, #tpu.memory_space<vmem>> -> memref<32xi32, #tpu.memory_space<vmem>>
    %dma_start3A_43 = arith.constant 0 : i32
    %dma_start3A_44 = arith.constant 0 : i32
    %dma_start3A_45 = tpu.memref_slice %arg2[%dma_start3A_43, %dma_start3A_44] : memref<26624x512xf32, #tpu.memory_space<hbm>> -> memref<26624x512xf32, #tpu.memory_space<hbm>>
    tpu.enqueue_indirect_dma source(%dma_start3A_45 : memref<26624x512xf32, #tpu.memory_space<hbm>>) target(%dma_start3A_39 : memref<32x512xf32, #tpu.memory_space<vmem>>) offsets(%dma_start3A_42 : memref<32xi32, #tpu.memory_space<vmem>>) semaphore(%arg14 : memref<!tpu.dma_semaphore, #tpu.memory_space<semaphore_mem>>)
    %dma_start3A_46 = arith.constant 0 : i32
    %dma_start3A_47 = arith.constant 0 : i32
    %dma_start3A_48 = arith.constant 0 : i32
    %dma_start3A_49 = arith.constant 0 : i32
    %dma_start3A_50 = tpu.memref_slice %arg13[%dma_start3A_47, %dma_start3A_48, %dma_start3A_49] : memref<2x32x512xf32, #tpu.memory_space<vmem>> -> memref<1x32x512xf32, #tpu.memory_space<vmem>>
    %dma_start3A_51 = tpu.memref_squeeze %dma_start3A_50 : memref<1x32x512xf32, #tpu.memory_space<vmem>> -> memref<32x512xf32, #tpu.memory_space<vmem>>
    %dma_start3A_52 = arith.constant 0 : i32
    %dma_start3A_53 = tpu.memref_slice %arg11[%dma_start3A_46, %dma_start3A_52] : memref<2x32xi32, #tpu.memory_space<vmem>> -> memref<1x32xi32, #tpu.memory_space<vmem>>
    %dma_start3A_54 = tpu.memref_squeeze %dma_start3A_53 : memref<1x32xi32, #tpu.memory_space<vmem>> -> memref<32xi32, #tpu.memory_space<vmem>>
    %dma_start3A_55 = arith.constant 0 : i32
    %dma_start3A_56 = arith.constant 0 : i32
    %dma_start3A_57 = tpu.memref_slice %arg2[%dma_start3A_55, %dma_start3A_56] : memref<26624x512xf32, #tpu.memory_space<hbm>> -> memref<26624x512xf32, #tpu.memory_space<hbm>>
    tpu.enqueue_indirect_dma source(%dma_start3A_57 : memref<26624x512xf32, #tpu.memory_space<hbm>>) target(%dma_start3A_51 : memref<32x512xf32, #tpu.memory_space<vmem>>) offsets(%dma_start3A_54 : memref<32xi32, #tpu.memory_space<vmem>>) semaphore(%arg14 : memref<!tpu.dma_semaphore, #tpu.memory_space<semaphore_mem>>)
    %scan3A = arith.constant 0 : i32
    %scan3A_58 = arith.constant 0 : i32
    %scan3A_59 = arith.constant 32 : i32
    %scan3A_60 = arith.addi %scan3A_58, %scan3A_59 : i32
    %scan3A_61 = arith.constant 1 : i32
    scf.for %scan3A_96 = %scan3A_58 to %scan3A_60 step %scan3A_61  : i32 {
      %mul3A_97 = arith.constant 2 : i32
      %mul3A_98 = arith.muli %scan3A_96, %mul3A_97 : i32
      %gt3A = arith.constant 0 : i32
      %gt3A_99 = arith.cmpi sgt, %mul3A_98, %gt3A : i32
      %convert_element_type3A = arith.extui %gt3A_99 : i1 to i32
      %cond3A = arith.constant 0 : i32
      %cond3A_100 = arith.cmpi ne, %convert_element_type3A, %cond3A : i32
      scf.if %cond3A_100 {
        %sub3A_267 = arith.constant 1 : i32
        %sub3A_268 = arith.subi %mul3A_98, %sub3A_267 : i32
        %mul3A_269 = arith.constant 32 : i32
        %mul3A_270 = arith.muli %sub3A_268, %mul3A_269 : i32
        %dma_wait3A_271 = arith.constant 1 : i32
        %dma_wait3A_272 = arith.constant 0 : i32
        %dma_wait3A_273 = arith.constant 0 : i32
        %dma_wait3A_274 = tpu.memref_slice %arg12[%dma_wait3A_271, %dma_wait3A_272, %dma_wait3A_273] : memref<2x32x512xf32, #tpu.memory_space<vmem>> -> memref<1x32x512xf32, #tpu.memory_space<vmem>>
        %dma_wait3A_275 = tpu.memref_squeeze %dma_wait3A_274 : memref<1x32x512xf32, #tpu.memory_space<vmem>> -> memref<32x512xf32, #tpu.memory_space<vmem>>
        %dma_wait3A_276 = arith.constant 0 : i32
        %dma_wait3A_277 = tpu.memref_slice %arg6[%add3A, %mul3A_270, %dma_wait3A_276] : memref<32x2048x512xf32, #tpu.memory_space<hbm>> -> memref<1x32x512xf32, #tpu.memory_space<hbm>>
        %dma_wait3A_278 = tpu.memref_squeeze %dma_wait3A_277 : memref<1x32x512xf32, #tpu.memory_space<hbm>> -> memref<32x512xf32, #tpu.memory_space<hbm>>
        %dma_wait3A_279 = arith.constant 0 : i32
        %dma_wait3A_280 = tpu.memref_slice %arg6[%add3A, %mul3A_270, %dma_wait3A_279] : memref<32x2048x512xf32, #tpu.memory_space<hbm>> -> memref<1x32x512xf32, #tpu.memory_space<hbm>>
        %dma_wait3A_281 = tpu.memref_squeeze %dma_wait3A_280 : memref<1x32x512xf32, #tpu.memory_space<hbm>> -> memref<32x512xf32, #tpu.memory_space<hbm>>
        %dma_wait3A_282 = arith.constant 0 : i32
        %dma_wait3A_283 = arith.constant 0 : i32
        %dma_wait3A_284 = tpu.memref_slice %arg12[%dma_wait3A_271, %dma_wait3A_282, %dma_wait3A_283] : memref<2x32x512xf32, #tpu.memory_space<vmem>> -> memref<1x32x512xf32, #tpu.memory_space<vmem>>
        %dma_wait3A_285 = tpu.memref_squeeze %dma_wait3A_284 : memref<1x32x512xf32, #tpu.memory_space<vmem>> -> memref<32x512xf32, #tpu.memory_space<vmem>>
        tpu.wait_dma2 semaphore(%arg17 : memref<!tpu.dma_semaphore, #tpu.memory_space<semaphore_mem>>) src(%dma_wait3A_285 : memref<32x512xf32, #tpu.memory_space<vmem>>) dst(%dma_wait3A_281 : memref<32x512xf32, #tpu.memory_space<hbm>>)
      } else {
      }
      %add3A_101 = arith.constant 1 : i32
      %add3A_102 = arith.addi %mul3A_98, %add3A_101 : i32
      %mul3A_103 = arith.constant 32 : i32
      %mul3A_104 = arith.muli %add3A_102, %mul3A_103 : i32
      %add3A_105 = arith.constant 0 : i32
      %add3A_106 = arith.addi %mul3A_104, %add3A_105 : i32
      %get3A_107 = arith.index_cast %add3A_106 : i32 to index
      %get3A_108 = tpu.vector_load %arg7[%get3A_107] {strides = array<i32>} : memref<2048xi32, #tpu.memory_space<vmem>>, vector<16xi32>,
      %add3A_109 = arith.constant 0 : i32
      %add3A_110 = arith.addi %mul3A_104, %add3A_109 : i32
      %get3A_111 = arith.index_cast %add3A_110 : i32 to index
      %get3A_112 = tpu.vector_load %arg8[%get3A_111] {strides = array<i32>} : memref<2048xi32, #tpu.memory_space<vmem>>, vector<16xi32>,
      %add3A_113 = arith.addi %get3A_108, %broadcast_in_dim3A : vector<16xi32>
      %swap3A_114 = arith.constant 1 : i32
      %swap3A_115 = arith.index_cast %swap3A_114 : i32 to index
      %swap3A_116 = arith.constant 0 : index
      %swap3A_117 = tpu.vector_load %arg10[%swap3A_115, %swap3A_116] {strides = array<i32>} : memref<2x32xi32, #tpu.memory_space<vmem>>, vector<16xi32>,
      tpu.vector_store %arg10[%swap3A_115, %swap3A_116], %add3A_113 {strides = array<i32>} : memref<2x32xi32, #tpu.memory_space<vmem>>, vector<16xi32>,
      %add3A_118 = arith.addi %get3A_112, %broadcast_in_dim3A_7 : vector<16xi32>
      %swap3A_119 = arith.constant 1 : i32
      %swap3A_120 = arith.index_cast %swap3A_119 : i32 to index
      %swap3A_121 = arith.constant 0 : index
      %swap3A_122 = tpu.vector_load %arg11[%swap3A_120, %swap3A_121] {strides = array<i32>} : memref<2x32xi32, #tpu.memory_space<vmem>>, vector<16xi32>,
      tpu.vector_store %arg11[%swap3A_120, %swap3A_121], %add3A_118 {strides = array<i32>} : memref<2x32xi32, #tpu.memory_space<vmem>>, vector<16xi32>,
      %add3A_123 = arith.constant 16 : i32
      %add3A_124 = arith.addi %mul3A_104, %add3A_123 : i32
      %get3A_125 = arith.index_cast %add3A_124 : i32 to index
      %get3A_126 = tpu.vector_load %arg7[%get3A_125] {strides = array<i32>} : memref<2048xi32, #tpu.memory_space<vmem>>, vector<16xi32>,
      %add3A_127 = arith.constant 16 : i32
      %add3A_128 = arith.addi %mul3A_104, %add3A_127 : i32
      %get3A_129 = arith.index_cast %add3A_128 : i32 to index
      %get3A_130 = tpu.vector_load %arg8[%get3A_129] {strides = array<i32>} : memref<2048xi32, #tpu.memory_space<vmem>>, vector<16xi32>,
      %add3A_131 = arith.addi %get3A_126, %broadcast_in_dim3A : vector<16xi32>
      %swap3A_132 = arith.constant 1 : i32
      %swap3A_133 = arith.index_cast %swap3A_132 : i32 to index
      %swap3A_134 = arith.constant 16 : index
      %swap3A_135 = tpu.vector_load %arg10[%swap3A_133, %swap3A_134] {strides = array<i32>} : memref<2x32xi32, #tpu.memory_space<vmem>>, vector<16xi32>,
      tpu.vector_store %arg10[%swap3A_133, %swap3A_134], %add3A_131 {strides = array<i32>} : memref<2x32xi32, #tpu.memory_space<vmem>>, vector<16xi32>,
      %add3A_136 = arith.addi %get3A_130, %broadcast_in_dim3A_7 : vector<16xi32>
      %swap3A_137 = arith.constant 1 : i32
      %swap3A_138 = arith.index_cast %swap3A_137 : i32 to index
      %swap3A_139 = arith.constant 16 : index
      %swap3A_140 = tpu.vector_load %arg11[%swap3A_138, %swap3A_139] {strides = array<i32>} : memref<2x32xi32, #tpu.memory_space<vmem>>, vector<16xi32>,
      tpu.vector_store %arg11[%swap3A_138, %swap3A_139], %add3A_136 {strides = array<i32>} : memref<2x32xi32, #tpu.memory_space<vmem>>, vector<16xi32>,
      %dma_start3A_141 = arith.constant 1 : i32
      %dma_start3A_142 = arith.constant 1 : i32
      %dma_start3A_143 = arith.constant 0 : i32
      %dma_start3A_144 = arith.constant 0 : i32
      %dma_start3A_145 = tpu.memref_slice %arg12[%dma_start3A_142, %dma_start3A_143, %dma_start3A_144] : memref<2x32x512xf32, #tpu.memory_space<vmem>> -> memref<1x32x512xf32, #tpu.memory_space<vmem>>
      %dma_start3A_146 = tpu.memref_squeeze %dma_start3A_145 : memref<1x32x512xf32, #tpu.memory_space<vmem>> -> memref<32x512xf32, #tpu.memory_space<vmem>>
      %dma_start3A_147 = arith.constant 0 : i32
      %dma_start3A_148 = tpu.memref_slice %arg10[%dma_start3A_141, %dma_start3A_147] : memref<2x32xi32, #tpu.memory_space<vmem>> -> memref<1x32xi32, #tpu.memory_space<vmem>>
      %dma_start3A_149 = tpu.memref_squeeze %dma_start3A_148 : memref<1x32xi32, #tpu.memory_space<vmem>> -> memref<32xi32, #tpu.memory_space<vmem>>
      %dma_start3A_150 = arith.constant 0 : i32
      %dma_start3A_151 = arith.constant 0 : i32
      %dma_start3A_152 = tpu.memref_slice %arg2[%dma_start3A_150, %dma_start3A_151] : memref<26624x512xf32, #tpu.memory_space<hbm>> -> memref<26624x512xf32, #tpu.memory_space<hbm>>
      tpu.enqueue_indirect_dma source(%dma_start3A_152 : memref<26624x512xf32, #tpu.memory_space<hbm>>) target(%dma_start3A_146 : memref<32x512xf32, #tpu.memory_space<vmem>>) offsets(%dma_start3A_149 : memref<32xi32, #tpu.memory_space<vmem>>) semaphore(%arg15 : memref<!tpu.dma_semaphore, #tpu.memory_space<semaphore_mem>>)
      %dma_start3A_153 = arith.constant 1 : i32
      %dma_start3A_154 = arith.constant 1 : i32
      %dma_start3A_155 = arith.constant 0 : i32
      %dma_start3A_156 = arith.constant 0 : i32
      %dma_start3A_157 = tpu.memref_slice %arg13[%dma_start3A_154, %dma_start3A_155, %dma_start3A_156] : memref<2x32x512xf32, #tpu.memory_space<vmem>> -> memref<1x32x512xf32, #tpu.memory_space<vmem>>
      %dma_start3A_158 = tpu.memref_squeeze %dma_start3A_157 : memref<1x32x512xf32, #tpu.memory_space<vmem>> -> memref<32x512xf32, #tpu.memory_space<vmem>>
      %dma_start3A_159 = arith.constant 0 : i32
      %dma_start3A_160 = tpu.memref_slice %arg11[%dma_start3A_153, %dma_start3A_159] : memref<2x32xi32, #tpu.memory_space<vmem>> -> memref<1x32xi32, #tpu.memory_space<vmem>>
      %dma_start3A_161 = tpu.memref_squeeze %dma_start3A_160 : memref<1x32xi32, #tpu.memory_space<vmem>> -> memref<32xi32, #tpu.memory_space<vmem>>
      %dma_start3A_162 = arith.constant 0 : i32
      %dma_start3A_163 = arith.constant 0 : i32
      %dma_start3A_164 = tpu.memref_slice %arg2[%dma_start3A_162, %dma_start3A_163] : memref<26624x512xf32, #tpu.memory_space<hbm>> -> memref<26624x512xf32, #tpu.memory_space<hbm>>
      tpu.enqueue_indirect_dma source(%dma_start3A_164 : memref<26624x512xf32, #tpu.memory_space<hbm>>) target(%dma_start3A_158 : memref<32x512xf32, #tpu.memory_space<vmem>>) offsets(%dma_start3A_161 : memref<32xi32, #tpu.memory_space<vmem>>) semaphore(%arg15 : memref<!tpu.dma_semaphore, #tpu.memory_space<semaphore_mem>>)
      %dma_wait3A_165 = arith.constant 0 : i32
      %dma_wait3A_166 = arith.constant 0 : i32
      %dma_wait3A_167 = arith.constant 0 : i32
      %dma_wait3A_168 = arith.constant 0 : i32
      %dma_wait3A_169 = tpu.memref_slice %arg12[%dma_wait3A_166, %dma_wait3A_167, %dma_wait3A_168] : memref<2x32x512xf32, #tpu.memory_space<vmem>> -> memref<1x32x512xf32, #tpu.memory_space<vmem>>
      %dma_wait3A_170 = tpu.memref_squeeze %dma_wait3A_169 : memref<1x32x512xf32, #tpu.memory_space<vmem>> -> memref<32x512xf32, #tpu.memory_space<vmem>>
      %dma_wait3A_171 = arith.constant 0 : i32
      %dma_wait3A_172 = tpu.memref_slice %arg10[%dma_wait3A_165, %dma_wait3A_171] : memref<2x32xi32, #tpu.memory_space<vmem>> -> memref<1x32xi32, #tpu.memory_space<vmem>>
      %dma_wait3A_173 = tpu.memref_squeeze %dma_wait3A_172 : memref<1x32xi32, #tpu.memory_space<vmem>> -> memref<32xi32, #tpu.memory_space<vmem>>
      %dma_wait3A_174 = arith.constant 0 : i32
      %dma_wait3A_175 = arith.constant 0 : i32
      %dma_wait3A_176 = tpu.memref_slice %arg2[%dma_wait3A_174, %dma_wait3A_175] : memref<26624x512xf32, #tpu.memory_space<hbm>> -> memref<26624x512xf32, #tpu.memory_space<hbm>>
      tpu.wait_indirect_dma semaphore(%arg14 : memref<!tpu.dma_semaphore, #tpu.memory_space<semaphore_mem>>) src(%dma_wait3A_176 : memref<26624x512xf32, #tpu.memory_space<hbm>>) dst(%dma_wait3A_170 : memref<32x512xf32, #tpu.memory_space<vmem>>)
      %dma_wait3A_177 = arith.constant 0 : i32
      %dma_wait3A_178 = arith.constant 0 : i32
      %dma_wait3A_179 = arith.constant 0 : i32
      %dma_wait3A_180 = arith.constant 0 : i32
      %dma_wait3A_181 = tpu.memref_slice %arg13[%dma_wait3A_178, %dma_wait3A_179, %dma_wait3A_180] : memref<2x32x512xf32, #tpu.memory_space<vmem>> -> memref<1x32x512xf32, #tpu.memory_space<vmem>>
      %dma_wait3A_182 = tpu.memref_squeeze %dma_wait3A_181 : memref<1x32x512xf32, #tpu.memory_space<vmem>> -> memref<32x512xf32, #tpu.memory_space<vmem>>
      %dma_wait3A_183 = arith.constant 0 : i32
      %dma_wait3A_184 = tpu.memref_slice %arg11[%dma_wait3A_177, %dma_wait3A_183] : memref<2x32xi32, #tpu.memory_space<vmem>> -> memref<1x32xi32, #tpu.memory_space<vmem>>
      %dma_wait3A_185 = tpu.memref_squeeze %dma_wait3A_184 : memref<1x32xi32, #tpu.memory_space<vmem>> -> memref<32xi32, #tpu.memory_space<vmem>>
      %dma_wait3A_186 = arith.constant 0 : i32
      %dma_wait3A_187 = arith.constant 0 : i32
      %dma_wait3A_188 = tpu.memref_slice %arg2[%dma_wait3A_186, %dma_wait3A_187] : memref<26624x512xf32, #tpu.memory_space<hbm>> -> memref<26624x512xf32, #tpu.memory_space<hbm>>
      tpu.wait_indirect_dma semaphore(%arg14 : memref<!tpu.dma_semaphore, #tpu.memory_space<semaphore_mem>>) src(%dma_wait3A_188 : memref<26624x512xf32, #tpu.memory_space<hbm>>) dst(%dma_wait3A_182 : memref<32x512xf32, #tpu.memory_space<vmem>>)
      %scan3A_189 = arith.constant 0 : i32
      %scan3A_190 = arith.constant 0 : i32
      %scan3A_191 = arith.constant 32 : i32
      %scan3A_192 = arith.addi %scan3A_190, %scan3A_191 : i32
      %scan3A_193 = arith.constant 2 : i32
      scf.for %scan3A_267 = %scan3A_190 to %scan3A_192 step %scan3A_193  : i32 {
        %broadcast_in_dim3A_268 = arith.constant 0.000000e+00 : f32
        %broadcast_in_dim3A_269 = vector.broadcast %broadcast_in_dim3A_268 : f32 to vector<16xf32>
        %broadcast_in_dim3A_270 = arith.constant 0.000000e+00 : f32
        %broadcast_in_dim3A_271 = vector.broadcast %broadcast_in_dim3A_270 : f32 to vector<16xf32>
        %broadcast_in_dim3A_272 = arith.constant 0.000000e+00 : f32
        %broadcast_in_dim3A_273 = vector.broadcast %broadcast_in_dim3A_272 : f32 to vector<16xf32>
        %broadcast_in_dim3A_274 = arith.constant 0.000000e+00 : f32
        %broadcast_in_dim3A_275 = vector.broadcast %broadcast_in_dim3A_274 : f32 to vector<16xf32>
        %get3A_276 = arith.constant 0 : i32
        %get3A_277 = arith.index_cast %get3A_276 : i32 to index
        %get3A_278 = arith.index_cast %scan3A_267 : i32 to index
        %get3A_279 = arith.constant 0 : index
        %get3A_280 = tpu.vector_load %arg12[%get3A_277, %get3A_278, %get3A_279] {strides = array<i32>} : memref<2x32x512xf32, #tpu.memory_space<vmem>>, vector<16xf32>,
        %get3A_281 = arith.constant 0 : i32
        %get3A_282 = arith.index_cast %get3A_281 : i32 to index
        %get3A_283 = arith.index_cast %scan3A_267 : i32 to index
        %get3A_284 = arith.constant 0 : index
        %get3A_285 = tpu.vector_load %arg13[%get3A_282, %get3A_283, %get3A_284] {strides = array<i32>} : memref<2x32x512xf32, #tpu.memory_space<vmem>>, vector<16xf32>,
        %add3A_286 = arith.addf %get3A_280, %get3A_285 : vector<16xf32>
        %exp3A = math.exp %add3A_286 : vector<16xf32>
        %add3A_287 = arith.addf %broadcast_in_dim3A_269, %exp3A : vector<16xf32>
        %get3A_288 = arith.constant 0 : i32
        %get3A_289 = arith.index_cast %get3A_288 : i32 to index
        %get3A_290 = arith.index_cast %scan3A_267 : i32 to index
        %get3A_291 = arith.constant 16 : index
        %get3A_292 = tpu.vector_load %arg12[%get3A_289, %get3A_290, %get3A_291] {strides = array<i32>} : memref<2x32x512xf32, #tpu.memory_space<vmem>>, vector<16xf32>,
        %get3A_293 = arith.constant 0 : i32
        %get3A_294 = arith.index_cast %get3A_293 : i32 to index
        %get3A_295 = arith.index_cast %scan3A_267 : i32 to index
        %get3A_296 = arith.constant 16 : index
        %get3A_297 = tpu.vector_load %arg13[%get3A_294, %get3A_295, %get3A_296] {strides = array<i32>} : memref<2x32x512xf32, #tpu.memory_space<vmem>>, vector<16xf32>,
        %add3A_298 = arith.addf %get3A_292, %get3A_297 : vector<16xf32>
        %exp3A_299 = math.exp %add3A_298 : vector<16xf32>
        %add3A_300 = arith.addf %broadcast_in_dim3A_271, %exp3A_299 : vector<16xf32>
        %get3A_301 = arith.constant 0 : i32
        %get3A_302 = arith.index_cast %get3A_301 : i32 to index
        %get3A_303 = arith.index_cast %scan3A_267 : i32 to index
        %get3A_304 = arith.constant 32 : index
        %get3A_305 = tpu.vector_load %arg12[%get3A_302, %get3A_303, %get3A_304] {strides = array<i32>} : memref<2x32x512xf32, #tpu.memory_space<vmem>>, vector<16xf32>,
        %get3A_306 = arith.constant 0 : i32
        %get3A_307 = arith.index_cast %get3A_306 : i32 to index
        %get3A_308 = arith.index_cast %scan3A_267 : i32 to index
        %get3A_309 = arith.constant 32 : index
        %get3A_310 = tpu.vector_load %arg13[%get3A_307, %get3A_308, %get3A_309] {strides = array<i32>} : memref<2x32x512xf32, #tpu.memory_space<vmem>>, vector<16xf32>,
        %add3A_311 = arith.addf %get3A_305, %get3A_310 : vector<16xf32>
        %exp3A_312 = math.exp %add3A_311 : vector<16xf32>
        %add3A_313 = arith.addf %broadcast_in_dim3A_273, %exp3A_312 : vector<16xf32>
        %get3A_314 = arith.constant 0 : i32
        %get3A_315 = arith.index_cast %get3A_314 : i32 to index
        %get3A_316 = arith.index_cast %scan3A_267 : i32 to index
        %get3A_317 = arith.constant 48 : index
        %get3A_318 = tpu.vector_load %arg12[%get3A_315, %get3A_316, %get3A_317] {strides = array<i32>} : memref<2x32x512xf32, #tpu.memory_space<vmem>>, vector<16xf32>,
        %get3A_319 = arith.constant 0 : i32
        %get3A_320 = arith.index_cast %get3A_319 : i32 to index
        %get3A_321 = arith.index_cast %scan3A_267 : i32 to index
        %get3A_322 = arith.constant 48 : index
        %get3A_323 = tpu.vector_load %arg13[%get3A_320, %get3A_321, %get3A_322] {strides = array<i32>} : memref<2x32x512xf32, #tpu.memory_space<vmem>>, vector<16xf32>,
        %add3A_324 = arith.addf %get3A_318, %get3A_323 : vector<16xf32>
        %exp3A_325 = math.exp %add3A_324 : vector<16xf32>
        %add3A_326 = arith.addf %broadcast_in_dim3A_275, %exp3A_325 : vector<16xf32>
        %get3A_327 = arith.constant 0 : i32
        %get3A_328 = arith.index_cast %get3A_327 : i32 to index
        %get3A_329 = arith.index_cast %scan3A_267 : i32 to index
        %get3A_330 = arith.constant 64 : index
        %get3A_331 = tpu.vector_load %arg12[%get3A_328, %get3A_329, %get3A_330] {strides = array<i32>} : memref<2x32x512xf32, #tpu.memory_space<vmem>>, vector<16xf32>,
        %get3A_332 = arith.constant 0 : i32
        %get3A_333 = arith.index_cast %get3A_332 : i32 to index
        %get3A_334 = arith.index_cast %scan3A_267 : i32 to index
        %get3A_335 = arith.constant 64 : index
        %get3A_336 = tpu.vector_load %arg13[%get3A_333, %get3A_334, %get3A_335] {strides = array<i32>} : memref<2x32x512xf32, #tpu.memory_space<vmem>>, vector<16xf32>,
        %add3A_337 = arith.addf %get3A_331, %get3A_336 : vector<16xf32>
        %exp3A_338 = math.exp %add3A_337 : vector<16xf32>
        %add3A_339 = arith.addf %add3A_287, %exp3A_338 : vector<16xf32>
        %get3A_340 = arith.constant 0 : i32
        %get3A_341 = arith.index_cast %get3A_340 : i32 to index
        %get3A_342 = arith.index_cast %scan3A_267 : i32 to index
        %get3A_343 = arith.constant 80 : index
        %get3A_344 = tpu.vector_load %arg12[%get3A_341, %get3A_342, %get3A_343] {strides = array<i32>} : memref<2x32x512xf32, #tpu.memory_space<vmem>>, vector<16xf32>,
        %get3A_345 = arith.constant 0 : i32
        %get3A_346 = arith.index_cast %get3A_345 : i32 to index
        %get3A_347 = arith.index_cast %scan3A_267 : i32 to index
        %get3A_348 = arith.constant 80 : index
        %get3A_349 = tpu.vector_load %arg13[%get3A_346, %get3A_347, %get3A_348] {strides = array<i32>} : memref<2x32x512xf32, #tpu.memory_space<vmem>>, vector<16xf32>,
        %add3A_350 = arith.addf %get3A_344, %get3A_349 : vector<16xf32>
        %exp3A_351 = math.exp %add3A_350 : vector<16xf32>
        %add3A_352 = arith.addf %add3A_300, %exp3A_351 : vector<16xf32>
        %get3A_353 = arith.constant 0 : i32
        %get3A_354 = arith.index_cast %get3A_353 : i32 to index
        %get3A_355 = arith.index_cast %scan3A_267 : i32 to index
        %get3A_356 = arith.constant 96 : index
        %get3A_357 = tpu.vector_load %arg12[%get3A_354, %get3A_355, %get3A_356] {strides = array<i32>} : memref<2x32x512xf32, #tpu.memory_space<vmem>>, vector<16xf32>,
        %get3A_358 = arith.constant 0 : i32
        %get3A_359 = arith.index_cast %get3A_358 : i32 to index
        %get3A_360 = arith.index_cast %scan3A_267 : i32 to index
        %get3A_361 = arith.constant 96 : index
        %get3A_362 = tpu.vector_load %arg13[%get3A_359, %get3A_360, %get3A_361] {strides = array<i32>} : memref<2x32x512xf32, #tpu.memory_space<vmem>>, vector<16xf32>,
        %add3A_363 = arith.addf %get3A_357, %get3A_362 : vector<16xf32>
        %exp3A_364 = math.exp %add3A_363 : vector<16xf32>
        %add3A_365 = arith.addf %add3A_313, %exp3A_364 : vector<16xf32>
        %get3A_366 = arith.constant 0 : i32
        %get3A_367 = arith.index_cast %get3A_366 : i32 to index
        %get3A_368 = arith.index_cast %scan3A_267 : i32 to index
        %get3A_369 = arith.constant 112 : index
        %get3A_370 = tpu.vector_load %arg12[%get3A_367, %get3A_368, %get3A_369] {strides = array<i32>} : memref<2x32x512xf32, #tpu.memory_space<vmem>>, vector<16xf32>,
        %get3A_371 = arith.constant 0 : i32
        %get3A_372 = arith.index_cast %get3A_371 : i32 to index
        %get3A_373 = arith.index_cast %scan3A_267 : i32 to index
        %get3A_374 = arith.constant 112 : index
        %get3A_375 = tpu.vector_load %arg13[%get3A_372, %get3A_373, %get3A_374] {strides = array<i32>} : memref<2x32x512xf32, #tpu.memory_space<vmem>>, vector<16xf32>,
        %add3A_376 = arith.addf %get3A_370, %get3A_375 : vector<16xf32>
        %exp3A_377 = math.exp %add3A_376 : vector<16xf32>
        %add3A_378 = arith.addf %add3A_326, %exp3A_377 : vector<16xf32>
        %get3A_379 = arith.constant 0 : i32
        %get3A_380 = arith.index_cast %get3A_379 : i32 to index
        %get3A_381 = arith.index_cast %scan3A_267 : i32 to index
        %get3A_382 = arith.constant 128 : index
        %get3A_383 = tpu.vector_load %arg12[%get3A_380, %get3A_381, %get3A_382] {strides = array<i32>} : memref<2x32x512xf32, #tpu.memory_space<vmem>>, vector<16xf32>,
        %get3A_384 = arith.constant 0 : i32
        %get3A_385 = arith.index_cast %get3A_384 : i32 to index
        %get3A_386 = arith.index_cast %scan3A_267 : i32 to index
        %get3A_387 = arith.constant 128 : index
        %get3A_388 = tpu.vector_load %arg13[%get3A_385, %get3A_386, %get3A_387] {strides = array<i32>} : memref<2x32x512xf32, #tpu.memory_space<vmem>>, vector<16xf32>,
        %add3A_389 = arith.addf %get3A_383, %get3A_388 : vector<16xf32>
        %exp3A_390 = math.exp %add3A_389 : vector<16xf32>
        %add3A_391 = arith.addf %add3A_339, %exp3A_390 : vector<16xf32>
        %get3A_392 = arith.constant 0 : i32
        %get3A_393 = arith.index_cast %get3A_392 : i32 to index
        %get3A_394 = arith.index_cast %scan3A_267 : i32 to index
        %get3A_395 = arith.constant 144 : index
        %get3A_396 = tpu.vector_load %arg12[%get3A_393, %get3A_394, %get3A_395] {strides = array<i32>} : memref<2x32x512xf32, #tpu.memory_space<vmem>>, vector<16xf32>,
        %get3A_397 = arith.constant 0 : i32
        %get3A_398 = arith.index_cast %get3A_397 : i32 to index
        %get3A_399 = arith.index_cast %scan3A_267 : i32 to index
        %get3A_400 = arith.constant 144 : index
        %get3A_401 = tpu.vector_load %arg13[%get3A_398, %get3A_399, %get3A_400] {strides = array<i32>} : memref<2x32x512xf32, #tpu.memory_space<vmem>>, vector<16xf32>,
        %add3A_402 = arith.addf %get3A_396, %get3A_401 : vector<16xf32>
        %exp3A_403 = math.exp %add3A_402 : vector<16xf32>
        %add3A_404 = arith.addf %add3A_352, %exp3A_403 : vector<16xf32>
        %get3A_405 = arith.constant 0 : i32
        %get3A_406 = arith.index_cast %get3A_405 : i32 to index
        %get3A_407 = arith.index_cast %scan3A_267 : i32 to index
        %get3A_408 = arith.constant 160 : index
        %get3A_409 = tpu.vector_load %arg12[%get3A_406, %get3A_407, %get3A_408] {strides = array<i32>} : memref<2x32x512xf32, #tpu.memory_space<vmem>>, vector<16xf32>,
        %get3A_410 = arith.constant 0 : i32
        %get3A_411 = arith.index_cast %get3A_410 : i32 to index
        %get3A_412 = arith.index_cast %scan3A_267 : i32 to index
        %get3A_413 = arith.constant 160 : index
        %get3A_414 = tpu.vector_load %arg13[%get3A_411, %get3A_412, %get3A_413] {strides = array<i32>} : memref<2x32x512xf32, #tpu.memory_space<vmem>>, vector<16xf32>,
        %add3A_415 = arith.addf %get3A_409, %get3A_414 : vector<16xf32>
        %exp3A_416 = math.exp %add3A_415 : vector<16xf32>
        %add3A_417 = arith.addf %add3A_365, %exp3A_416 : vector<16xf32>
        %get3A_418 = arith.constant 0 : i32
        %get3A_419 = arith.index_cast %get3A_418 : i32 to index
        %get3A_420 = arith.index_cast %scan3A_267 : i32 to index
        %get3A_421 = arith.constant 176 : index
        %get3A_422 = tpu.vector_load %arg12[%get3A_419, %get3A_420, %get3A_421] {strides = array<i32>} : memref<2x32x512xf32, #tpu.memory_space<vmem>>, vector<16xf32>,
        %get3A_423 = arith.constant 0 : i32
        %get3A_424 = arith.index_cast %get3A_423 : i32 to index
        %get3A_425 = arith.index_cast %scan3A_267 : i32 to index
        %get3A_426 = arith.constant 176 : index
        %get3A_427 = tpu.vector_load %arg13[%get3A_424, %get3A_425, %get3A_426] {strides = array<i32>} : memref<2x32x512xf32, #tpu.memory_space<vmem>>, vector<16xf32>,
        %add3A_428 = arith.addf %get3A_422, %get3A_427 : vector<16xf32>
        %exp3A_429 = math.exp %add3A_428 : vector<16xf32>
        %add3A_430 = arith.addf %add3A_378, %exp3A_429 : vector<16xf32>
        %get3A_431 = arith.constant 0 : i32
        %get3A_432 = arith.index_cast %get3A_431 : i32 to index
        %get3A_433 = arith.index_cast %scan3A_267 : i32 to index
        %get3A_434 = arith.constant 192 : index
        %get3A_435 = tpu.vector_load %arg12[%get3A_432, %get3A_433, %get3A_434] {strides = array<i32>} : memref<2x32x512xf32, #tpu.memory_space<vmem>>, vector<16xf32>,
        %get3A_436 = arith.constant 0 : i32
        %get3A_437 = arith.index_cast %get3A_436 : i32 to index
        %get3A_438 = arith.index_cast %scan3A_267 : i32 to index
        %get3A_439 = arith.constant 192 : index
        %get3A_440 = tpu.vector_load %arg13[%get3A_437, %get3A_438, %get3A_439] {strides = array<i32>} : memref<2x32x512xf32, #tpu.memory_space<vmem>>, vector<16xf32>,
        %add3A_441 = arith.addf %get3A_435, %get3A_440 : vector<16xf32>
        %exp3A_442 = math.exp %add3A_441 : vector<16xf32>
        %add3A_443 = arith.addf %add3A_391, %exp3A_442 : vector<16xf32>
        %get3A_444 = arith.constant 0 : i32
        %get3A_445 = arith.index_cast %get3A_444 : i32 to index
        %get3A_446 = arith.index_cast %scan3A_267 : i32 to index
        %get3A_447 = arith.constant 208 : index
        %get3A_448 = tpu.vector_load %arg12[%get3A_445, %get3A_446, %get3A_447] {strides = array<i32>} : memref<2x32x512xf32, #tpu.memory_space<vmem>>, vector<16xf32>,
        %get3A_449 = arith.constant 0 : i32
        %get3A_450 = arith.index_cast %get3A_449 : i32 to index
        %get3A_451 = arith.index_cast %scan3A_267 : i32 to index
        %get3A_452 = arith.constant 208 : index
        %get3A_453 = tpu.vector_load %arg13[%get3A_450, %get3A_451, %get3A_452] {strides = array<i32>} : memref<2x32x512xf32, #tpu.memory_space<vmem>>, vector<16xf32>,
        %add3A_454 = arith.addf %get3A_448, %get3A_453 : vector<16xf32>
        %exp3A_455 = math.exp %add3A_454 : vector<16xf32>
        %add3A_456 = arith.addf %add3A_404, %exp3A_455 : vector<16xf32>
        %get3A_457 = arith.constant 0 : i32
        %get3A_458 = arith.index_cast %get3A_457 : i32 to index
        %get3A_459 = arith.index_cast %scan3A_267 : i32 to index
        %get3A_460 = arith.constant 224 : index
        %get3A_461 = tpu.vector_load %arg12[%get3A_458, %get3A_459, %get3A_460] {strides = array<i32>} : memref<2x32x512xf32, #tpu.memory_space<vmem>>, vector<16xf32>,
        %get3A_462 = arith.constant 0 : i32
        %get3A_463 = arith.index_cast %get3A_462 : i32 to index
        %get3A_464 = arith.index_cast %scan3A_267 : i32 to index
        %get3A_465 = arith.constant 224 : index
        %get3A_466 = tpu.vector_load %arg13[%get3A_463, %get3A_464, %get3A_465] {strides = array<i32>} : memref<2x32x512xf32, #tpu.memory_space<vmem>>, vector<16xf32>,
        %add3A_467 = arith.addf %get3A_461, %get3A_466 : vector<16xf32>
        %exp3A_468 = math.exp %add3A_467 : vector<16xf32>
        %add3A_469 = arith.addf %add3A_417, %exp3A_468 : vector<16xf32>
        %get3A_470 = arith.constant 0 : i32
        %get3A_471 = arith.index_cast %get3A_470 : i32 to index
        %get3A_472 = arith.index_cast %scan3A_267 : i32 to index
        %get3A_473 = arith.constant 240 : index
        %get3A_474 = tpu.vector_load %arg12[%get3A_471, %get3A_472, %get3A_473] {strides = array<i32>} : memref<2x32x512xf32, #tpu.memory_space<vmem>>, vector<16xf32>,
        %get3A_475 = arith.constant 0 : i32
        %get3A_476 = arith.index_cast %get3A_475 : i32 to index
        %get3A_477 = arith.index_cast %scan3A_267 : i32 to index
        %get3A_478 = arith.constant 240 : index
        %get3A_479 = tpu.vector_load %arg13[%get3A_476, %get3A_477, %get3A_478] {strides = array<i32>} : memref<2x32x512xf32, #tpu.memory_space<vmem>>, vector<16xf32>,
        %add3A_480 = arith.addf %get3A_474, %get3A_479 : vector<16xf32>
        %exp3A_481 = math.exp %add3A_480 : vector<16xf32>
        %add3A_482 = arith.addf %add3A_430, %exp3A_481 : vector<16xf32>
        %get3A_483 = arith.constant 0 : i32
        %get3A_484 = arith.index_cast %get3A_483 : i32 to index
        %get3A_485 = arith.index_cast %scan3A_267 : i32 to index
        %get3A_486 = arith.constant 256 : index
        %get3A_487 = tpu.vector_load %arg12[%get3A_484, %get3A_485, %get3A_486] {strides = array<i32>} : memref<2x32x512xf32, #tpu.memory_space<vmem>>, vector<16xf32>,
        %get3A_488 = arith.constant 0 : i32
        %get3A_489 = arith.index_cast %get3A_488 : i32 to index
        %get3A_490 = arith.index_cast %scan3A_267 : i32 to index
        %get3A_491 = arith.constant 256 : index
        %get3A_492 = tpu.vector_load %arg13[%get3A_489, %get3A_490, %get3A_491] {strides = array<i32>} : memref<2x32x512xf32, #tpu.memory_space<vmem>>, vector<16xf32>,
        %add3A_493 = arith.addf %get3A_487, %get3A_492 : vector<16xf32>
        %exp3A_494 = math.exp %add3A_493 : vector<16xf32>
        %add3A_495 = arith.addf %add3A_443, %exp3A_494 : vector<16xf32>
        %get3A_496 = arith.constant 0 : i32
        %get3A_497 = arith.index_cast %get3A_496 : i32 to index
        %get3A_498 = arith.index_cast %scan3A_267 : i32 to index
        %get3A_499 = arith.constant 272 : index
        %get3A_500 = tpu.vector_load %arg12[%get3A_497, %get3A_498, %get3A_499] {strides = array<i32>} : memref<2x32x512xf32, #tpu.memory_space<vmem>>, vector<16xf32>,
        %get3A_501 = arith.constant 0 : i32
        %get3A_502 = arith.index_cast %get3A_501 : i32 to index
        %get3A_503 = arith.index_cast %scan3A_267 : i32 to index
        %get3A_504 = arith.constant 272 : index
        %get3A_505 = tpu.vector_load %arg13[%get3A_502, %get3A_503, %get3A_504] {strides = array<i32>} : memref<2x32x512xf32, #tpu.memory_space<vmem>>, vector<16xf32>,
        %add3A_506 = arith.addf %get3A_500, %get3A_505 : vector<16xf32>
        %exp3A_507 = math.exp %add3A_506 : vector<16xf32>
        %add3A_508 = arith.addf %add3A_456, %exp3A_507 : vector<16xf32>
        %get3A_509 = arith.constant 0 : i32
        %get3A_510 = arith.index_cast %get3A_509 : i32 to index
        %get3A_511 = arith.index_cast %scan3A_267 : i32 to index
        %get3A_512 = arith.constant 288 : index
        %get3A_513 = tpu.vector_load %arg12[%get3A_510, %get3A_511, %get3A_512] {strides = array<i32>} : memref<2x32x512xf32, #tpu.memory_space<vmem>>, vector<16xf32>,
        %get3A_514 = arith.constant 0 : i32
        %get3A_515 = arith.index_cast %get3A_514 : i32 to index
        %get3A_516 = arith.index_cast %scan3A_267 : i32 to index
        %get3A_517 = arith.constant 288 : index
        %get3A_518 = tpu.vector_load %arg13[%get3A_515, %get3A_516, %get3A_517] {strides = array<i32>} : memref<2x32x512xf32, #tpu.memory_space<vmem>>, vector<16xf32>,
        %add3A_519 = arith.addf %get3A_513, %get3A_518 : vector<16xf32>
        %exp3A_520 = math.exp %add3A_519 : vector<16xf32>
        %add3A_521 = arith.addf %add3A_469, %exp3A_520 : vector<16xf32>
        %get3A_522 = arith.constant 0 : i32
        %get3A_523 = arith.index_cast %get3A_522 : i32 to index
        %get3A_524 = arith.index_cast %scan3A_267 : i32 to index
        %get3A_525 = arith.constant 304 : index
        %get3A_526 = tpu.vector_load %arg12[%get3A_523, %get3A_524, %get3A_525] {strides = array<i32>} : memref<2x32x512xf32, #tpu.memory_space<vmem>>, vector<16xf32>,
        %get3A_527 = arith.constant 0 : i32
        %get3A_528 = arith.index_cast %get3A_527 : i32 to index
        %get3A_529 = arith.index_cast %scan3A_267 : i32 to index
        %get3A_530 = arith.constant 304 : index
        %get3A_531 = tpu.vector_load %arg13[%get3A_528, %get3A_529, %get3A_530] {strides = array<i32>} : memref<2x32x512xf32, #tpu.memory_space<vmem>>, vector<16xf32>,
        %add3A_532 = arith.addf %get3A_526, %get3A_531 : vector<16xf32>
        %exp3A_533 = math.exp %add3A_532 : vector<16xf32>
        %add3A_534 = arith.addf %add3A_482, %exp3A_533 : vector<16xf32>
        %get3A_535 = arith.constant 0 : i32
        %get3A_536 = arith.index_cast %get3A_535 : i32 to index
        %get3A_537 = arith.index_cast %scan3A_267 : i32 to index
        %get3A_538 = arith.constant 320 : index
        %get3A_539 = tpu.vector_load %arg12[%get3A_536, %get3A_537, %get3A_538] {strides = array<i32>} : memref<2x32x512xf32, #tpu.memory_space<vmem>>, vector<16xf32>,
        %get3A_540 = arith.constant 0 : i32
        %get3A_541 = arith.index_cast %get3A_540 : i32 to index
        %get3A_542 = arith.index_cast %scan3A_267 : i32 to index
        %get3A_543 = arith.constant 320 : index
        %get3A_544 = tpu.vector_load %arg13[%get3A_541, %get3A_542, %get3A_543] {strides = array<i32>} : memref<2x32x512xf32, #tpu.memory_space<vmem>>, vector<16xf32>,
        %add3A_545 = arith.addf %get3A_539, %get3A_544 : vector<16xf32>
        %exp3A_546 = math.exp %add3A_545 : vector<16xf32>
        %add3A_547 = arith.addf %add3A_495, %exp3A_546 : vector<16xf32>
        %get3A_548 = arith.constant 0 : i32
        %get3A_549 = arith.index_cast %get3A_548 : i32 to index
        %get3A_550 = arith.index_cast %scan3A_267 : i32 to index
        %get3A_551 = arith.constant 336 : index
        %get3A_552 = tpu.vector_load %arg12[%get3A_549, %get3A_550, %get3A_551] {strides = array<i32>} : memref<2x32x512xf32, #tpu.memory_space<vmem>>, vector<16xf32>,
        %get3A_553 = arith.constant 0 : i32
        %get3A_554 = arith.index_cast %get3A_553 : i32 to index
        %get3A_555 = arith.index_cast %scan3A_267 : i32 to index
        %get3A_556 = arith.constant 336 : index
        %get3A_557 = tpu.vector_load %arg13[%get3A_554, %get3A_555, %get3A_556] {strides = array<i32>} : memref<2x32x512xf32, #tpu.memory_space<vmem>>, vector<16xf32>,
        %add3A_558 = arith.addf %get3A_552, %get3A_557 : vector<16xf32>
        %exp3A_559 = math.exp %add3A_558 : vector<16xf32>
        %add3A_560 = arith.addf %add3A_508, %exp3A_559 : vector<16xf32>
        %get3A_561 = arith.constant 0 : i32
        %get3A_562 = arith.index_cast %get3A_561 : i32 to index
        %get3A_563 = arith.index_cast %scan3A_267 : i32 to index
        %get3A_564 = arith.constant 352 : index
        %get3A_565 = tpu.vector_load %arg12[%get3A_562, %get3A_563, %get3A_564] {strides = array<i32>} : memref<2x32x512xf32, #tpu.memory_space<vmem>>, vector<16xf32>,
        %get3A_566 = arith.constant 0 : i32
        %get3A_567 = arith.index_cast %get3A_566 : i32 to index
        %get3A_568 = arith.index_cast %scan3A_267 : i32 to index
        %get3A_569 = arith.constant 352 : index
        %get3A_570 = tpu.vector_load %arg13[%get3A_567, %get3A_568, %get3A_569] {strides = array<i32>} : memref<2x32x512xf32, #tpu.memory_space<vmem>>, vector<16xf32>,
        %add3A_571 = arith.addf %get3A_565, %get3A_570 : vector<16xf32>
        %exp3A_572 = math.exp %add3A_571 : vector<16xf32>
        %add3A_573 = arith.addf %add3A_521, %exp3A_572 : vector<16xf32>
        %get3A_574 = arith.constant 0 : i32
        %get3A_575 = arith.index_cast %get3A_574 : i32 to index
        %get3A_576 = arith.index_cast %scan3A_267 : i32 to index
        %get3A_577 = arith.constant 368 : index
        %get3A_578 = tpu.vector_load %arg12[%get3A_575, %get3A_576, %get3A_577] {strides = array<i32>} : memref<2x32x512xf32, #tpu.memory_space<vmem>>, vector<16xf32>,
        %get3A_579 = arith.constant 0 : i32
        %get3A_580 = arith.index_cast %get3A_579 : i32 to index
        %get3A_581 = arith.index_cast %scan3A_267 : i32 to index
        %get3A_582 = arith.constant 368 : index
        %get3A_583 = tpu.vector_load %arg13[%get3A_580, %get3A_581, %get3A_582] {strides = array<i32>} : memref<2x32x512xf32, #tpu.memory_space<vmem>>, vector<16xf32>,
        %add3A_584 = arith.addf %get3A_578, %get3A_583 : vector<16xf32>
        %exp3A_585 = math.exp %add3A_584 : vector<16xf32>
        %add3A_586 = arith.addf %add3A_534, %exp3A_585 : vector<16xf32>
        %get3A_587 = arith.constant 0 : i32
        %get3A_588 = arith.index_cast %get3A_587 : i32 to index
        %get3A_589 = arith.index_cast %scan3A_267 : i32 to index
        %get3A_590 = arith.constant 384 : index
        %get3A_591 = tpu.vector_load %arg12[%get3A_588, %get3A_589, %get3A_590] {strides = array<i32>} : memref<2x32x512xf32, #tpu.memory_space<vmem>>, vector<16xf32>,
        %get3A_592 = arith.constant 0 : i32
        %get3A_593 = arith.index_cast %get3A_592 : i32 to index
        %get3A_594 = arith.index_cast %scan3A_267 : i32 to index
        %get3A_595 = arith.constant 384 : index
        %get3A_596 = tpu.vector_load %arg13[%get3A_593, %get3A_594, %get3A_595] {strides = array<i32>} : memref<2x32x512xf32, #tpu.memory_space<vmem>>, vector<16xf32>,
        %add3A_597 = arith.addf %get3A_591, %get3A_596 : vector<16xf32>
        %exp3A_598 = math.exp %add3A_597 : vector<16xf32>
        %add3A_599 = arith.addf %add3A_547, %exp3A_598 : vector<16xf32>
        %get3A_600 = arith.constant 0 : i32
        %get3A_601 = arith.index_cast %get3A_600 : i32 to index
        %get3A_602 = arith.index_cast %scan3A_267 : i32 to index
        %get3A_603 = arith.constant 400 : index
        %get3A_604 = tpu.vector_load %arg12[%get3A_601, %get3A_602, %get3A_603] {strides = array<i32>} : memref<2x32x512xf32, #tpu.memory_space<vmem>>, vector<16xf32>,
        %get3A_605 = arith.constant 0 : i32
        %get3A_606 = arith.index_cast %get3A_605 : i32 to index
        %get3A_607 = arith.index_cast %scan3A_267 : i32 to index
        %get3A_608 = arith.constant 400 : index
        %get3A_609 = tpu.vector_load %arg13[%get3A_606, %get3A_607, %get3A_608] {strides = array<i32>} : memref<2x32x512xf32, #tpu.memory_space<vmem>>, vector<16xf32>,
        %add3A_610 = arith.addf %get3A_604, %get3A_609 : vector<16xf32>
        %exp3A_611 = math.exp %add3A_610 : vector<16xf32>
        %add3A_612 = arith.addf %add3A_560, %exp3A_611 : vector<16xf32>
        %get3A_613 = arith.constant 0 : i32
        %get3A_614 = arith.index_cast %get3A_613 : i32 to index
        %get3A_615 = arith.index_cast %scan3A_267 : i32 to index
        %get3A_616 = arith.constant 416 : index
        %get3A_617 = tpu.vector_load %arg12[%get3A_614, %get3A_615, %get3A_616] {strides = array<i32>} : memref<2x32x512xf32, #tpu.memory_space<vmem>>, vector<16xf32>,
        %get3A_618 = arith.constant 0 : i32
        %get3A_619 = arith.index_cast %get3A_618 : i32 to index
        %get3A_620 = arith.index_cast %scan3A_267 : i32 to index
        %get3A_621 = arith.constant 416 : index
        %get3A_622 = tpu.vector_load %arg13[%get3A_619, %get3A_620, %get3A_621] {strides = array<i32>} : memref<2x32x512xf32, #tpu.memory_space<vmem>>, vector<16xf32>,
        %add3A_623 = arith.addf %get3A_617, %get3A_622 : vector<16xf32>
        %exp3A_624 = math.exp %add3A_623 : vector<16xf32>
        %add3A_625 = arith.addf %add3A_573, %exp3A_624 : vector<16xf32>
        %get3A_626 = arith.constant 0 : i32
        %get3A_627 = arith.index_cast %get3A_626 : i32 to index
        %get3A_628 = arith.index_cast %scan3A_267 : i32 to index
        %get3A_629 = arith.constant 432 : index
        %get3A_630 = tpu.vector_load %arg12[%get3A_627, %get3A_628, %get3A_629] {strides = array<i32>} : memref<2x32x512xf32, #tpu.memory_space<vmem>>, vector<16xf32>,
        %get3A_631 = arith.constant 0 : i32
        %get3A_632 = arith.index_cast %get3A_631 : i32 to index
        %get3A_633 = arith.index_cast %scan3A_267 : i32 to index
        %get3A_634 = arith.constant 432 : index
        %get3A_635 = tpu.vector_load %arg13[%get3A_632, %get3A_633, %get3A_634] {strides = array<i32>} : memref<2x32x512xf32, #tpu.memory_space<vmem>>, vector<16xf32>,
        %add3A_636 = arith.addf %get3A_630, %get3A_635 : vector<16xf32>
        %exp3A_637 = math.exp %add3A_636 : vector<16xf32>
        %add3A_638 = arith.addf %add3A_586, %exp3A_637 : vector<16xf32>
        %get3A_639 = arith.constant 0 : i32
        %get3A_640 = arith.index_cast %get3A_639 : i32 to index
        %get3A_641 = arith.index_cast %scan3A_267 : i32 to index
        %get3A_642 = arith.constant 448 : index
        %get3A_643 = tpu.vector_load %arg12[%get3A_640, %get3A_641, %get3A_642] {strides = array<i32>} : memref<2x32x512xf32, #tpu.memory_space<vmem>>, vector<16xf32>,
        %get3A_644 = arith.constant 0 : i32
        %get3A_645 = arith.index_cast %get3A_644 : i32 to index
        %get3A_646 = arith.index_cast %scan3A_267 : i32 to index
        %get3A_647 = arith.constant 448 : index
        %get3A_648 = tpu.vector_load %arg13[%get3A_645, %get3A_646, %get3A_647] {strides = array<i32>} : memref<2x32x512xf32, #tpu.memory_space<vmem>>, vector<16xf32>,
        %add3A_649 = arith.addf %get3A_643, %get3A_648 : vector<16xf32>
        %exp3A_650 = math.exp %add3A_649 : vector<16xf32>
        %add3A_651 = arith.addf %add3A_599, %exp3A_650 : vector<16xf32>
        %get3A_652 = arith.constant 0 : i32
        %get3A_653 = arith.index_cast %get3A_652 : i32 to index
        %get3A_654 = arith.index_cast %scan3A_267 : i32 to index
        %get3A_655 = arith.constant 464 : index
        %get3A_656 = tpu.vector_load %arg12[%get3A_653, %get3A_654, %get3A_655] {strides = array<i32>} : memref<2x32x512xf32, #tpu.memory_space<vmem>>, vector<16xf32>,
        %get3A_657 = arith.constant 0 : i32
        %get3A_658 = arith.index_cast %get3A_657 : i32 to index
        %get3A_659 = arith.index_cast %scan3A_267 : i32 to index
        %get3A_660 = arith.constant 464 : index
        %get3A_661 = tpu.vector_load %arg13[%get3A_658, %get3A_659, %get3A_660] {strides = array<i32>} : memref<2x32x512xf32, #tpu.memory_space<vmem>>, vector<16xf32>,
        %add3A_662 = arith.addf %get3A_656, %get3A_661 : vector<16xf32>
        %exp3A_663 = math.exp %add3A_662 : vector<16xf32>
        %add3A_664 = arith.addf %add3A_612, %exp3A_663 : vector<16xf32>
        %get3A_665 = arith.constant 0 : i32
        %get3A_666 = arith.index_cast %get3A_665 : i32 to index
        %get3A_667 = arith.index_cast %scan3A_267 : i32 to index
        %get3A_668 = arith.constant 480 : index
        %get3A_669 = tpu.vector_load %arg12[%get3A_666, %get3A_667, %get3A_668] {strides = array<i32>} : memref<2x32x512xf32, #tpu.memory_space<vmem>>, vector<16xf32>,
        %get3A_670 = arith.constant 0 : i32
        %get3A_671 = arith.index_cast %get3A_670 : i32 to index
        %get3A_672 = arith.index_cast %scan3A_267 : i32 to index
        %get3A_673 = arith.constant 480 : index
        %get3A_674 = tpu.vector_load %arg13[%get3A_671, %get3A_672, %get3A_673] {strides = array<i32>} : memref<2x32x512xf32, #tpu.memory_space<vmem>>, vector<16xf32>,
        %add3A_675 = arith.addf %get3A_669, %get3A_674 : vector<16xf32>
        %exp3A_676 = math.exp %add3A_675 : vector<16xf32>
        %add3A_677 = arith.addf %add3A_625, %exp3A_676 : vector<16xf32>
        %get3A_678 = arith.constant 0 : i32
        %get3A_679 = arith.index_cast %get3A_678 : i32 to index
        %get3A_680 = arith.index_cast %scan3A_267 : i32 to index
        %get3A_681 = arith.constant 496 : index
        %get3A_682 = tpu.vector_load %arg12[%get3A_679, %get3A_680, %get3A_681] {strides = array<i32>} : memref<2x32x512xf32, #tpu.memory_space<vmem>>, vector<16xf32>,
        %get3A_683 = arith.constant 0 : i32
        %get3A_684 = arith.index_cast %get3A_683 : i32 to index
        %get3A_685 = arith.index_cast %scan3A_267 : i32 to index
        %get3A_686 = arith.constant 496 : index
        %get3A_687 = tpu.vector_load %arg13[%get3A_684, %get3A_685, %get3A_686] {strides = array<i32>} : memref<2x32x512xf32, #tpu.memory_space<vmem>>, vector<16xf32>,
        %add3A_688 = arith.addf %get3A_682, %get3A_687 : vector<16xf32>
        %exp3A_689 = math.exp %add3A_688 : vector<16xf32>
        %add3A_690 = arith.addf %add3A_638, %exp3A_689 : vector<16xf32>
        %add3A_691 = arith.addf %add3A_651, %add3A_664 : vector<16xf32>
        %add3A_692 = arith.addf %add3A_677, %add3A_690 : vector<16xf32>
        %add3A_693 = arith.addf %add3A_691, %add3A_692 : vector<16xf32>
        %reduce_sum3A = arith.constant true
        %reduce_sum3A_694 = vector.broadcast %reduce_sum3A : i1 to vector<16xi1>
        %reduce_sum3A_695 = tpu.scan <sum>, %add3A_693 masked %reduce_sum3A_694 : vector<16xf32>, vector<16xi1> -> vector<16xf32>
        %reduce_sum3A_696 = vector.extract %reduce_sum3A_695[15] : f32 from vector<16xf32>
        %broadcast_in_dim3A_697 = vector.broadcast %reduce_sum3A_696 : f32 to vector<16xf32>
        %bitcast3A = vector.bitcast %broadcast_in_dim3A_697 : vector<16xf32> to vector<16xi32>
        %shift_right_arithmetic3A = arith.constant 23 : i32
        %shift_right_arithmetic3A_698 = vector.broadcast %shift_right_arithmetic3A : i32 to vector<16xi32>
        %shift_right_arithmetic3A_699 = arith.shrsi %bitcast3A, %shift_right_arithmetic3A_698 : vector<16xi32>
        %and3A = arith.constant 255 : i32
        %and3A_700 = vector.broadcast %and3A : i32 to vector<16xi32>
        %and3A_701 = arith.andi %shift_right_arithmetic3A_699, %and3A_700 : vector<16xi32>
        %sub3A_702 = arith.constant 127 : i32
        %sub3A_703 = vector.broadcast %sub3A_702 : i32 to vector<16xi32>
        %sub3A_704 = arith.subi %and3A_701, %sub3A_703 : vector<16xi32>
        %and3A_705 = arith.constant 8388607 : i32
        %and3A_706 = vector.broadcast %and3A_705 : i32 to vector<16xi32>
        %and3A_707 = arith.andi %bitcast3A, %and3A_706 : vector<16xi32>
        %or3A = arith.constant 1065353216 : i32
        %or3A_708 = vector.broadcast %or3A : i32 to vector<16xi32>
        %or3A_709 = arith.ori %and3A_707, %or3A_708 : vector<16xi32>
        %bitcast3A_710 = vector.bitcast %or3A_709 : vector<16xi32> to vector<16xf32>
        %broadcast_in_dim3A_711 = arith.constant -0.0248259846 : f32
        %broadcast_in_dim3A_712 = vector.broadcast %broadcast_in_dim3A_711 : f32 to vector<16xf32>
        %mul3A_713 = arith.mulf %broadcast_in_dim3A_712, %bitcast3A_710 : vector<16xf32>
        %add3A_714 = arith.constant 0.26686278 : f32
        %add3A_715 = vector.broadcast %add3A_714 : f32 to vector<16xf32>
        %add3A_716 = arith.addf %mul3A_713, %add3A_715 : vector<16xf32>
        %mul3A_717 = arith.mulf %add3A_716, %bitcast3A_710 : vector<16xf32>
        %add3A_718 = arith.constant -1.23427987 : f32
        %add3A_719 = vector.broadcast %add3A_718 : f32 to vector<16xf32>
        %add3A_720 = arith.addf %mul3A_717, %add3A_719 : vector<16xf32>
        %mul3A_721 = arith.mulf %add3A_720, %bitcast3A_710 : vector<16xf32>
        %add3A_722 = arith.constant 3.218870e+00 : f32
        %add3A_723 = vector.broadcast %add3A_722 : f32 to vector<16xf32>
        %add3A_724 = arith.addf %mul3A_721, %add3A_723 : vector<16xf32>
        %mul3A_725 = arith.mulf %add3A_724, %bitcast3A_710 : vector<16xf32>
        %add3A_726 = arith.constant -5.26415539 : f32
        %add3A_727 = vector.broadcast %add3A_726 : f32 to vector<16xf32>
        %add3A_728 = arith.addf %mul3A_725, %add3A_727 : vector<16xf32>
        %mul3A_729 = arith.mulf %add3A_728, %bitcast3A_710 : vector<16xf32>
        %add3A_730 = arith.constant 6.06585884 : f32
        %add3A_731 = vector.broadcast %add3A_730 : f32 to vector<16xf32>
        %add3A_732 = arith.addf %mul3A_729, %add3A_731 : vector<16xf32>
        %mul3A_733 = arith.mulf %add3A_732, %bitcast3A_710 : vector<16xf32>
        %add3A_734 = arith.constant -3.02832508 : f32
        %add3A_735 = vector.broadcast %add3A_734 : f32 to vector<16xf32>
        %add3A_736 = arith.addf %mul3A_733, %add3A_735 : vector<16xf32>
        %convert_element_type3A_737 = arith.sitofp %sub3A_704 : vector<16xi32> to vector<16xf32>
        %add3A_738 = arith.addf %convert_element_type3A_737, %add3A_736 : vector<16xf32>
        %mul3A_739 = arith.constant 0.693147182 : f32
        %mul3A_740 = vector.broadcast %mul3A_739 : f32 to vector<16xf32>
        %mul3A_741 = arith.mulf %add3A_738, %mul3A_740 : vector<16xf32>
        %sub3A_742 = arith.subf %add3A_286, %mul3A_741 : vector<16xf32>
        %swap3A_743 = arith.constant 0 : i32
        %swap3A_744 = arith.index_cast %swap3A_743 : i32 to index
        %swap3A_745 = arith.index_cast %scan3A_267 : i32 to index
        %swap3A_746 = arith.constant 0 : index
        %swap3A_747 = tpu.vector_load %arg12[%swap3A_744, %swap3A_745, %swap3A_746] {strides = array<i32>} : memref<2x32x512xf32, #tpu.memory_space<vmem>>, vector<16xf32>,
        tpu.vector_store %arg12[%swap3A_744, %swap3A_745, %swap3A_746], %sub3A_742 {strides = array<i32>} : memref<2x32x512xf32, #tpu.memory_space<vmem>>, vector<16xf32>,
        %sub3A_748 = arith.subf %add3A_298, %mul3A_741 : vector<16xf32>
        %swap3A_749 = arith.constant 0 : i32
        %swap3A_750 = arith.index_cast %swap3A_749 : i32 to index
        %swap3A_751 = arith.index_cast %scan3A_267 : i32 to index
        %swap3A_752 = arith.constant 16 : index
        %swap3A_753 = tpu.vector_load %arg12[%swap3A_750, %swap3A_751, %swap3A_752] {strides = array<i32>} : memref<2x32x512xf32, #tpu.memory_space<vmem>>, vector<16xf32>,
        tpu.vector_store %arg12[%swap3A_750, %swap3A_751, %swap3A_752], %sub3A_748 {strides = array<i32>} : memref<2x32x512xf32, #tpu.memory_space<vmem>>, vector<16xf32>,
        %sub3A_754 = arith.subf %add3A_311, %mul3A_741 : vector<16xf32>
        %swap3A_755 = arith.constant 0 : i32
        %swap3A_756 = arith.index_cast %swap3A_755 : i32 to index
        %swap3A_757 = arith.index_cast %scan3A_267 : i32 to index
        %swap3A_758 = arith.constant 32 : index
        %swap3A_759 = tpu.vector_load %arg12[%swap3A_756, %swap3A_757, %swap3A_758] {strides = array<i32>} : memref<2x32x512xf32, #tpu.memory_space<vmem>>, vector<16xf32>,
        tpu.vector_store %arg12[%swap3A_756, %swap3A_757, %swap3A_758], %sub3A_754 {strides = array<i32>} : memref<2x32x512xf32, #tpu.memory_space<vmem>>, vector<16xf32>,
        %sub3A_760 = arith.subf %add3A_324, %mul3A_741 : vector<16xf32>
        %swap3A_761 = arith.constant 0 : i32
        %swap3A_762 = arith.index_cast %swap3A_761 : i32 to index
        %swap3A_763 = arith.index_cast %scan3A_267 : i32 to index
        %swap3A_764 = arith.constant 48 : index
        %swap3A_765 = tpu.vector_load %arg12[%swap3A_762, %swap3A_763, %swap3A_764] {strides = array<i32>} : memref<2x32x512xf32, #tpu.memory_space<vmem>>, vector<16xf32>,
        tpu.vector_store %arg12[%swap3A_762, %swap3A_763, %swap3A_764], %sub3A_760 {strides = array<i32>} : memref<2x32x512xf32, #tpu.memory_space<vmem>>, vector<16xf32>,
        %sub3A_766 = arith.subf %add3A_337, %mul3A_741 : vector<16xf32>
        %swap3A_767 = arith.constant 0 : i32
        %swap3A_768 = arith.index_cast %swap3A_767 : i32 to index
        %swap3A_769 = arith.index_cast %scan3A_267 : i32 to index
        %swap3A_770 = arith.constant 64 : index
        %swap3A_771 = tpu.vector_load %arg12[%swap3A_768, %swap3A_769, %swap3A_770] {strides = array<i32>} : memref<2x32x512xf32, #tpu.memory_space<vmem>>, vector<16xf32>,
        tpu.vector_store %arg12[%swap3A_768, %swap3A_769, %swap3A_770], %sub3A_766 {strides = array<i32>} : memref<2x32x512xf32, #tpu.memory_space<vmem>>, vector<16xf32>,
        %sub3A_772 = arith.subf %add3A_350, %mul3A_741 : vector<16xf32>
        %swap3A_773 = arith.constant 0 : i32
        %swap3A_774 = arith.index_cast %swap3A_773 : i32 to index
        %swap3A_775 = arith.index_cast %scan3A_267 : i32 to index
        %swap3A_776 = arith.constant 80 : index
        %swap3A_777 = tpu.vector_load %arg12[%swap3A_774, %swap3A_775, %swap3A_776] {strides = array<i32>} : memref<2x32x512xf32, #tpu.memory_space<vmem>>, vector<16xf32>,
        tpu.vector_store %arg12[%swap3A_774, %swap3A_775, %swap3A_776], %sub3A_772 {strides = array<i32>} : memref<2x32x512xf32, #tpu.memory_space<vmem>>, vector<16xf32>,
        %sub3A_778 = arith.subf %add3A_363, %mul3A_741 : vector<16xf32>
        %swap3A_779 = arith.constant 0 : i32
        %swap3A_780 = arith.index_cast %swap3A_779 : i32 to index
        %swap3A_781 = arith.index_cast %scan3A_267 : i32 to index
        %swap3A_782 = arith.constant 96 : index
        %swap3A_783 = tpu.vector_load %arg12[%swap3A_780, %swap3A_781, %swap3A_782] {strides = array<i32>} : memref<2x32x512xf32, #tpu.memory_space<vmem>>, vector<16xf32>,
        tpu.vector_store %arg12[%swap3A_780, %swap3A_781, %swap3A_782], %sub3A_778 {strides = array<i32>} : memref<2x32x512xf32, #tpu.memory_space<vmem>>, vector<16xf32>,
        %sub3A_784 = arith.subf %add3A_376, %mul3A_741 : vector<16xf32>
        %swap3A_785 = arith.constant 0 : i32
        %swap3A_786 = arith.index_cast %swap3A_785 : i32 to index
        %swap3A_787 = arith.index_cast %scan3A_267 : i32 to index
        %swap3A_788 = arith.constant 112 : index
        %swap3A_789 = tpu.vector_load %arg12[%swap3A_786, %swap3A_787, %swap3A_788] {strides = array<i32>} : memref<2x32x512xf32, #tpu.memory_space<vmem>>, vector<16xf32>,
        tpu.vector_store %arg12[%swap3A_786, %swap3A_787, %swap3A_788], %sub3A_784 {strides = array<i32>} : memref<2x32x512xf32, #tpu.memory_space<vmem>>, vector<16xf32>,
        %sub3A_790 = arith.subf %add3A_389, %mul3A_741 : vector<16xf32>
        %swap3A_791 = arith.constant 0 : i32
        %swap3A_792 = arith.index_cast %swap3A_791 : i32 to index
        %swap3A_793 = arith.index_cast %scan3A_267 : i32 to index
        %swap3A_794 = arith.constant 128 : index
        %swap3A_795 = tpu.vector_load %arg12[%swap3A_792, %swap3A_793, %swap3A_794] {strides = array<i32>} : memref<2x32x512xf32, #tpu.memory_space<vmem>>, vector<16xf32>,
        tpu.vector_store %arg12[%swap3A_792, %swap3A_793, %swap3A_794], %sub3A_790 {strides = array<i32>} : memref<2x32x512xf32, #tpu.memory_space<vmem>>, vector<16xf32>,
        %sub3A_796 = arith.subf %add3A_402, %mul3A_741 : vector<16xf32>
        %swap3A_797 = arith.constant 0 : i32
        %swap3A_798 = arith.index_cast %swap3A_797 : i32 to index
        %swap3A_799 = arith.index_cast %scan3A_267 : i32 to index
        %swap3A_800 = arith.constant 144 : index
        %swap3A_801 = tpu.vector_load %arg12[%swap3A_798, %swap3A_799, %swap3A_800] {strides = array<i32>} : memref<2x32x512xf32, #tpu.memory_space<vmem>>, vector<16xf32>,
        tpu.vector_store %arg12[%swap3A_798, %swap3A_799, %swap3A_800], %sub3A_796 {strides = array<i32>} : memref<2x32x512xf32, #tpu.memory_space<vmem>>, vector<16xf32>,
        %sub3A_802 = arith.subf %add3A_415, %mul3A_741 : vector<16xf32>
        %swap3A_803 = arith.constant 0 : i32
        %swap3A_804 = arith.index_cast %swap3A_803 : i32 to index
        %swap3A_805 = arith.index_cast %scan3A_267 : i32 to index
        %swap3A_806 = arith.constant 160 : index
        %swap3A_807 = tpu.vector_load %arg12[%swap3A_804, %swap3A_805, %swap3A_806] {strides = array<i32>} : memref<2x32x512xf32, #tpu.memory_space<vmem>>, vector<16xf32>,
        tpu.vector_store %arg12[%swap3A_804, %swap3A_805, %swap3A_806], %sub3A_802 {strides = array<i32>} : memref<2x32x512xf32, #tpu.memory_space<vmem>>, vector<16xf32>,
        %sub3A_808 = arith.subf %add3A_428, %mul3A_741 : vector<16xf32>
        %swap3A_809 = arith.constant 0 : i32
        %swap3A_810 = arith.index_cast %swap3A_809 : i32 to index
        %swap3A_811 = arith.index_cast %scan3A_267 : i32 to index
        %swap3A_812 = arith.constant 176 : index
        %swap3A_813 = tpu.vector_load %arg12[%swap3A_810, %swap3A_811, %swap3A_812] {strides = array<i32>} : memref<2x32x512xf32, #tpu.memory_space<vmem>>, vector<16xf32>,
        tpu.vector_store %arg12[%swap3A_810, %swap3A_811, %swap3A_812], %sub3A_808 {strides = array<i32>} : memref<2x32x512xf32, #tpu.memory_space<vmem>>, vector<16xf32>,
        %sub3A_814 = arith.subf %add3A_441, %mul3A_741 : vector<16xf32>
        %swap3A_815 = arith.constant 0 : i32
        %swap3A_816 = arith.index_cast %swap3A_815 : i32 to index
        %swap3A_817 = arith.index_cast %scan3A_267 : i32 to index
        %swap3A_818 = arith.constant 192 : index
        %swap3A_819 = tpu.vector_load %arg12[%swap3A_816, %swap3A_817, %swap3A_818] {strides = array<i32>} : memref<2x32x512xf32, #tpu.memory_space<vmem>>, vector<16xf32>,
        tpu.vector_store %arg12[%swap3A_816, %swap3A_817, %swap3A_818], %sub3A_814 {strides = array<i32>} : memref<2x32x512xf32, #tpu.memory_space<vmem>>, vector<16xf32>,
        %sub3A_820 = arith.subf %add3A_454, %mul3A_741 : vector<16xf32>
        %swap3A_821 = arith.constant 0 : i32
        %swap3A_822 = arith.index_cast %swap3A_821 : i32 to index
        %swap3A_823 = arith.index_cast %scan3A_267 : i32 to index
        %swap3A_824 = arith.constant 208 : index
        %swap3A_825 = tpu.vector_load %arg12[%swap3A_822, %swap3A_823, %swap3A_824] {strides = array<i32>} : memref<2x32x512xf32, #tpu.memory_space<vmem>>, vector<16xf32>,
        tpu.vector_store %arg12[%swap3A_822, %swap3A_823, %swap3A_824], %sub3A_820 {strides = array<i32>} : memref<2x32x512xf32, #tpu.memory_space<vmem>>, vector<16xf32>,
        %sub3A_826 = arith.subf %add3A_467, %mul3A_741 : vector<16xf32>
        %swap3A_827 = arith.constant 0 : i32
        %swap3A_828 = arith.index_cast %swap3A_827 : i32 to index
        %swap3A_829 = arith.index_cast %scan3A_267 : i32 to index
        %swap3A_830 = arith.constant 224 : index
        %swap3A_831 = tpu.vector_load %arg12[%swap3A_828, %swap3A_829, %swap3A_830] {strides = array<i32>} : memref<2x32x512xf32, #tpu.memory_space<vmem>>, vector<16xf32>,
        tpu.vector_store %arg12[%swap3A_828, %swap3A_829, %swap3A_830], %sub3A_826 {strides = array<i32>} : memref<2x32x512xf32, #tpu.memory_space<vmem>>, vector<16xf32>,
        %sub3A_832 = arith.subf %add3A_480, %mul3A_741 : vector<16xf32>
        %swap3A_833 = arith.constant 0 : i32
        %swap3A_834 = arith.index_cast %swap3A_833 : i32 to index
        %swap3A_835 = arith.index_cast %scan3A_267 : i32 to index
        %swap3A_836 = arith.constant 240 : index
        %swap3A_837 = tpu.vector_load %arg12[%swap3A_834, %swap3A_835, %swap3A_836] {strides = array<i32>} : memref<2x32x512xf32, #tpu.memory_space<vmem>>, vector<16xf32>,
        tpu.vector_store %arg12[%swap3A_834, %swap3A_835, %swap3A_836], %sub3A_832 {strides = array<i32>} : memref<2x32x512xf32, #tpu.memory_space<vmem>>, vector<16xf32>,
        %sub3A_838 = arith.subf %add3A_493, %mul3A_741 : vector<16xf32>
        %swap3A_839 = arith.constant 0 : i32
        %swap3A_840 = arith.index_cast %swap3A_839 : i32 to index
        %swap3A_841 = arith.index_cast %scan3A_267 : i32 to index
        %swap3A_842 = arith.constant 256 : index
        %swap3A_843 = tpu.vector_load %arg12[%swap3A_840, %swap3A_841, %swap3A_842] {strides = array<i32>} : memref<2x32x512xf32, #tpu.memory_space<vmem>>, vector<16xf32>,
        tpu.vector_store %arg12[%swap3A_840, %swap3A_841, %swap3A_842], %sub3A_838 {strides = array<i32>} : memref<2x32x512xf32, #tpu.memory_space<vmem>>, vector<16xf32>,
        %sub3A_844 = arith.subf %add3A_506, %mul3A_741 : vector<16xf32>
        %swap3A_845 = arith.constant 0 : i32
        %swap3A_846 = arith.index_cast %swap3A_845 : i32 to index
        %swap3A_847 = arith.index_cast %scan3A_267 : i32 to index
        %swap3A_848 = arith.constant 272 : index
        %swap3A_849 = tpu.vector_load %arg12[%swap3A_846, %swap3A_847, %swap3A_848] {strides = array<i32>} : memref<2x32x512xf32, #tpu.memory_space<vmem>>, vector<16xf32>,
        tpu.vector_store %arg12[%swap3A_846, %swap3A_847, %swap3A_848], %sub3A_844 {strides = array<i32>} : memref<2x32x512xf32, #tpu.memory_space<vmem>>, vector<16xf32>,
        %sub3A_850 = arith.subf %add3A_519, %mul3A_741 : vector<16xf32>
        %swap3A_851 = arith.constant 0 : i32
        %swap3A_852 = arith.index_cast %swap3A_851 : i32 to index
        %swap3A_853 = arith.index_cast %scan3A_267 : i32 to index
        %swap3A_854 = arith.constant 288 : index
        %swap3A_855 = tpu.vector_load %arg12[%swap3A_852, %swap3A_853, %swap3A_854] {strides = array<i32>} : memref<2x32x512xf32, #tpu.memory_space<vmem>>, vector<16xf32>,
        tpu.vector_store %arg12[%swap3A_852, %swap3A_853, %swap3A_854], %sub3A_850 {strides = array<i32>} : memref<2x32x512xf32, #tpu.memory_space<vmem>>, vector<16xf32>,
        %sub3A_856 = arith.subf %add3A_532, %mul3A_741 : vector<16xf32>
        %swap3A_857 = arith.constant 0 : i32
        %swap3A_858 = arith.index_cast %swap3A_857 : i32 to index
        %swap3A_859 = arith.index_cast %scan3A_267 : i32 to index
        %swap3A_860 = arith.constant 304 : index
        %swap3A_861 = tpu.vector_load %arg12[%swap3A_858, %swap3A_859, %swap3A_860] {strides = array<i32>} : memref<2x32x512xf32, #tpu.memory_space<vmem>>, vector<16xf32>,
        tpu.vector_store %arg12[%swap3A_858, %swap3A_859, %swap3A_860], %sub3A_856 {strides = array<i32>} : memref<2x32x512xf32, #tpu.memory_space<vmem>>, vector<16xf32>,
        %sub3A_862 = arith.subf %add3A_545, %mul3A_741 : vector<16xf32>
        %swap3A_863 = arith.constant 0 : i32
        %swap3A_864 = arith.index_cast %swap3A_863 : i32 to index
        %swap3A_865 = arith.index_cast %scan3A_267 : i32 to index
        %swap3A_866 = arith.constant 320 : index
        %swap3A_867 = tpu.vector_load %arg12[%swap3A_864, %swap3A_865, %swap3A_866] {strides = array<i32>} : memref<2x32x512xf32, #tpu.memory_space<vmem>>, vector<16xf32>,
        tpu.vector_store %arg12[%swap3A_864, %swap3A_865, %swap3A_866], %sub3A_862 {strides = array<i32>} : memref<2x32x512xf32, #tpu.memory_space<vmem>>, vector<16xf32>,
        %sub3A_868 = arith.subf %add3A_558, %mul3A_741 : vector<16xf32>
        %swap3A_869 = arith.constant 0 : i32
        %swap3A_870 = arith.index_cast %swap3A_869 : i32 to index
        %swap3A_871 = arith.index_cast %scan3A_267 : i32 to index
        %swap3A_872 = arith.constant 336 : index
        %swap3A_873 = tpu.vector_load %arg12[%swap3A_870, %swap3A_871, %swap3A_872] {strides = array<i32>} : memref<2x32x512xf32, #tpu.memory_space<vmem>>, vector<16xf32>,
        tpu.vector_store %arg12[%swap3A_870, %swap3A_871, %swap3A_872], %sub3A_868 {strides = array<i32>} : memref<2x32x512xf32, #tpu.memory_space<vmem>>, vector<16xf32>,
        %sub3A_874 = arith.subf %add3A_571, %mul3A_741 : vector<16xf32>
        %swap3A_875 = arith.constant 0 : i32
        %swap3A_876 = arith.index_cast %swap3A_875 : i32 to index
        %swap3A_877 = arith.index_cast %scan3A_267 : i32 to index
        %swap3A_878 = arith.constant 352 : index
        %swap3A_879 = tpu.vector_load %arg12[%swap3A_876, %swap3A_877, %swap3A_878] {strides = array<i32>} : memref<2x32x512xf32, #tpu.memory_space<vmem>>, vector<16xf32>,
        tpu.vector_store %arg12[%swap3A_876, %swap3A_877, %swap3A_878], %sub3A_874 {strides = array<i32>} : memref<2x32x512xf32, #tpu.memory_space<vmem>>, vector<16xf32>,
        %sub3A_880 = arith.subf %add3A_584, %mul3A_741 : vector<16xf32>
        %swap3A_881 = arith.constant 0 : i32
        %swap3A_882 = arith.index_cast %swap3A_881 : i32 to index
        %swap3A_883 = arith.index_cast %scan3A_267 : i32 to index
        %swap3A_884 = arith.constant 368 : index
        %swap3A_885 = tpu.vector_load %arg12[%swap3A_882, %swap3A_883, %swap3A_884] {strides = array<i32>} : memref<2x32x512xf32, #tpu.memory_space<vmem>>, vector<16xf32>,
        tpu.vector_store %arg12[%swap3A_882, %swap3A_883, %swap3A_884], %sub3A_880 {strides = array<i32>} : memref<2x32x512xf32, #tpu.memory_space<vmem>>, vector<16xf32>,
        %sub3A_886 = arith.subf %add3A_597, %mul3A_741 : vector<16xf32>
        %swap3A_887 = arith.constant 0 : i32
        %swap3A_888 = arith.index_cast %swap3A_887 : i32 to index
        %swap3A_889 = arith.index_cast %scan3A_267 : i32 to index
        %swap3A_890 = arith.constant 384 : index
        %swap3A_891 = tpu.vector_load %arg12[%swap3A_888, %swap3A_889, %swap3A_890] {strides = array<i32>} : memref<2x32x512xf32, #tpu.memory_space<vmem>>, vector<16xf32>,
        tpu.vector_store %arg12[%swap3A_888, %swap3A_889, %swap3A_890], %sub3A_886 {strides = array<i32>} : memref<2x32x512xf32, #tpu.memory_space<vmem>>, vector<16xf32>,
        %sub3A_892 = arith.subf %add3A_610, %mul3A_741 : vector<16xf32>
        %swap3A_893 = arith.constant 0 : i32
        %swap3A_894 = arith.index_cast %swap3A_893 : i32 to index
        %swap3A_895 = arith.index_cast %scan3A_267 : i32 to index
        %swap3A_896 = arith.constant 400 : index
        %swap3A_897 = tpu.vector_load %arg12[%swap3A_894, %swap3A_895, %swap3A_896] {strides = array<i32>} : memref<2x32x512xf32, #tpu.memory_space<vmem>>, vector<16xf32>,
        tpu.vector_store %arg12[%swap3A_894, %swap3A_895, %swap3A_896], %sub3A_892 {strides = array<i32>} : memref<2x32x512xf32, #tpu.memory_space<vmem>>, vector<16xf32>,
        %sub3A_898 = arith.subf %add3A_623, %mul3A_741 : vector<16xf32>
        %swap3A_899 = arith.constant 0 : i32
        %swap3A_900 = arith.index_cast %swap3A_899 : i32 to index
        %swap3A_901 = arith.index_cast %scan3A_267 : i32 to index
        %swap3A_902 = arith.constant 416 : index
        %swap3A_903 = tpu.vector_load %arg12[%swap3A_900, %swap3A_901, %swap3A_902] {strides = array<i32>} : memref<2x32x512xf32, #tpu.memory_space<vmem>>, vector<16xf32>,
        tpu.vector_store %arg12[%swap3A_900, %swap3A_901, %swap3A_902], %sub3A_898 {strides = array<i32>} : memref<2x32x512xf32, #tpu.memory_space<vmem>>, vector<16xf32>,
        %sub3A_904 = arith.subf %add3A_636, %mul3A_741 : vector<16xf32>
        %swap3A_905 = arith.constant 0 : i32
        %swap3A_906 = arith.index_cast %swap3A_905 : i32 to index
        %swap3A_907 = arith.index_cast %scan3A_267 : i32 to index
        %swap3A_908 = arith.constant 432 : index
        %swap3A_909 = tpu.vector_load %arg12[%swap3A_906, %swap3A_907, %swap3A_908] {strides = array<i32>} : memref<2x32x512xf32, #tpu.memory_space<vmem>>, vector<16xf32>,
        tpu.vector_store %arg12[%swap3A_906, %swap3A_907, %swap3A_908], %sub3A_904 {strides = array<i32>} : memref<2x32x512xf32, #tpu.memory_space<vmem>>, vector<16xf32>,
        %sub3A_910 = arith.subf %add3A_649, %mul3A_741 : vector<16xf32>
        %swap3A_911 = arith.constant 0 : i32
        %swap3A_912 = arith.index_cast %swap3A_911 : i32 to index
        %swap3A_913 = arith.index_cast %scan3A_267 : i32 to index
        %swap3A_914 = arith.constant 448 : index
        %swap3A_915 = tpu.vector_load %arg12[%swap3A_912, %swap3A_913, %swap3A_914] {strides = array<i32>} : memref<2x32x512xf32, #tpu.memory_space<vmem>>, vector<16xf32>,
        tpu.vector_store %arg12[%swap3A_912, %swap3A_913, %swap3A_914], %sub3A_910 {strides = array<i32>} : memref<2x32x512xf32, #tpu.memory_space<vmem>>, vector<16xf32>,
        %sub3A_916 = arith.subf %add3A_662, %mul3A_741 : vector<16xf32>
        %swap3A_917 = arith.constant 0 : i32
        %swap3A_918 = arith.index_cast %swap3A_917 : i32 to index
        %swap3A_919 = arith.index_cast %scan3A_267 : i32 to index
        %swap3A_920 = arith.constant 464 : index
        %swap3A_921 = tpu.vector_load %arg12[%swap3A_918, %swap3A_919, %swap3A_920] {strides = array<i32>} : memref<2x32x512xf32, #tpu.memory_space<vmem>>, vector<16xf32>,
        tpu.vector_store %arg12[%swap3A_918, %swap3A_919, %swap3A_920], %sub3A_916 {strides = array<i32>} : memref<2x32x512xf32, #tpu.memory_space<vmem>>, vector<16xf32>,
        %sub3A_922 = arith.subf %add3A_675, %mul3A_741 : vector<16xf32>
        %swap3A_923 = arith.constant 0 : i32
        %swap3A_924 = arith.index_cast %swap3A_923 : i32 to index
        %swap3A_925 = arith.index_cast %scan3A_267 : i32 to index
        %swap3A_926 = arith.constant 480 : index
        %swap3A_927 = tpu.vector_load %arg12[%swap3A_924, %swap3A_925, %swap3A_926] {strides = array<i32>} : memref<2x32x512xf32, #tpu.memory_space<vmem>>, vector<16xf32>,
        tpu.vector_store %arg12[%swap3A_924, %swap3A_925, %swap3A_926], %sub3A_922 {strides = array<i32>} : memref<2x32x512xf32, #tpu.memory_space<vmem>>, vector<16xf32>,
        %sub3A_928 = arith.subf %add3A_688, %mul3A_741 : vector<16xf32>
        %swap3A_929 = arith.constant 0 : i32
        %swap3A_930 = arith.index_cast %swap3A_929 : i32 to index
        %swap3A_931 = arith.index_cast %scan3A_267 : i32 to index
        %swap3A_932 = arith.constant 496 : index
        %swap3A_933 = tpu.vector_load %arg12[%swap3A_930, %swap3A_931, %swap3A_932] {strides = array<i32>} : memref<2x32x512xf32, #tpu.memory_space<vmem>>, vector<16xf32>,
        tpu.vector_store %arg12[%swap3A_930, %swap3A_931, %swap3A_932], %sub3A_928 {strides = array<i32>} : memref<2x32x512xf32, #tpu.memory_space<vmem>>, vector<16xf32>,
        %scan3A_934 = arith.constant 1 : i32
        %scan3A_935 = arith.addi %scan3A_267, %scan3A_934 : i32
        %broadcast_in_dim3A_936 = arith.constant 0.000000e+00 : f32
        %broadcast_in_dim3A_937 = vector.broadcast %broadcast_in_dim3A_936 : f32 to vector<16xf32>
        %broadcast_in_dim3A_938 = arith.constant 0.000000e+00 : f32
        %broadcast_in_dim3A_939 = vector.broadcast %broadcast_in_dim3A_938 : f32 to vector<16xf32>
        %broadcast_in_dim3A_940 = arith.constant 0.000000e+00 : f32
        %broadcast_in_dim3A_941 = vector.broadcast %broadcast_in_dim3A_940 : f32 to vector<16xf32>
        %broadcast_in_dim3A_942 = arith.constant 0.000000e+00 : f32
        %broadcast_in_dim3A_943 = vector.broadcast %broadcast_in_dim3A_942 : f32 to vector<16xf32>
        %get3A_944 = arith.constant 0 : i32
        %get3A_945 = arith.index_cast %get3A_944 : i32 to index
        %get3A_946 = arith.index_cast %scan3A_935 : i32 to index
        %get3A_947 = arith.constant 0 : index
        %get3A_948 = tpu.vector_load %arg12[%get3A_945, %get3A_946, %get3A_947] {strides = array<i32>} : memref<2x32x512xf32, #tpu.memory_space<vmem>>, vector<16xf32>,
        %get3A_949 = arith.constant 0 : i32
        %get3A_950 = arith.index_cast %get3A_949 : i32 to index
        %get3A_951 = arith.index_cast %scan3A_935 : i32 to index
        %get3A_952 = arith.constant 0 : index
        %get3A_953 = tpu.vector_load %arg13[%get3A_950, %get3A_951, %get3A_952] {strides = array<i32>} : memref<2x32x512xf32, #tpu.memory_space<vmem>>, vector<16xf32>,
        %add3A_954 = arith.addf %get3A_948, %get3A_953 : vector<16xf32>
        %exp3A_955 = math.exp %add3A_954 : vector<16xf32>
        %add3A_956 = arith.addf %broadcast_in_dim3A_937, %exp3A_955 : vector<16xf32>
        %get3A_957 = arith.constant 0 : i32
        %get3A_958 = arith.index_cast %get3A_957 : i32 to index
        %get3A_959 = arith.index_cast %scan3A_935 : i32 to index
        %get3A_960 = arith.constant 16 : index
        %get3A_961 = tpu.vector_load %arg12[%get3A_958, %get3A_959, %get3A_960] {strides = array<i32>} : memref<2x32x512xf32, #tpu.memory_space<vmem>>, vector<16xf32>,
        %get3A_962 = arith.constant 0 : i32
        %get3A_963 = arith.index_cast %get3A_962 : i32 to index
        %get3A_964 = arith.index_cast %scan3A_935 : i32 to index
        %get3A_965 = arith.constant 16 : index
        %get3A_966 = tpu.vector_load %arg13[%get3A_963, %get3A_964, %get3A_965] {strides = array<i32>} : memref<2x32x512xf32, #tpu.memory_space<vmem>>, vector<16xf32>,
        %add3A_967 = arith.addf %get3A_961, %get3A_966 : vector<16xf32>
        %exp3A_968 = math.exp %add3A_967 : vector<16xf32>
        %add3A_969 = arith.addf %broadcast_in_dim3A_939, %exp3A_968 : vector<16xf32>
        %get3A_970 = arith.constant 0 : i32
        %get3A_971 = arith.index_cast %get3A_970 : i32 to index
        %get3A_972 = arith.index_cast %scan3A_935 : i32 to index
        %get3A_973 = arith.constant 32 : index
        %get3A_974 = tpu.vector_load %arg12[%get3A_971, %get3A_972, %get3A_973] {strides = array<i32>} : memref<2x32x512xf32, #tpu.memory_space<vmem>>, vector<16xf32>,
        %get3A_975 = arith.constant 0 : i32
        %get3A_976 = arith.index_cast %get3A_975 : i32 to index
        %get3A_977 = arith.index_cast %scan3A_935 : i32 to index
        %get3A_978 = arith.constant 32 : index
        %get3A_979 = tpu.vector_load %arg13[%get3A_976, %get3A_977, %get3A_978] {strides = array<i32>} : memref<2x32x512xf32, #tpu.memory_space<vmem>>, vector<16xf32>,
        %add3A_980 = arith.addf %get3A_974, %get3A_979 : vector<16xf32>
        %exp3A_981 = math.exp %add3A_980 : vector<16xf32>
        %add3A_982 = arith.addf %broadcast_in_dim3A_941, %exp3A_981 : vector<16xf32>
        %get3A_983 = arith.constant 0 : i32
        %get3A_984 = arith.index_cast %get3A_983 : i32 to index
        %get3A_985 = arith.index_cast %scan3A_935 : i32 to index
        %get3A_986 = arith.constant 48 : index
        %get3A_987 = tpu.vector_load %arg12[%get3A_984, %get3A_985, %get3A_986] {strides = array<i32>} : memref<2x32x512xf32, #tpu.memory_space<vmem>>, vector<16xf32>,
        %get3A_988 = arith.constant 0 : i32
        %get3A_989 = arith.index_cast %get3A_988 : i32 to index
        %get3A_990 = arith.index_cast %scan3A_935 : i32 to index
        %get3A_991 = arith.constant 48 : index
        %get3A_992 = tpu.vector_load %arg13[%get3A_989, %get3A_990, %get3A_991] {strides = array<i32>} : memref<2x32x512xf32, #tpu.memory_space<vmem>>, vector<16xf32>,
        %add3A_993 = arith.addf %get3A_987, %get3A_992 : vector<16xf32>
        %exp3A_994 = math.exp %add3A_993 : vector<16xf32>
        %add3A_995 = arith.addf %broadcast_in_dim3A_943, %exp3A_994 : vector<16xf32>
        %get3A_996 = arith.constant 0 : i32
        %get3A_997 = arith.index_cast %get3A_996 : i32 to index
        %get3A_998 = arith.index_cast %scan3A_935 : i32 to index
        %get3A_999 = arith.constant 64 : index
        %get3A_1000 = tpu.vector_load %arg12[%get3A_997, %get3A_998, %get3A_999] {strides = array<i32>} : memref<2x32x512xf32, #tpu.memory_space<vmem>>, vector<16xf32>,
        %get3A_1001 = arith.constant 0 : i32
        %get3A_1002 = arith.index_cast %get3A_1001 : i32 to index
        %get3A_1003 = arith.index_cast %scan3A_935 : i32 to index
        %get3A_1004 = arith.constant 64 : index
        %get3A_1005 = tpu.vector_load %arg13[%get3A_1002, %get3A_1003, %get3A_1004] {strides = array<i32>} : memref<2x32x512xf32, #tpu.memory_space<vmem>>, vector<16xf32>,
        %add3A_1006 = arith.addf %get3A_1000, %get3A_1005 : vector<16xf32>
        %exp3A_1007 = math.exp %add3A_1006 : vector<16xf32>
        %add3A_1008 = arith.addf %add3A_956, %exp3A_1007 : vector<16xf32>
        %get3A_1009 = arith.constant 0 : i32
        %get3A_1010 = arith.index_cast %get3A_1009 : i32 to index
        %get3A_1011 = arith.index_cast %scan3A_935 : i32 to index
        %get3A_1012 = arith.constant 80 : index
        %get3A_1013 = tpu.vector_load %arg12[%get3A_1010, %get3A_1011, %get3A_1012] {strides = array<i32>} : memref<2x32x512xf32, #tpu.memory_space<vmem>>, vector<16xf32>,
        %get3A_1014 = arith.constant 0 : i32
        %get3A_1015 = arith.index_cast %get3A_1014 : i32 to index
        %get3A_1016 = arith.index_cast %scan3A_935 : i32 to index
        %get3A_1017 = arith.constant 80 : index
        %get3A_1018 = tpu.vector_load %arg13[%get3A_1015, %get3A_1016, %get3A_1017] {strides = array<i32>} : memref<2x32x512xf32, #tpu.memory_space<vmem>>, vector<16xf32>,
        %add3A_1019 = arith.addf %get3A_1013, %get3A_1018 : vector<16xf32>
        %exp3A_1020 = math.exp %add3A_1019 : vector<16xf32>
        %add3A_1021 = arith.addf %add3A_969, %exp3A_1020 : vector<16xf32>
        %get3A_1022 = arith.constant 0 : i32
        %get3A_1023 = arith.index_cast %get3A_1022 : i32 to index
        %get3A_1024 = arith.index_cast %scan3A_935 : i32 to index
        %get3A_1025 = arith.constant 96 : index
        %get3A_1026 = tpu.vector_load %arg12[%get3A_1023, %get3A_1024, %get3A_1025] {strides = array<i32>} : memref<2x32x512xf32, #tpu.memory_space<vmem>>, vector<16xf32>,
        %get3A_1027 = arith.constant 0 : i32
        %get3A_1028 = arith.index_cast %get3A_1027 : i32 to index
        %get3A_1029 = arith.index_cast %scan3A_935 : i32 to index
        %get3A_1030 = arith.constant 96 : index
        %get3A_1031 = tpu.vector_load %arg13[%get3A_1028, %get3A_1029, %get3A_1030] {strides = array<i32>} : memref<2x32x512xf32, #tpu.memory_space<vmem>>, vector<16xf32>,
        %add3A_1032 = arith.addf %get3A_1026, %get3A_1031 : vector<16xf32>
        %exp3A_1033 = math.exp %add3A_1032 : vector<16xf32>
        %add3A_1034 = arith.addf %add3A_982, %exp3A_1033 : vector<16xf32>
        %get3A_1035 = arith.constant 0 : i32
        %get3A_1036 = arith.index_cast %get3A_1035 : i32 to index
        %get3A_1037 = arith.index_cast %scan3A_935 : i32 to index
        %get3A_1038 = arith.constant 112 : index
        %get3A_1039 = tpu.vector_load %arg12[%get3A_1036, %get3A_1037, %get3A_1038] {strides = array<i32>} : memref<2x32x512xf32, #tpu.memory_space<vmem>>, vector<16xf32>,
        %get3A_1040 = arith.constant 0 : i32
        %get3A_1041 = arith.index_cast %get3A_1040 : i32 to index
        %get3A_1042 = arith.index_cast %scan3A_935 : i32 to index
        %get3A_1043 = arith.constant 112 : index
        %get3A_1044 = tpu.vector_load %arg13[%get3A_1041, %get3A_1042, %get3A_1043] {strides = array<i32>} : memref<2x32x512xf32, #tpu.memory_space<vmem>>, vector<16xf32>,
        %add3A_1045 = arith.addf %get3A_1039, %get3A_1044 : vector<16xf32>
        %exp3A_1046 = math.exp %add3A_1045 : vector<16xf32>
        %add3A_1047 = arith.addf %add3A_995, %exp3A_1046 : vector<16xf32>
        %get3A_1048 = arith.constant 0 : i32
        %get3A_1049 = arith.index_cast %get3A_1048 : i32 to index
        %get3A_1050 = arith.index_cast %scan3A_935 : i32 to index
        %get3A_1051 = arith.constant 128 : index
        %get3A_1052 = tpu.vector_load %arg12[%get3A_1049, %get3A_1050, %get3A_1051] {strides = array<i32>} : memref<2x32x512xf32, #tpu.memory_space<vmem>>, vector<16xf32>,
        %get3A_1053 = arith.constant 0 : i32
        %get3A_1054 = arith.index_cast %get3A_1053 : i32 to index
        %get3A_1055 = arith.index_cast %scan3A_935 : i32 to index
        %get3A_1056 = arith.constant 128 : index
        %get3A_1057 = tpu.vector_load %arg13[%get3A_1054, %get3A_1055, %get3A_1056] {strides = array<i32>} : memref<2x32x512xf32, #tpu.memory_space<vmem>>, vector<16xf32>,
        %add3A_1058 = arith.addf %get3A_1052, %get3A_1057 : vector<16xf32>
        %exp3A_1059 = math.exp %add3A_1058 : vector<16xf32>
        %add3A_1060 = arith.addf %add3A_1008, %exp3A_1059 : vector<16xf32>
        %get3A_1061 = arith.constant 0 : i32
        %get3A_1062 = arith.index_cast %get3A_1061 : i32 to index
        %get3A_1063 = arith.index_cast %scan3A_935 : i32 to index
        %get3A_1064 = arith.constant 144 : index
        %get3A_1065 = tpu.vector_load %arg12[%get3A_1062, %get3A_1063, %get3A_1064] {strides = array<i32>} : memref<2x32x512xf32, #tpu.memory_space<vmem>>, vector<16xf32>,
        %get3A_1066 = arith.constant 0 : i32
        %get3A_1067 = arith.index_cast %get3A_1066 : i32 to index
        %get3A_1068 = arith.index_cast %scan3A_935 : i32 to index
        %get3A_1069 = arith.constant 144 : index
        %get3A_1070 = tpu.vector_load %arg13[%get3A_1067, %get3A_1068, %get3A_1069] {strides = array<i32>} : memref<2x32x512xf32, #tpu.memory_space<vmem>>, vector<16xf32>,
        %add3A_1071 = arith.addf %get3A_1065, %get3A_1070 : vector<16xf32>
        %exp3A_1072 = math.exp %add3A_1071 : vector<16xf32>
        %add3A_1073 = arith.addf %add3A_1021, %exp3A_1072 : vector<16xf32>
        %get3A_1074 = arith.constant 0 : i32
        %get3A_1075 = arith.index_cast %get3A_1074 : i32 to index
        %get3A_1076 = arith.index_cast %scan3A_935 : i32 to index
        %get3A_1077 = arith.constant 160 : index
        %get3A_1078 = tpu.vector_load %arg12[%get3A_1075, %get3A_1076, %get3A_1077] {strides = array<i32>} : memref<2x32x512xf32, #tpu.memory_space<vmem>>, vector<16xf32>,
        %get3A_1079 = arith.constant 0 : i32
        %get3A_1080 = arith.index_cast %get3A_1079 : i32 to index
        %get3A_1081 = arith.index_cast %scan3A_935 : i32 to index
        %get3A_1082 = arith.constant 160 : index
        %get3A_1083 = tpu.vector_load %arg13[%get3A_1080, %get3A_1081, %get3A_1082] {strides = array<i32>} : memref<2x32x512xf32, #tpu.memory_space<vmem>>, vector<16xf32>,
        %add3A_1084 = arith.addf %get3A_1078, %get3A_1083 : vector<16xf32>
        %exp3A_1085 = math.exp %add3A_1084 : vector<16xf32>
        %add3A_1086 = arith.addf %add3A_1034, %exp3A_1085 : vector<16xf32>
        %get3A_1087 = arith.constant 0 : i32
        %get3A_1088 = arith.index_cast %get3A_1087 : i32 to index
        %get3A_1089 = arith.index_cast %scan3A_935 : i32 to index
        %get3A_1090 = arith.constant 176 : index
        %get3A_1091 = tpu.vector_load %arg12[%get3A_1088, %get3A_1089, %get3A_1090] {strides = array<i32>} : memref<2x32x512xf32, #tpu.memory_space<vmem>>, vector<16xf32>,
        %get3A_1092 = arith.constant 0 : i32
        %get3A_1093 = arith.index_cast %get3A_1092 : i32 to index
        %get3A_1094 = arith.index_cast %scan3A_935 : i32 to index
        %get3A_1095 = arith.constant 176 : index
        %get3A_1096 = tpu.vector_load %arg13[%get3A_1093, %get3A_1094, %get3A_1095] {strides = array<i32>} : memref<2x32x512xf32, #tpu.memory_space<vmem>>, vector<16xf32>,
        %add3A_1097 = arith.addf %get3A_1091, %get3A_1096 : vector<16xf32>
        %exp3A_1098 = math.exp %add3A_1097 : vector<16xf32>
        %add3A_1099 = arith.addf %add3A_1047, %exp3A_1098 : vector<16xf32>
        %get3A_1100 = arith.constant 0 : i32
        %get3A_1101 = arith.index_cast %get3A_1100 : i32 to index
        %get3A_1102 = arith.index_cast %scan3A_935 : i32 to index
        %get3A_1103 = arith.constant 192 : index
        %get3A_1104 = tpu.vector_load %arg12[%get3A_1101, %get3A_1102, %get3A_1103] {strides = array<i32>} : memref<2x32x512xf32, #tpu.memory_space<vmem>>, vector<16xf32>,
        %get3A_1105 = arith.constant 0 : i32
        %get3A_1106 = arith.index_cast %get3A_1105 : i32 to index
        %get3A_1107 = arith.index_cast %scan3A_935 : i32 to index
        %get3A_1108 = arith.constant 192 : index
        %get3A_1109 = tpu.vector_load %arg13[%get3A_1106, %get3A_1107, %get3A_1108] {strides = array<i32>} : memref<2x32x512xf32, #tpu.memory_space<vmem>>, vector<16xf32>,
        %add3A_1110 = arith.addf %get3A_1104, %get3A_1109 : vector<16xf32>
        %exp3A_1111 = math.exp %add3A_1110 : vector<16xf32>
        %add3A_1112 = arith.addf %add3A_1060, %exp3A_1111 : vector<16xf32>
        %get3A_1113 = arith.constant 0 : i32
        %get3A_1114 = arith.index_cast %get3A_1113 : i32 to index
        %get3A_1115 = arith.index_cast %scan3A_935 : i32 to index
        %get3A_1116 = arith.constant 208 : index
        %get3A_1117 = tpu.vector_load %arg12[%get3A_1114, %get3A_1115, %get3A_1116] {strides = array<i32>} : memref<2x32x512xf32, #tpu.memory_space<vmem>>, vector<16xf32>,
        %get3A_1118 = arith.constant 0 : i32
        %get3A_1119 = arith.index_cast %get3A_1118 : i32 to index
        %get3A_1120 = arith.index_cast %scan3A_935 : i32 to index
        %get3A_1121 = arith.constant 208 : index
        %get3A_1122 = tpu.vector_load %arg13[%get3A_1119, %get3A_1120, %get3A_1121] {strides = array<i32>} : memref<2x32x512xf32, #tpu.memory_space<vmem>>, vector<16xf32>,
        %add3A_1123 = arith.addf %get3A_1117, %get3A_1122 : vector<16xf32>
        %exp3A_1124 = math.exp %add3A_1123 : vector<16xf32>
        %add3A_1125 = arith.addf %add3A_1073, %exp3A_1124 : vector<16xf32>
        %get3A_1126 = arith.constant 0 : i32
        %get3A_1127 = arith.index_cast %get3A_1126 : i32 to index
        %get3A_1128 = arith.index_cast %scan3A_935 : i32 to index
        %get3A_1129 = arith.constant 224 : index
        %get3A_1130 = tpu.vector_load %arg12[%get3A_1127, %get3A_1128, %get3A_1129] {strides = array<i32>} : memref<2x32x512xf32, #tpu.memory_space<vmem>>, vector<16xf32>,
        %get3A_1131 = arith.constant 0 : i32
        %get3A_1132 = arith.index_cast %get3A_1131 : i32 to index
        %get3A_1133 = arith.index_cast %scan3A_935 : i32 to index
        %get3A_1134 = arith.constant 224 : index
        %get3A_1135 = tpu.vector_load %arg13[%get3A_1132, %get3A_1133, %get3A_1134] {strides = array<i32>} : memref<2x32x512xf32, #tpu.memory_space<vmem>>, vector<16xf32>,
        %add3A_1136 = arith.addf %get3A_1130, %get3A_1135 : vector<16xf32>
        %exp3A_1137 = math.exp %add3A_1136 : vector<16xf32>
        %add3A_1138 = arith.addf %add3A_1086, %exp3A_1137 : vector<16xf32>
        %get3A_1139 = arith.constant 0 : i32
        %get3A_1140 = arith.index_cast %get3A_1139 : i32 to index
        %get3A_1141 = arith.index_cast %scan3A_935 : i32 to index
        %get3A_1142 = arith.constant 240 : index
        %get3A_1143 = tpu.vector_load %arg12[%get3A_1140, %get3A_1141, %get3A_1142] {strides = array<i32>} : memref<2x32x512xf32, #tpu.memory_space<vmem>>, vector<16xf32>,
        %get3A_1144 = arith.constant 0 : i32
        %get3A_1145 = arith.index_cast %get3A_1144 : i32 to index
        %get3A_1146 = arith.index_cast %scan3A_935 : i32 to index
        %get3A_1147 = arith.constant 240 : index
        %get3A_1148 = tpu.vector_load %arg13[%get3A_1145, %get3A_1146, %get3A_1147] {strides = array<i32>} : memref<2x32x512xf32, #tpu.memory_space<vmem>>, vector<16xf32>,
        %add3A_1149 = arith.addf %get3A_1143, %get3A_1148 : vector<16xf32>
        %exp3A_1150 = math.exp %add3A_1149 : vector<16xf32>
        %add3A_1151 = arith.addf %add3A_1099, %exp3A_1150 : vector<16xf32>
        %get3A_1152 = arith.constant 0 : i32
        %get3A_1153 = arith.index_cast %get3A_1152 : i32 to index
        %get3A_1154 = arith.index_cast %scan3A_935 : i32 to index
        %get3A_1155 = arith.constant 256 : index
        %get3A_1156 = tpu.vector_load %arg12[%get3A_1153, %get3A_1154, %get3A_1155] {strides = array<i32>} : memref<2x32x512xf32, #tpu.memory_space<vmem>>, vector<16xf32>,
        %get3A_1157 = arith.constant 0 : i32
        %get3A_1158 = arith.index_cast %get3A_1157 : i32 to index
        %get3A_1159 = arith.index_cast %scan3A_935 : i32 to index
        %get3A_1160 = arith.constant 256 : index
        %get3A_1161 = tpu.vector_load %arg13[%get3A_1158, %get3A_1159, %get3A_1160] {strides = array<i32>} : memref<2x32x512xf32, #tpu.memory_space<vmem>>, vector<16xf32>,
        %add3A_1162 = arith.addf %get3A_1156, %get3A_1161 : vector<16xf32>
        %exp3A_1163 = math.exp %add3A_1162 : vector<16xf32>
        %add3A_1164 = arith.addf %add3A_1112, %exp3A_1163 : vector<16xf32>
        %get3A_1165 = arith.constant 0 : i32
        %get3A_1166 = arith.index_cast %get3A_1165 : i32 to index
        %get3A_1167 = arith.index_cast %scan3A_935 : i32 to index
        %get3A_1168 = arith.constant 272 : index
        %get3A_1169 = tpu.vector_load %arg12[%get3A_1166, %get3A_1167, %get3A_1168] {strides = array<i32>} : memref<2x32x512xf32, #tpu.memory_space<vmem>>, vector<16xf32>,
        %get3A_1170 = arith.constant 0 : i32
        %get3A_1171 = arith.index_cast %get3A_1170 : i32 to index
        %get3A_1172 = arith.index_cast %scan3A_935 : i32 to index
        %get3A_1173 = arith.constant 272 : index
        %get3A_1174 = tpu.vector_load %arg13[%get3A_1171, %get3A_1172, %get3A_1173] {strides = array<i32>} : memref<2x32x512xf32, #tpu.memory_space<vmem>>, vector<16xf32>,
        %add3A_1175 = arith.addf %get3A_1169, %get3A_1174 : vector<16xf32>
        %exp3A_1176 = math.exp %add3A_1175 : vector<16xf32>
        %add3A_1177 = arith.addf %add3A_1125, %exp3A_1176 : vector<16xf32>
        %get3A_1178 = arith.constant 0 : i32
        %get3A_1179 = arith.index_cast %get3A_1178 : i32 to index
        %get3A_1180 = arith.index_cast %scan3A_935 : i32 to index
        %get3A_1181 = arith.constant 288 : index
        %get3A_1182 = tpu.vector_load %arg12[%get3A_1179, %get3A_1180, %get3A_1181] {strides = array<i32>} : memref<2x32x512xf32, #tpu.memory_space<vmem>>, vector<16xf32>,
        %get3A_1183 = arith.constant 0 : i32
        %get3A_1184 = arith.index_cast %get3A_1183 : i32 to index
        %get3A_1185 = arith.index_cast %scan3A_935 : i32 to index
        %get3A_1186 = arith.constant 288 : index
        %get3A_1187 = tpu.vector_load %arg13[%get3A_1184, %get3A_1185, %get3A_1186] {strides = array<i32>} : memref<2x32x512xf32, #tpu.memory_space<vmem>>, vector<16xf32>,
        %add3A_1188 = arith.addf %get3A_1182, %get3A_1187 : vector<16xf32>
        %exp3A_1189 = math.exp %add3A_1188 : vector<16xf32>
        %add3A_1190 = arith.addf %add3A_1138, %exp3A_1189 : vector<16xf32>
        %get3A_1191 = arith.constant 0 : i32
        %get3A_1192 = arith.index_cast %get3A_1191 : i32 to index
        %get3A_1193 = arith.index_cast %scan3A_935 : i32 to index
        %get3A_1194 = arith.constant 304 : index
        %get3A_1195 = tpu.vector_load %arg12[%get3A_1192, %get3A_1193, %get3A_1194] {strides = array<i32>} : memref<2x32x512xf32, #tpu.memory_space<vmem>>, vector<16xf32>,
        %get3A_1196 = arith.constant 0 : i32
        %get3A_1197 = arith.index_cast %get3A_1196 : i32 to index
        %get3A_1198 = arith.index_cast %scan3A_935 : i32 to index
        %get3A_1199 = arith.constant 304 : index
        %get3A_1200 = tpu.vector_load %arg13[%get3A_1197, %get3A_1198, %get3A_1199] {strides = array<i32>} : memref<2x32x512xf32, #tpu.memory_space<vmem>>, vector<16xf32>,
        %add3A_1201 = arith.addf %get3A_1195, %get3A_1200 : vector<16xf32>
        %exp3A_1202 = math.exp %add3A_1201 : vector<16xf32>
        %add3A_1203 = arith.addf %add3A_1151, %exp3A_1202 : vector<16xf32>
        %get3A_1204 = arith.constant 0 : i32
        %get3A_1205 = arith.index_cast %get3A_1204 : i32 to index
        %get3A_1206 = arith.index_cast %scan3A_935 : i32 to index
        %get3A_1207 = arith.constant 320 : index
        %get3A_1208 = tpu.vector_load %arg12[%get3A_1205, %get3A_1206, %get3A_1207] {strides = array<i32>} : memref<2x32x512xf32, #tpu.memory_space<vmem>>, vector<16xf32>,
        %get3A_1209 = arith.constant 0 : i32
        %get3A_1210 = arith.index_cast %get3A_1209 : i32 to index
        %get3A_1211 = arith.index_cast %scan3A_935 : i32 to index
        %get3A_1212 = arith.constant 320 : index
        %get3A_1213 = tpu.vector_load %arg13[%get3A_1210, %get3A_1211, %get3A_1212] {strides = array<i32>} : memref<2x32x512xf32, #tpu.memory_space<vmem>>, vector<16xf32>,
        %add3A_1214 = arith.addf %get3A_1208, %get3A_1213 : vector<16xf32>
        %exp3A_1215 = math.exp %add3A_1214 : vector<16xf32>
        %add3A_1216 = arith.addf %add3A_1164, %exp3A_1215 : vector<16xf32>
        %get3A_1217 = arith.constant 0 : i32
        %get3A_1218 = arith.index_cast %get3A_1217 : i32 to index
        %get3A_1219 = arith.index_cast %scan3A_935 : i32 to index
        %get3A_1220 = arith.constant 336 : index
        %get3A_1221 = tpu.vector_load %arg12[%get3A_1218, %get3A_1219, %get3A_1220] {strides = array<i32>} : memref<2x32x512xf32, #tpu.memory_space<vmem>>, vector<16xf32>,
        %get3A_1222 = arith.constant 0 : i32
        %get3A_1223 = arith.index_cast %get3A_1222 : i32 to index
        %get3A_1224 = arith.index_cast %scan3A_935 : i32 to index
        %get3A_1225 = arith.constant 336 : index
        %get3A_1226 = tpu.vector_load %arg13[%get3A_1223, %get3A_1224, %get3A_1225] {strides = array<i32>} : memref<2x32x512xf32, #tpu.memory_space<vmem>>, vector<16xf32>,
        %add3A_1227 = arith.addf %get3A_1221, %get3A_1226 : vector<16xf32>
        %exp3A_1228 = math.exp %add3A_1227 : vector<16xf32>
        %add3A_1229 = arith.addf %add3A_1177, %exp3A_1228 : vector<16xf32>
        %get3A_1230 = arith.constant 0 : i32
        %get3A_1231 = arith.index_cast %get3A_1230 : i32 to index
        %get3A_1232 = arith.index_cast %scan3A_935 : i32 to index
        %get3A_1233 = arith.constant 352 : index
        %get3A_1234 = tpu.vector_load %arg12[%get3A_1231, %get3A_1232, %get3A_1233] {strides = array<i32>} : memref<2x32x512xf32, #tpu.memory_space<vmem>>, vector<16xf32>,
        %get3A_1235 = arith.constant 0 : i32
        %get3A_1236 = arith.index_cast %get3A_1235 : i32 to index
        %get3A_1237 = arith.index_cast %scan3A_935 : i32 to index
        %get3A_1238 = arith.constant 352 : index
        %get3A_1239 = tpu.vector_load %arg13[%get3A_1236, %get3A_1237, %get3A_1238] {strides = array<i32>} : memref<2x32x512xf32, #tpu.memory_space<vmem>>, vector<16xf32>,
        %add3A_1240 = arith.addf %get3A_1234, %get3A_1239 : vector<16xf32>
        %exp3A_1241 = math.exp %add3A_1240 : vector<16xf32>
        %add3A_1242 = arith.addf %add3A_1190, %exp3A_1241 : vector<16xf32>
        %get3A_1243 = arith.constant 0 : i32
        %get3A_1244 = arith.index_cast %get3A_1243 : i32 to index
        %get3A_1245 = arith.index_cast %scan3A_935 : i32 to index
        %get3A_1246 = arith.constant 368 : index
        %get3A_1247 = tpu.vector_load %arg12[%get3A_1244, %get3A_1245, %get3A_1246] {strides = array<i32>} : memref<2x32x512xf32, #tpu.memory_space<vmem>>, vector<16xf32>,
        %get3A_1248 = arith.constant 0 : i32
        %get3A_1249 = arith.index_cast %get3A_1248 : i32 to index
        %get3A_1250 = arith.index_cast %scan3A_935 : i32 to index
        %get3A_1251 = arith.constant 368 : index
        %get3A_1252 = tpu.vector_load %arg13[%get3A_1249, %get3A_1250, %get3A_1251] {strides = array<i32>} : memref<2x32x512xf32, #tpu.memory_space<vmem>>, vector<16xf32>,
        %add3A_1253 = arith.addf %get3A_1247, %get3A_1252 : vector<16xf32>
        %exp3A_1254 = math.exp %add3A_1253 : vector<16xf32>
        %add3A_1255 = arith.addf %add3A_1203, %exp3A_1254 : vector<16xf32>
        %get3A_1256 = arith.constant 0 : i32
        %get3A_1257 = arith.index_cast %get3A_1256 : i32 to index
        %get3A_1258 = arith.index_cast %scan3A_935 : i32 to index
        %get3A_1259 = arith.constant 384 : index
        %get3A_1260 = tpu.vector_load %arg12[%get3A_1257, %get3A_1258, %get3A_1259] {strides = array<i32>} : memref<2x32x512xf32, #tpu.memory_space<vmem>>, vector<16xf32>,
        %get3A_1261 = arith.constant 0 : i32
        %get3A_1262 = arith.index_cast %get3A_1261 : i32 to index
        %get3A_1263 = arith.index_cast %scan3A_935 : i32 to index
        %get3A_1264 = arith.constant 384 : index
        %get3A_1265 = tpu.vector_load %arg13[%get3A_1262, %get3A_1263, %get3A_1264] {strides = array<i32>} : memref<2x32x512xf32, #tpu.memory_space<vmem>>, vector<16xf32>,
        %add3A_1266 = arith.addf %get3A_1260, %get3A_1265 : vector<16xf32>
        %exp3A_1267 = math.exp %add3A_1266 : vector<16xf32>
        %add3A_1268 = arith.addf %add3A_1216, %exp3A_1267 : vector<16xf32>
        %get3A_1269 = arith.constant 0 : i32
        %get3A_1270 = arith.index_cast %get3A_1269 : i32 to index
        %get3A_1271 = arith.index_cast %scan3A_935 : i32 to index
        %get3A_1272 = arith.constant 400 : index
        %get3A_1273 = tpu.vector_load %arg12[%get3A_1270, %get3A_1271, %get3A_1272] {strides = array<i32>} : memref<2x32x512xf32, #tpu.memory_space<vmem>>, vector<16xf32>,
        %get3A_1274 = arith.constant 0 : i32
        %get3A_1275 = arith.index_cast %get3A_1274 : i32 to index
        %get3A_1276 = arith.index_cast %scan3A_935 : i32 to index
        %get3A_1277 = arith.constant 400 : index
        %get3A_1278 = tpu.vector_load %arg13[%get3A_1275, %get3A_1276, %get3A_1277] {strides = array<i32>} : memref<2x32x512xf32, #tpu.memory_space<vmem>>, vector<16xf32>,
        %add3A_1279 = arith.addf %get3A_1273, %get3A_1278 : vector<16xf32>
        %exp3A_1280 = math.exp %add3A_1279 : vector<16xf32>
        %add3A_1281 = arith.addf %add3A_1229, %exp3A_1280 : vector<16xf32>
        %get3A_1282 = arith.constant 0 : i32
        %get3A_1283 = arith.index_cast %get3A_1282 : i32 to index
        %get3A_1284 = arith.index_cast %scan3A_935 : i32 to index
        %get3A_1285 = arith.constant 416 : index
        %get3A_1286 = tpu.vector_load %arg12[%get3A_1283, %get3A_1284, %get3A_1285] {strides = array<i32>} : memref<2x32x512xf32, #tpu.memory_space<vmem>>, vector<16xf32>,
        %get3A_1287 = arith.constant 0 : i32
        %get3A_1288 = arith.index_cast %get3A_1287 : i32 to index
        %get3A_1289 = arith.index_cast %scan3A_935 : i32 to index
        %get3A_1290 = arith.constant 416 : index
        %get3A_1291 = tpu.vector_load %arg13[%get3A_1288, %get3A_1289, %get3A_1290] {strides = array<i32>} : memref<2x32x512xf32, #tpu.memory_space<vmem>>, vector<16xf32>,
        %add3A_1292 = arith.addf %get3A_1286, %get3A_1291 : vector<16xf32>
        %exp3A_1293 = math.exp %add3A_1292 : vector<16xf32>
        %add3A_1294 = arith.addf %add3A_1242, %exp3A_1293 : vector<16xf32>
        %get3A_1295 = arith.constant 0 : i32
        %get3A_1296 = arith.index_cast %get3A_1295 : i32 to index
        %get3A_1297 = arith.index_cast %scan3A_935 : i32 to index
        %get3A_1298 = arith.constant 432 : index
        %get3A_1299 = tpu.vector_load %arg12[%get3A_1296, %get3A_1297, %get3A_1298] {strides = array<i32>} : memref<2x32x512xf32, #tpu.memory_space<vmem>>, vector<16xf32>,
        %get3A_1300 = arith.constant 0 : i32
        %get3A_1301 = arith.index_cast %get3A_1300 : i32 to index
        %get3A_1302 = arith.index_cast %scan3A_935 : i32 to index
        %get3A_1303 = arith.constant 432 : index
        %get3A_1304 = tpu.vector_load %arg13[%get3A_1301, %get3A_1302, %get3A_1303] {strides = array<i32>} : memref<2x32x512xf32, #tpu.memory_space<vmem>>, vector<16xf32>,
        %add3A_1305 = arith.addf %get3A_1299, %get3A_1304 : vector<16xf32>
        %exp3A_1306 = math.exp %add3A_1305 : vector<16xf32>
        %add3A_1307 = arith.addf %add3A_1255, %exp3A_1306 : vector<16xf32>
        %get3A_1308 = arith.constant 0 : i32
        %get3A_1309 = arith.index_cast %get3A_1308 : i32 to index
        %get3A_1310 = arith.index_cast %scan3A_935 : i32 to index
        %get3A_1311 = arith.constant 448 : index
        %get3A_1312 = tpu.vector_load %arg12[%get3A_1309, %get3A_1310, %get3A_1311] {strides = array<i32>} : memref<2x32x512xf32, #tpu.memory_space<vmem>>, vector<16xf32>,
        %get3A_1313 = arith.constant 0 : i32
        %get3A_1314 = arith.index_cast %get3A_1313 : i32 to index
        %get3A_1315 = arith.index_cast %scan3A_935 : i32 to index
        %get3A_1316 = arith.constant 448 : index
        %get3A_1317 = tpu.vector_load %arg13[%get3A_1314, %get3A_1315, %get3A_1316] {strides = array<i32>} : memref<2x32x512xf32, #tpu.memory_space<vmem>>, vector<16xf32>,
        %add3A_1318 = arith.addf %get3A_1312, %get3A_1317 : vector<16xf32>
        %exp3A_1319 = math.exp %add3A_1318 : vector<16xf32>
        %add3A_1320 = arith.addf %add3A_1268, %exp3A_1319 : vector<16xf32>
        %get3A_1321 = arith.constant 0 : i32
        %get3A_1322 = arith.index_cast %get3A_1321 : i32 to index
        %get3A_1323 = arith.index_cast %scan3A_935 : i32 to index
        %get3A_1324 = arith.constant 464 : index
        %get3A_1325 = tpu.vector_load %arg12[%get3A_1322, %get3A_1323, %get3A_1324] {strides = array<i32>} : memref<2x32x512xf32, #tpu.memory_space<vmem>>, vector<16xf32>,
        %get3A_1326 = arith.constant 0 : i32
        %get3A_1327 = arith.index_cast %get3A_1326 : i32 to index
        %get3A_1328 = arith.index_cast %scan3A_935 : i32 to index
        %get3A_1329 = arith.constant 464 : index
        %get3A_1330 = tpu.vector_load %arg13[%get3A_1327, %get3A_1328, %get3A_1329] {strides = array<i32>} : memref<2x32x512xf32, #tpu.memory_space<vmem>>, vector<16xf32>,
        %add3A_1331 = arith.addf %get3A_1325, %get3A_1330 : vector<16xf32>
        %exp3A_1332 = math.exp %add3A_1331 : vector<16xf32>
        %add3A_1333 = arith.addf %add3A_1281, %exp3A_1332 : vector<16xf32>
        %get3A_1334 = arith.constant 0 : i32
        %get3A_1335 = arith.index_cast %get3A_1334 : i32 to index
        %get3A_1336 = arith.index_cast %scan3A_935 : i32 to index
        %get3A_1337 = arith.constant 480 : index
        %get3A_1338 = tpu.vector_load %arg12[%get3A_1335, %get3A_1336, %get3A_1337] {strides = array<i32>} : memref<2x32x512xf32, #tpu.memory_space<vmem>>, vector<16xf32>,
        %get3A_1339 = arith.constant 0 : i32
        %get3A_1340 = arith.index_cast %get3A_1339 : i32 to index
        %get3A_1341 = arith.index_cast %scan3A_935 : i32 to index
        %get3A_1342 = arith.constant 480 : index
        %get3A_1343 = tpu.vector_load %arg13[%get3A_1340, %get3A_1341, %get3A_1342] {strides = array<i32>} : memref<2x32x512xf32, #tpu.memory_space<vmem>>, vector<16xf32>,
        %add3A_1344 = arith.addf %get3A_1338, %get3A_1343 : vector<16xf32>
        %exp3A_1345 = math.exp %add3A_1344 : vector<16xf32>
        %add3A_1346 = arith.addf %add3A_1294, %exp3A_1345 : vector<16xf32>
        %get3A_1347 = arith.constant 0 : i32
        %get3A_1348 = arith.index_cast %get3A_1347 : i32 to index
        %get3A_1349 = arith.index_cast %scan3A_935 : i32 to index
        %get3A_1350 = arith.constant 496 : index
        %get3A_1351 = tpu.vector_load %arg12[%get3A_1348, %get3A_1349, %get3A_1350] {strides = array<i32>} : memref<2x32x512xf32, #tpu.memory_space<vmem>>, vector<16xf32>,
        %get3A_1352 = arith.constant 0 : i32
        %get3A_1353 = arith.index_cast %get3A_1352 : i32 to index
        %get3A_1354 = arith.index_cast %scan3A_935 : i32 to index
        %get3A_1355 = arith.constant 496 : index
        %get3A_1356 = tpu.vector_load %arg13[%get3A_1353, %get3A_1354, %get3A_1355] {strides = array<i32>} : memref<2x32x512xf32, #tpu.memory_space<vmem>>, vector<16xf32>,
        %add3A_1357 = arith.addf %get3A_1351, %get3A_1356 : vector<16xf32>
        %exp3A_1358 = math.exp %add3A_1357 : vector<16xf32>
        %add3A_1359 = arith.addf %add3A_1307, %exp3A_1358 : vector<16xf32>
        %add3A_1360 = arith.addf %add3A_1320, %add3A_1333 : vector<16xf32>
        %add3A_1361 = arith.addf %add3A_1346, %add3A_1359 : vector<16xf32>
        %add3A_1362 = arith.addf %add3A_1360, %add3A_1361 : vector<16xf32>
        %reduce_sum3A_1363 = arith.constant true
        %reduce_sum3A_1364 = vector.broadcast %reduce_sum3A_1363 : i1 to vector<16xi1>
        %reduce_sum3A_1365 = tpu.scan <sum>, %add3A_1362 masked %reduce_sum3A_1364 : vector<16xf32>, vector<16xi1> -> vector<16xf32>
        %reduce_sum3A_1366 = vector.extract %reduce_sum3A_1365[15] : f32 from vector<16xf32>
        %broadcast_in_dim3A_1367 = vector.broadcast %reduce_sum3A_1366 : f32 to vector<16xf32>
        %bitcast3A_1368 = vector.bitcast %broadcast_in_dim3A_1367 : vector<16xf32> to vector<16xi32>
        %shift_right_arithmetic3A_1369 = arith.constant 23 : i32
        %shift_right_arithmetic3A_1370 = vector.broadcast %shift_right_arithmetic3A_1369 : i32 to vector<16xi32>
        %shift_right_arithmetic3A_1371 = arith.shrsi %bitcast3A_1368, %shift_right_arithmetic3A_1370 : vector<16xi32>
        %and3A_1372 = arith.constant 255 : i32
        %and3A_1373 = vector.broadcast %and3A_1372 : i32 to vector<16xi32>
        %and3A_1374 = arith.andi %shift_right_arithmetic3A_1371, %and3A_1373 : vector<16xi32>
        %sub3A_1375 = arith.constant 127 : i32
        %sub3A_1376 = vector.broadcast %sub3A_1375 : i32 to vector<16xi32>
        %sub3A_1377 = arith.subi %and3A_1374, %sub3A_1376 : vector<16xi32>
        %and3A_1378 = arith.constant 8388607 : i32
        %and3A_1379 = vector.broadcast %and3A_1378 : i32 to vector<16xi32>
        %and3A_1380 = arith.andi %bitcast3A_1368, %and3A_1379 : vector<16xi32>
        %or3A_1381 = arith.constant 1065353216 : i32
        %or3A_1382 = vector.broadcast %or3A_1381 : i32 to vector<16xi32>
        %or3A_1383 = arith.ori %and3A_1380, %or3A_1382 : vector<16xi32>
        %bitcast3A_1384 = vector.bitcast %or3A_1383 : vector<16xi32> to vector<16xf32>
        %broadcast_in_dim3A_1385 = arith.constant -0.0248259846 : f32
        %broadcast_in_dim3A_1386 = vector.broadcast %broadcast_in_dim3A_1385 : f32 to vector<16xf32>
        %mul3A_1387 = arith.mulf %broadcast_in_dim3A_1386, %bitcast3A_1384 : vector<16xf32>
        %add3A_1388 = arith.constant 0.26686278 : f32
        %add3A_1389 = vector.broadcast %add3A_1388 : f32 to vector<16xf32>
        %add3A_1390 = arith.addf %mul3A_1387, %add3A_1389 : vector<16xf32>
        %mul3A_1391 = arith.mulf %add3A_1390, %bitcast3A_1384 : vector<16xf32>
        %add3A_1392 = arith.constant -1.23427987 : f32
        %add3A_1393 = vector.broadcast %add3A_1392 : f32 to vector<16xf32>
        %add3A_1394 = arith.addf %mul3A_1391, %add3A_1393 : vector<16xf32>
        %mul3A_1395 = arith.mulf %add3A_1394, %bitcast3A_1384 : vector<16xf32>
        %add3A_1396 = arith.constant 3.218870e+00 : f32
        %add3A_1397 = vector.broadcast %add3A_1396 : f32 to vector<16xf32>
        %add3A_1398 = arith.addf %mul3A_1395, %add3A_1397 : vector<16xf32>
        %mul3A_1399 = arith.mulf %add3A_1398, %bitcast3A_1384 : vector<16xf32>
        %add3A_1400 = arith.constant -5.26415539 : f32
        %add3A_1401 = vector.broadcast %add3A_1400 : f32 to vector<16xf32>
        %add3A_1402 = arith.addf %mul3A_1399, %add3A_1401 : vector<16xf32>
        %mul3A_1403 = arith.mulf %add3A_1402, %bitcast3A_1384 : vector<16xf32>
        %add3A_1404 = arith.constant 6.06585884 : f32
        %add3A_1405 = vector.broadcast %add3A_1404 : f32 to vector<16xf32>
        %add3A_1406 = arith.addf %mul3A_1403, %add3A_1405 : vector<16xf32>
        %mul3A_1407 = arith.mulf %add3A_1406, %bitcast3A_1384 : vector<16xf32>
        %add3A_1408 = arith.constant -3.02832508 : f32
        %add3A_1409 = vector.broadcast %add3A_1408 : f32 to vector<16xf32>
        %add3A_1410 = arith.addf %mul3A_1407, %add3A_1409 : vector<16xf32>
        %convert_element_type3A_1411 = arith.sitofp %sub3A_1377 : vector<16xi32> to vector<16xf32>
        %add3A_1412 = arith.addf %convert_element_type3A_1411, %add3A_1410 : vector<16xf32>
        %mul3A_1413 = arith.constant 0.693147182 : f32
        %mul3A_1414 = vector.broadcast %mul3A_1413 : f32 to vector<16xf32>
        %mul3A_1415 = arith.mulf %add3A_1412, %mul3A_1414 : vector<16xf32>
        %sub3A_1416 = arith.subf %add3A_954, %mul3A_1415 : vector<16xf32>
        %swap3A_1417 = arith.constant 0 : i32
        %swap3A_1418 = arith.index_cast %swap3A_1417 : i32 to index
        %swap3A_1419 = arith.index_cast %scan3A_935 : i32 to index
        %swap3A_1420 = arith.constant 0 : index
        %swap3A_1421 = tpu.vector_load %arg12[%swap3A_1418, %swap3A_1419, %swap3A_1420] {strides = array<i32>} : memref<2x32x512xf32, #tpu.memory_space<vmem>>, vector<16xf32>,
        tpu.vector_store %arg12[%swap3A_1418, %swap3A_1419, %swap3A_1420], %sub3A_1416 {strides = array<i32>} : memref<2x32x512xf32, #tpu.memory_space<vmem>>, vector<16xf32>,
        %sub3A_1422 = arith.subf %add3A_967, %mul3A_1415 : vector<16xf32>
        %swap3A_1423 = arith.constant 0 : i32
        %swap3A_1424 = arith.index_cast %swap3A_1423 : i32 to index
        %swap3A_1425 = arith.index_cast %scan3A_935 : i32 to index
        %swap3A_1426 = arith.constant 16 : index
        %swap3A_1427 = tpu.vector_load %arg12[%swap3A_1424, %swap3A_1425, %swap3A_1426] {strides = array<i32>} : memref<2x32x512xf32, #tpu.memory_space<vmem>>, vector<16xf32>,
        tpu.vector_store %arg12[%swap3A_1424, %swap3A_1425, %swap3A_1426], %sub3A_1422 {strides = array<i32>} : memref<2x32x512xf32, #tpu.memory_space<vmem>>, vector<16xf32>,
        %sub3A_1428 = arith.subf %add3A_980, %mul3A_1415 : vector<16xf32>
        %swap3A_1429 = arith.constant 0 : i32
        %swap3A_1430 = arith.index_cast %swap3A_1429 : i32 to index
        %swap3A_1431 = arith.index_cast %scan3A_935 : i32 to index
        %swap3A_1432 = arith.constant 32 : index
        %swap3A_1433 = tpu.vector_load %arg12[%swap3A_1430, %swap3A_1431, %swap3A_1432] {strides = array<i32>} : memref<2x32x512xf32, #tpu.memory_space<vmem>>, vector<16xf32>,
        tpu.vector_store %arg12[%swap3A_1430, %swap3A_1431, %swap3A_1432], %sub3A_1428 {strides = array<i32>} : memref<2x32x512xf32, #tpu.memory_space<vmem>>, vector<16xf32>,
        %sub3A_1434 = arith.subf %add3A_993, %mul3A_1415 : vector<16xf32>
        %swap3A_1435 = arith.constant 0 : i32
        %swap3A_1436 = arith.index_cast %swap3A_1435 : i32 to index
        %swap3A_1437 = arith.index_cast %scan3A_935 : i32 to index
        %swap3A_1438 = arith.constant 48 : index
        %swap3A_1439 = tpu.vector_load %arg12[%swap3A_1436, %swap3A_1437, %swap3A_1438] {strides = array<i32>} : memref<2x32x512xf32, #tpu.memory_space<vmem>>, vector<16xf32>,
        tpu.vector_store %arg12[%swap3A_1436, %swap3A_1437, %swap3A_1438], %sub3A_1434 {strides = array<i32>} : memref<2x32x512xf32, #tpu.memory_space<vmem>>, vector<16xf32>,
        %sub3A_1440 = arith.subf %add3A_1006, %mul3A_1415 : vector<16xf32>
        %swap3A_1441 = arith.constant 0 : i32
        %swap3A_1442 = arith.index_cast %swap3A_1441 : i32 to index
        %swap3A_1443 = arith.index_cast %scan3A_935 : i32 to index
        %swap3A_1444 = arith.constant 64 : index
        %swap3A_1445 = tpu.vector_load %arg12[%swap3A_1442, %swap3A_1443, %swap3A_1444] {strides = array<i32>} : memref<2x32x512xf32, #tpu.memory_space<vmem>>, vector<16xf32>,
        tpu.vector_store %arg12[%swap3A_1442, %swap3A_1443, %swap3A_1444], %sub3A_1440 {strides = array<i32>} : memref<2x32x512xf32, #tpu.memory_space<vmem>>, vector<16xf32>,
        %sub3A_1446 = arith.subf %add3A_1019, %mul3A_1415 : vector<16xf32>
        %swap3A_1447 = arith.constant 0 : i32
        %swap3A_1448 = arith.index_cast %swap3A_1447 : i32 to index
        %swap3A_1449 = arith.index_cast %scan3A_935 : i32 to index
        %swap3A_1450 = arith.constant 80 : index
        %swap3A_1451 = tpu.vector_load %arg12[%swap3A_1448, %swap3A_1449, %swap3A_1450] {strides = array<i32>} : memref<2x32x512xf32, #tpu.memory_space<vmem>>, vector<16xf32>,
        tpu.vector_store %arg12[%swap3A_1448, %swap3A_1449, %swap3A_1450], %sub3A_1446 {strides = array<i32>} : memref<2x32x512xf32, #tpu.memory_space<vmem>>, vector<16xf32>,
        %sub3A_1452 = arith.subf %add3A_1032, %mul3A_1415 : vector<16xf32>
        %swap3A_1453 = arith.constant 0 : i32
        %swap3A_1454 = arith.index_cast %swap3A_1453 : i32 to index
        %swap3A_1455 = arith.index_cast %scan3A_935 : i32 to index
        %swap3A_1456 = arith.constant 96 : index
        %swap3A_1457 = tpu.vector_load %arg12[%swap3A_1454, %swap3A_1455, %swap3A_1456] {strides = array<i32>} : memref<2x32x512xf32, #tpu.memory_space<vmem>>, vector<16xf32>,
        tpu.vector_store %arg12[%swap3A_1454, %swap3A_1455, %swap3A_1456], %sub3A_1452 {strides = array<i32>} : memref<2x32x512xf32, #tpu.memory_space<vmem>>, vector<16xf32>,
        %sub3A_1458 = arith.subf %add3A_1045, %mul3A_1415 : vector<16xf32>
        %swap3A_1459 = arith.constant 0 : i32
        %swap3A_1460 = arith.index_cast %swap3A_1459 : i32 to index
        %swap3A_1461 = arith.index_cast %scan3A_935 : i32 to index
        %swap3A_1462 = arith.constant 112 : index
        %swap3A_1463 = tpu.vector_load %arg12[%swap3A_1460, %swap3A_1461, %swap3A_1462] {strides = array<i32>} : memref<2x32x512xf32, #tpu.memory_space<vmem>>, vector<16xf32>,
        tpu.vector_store %arg12[%swap3A_1460, %swap3A_1461, %swap3A_1462], %sub3A_1458 {strides = array<i32>} : memref<2x32x512xf32, #tpu.memory_space<vmem>>, vector<16xf32>,
        %sub3A_1464 = arith.subf %add3A_1058, %mul3A_1415 : vector<16xf32>
        %swap3A_1465 = arith.constant 0 : i32
        %swap3A_1466 = arith.index_cast %swap3A_1465 : i32 to index
        %swap3A_1467 = arith.index_cast %scan3A_935 : i32 to index
        %swap3A_1468 = arith.constant 128 : index
        %swap3A_1469 = tpu.vector_load %arg12[%swap3A_1466, %swap3A_1467, %swap3A_1468] {strides = array<i32>} : memref<2x32x512xf32, #tpu.memory_space<vmem>>, vector<16xf32>,
        tpu.vector_store %arg12[%swap3A_1466, %swap3A_1467, %swap3A_1468], %sub3A_1464 {strides = array<i32>} : memref<2x32x512xf32, #tpu.memory_space<vmem>>, vector<16xf32>,
        %sub3A_1470 = arith.subf %add3A_1071, %mul3A_1415 : vector<16xf32>
        %swap3A_1471 = arith.constant 0 : i32
        %swap3A_1472 = arith.index_cast %swap3A_1471 : i32 to index
        %swap3A_1473 = arith.index_cast %scan3A_935 : i32 to index
        %swap3A_1474 = arith.constant 144 : index
        %swap3A_1475 = tpu.vector_load %arg12[%swap3A_1472, %swap3A_1473, %swap3A_1474] {strides = array<i32>} : memref<2x32x512xf32, #tpu.memory_space<vmem>>, vector<16xf32>,
        tpu.vector_store %arg12[%swap3A_1472, %swap3A_1473, %swap3A_1474], %sub3A_1470 {strides = array<i32>} : memref<2x32x512xf32, #tpu.memory_space<vmem>>, vector<16xf32>,
        %sub3A_1476 = arith.subf %add3A_1084, %mul3A_1415 : vector<16xf32>
        %swap3A_1477 = arith.constant 0 : i32
        %swap3A_1478 = arith.index_cast %swap3A_1477 : i32 to index
        %swap3A_1479 = arith.index_cast %scan3A_935 : i32 to index
        %swap3A_1480 = arith.constant 160 : index
        %swap3A_1481 = tpu.vector_load %arg12[%swap3A_1478, %swap3A_1479, %swap3A_1480] {strides = array<i32>} : memref<2x32x512xf32, #tpu.memory_space<vmem>>, vector<16xf32>,
        tpu.vector_store %arg12[%swap3A_1478, %swap3A_1479, %swap3A_1480], %sub3A_1476 {strides = array<i32>} : memref<2x32x512xf32, #tpu.memory_space<vmem>>, vector<16xf32>,
        %sub3A_1482 = arith.subf %add3A_1097, %mul3A_1415 : vector<16xf32>
        %swap3A_1483 = arith.constant 0 : i32
        %swap3A_1484 = arith.index_cast %swap3A_1483 : i32 to index
        %swap3A_1485 = arith.index_cast %scan3A_935 : i32 to index
        %swap3A_1486 = arith.constant 176 : index
        %swap3A_1487 = tpu.vector_load %arg12[%swap3A_1484, %swap3A_1485, %swap3A_1486] {strides = array<i32>} : memref<2x32x512xf32, #tpu.memory_space<vmem>>, vector<16xf32>,
        tpu.vector_store %arg12[%swap3A_1484, %swap3A_1485, %swap3A_1486], %sub3A_1482 {strides = array<i32>} : memref<2x32x512xf32, #tpu.memory_space<vmem>>, vector<16xf32>,
        %sub3A_1488 = arith.subf %add3A_1110, %mul3A_1415 : vector<16xf32>
        %swap3A_1489 = arith.constant 0 : i32
        %swap3A_1490 = arith.index_cast %swap3A_1489 : i32 to index
        %swap3A_1491 = arith.index_cast %scan3A_935 : i32 to index
        %swap3A_1492 = arith.constant 192 : index
        %swap3A_1493 = tpu.vector_load %arg12[%swap3A_1490, %swap3A_1491, %swap3A_1492] {strides = array<i32>} : memref<2x32x512xf32, #tpu.memory_space<vmem>>, vector<16xf32>,
        tpu.vector_store %arg12[%swap3A_1490, %swap3A_1491, %swap3A_1492], %sub3A_1488 {strides = array<i32>} : memref<2x32x512xf32, #tpu.memory_space<vmem>>, vector<16xf32>,
        %sub3A_1494 = arith.subf %add3A_1123, %mul3A_1415 : vector<16xf32>
        %swap3A_1495 = arith.constant 0 : i32
        %swap3A_1496 = arith.index_cast %swap3A_1495 : i32 to index
        %swap3A_1497 = arith.index_cast %scan3A_935 : i32 to index
        %swap3A_1498 = arith.constant 208 : index
        %swap3A_1499 = tpu.vector_load %arg12[%swap3A_1496, %swap3A_1497, %swap3A_1498] {strides = array<i32>} : memref<2x32x512xf32, #tpu.memory_space<vmem>>, vector<16xf32>,
        tpu.vector_store %arg12[%swap3A_1496, %swap3A_1497, %swap3A_1498], %sub3A_1494 {strides = array<i32>} : memref<2x32x512xf32, #tpu.memory_space<vmem>>, vector<16xf32>,
        %sub3A_1500 = arith.subf %add3A_1136, %mul3A_1415 : vector<16xf32>
        %swap3A_1501 = arith.constant 0 : i32
        %swap3A_1502 = arith.index_cast %swap3A_1501 : i32 to index
        %swap3A_1503 = arith.index_cast %scan3A_935 : i32 to index
        %swap3A_1504 = arith.constant 224 : index
        %swap3A_1505 = tpu.vector_load %arg12[%swap3A_1502, %swap3A_1503, %swap3A_1504] {strides = array<i32>} : memref<2x32x512xf32, #tpu.memory_space<vmem>>, vector<16xf32>,
        tpu.vector_store %arg12[%swap3A_1502, %swap3A_1503, %swap3A_1504], %sub3A_1500 {strides = array<i32>} : memref<2x32x512xf32, #tpu.memory_space<vmem>>, vector<16xf32>,
        %sub3A_1506 = arith.subf %add3A_1149, %mul3A_1415 : vector<16xf32>
        %swap3A_1507 = arith.constant 0 : i32
        %swap3A_1508 = arith.index_cast %swap3A_1507 : i32 to index
        %swap3A_1509 = arith.index_cast %scan3A_935 : i32 to index
        %swap3A_1510 = arith.constant 240 : index
        %swap3A_1511 = tpu.vector_load %arg12[%swap3A_1508, %swap3A_1509, %swap3A_1510] {strides = array<i32>} : memref<2x32x512xf32, #tpu.memory_space<vmem>>, vector<16xf32>,
        tpu.vector_store %arg12[%swap3A_1508, %swap3A_1509, %swap3A_1510], %sub3A_1506 {strides = array<i32>} : memref<2x32x512xf32, #tpu.memory_space<vmem>>, vector<16xf32>,
        %sub3A_1512 = arith.subf %add3A_1162, %mul3A_1415 : vector<16xf32>
        %swap3A_1513 = arith.constant 0 : i32
        %swap3A_1514 = arith.index_cast %swap3A_1513 : i32 to index
        %swap3A_1515 = arith.index_cast %scan3A_935 : i32 to index
        %swap3A_1516 = arith.constant 256 : index
        %swap3A_1517 = tpu.vector_load %arg12[%swap3A_1514, %swap3A_1515, %swap3A_1516] {strides = array<i32>} : memref<2x32x512xf32, #tpu.memory_space<vmem>>, vector<16xf32>,
        tpu.vector_store %arg12[%swap3A_1514, %swap3A_1515, %swap3A_1516], %sub3A_1512 {strides = array<i32>} : memref<2x32x512xf32, #tpu.memory_space<vmem>>, vector<16xf32>,
        %sub3A_1518 = arith.subf %add3A_1175, %mul3A_1415 : vector<16xf32>
        %swap3A_1519 = arith.constant 0 : i32
        %swap3A_1520 = arith.index_cast %swap3A_1519 : i32 to index
        %swap3A_1521 = arith.index_cast %scan3A_935 : i32 to index
        %swap3A_1522 = arith.constant 272 : index
        %swap3A_1523 = tpu.vector_load %arg12[%swap3A_1520, %swap3A_1521, %swap3A_1522] {strides = array<i32>} : memref<2x32x512xf32, #tpu.memory_space<vmem>>, vector<16xf32>,
        tpu.vector_store %arg12[%swap3A_1520, %swap3A_1521, %swap3A_1522], %sub3A_1518 {strides = array<i32>} : memref<2x32x512xf32, #tpu.memory_space<vmem>>, vector<16xf32>,
        %sub3A_1524 = arith.subf %add3A_1188, %mul3A_1415 : vector<16xf32>
        %swap3A_1525 = arith.constant 0 : i32
        %swap3A_1526 = arith.index_cast %swap3A_1525 : i32 to index
        %swap3A_1527 = arith.index_cast %scan3A_935 : i32 to index
        %swap3A_1528 = arith.constant 288 : index
        %swap3A_1529 = tpu.vector_load %arg12[%swap3A_1526, %swap3A_1527, %swap3A_1528] {strides = array<i32>} : memref<2x32x512xf32, #tpu.memory_space<vmem>>, vector<16xf32>,
        tpu.vector_store %arg12[%swap3A_1526, %swap3A_1527, %swap3A_1528], %sub3A_1524 {strides = array<i32>} : memref<2x32x512xf32, #tpu.memory_space<vmem>>, vector<16xf32>,
        %sub3A_1530 = arith.subf %add3A_1201, %mul3A_1415 : vector<16xf32>
        %swap3A_1531 = arith.constant 0 : i32
        %swap3A_1532 = arith.index_cast %swap3A_1531 : i32 to index
        %swap3A_1533 = arith.index_cast %scan3A_935 : i32 to index
        %swap3A_1534 = arith.constant 304 : index
        %swap3A_1535 = tpu.vector_load %arg12[%swap3A_1532, %swap3A_1533, %swap3A_1534] {strides = array<i32>} : memref<2x32x512xf32, #tpu.memory_space<vmem>>, vector<16xf32>,
        tpu.vector_store %arg12[%swap3A_1532, %swap3A_1533, %swap3A_1534], %sub3A_1530 {strides = array<i32>} : memref<2x32x512xf32, #tpu.memory_space<vmem>>, vector<16xf32>,
        %sub3A_1536 = arith.subf %add3A_1214, %mul3A_1415 : vector<16xf32>
        %swap3A_1537 = arith.constant 0 : i32
        %swap3A_1538 = arith.index_cast %swap3A_1537 : i32 to index
        %swap3A_1539 = arith.index_cast %scan3A_935 : i32 to index
        %swap3A_1540 = arith.constant 320 : index
        %swap3A_1541 = tpu.vector_load %arg12[%swap3A_1538, %swap3A_1539, %swap3A_1540] {strides = array<i32>} : memref<2x32x512xf32, #tpu.memory_space<vmem>>, vector<16xf32>,
        tpu.vector_store %arg12[%swap3A_1538, %swap3A_1539, %swap3A_1540], %sub3A_1536 {strides = array<i32>} : memref<2x32x512xf32, #tpu.memory_space<vmem>>, vector<16xf32>,
        %sub3A_1542 = arith.subf %add3A_1227, %mul3A_1415 : vector<16xf32>
        %swap3A_1543 = arith.constant 0 : i32
        %swap3A_1544 = arith.index_cast %swap3A_1543 : i32 to index
        %swap3A_1545 = arith.index_cast %scan3A_935 : i32 to index
        %swap3A_1546 = arith.constant 336 : index
        %swap3A_1547 = tpu.vector_load %arg12[%swap3A_1544, %swap3A_1545, %swap3A_1546] {strides = array<i32>} : memref<2x32x512xf32, #tpu.memory_space<vmem>>, vector<16xf32>,
        tpu.vector_store %arg12[%swap3A_1544, %swap3A_1545, %swap3A_1546], %sub3A_1542 {strides = array<i32>} : memref<2x32x512xf32, #tpu.memory_space<vmem>>, vector<16xf32>,
        %sub3A_1548 = arith.subf %add3A_1240, %mul3A_1415 : vector<16xf32>
        %swap3A_1549 = arith.constant 0 : i32
        %swap3A_1550 = arith.index_cast %swap3A_1549 : i32 to index
        %swap3A_1551 = arith.index_cast %scan3A_935 : i32 to index
        %swap3A_1552 = arith.constant 352 : index
        %swap3A_1553 = tpu.vector_load %arg12[%swap3A_1550, %swap3A_1551, %swap3A_1552] {strides = array<i32>} : memref<2x32x512xf32, #tpu.memory_space<vmem>>, vector<16xf32>,
        tpu.vector_store %arg12[%swap3A_1550, %swap3A_1551, %swap3A_1552], %sub3A_1548 {strides = array<i32>} : memref<2x32x512xf32, #tpu.memory_space<vmem>>, vector<16xf32>,
        %sub3A_1554 = arith.subf %add3A_1253, %mul3A_1415 : vector<16xf32>
        %swap3A_1555 = arith.constant 0 : i32
        %swap3A_1556 = arith.index_cast %swap3A_1555 : i32 to index
        %swap3A_1557 = arith.index_cast %scan3A_935 : i32 to index
        %swap3A_1558 = arith.constant 368 : index
        %swap3A_1559 = tpu.vector_load %arg12[%swap3A_1556, %swap3A_1557, %swap3A_1558] {strides = array<i32>} : memref<2x32x512xf32, #tpu.memory_space<vmem>>, vector<16xf32>,
        tpu.vector_store %arg12[%swap3A_1556, %swap3A_1557, %swap3A_1558], %sub3A_1554 {strides = array<i32>} : memref<2x32x512xf32, #tpu.memory_space<vmem>>, vector<16xf32>,
        %sub3A_1560 = arith.subf %add3A_1266, %mul3A_1415 : vector<16xf32>
        %swap3A_1561 = arith.constant 0 : i32
        %swap3A_1562 = arith.index_cast %swap3A_1561 : i32 to index
        %swap3A_1563 = arith.index_cast %scan3A_935 : i32 to index
        %swap3A_1564 = arith.constant 384 : index
        %swap3A_1565 = tpu.vector_load %arg12[%swap3A_1562, %swap3A_1563, %swap3A_1564] {strides = array<i32>} : memref<2x32x512xf32, #tpu.memory_space<vmem>>, vector<16xf32>,
        tpu.vector_store %arg12[%swap3A_1562, %swap3A_1563, %swap3A_1564], %sub3A_1560 {strides = array<i32>} : memref<2x32x512xf32, #tpu.memory_space<vmem>>, vector<16xf32>,
        %sub3A_1566 = arith.subf %add3A_1279, %mul3A_1415 : vector<16xf32>
        %swap3A_1567 = arith.constant 0 : i32
        %swap3A_1568 = arith.index_cast %swap3A_1567 : i32 to index
        %swap3A_1569 = arith.index_cast %scan3A_935 : i32 to index
        %swap3A_1570 = arith.constant 400 : index
        %swap3A_1571 = tpu.vector_load %arg12[%swap3A_1568, %swap3A_1569, %swap3A_1570] {strides = array<i32>} : memref<2x32x512xf32, #tpu.memory_space<vmem>>, vector<16xf32>,
        tpu.vector_store %arg12[%swap3A_1568, %swap3A_1569, %swap3A_1570], %sub3A_1566 {strides = array<i32>} : memref<2x32x512xf32, #tpu.memory_space<vmem>>, vector<16xf32>,
        %sub3A_1572 = arith.subf %add3A_1292, %mul3A_1415 : vector<16xf32>
        %swap3A_1573 = arith.constant 0 : i32
        %swap3A_1574 = arith.index_cast %swap3A_1573 : i32 to index
        %swap3A_1575 = arith.index_cast %scan3A_935 : i32 to index
        %swap3A_1576 = arith.constant 416 : index
        %swap3A_1577 = tpu.vector_load %arg12[%swap3A_1574, %swap3A_1575, %swap3A_1576] {strides = array<i32>} : memref<2x32x512xf32, #tpu.memory_space<vmem>>, vector<16xf32>,
        tpu.vector_store %arg12[%swap3A_1574, %swap3A_1575, %swap3A_1576], %sub3A_1572 {strides = array<i32>} : memref<2x32x512xf32, #tpu.memory_space<vmem>>, vector<16xf32>,
        %sub3A_1578 = arith.subf %add3A_1305, %mul3A_1415 : vector<16xf32>
        %swap3A_1579 = arith.constant 0 : i32
        %swap3A_1580 = arith.index_cast %swap3A_1579 : i32 to index
        %swap3A_1581 = arith.index_cast %scan3A_935 : i32 to index
        %swap3A_1582 = arith.constant 432 : index
        %swap3A_1583 = tpu.vector_load %arg12[%swap3A_1580, %swap3A_1581, %swap3A_1582] {strides = array<i32>} : memref<2x32x512xf32, #tpu.memory_space<vmem>>, vector<16xf32>,
        tpu.vector_store %arg12[%swap3A_1580, %swap3A_1581, %swap3A_1582], %sub3A_1578 {strides = array<i32>} : memref<2x32x512xf32, #tpu.memory_space<vmem>>, vector<16xf32>,
        %sub3A_1584 = arith.subf %add3A_1318, %mul3A_1415 : vector<16xf32>
        %swap3A_1585 = arith.constant 0 : i32
        %swap3A_1586 = arith.index_cast %swap3A_1585 : i32 to index
        %swap3A_1587 = arith.index_cast %scan3A_935 : i32 to index
        %swap3A_1588 = arith.constant 448 : index
        %swap3A_1589 = tpu.vector_load %arg12[%swap3A_1586, %swap3A_1587, %swap3A_1588] {strides = array<i32>} : memref<2x32x512xf32, #tpu.memory_space<vmem>>, vector<16xf32>,
        tpu.vector_store %arg12[%swap3A_1586, %swap3A_1587, %swap3A_1588], %sub3A_1584 {strides = array<i32>} : memref<2x32x512xf32, #tpu.memory_space<vmem>>, vector<16xf32>,
        %sub3A_1590 = arith.subf %add3A_1331, %mul3A_1415 : vector<16xf32>
        %swap3A_1591 = arith.constant 0 : i32
        %swap3A_1592 = arith.index_cast %swap3A_1591 : i32 to index
        %swap3A_1593 = arith.index_cast %scan3A_935 : i32 to index
        %swap3A_1594 = arith.constant 464 : index
        %swap3A_1595 = tpu.vector_load %arg12[%swap3A_1592, %swap3A_1593, %swap3A_1594] {strides = array<i32>} : memref<2x32x512xf32, #tpu.memory_space<vmem>>, vector<16xf32>,
        tpu.vector_store %arg12[%swap3A_1592, %swap3A_1593, %swap3A_1594], %sub3A_1590 {strides = array<i32>} : memref<2x32x512xf32, #tpu.memory_space<vmem>>, vector<16xf32>,
        %sub3A_1596 = arith.subf %add3A_1344, %mul3A_1415 : vector<16xf32>
        %swap3A_1597 = arith.constant 0 : i32
        %swap3A_1598 = arith.index_cast %swap3A_1597 : i32 to index
        %swap3A_1599 = arith.index_cast %scan3A_935 : i32 to index
        %swap3A_1600 = arith.constant 480 : index
        %swap3A_1601 = tpu.vector_load %arg12[%swap3A_1598, %swap3A_1599, %swap3A_1600] {strides = array<i32>} : memref<2x32x512xf32, #tpu.memory_space<vmem>>, vector<16xf32>,
        tpu.vector_store %arg12[%swap3A_1598, %swap3A_1599, %swap3A_1600], %sub3A_1596 {strides = array<i32>} : memref<2x32x512xf32, #tpu.memory_space<vmem>>, vector<16xf32>,
        %sub3A_1602 = arith.subf %add3A_1357, %mul3A_1415 : vector<16xf32>
        %swap3A_1603 = arith.constant 0 : i32
        %swap3A_1604 = arith.index_cast %swap3A_1603 : i32 to index
        %swap3A_1605 = arith.index_cast %scan3A_935 : i32 to index
        %swap3A_1606 = arith.constant 496 : index
        %swap3A_1607 = tpu.vector_load %arg12[%swap3A_1604, %swap3A_1605, %swap3A_1606] {strides = array<i32>} : memref<2x32x512xf32, #tpu.memory_space<vmem>>, vector<16xf32>,
        tpu.vector_store %arg12[%swap3A_1604, %swap3A_1605, %swap3A_1606], %sub3A_1602 {strides = array<i32>} : memref<2x32x512xf32, #tpu.memory_space<vmem>>, vector<16xf32>,
      }
      %scan3A_194 = arith.constant 32 : i32
      %mul3A_195 = arith.constant 32 : i32
      %mul3A_196 = arith.muli %mul3A_98, %mul3A_195 : i32
      %dma_start3A_197 = arith.constant 0 : i32
      %dma_start3A_198 = arith.constant 0 : i32
      %dma_start3A_199 = arith.constant 0 : i32
      %dma_start3A_200 = tpu.memref_slice %arg12[%dma_start3A_197, %dma_start3A_198, %dma_start3A_199] : memref<2x32x512xf32, #tpu.memory_space<vmem>> -> memref<1x32x512xf32, #tpu.memory_space<vmem>>
      %dma_start3A_201 = tpu.memref_squeeze %dma_start3A_200 : memref<1x32x512xf32, #tpu.memory_space<vmem>> -> memref<32x512xf32, #tpu.memory_space<vmem>>
      %dma_start3A_202 = arith.constant 0 : i32
      %dma_start3A_203 = tpu.memref_slice %arg6[%add3A, %mul3A_196, %dma_start3A_202] : memref<32x2048x512xf32, #tpu.memory_space<hbm>> -> memref<1x32x512xf32, #tpu.memory_space<hbm>>
      %dma_start3A_204 = tpu.memref_squeeze %dma_start3A_203 : memref<1x32x512xf32, #tpu.memory_space<hbm>> -> memref<32x512xf32, #tpu.memory_space<hbm>>
      %dma_start3A_205 = arith.constant 0 : i32
      %dma_start3A_206 = tpu.memref_slice %arg6[%add3A, %mul3A_196, %dma_start3A_205] : memref<32x2048x512xf32, #tpu.memory_space<hbm>> -> memref<1x32x512xf32, #tpu.memory_space<hbm>>
      %dma_start3A_207 = tpu.memref_squeeze %dma_start3A_206 : memref<1x32x512xf32, #tpu.memory_space<hbm>> -> memref<32x512xf32, #tpu.memory_space<hbm>>
      %dma_start3A_208 = arith.constant 0 : i32
      %dma_start3A_209 = arith.constant 0 : i32
      %dma_start3A_210 = tpu.memref_slice %arg12[%dma_start3A_197, %dma_start3A_208, %dma_start3A_209] : memref<2x32x512xf32, #tpu.memory_space<vmem>> -> memref<1x32x512xf32, #tpu.memory_space<vmem>>
      %dma_start3A_211 = tpu.memref_squeeze %dma_start3A_210 : memref<1x32x512xf32, #tpu.memory_space<vmem>> -> memref<32x512xf32, #tpu.memory_space<vmem>>
      tpu.enqueue_dma source(%dma_start3A_211 : memref<32x512xf32, #tpu.memory_space<vmem>>) target(%dma_start3A_207 : memref<32x512xf32, #tpu.memory_space<hbm>>) target_semaphore(%arg16 : memref<!tpu.dma_semaphore, #tpu.memory_space<semaphore_mem>>)
      %add3A_212 = arith.constant 2 : i32
      %add3A_213 = arith.addi %mul3A_98, %add3A_212 : i32
      %lt3A = arith.constant 64 : i32
      %lt3A_214 = arith.cmpi slt, %add3A_213, %lt3A : i32
      %convert_element_type3A_215 = arith.extui %lt3A_214 : i1 to i32
      %cond3A_216 = arith.constant 0 : i32
      %cond3A_217 = arith.cmpi ne, %convert_element_type3A_215, %cond3A_216 : i32
      scf.if %cond3A_217 {
        %mul3A_267 = arith.constant 32 : i32
        %mul3A_268 = arith.muli %mul3A_98, %mul3A_267 : i32
        %dma_wait3A_269 = arith.constant 0 : i32
        %dma_wait3A_270 = arith.constant 0 : i32
        %dma_wait3A_271 = arith.constant 0 : i32
        %dma_wait3A_272 = tpu.memref_slice %arg12[%dma_wait3A_269, %dma_wait3A_270, %dma_wait3A_271] : memref<2x32x512xf32, #tpu.memory_space<vmem>> -> memref<1x32x512xf32, #tpu.memory_space<vmem>>
        %dma_wait3A_273 = tpu.memref_squeeze %dma_wait3A_272 : memref<1x32x512xf32, #tpu.memory_space<vmem>> -> memref<32x512xf32, #tpu.memory_space<vmem>>
        %dma_wait3A_274 = arith.constant 0 : i32
        %dma_wait3A_275 = tpu.memref_slice %arg6[%add3A, %mul3A_268, %dma_wait3A_274] : memref<32x2048x512xf32, #tpu.memory_space<hbm>> -> memref<1x32x512xf32, #tpu.memory_space<hbm>>
        %dma_wait3A_276 = tpu.memref_squeeze %dma_wait3A_275 : memref<1x32x512xf32, #tpu.memory_space<hbm>> -> memref<32x512xf32, #tpu.memory_space<hbm>>
        %dma_wait3A_277 = arith.constant 0 : i32
        %dma_wait3A_278 = tpu.memref_slice %arg6[%add3A, %mul3A_268, %dma_wait3A_277] : memref<32x2048x512xf32, #tpu.memory_space<hbm>> -> memref<1x32x512xf32, #tpu.memory_space<hbm>>
        %dma_wait3A_279 = tpu.memref_squeeze %dma_wait3A_278 : memref<1x32x512xf32, #tpu.memory_space<hbm>> -> memref<32x512xf32, #tpu.memory_space<hbm>>
        %dma_wait3A_280 = arith.constant 0 : i32
        %dma_wait3A_281 = arith.constant 0 : i32
        %dma_wait3A_282 = tpu.memref_slice %arg12[%dma_wait3A_269, %dma_wait3A_280, %dma_wait3A_281] : memref<2x32x512xf32, #tpu.memory_space<vmem>> -> memref<1x32x512xf32, #tpu.memory_space<vmem>>
        %dma_wait3A_283 = tpu.memref_squeeze %dma_wait3A_282 : memref<1x32x512xf32, #tpu.memory_space<vmem>> -> memref<32x512xf32, #tpu.memory_space<vmem>>
        tpu.wait_dma2 semaphore(%arg16 : memref<!tpu.dma_semaphore, #tpu.memory_space<semaphore_mem>>) src(%dma_wait3A_283 : memref<32x512xf32, #tpu.memory_space<vmem>>) dst(%dma_wait3A_279 : memref<32x512xf32, #tpu.memory_space<hbm>>)
        %add3A_284 = arith.constant 2 : i32
        %add3A_285 = arith.addi %mul3A_98, %add3A_284 : i32
        %mul3A_286 = arith.constant 32 : i32
        %mul3A_287 = arith.muli %add3A_285, %mul3A_286 : i32
        %add3A_288 = arith.constant 0 : i32
        %add3A_289 = arith.addi %mul3A_287, %add3A_288 : i32
        %get3A_290 = arith.index_cast %add3A_289 : i32 to index
        %get3A_291 = tpu.vector_load %arg7[%get3A_290] {strides = array<i32>} : memref<2048xi32, #tpu.memory_space<vmem>>, vector<16xi32>,
        %add3A_292 = arith.constant 0 : i32
        %add3A_293 = arith.addi %mul3A_287, %add3A_292 : i32
        %get3A_294 = arith.index_cast %add3A_293 : i32 to index
        %get3A_295 = tpu.vector_load %arg8[%get3A_294] {strides = array<i32>} : memref<2048xi32, #tpu.memory_space<vmem>>, vector<16xi32>,
        %add3A_296 = arith.addi %get3A_291, %broadcast_in_dim3A : vector<16xi32>
        %swap3A_297 = arith.constant 0 : i32
        %swap3A_298 = arith.index_cast %swap3A_297 : i32 to index
        %swap3A_299 = arith.constant 0 : index
        %swap3A_300 = tpu.vector_load %arg10[%swap3A_298, %swap3A_299] {strides = array<i32>} : memref<2x32xi32, #tpu.memory_space<vmem>>, vector<16xi32>,
        tpu.vector_store %arg10[%swap3A_298, %swap3A_299], %add3A_296 {strides = array<i32>} : memref<2x32xi32, #tpu.memory_space<vmem>>, vector<16xi32>,
        %add3A_301 = arith.addi %get3A_295, %broadcast_in_dim3A_7 : vector<16xi32>
        %swap3A_302 = arith.constant 0 : i32
        %swap3A_303 = arith.index_cast %swap3A_302 : i32 to index
        %swap3A_304 = arith.constant 0 : index
        %swap3A_305 = tpu.vector_load %arg11[%swap3A_303, %swap3A_304] {strides = array<i32>} : memref<2x32xi32, #tpu.memory_space<vmem>>, vector<16xi32>,
        tpu.vector_store %arg11[%swap3A_303, %swap3A_304], %add3A_301 {strides = array<i32>} : memref<2x32xi32, #tpu.memory_space<vmem>>, vector<16xi32>,
        %add3A_306 = arith.constant 16 : i32
        %add3A_307 = arith.addi %mul3A_287, %add3A_306 : i32
        %get3A_308 = arith.index_cast %add3A_307 : i32 to index
        %get3A_309 = tpu.vector_load %arg7[%get3A_308] {strides = array<i32>} : memref<2048xi32, #tpu.memory_space<vmem>>, vector<16xi32>,
        %add3A_310 = arith.constant 16 : i32
        %add3A_311 = arith.addi %mul3A_287, %add3A_310 : i32
        %get3A_312 = arith.index_cast %add3A_311 : i32 to index
        %get3A_313 = tpu.vector_load %arg8[%get3A_312] {strides = array<i32>} : memref<2048xi32, #tpu.memory_space<vmem>>, vector<16xi32>,
        %add3A_314 = arith.addi %get3A_309, %broadcast_in_dim3A : vector<16xi32>
        %swap3A_315 = arith.constant 0 : i32
        %swap3A_316 = arith.index_cast %swap3A_315 : i32 to index
        %swap3A_317 = arith.constant 16 : index
        %swap3A_318 = tpu.vector_load %arg10[%swap3A_316, %swap3A_317] {strides = array<i32>} : memref<2x32xi32, #tpu.memory_space<vmem>>, vector<16xi32>,
        tpu.vector_store %arg10[%swap3A_316, %swap3A_317], %add3A_314 {strides = array<i32>} : memref<2x32xi32, #tpu.memory_space<vmem>>, vector<16xi32>,
        %add3A_319 = arith.addi %get3A_313, %broadcast_in_dim3A_7 : vector<16xi32>
        %swap3A_320 = arith.constant 0 : i32
        %swap3A_321 = arith.index_cast %swap3A_320 : i32 to index
        %swap3A_322 = arith.constant 16 : index
        %swap3A_323 = tpu.vector_load %arg11[%swap3A_321, %swap3A_322] {strides = array<i32>} : memref<2x32xi32, #tpu.memory_space<vmem>>, vector<16xi32>,
        tpu.vector_store %arg11[%swap3A_321, %swap3A_322], %add3A_319 {strides = array<i32>} : memref<2x32xi32, #tpu.memory_space<vmem>>, vector<16xi32>,
        %dma_start3A_324 = arith.constant 0 : i32
        %dma_start3A_325 = arith.constant 0 : i32
        %dma_start3A_326 = arith.constant 0 : i32
        %dma_start3A_327 = arith.constant 0 : i32
        %dma_start3A_328 = tpu.memref_slice %arg12[%dma_start3A_325, %dma_start3A_326, %dma_start3A_327] : memref<2x32x512xf32, #tpu.memory_space<vmem>> -> memref<1x32x512xf32, #tpu.memory_space<vmem>>
        %dma_start3A_329 = tpu.memref_squeeze %dma_start3A_328 : memref<1x32x512xf32, #tpu.memory_space<vmem>> -> memref<32x512xf32, #tpu.memory_space<vmem>>
        %dma_start3A_330 = arith.constant 0 : i32
        %dma_start3A_331 = tpu.memref_slice %arg10[%dma_start3A_324, %dma_start3A_330] : memref<2x32xi32, #tpu.memory_space<vmem>> -> memref<1x32xi32, #tpu.memory_space<vmem>>
        %dma_start3A_332 = tpu.memref_squeeze %dma_start3A_331 : memref<1x32xi32, #tpu.memory_space<vmem>> -> memref<32xi32, #tpu.memory_space<vmem>>
        %dma_start3A_333 = arith.constant 0 : i32
        %dma_start3A_334 = arith.constant 0 : i32
        %dma_start3A_335 = tpu.memref_slice %arg2[%dma_start3A_333, %dma_start3A_334] : memref<26624x512xf32, #tpu.memory_space<hbm>> -> memref<26624x512xf32, #tpu.memory_space<hbm>>
        tpu.enqueue_indirect_dma source(%dma_start3A_335 : memref<26624x512xf32, #tpu.memory_space<hbm>>) target(%dma_start3A_329 : memref<32x512xf32, #tpu.memory_space<vmem>>) offsets(%dma_start3A_332 : memref<32xi32, #tpu.memory_space<vmem>>) semaphore(%arg14 : memref<!tpu.dma_semaphore, #tpu.memory_space<semaphore_mem>>)
        %dma_start3A_336 = arith.constant 0 : i32
        %dma_start3A_337 = arith.constant 0 : i32
        %dma_start3A_338 = arith.constant 0 : i32
        %dma_start3A_339 = arith.constant 0 : i32
        %dma_start3A_340 = tpu.memref_slice %arg13[%dma_start3A_337, %dma_start3A_338, %dma_start3A_339] : memref<2x32x512xf32, #tpu.memory_space<vmem>> -> memref<1x32x512xf32, #tpu.memory_space<vmem>>
        %dma_start3A_341 = tpu.memref_squeeze %dma_start3A_340 : memref<1x32x512xf32, #tpu.memory_space<vmem>> -> memref<32x512xf32, #tpu.memory_space<vmem>>
        %dma_start3A_342 = arith.constant 0 : i32
        %dma_start3A_343 = tpu.memref_slice %arg11[%dma_start3A_336, %dma_start3A_342] : memref<2x32xi32, #tpu.memory_space<vmem>> -> memref<1x32xi32, #tpu.memory_space<vmem>>
        %dma_start3A_344 = tpu.memref_squeeze %dma_start3A_343 : memref<1x32xi32, #tpu.memory_space<vmem>> -> memref<32xi32, #tpu.memory_space<vmem>>
        %dma_start3A_345 = arith.constant 0 : i32
        %dma_start3A_346 = arith.constant 0 : i32
        %dma_start3A_347 = tpu.memref_slice %arg2[%dma_start3A_345, %dma_start3A_346] : memref<26624x512xf32, #tpu.memory_space<hbm>> -> memref<26624x512xf32, #tpu.memory_space<hbm>>
        tpu.enqueue_indirect_dma source(%dma_start3A_347 : memref<26624x512xf32, #tpu.memory_space<hbm>>) target(%dma_start3A_341 : memref<32x512xf32, #tpu.memory_space<vmem>>) offsets(%dma_start3A_344 : memref<32xi32, #tpu.memory_space<vmem>>) semaphore(%arg14 : memref<!tpu.dma_semaphore, #tpu.memory_space<semaphore_mem>>)
      } else {
      }
      %dma_wait3A_218 = arith.constant 1 : i32
      %dma_wait3A_219 = arith.constant 1 : i32
      %dma_wait3A_220 = arith.constant 0 : i32
      %dma_wait3A_221 = arith.constant 0 : i32
      %dma_wait3A_222 = tpu.memref_slice %arg12[%dma_wait3A_219, %dma_wait3A_220, %dma_wait3A_221] : memref<2x32x512xf32, #tpu.memory_space<vmem>> -> memref<1x32x512xf32, #tpu.memory_space<vmem>>
      %dma_wait3A_223 = tpu.memref_squeeze %dma_wait3A_222 : memref<1x32x512xf32, #tpu.memory_space<vmem>> -> memref<32x512xf32, #tpu.memory_space<vmem>>
      %dma_wait3A_224 = arith.constant 0 : i32
      %dma_wait3A_225 = tpu.memref_slice %arg10[%dma_wait3A_218, %dma_wait3A_224] : memref<2x32xi32, #tpu.memory_space<vmem>> -> memref<1x32xi32, #tpu.memory_space<vmem>>
      %dma_wait3A_226 = tpu.memref_squeeze %dma_wait3A_225 : memref<1x32xi32, #tpu.memory_space<vmem>> -> memref<32xi32, #tpu.memory_space<vmem>>
      %dma_wait3A_227 = arith.constant 0 : i32
      %dma_wait3A_228 = arith.constant 0 : i32
      %dma_wait3A_229 = tpu.memref_slice %arg2[%dma_wait3A_227, %dma_wait3A_228] : memref<26624x512xf32, #tpu.memory_space<hbm>> -> memref<26624x512xf32, #tpu.memory_space<hbm>>
      tpu.wait_indirect_dma semaphore(%arg15 : memref<!tpu.dma_semaphore, #tpu.memory_space<semaphore_mem>>) src(%dma_wait3A_229 : memref<26624x512xf32, #tpu.memory_space<hbm>>) dst(%dma_wait3A_223 : memref<32x512xf32, #tpu.memory_space<vmem>>)
      %dma_wait3A_230 = arith.constant 1 : i32
      %dma_wait3A_231 = arith.constant 1 : i32
      %dma_wait3A_232 = arith.constant 0 : i32
      %dma_wait3A_233 = arith.constant 0 : i32
      %dma_wait3A_234 = tpu.memref_slice %arg13[%dma_wait3A_231, %dma_wait3A_232, %dma_wait3A_233] : memref<2x32x512xf32, #tpu.memory_space<vmem>> -> memref<1x32x512xf32, #tpu.memory_space<vmem>>
      %dma_wait3A_235 = tpu.memref_squeeze %dma_wait3A_234 : memref<1x32x512xf32, #tpu.memory_space<vmem>> -> memref<32x512xf32, #tpu.memory_space<vmem>>
      %dma_wait3A_236 = arith.constant 0 : i32
      %dma_wait3A_237 = tpu.memref_slice %arg11[%dma_wait3A_230, %dma_wait3A_236] : memref<2x32xi32, #tpu.memory_space<vmem>> -> memref<1x32xi32, #tpu.memory_space<vmem>>
      %dma_wait3A_238 = tpu.memref_squeeze %dma_wait3A_237 : memref<1x32xi32, #tpu.memory_space<vmem>> -> memref<32xi32, #tpu.memory_space<vmem>>
      %dma_wait3A_239 = arith.constant 0 : i32
      %dma_wait3A_240 = arith.constant 0 : i32
      %dma_wait3A_241 = tpu.memref_slice %arg2[%dma_wait3A_239, %dma_wait3A_240] : memref<26624x512xf32, #tpu.memory_space<hbm>> -> memref<26624x512xf32, #tpu.memory_space<hbm>>
      tpu.wait_indirect_dma semaphore(%arg15 : memref<!tpu.dma_semaphore, #tpu.memory_space<semaphore_mem>>) src(%dma_wait3A_241 : memref<26624x512xf32, #tpu.memory_space<hbm>>) dst(%dma_wait3A_235 : memref<32x512xf32, #tpu.memory_space<vmem>>)
      %scan3A_242 = arith.constant 0 : i32
      %scan3A_243 = arith.constant 0 : i32
      %scan3A_244 = arith.constant 32 : i32
      %scan3A_245 = arith.addi %scan3A_243, %scan3A_244 : i32
      %scan3A_246 = arith.constant 2 : i32
      scf.for %scan3A_267 = %scan3A_243 to %scan3A_245 step %scan3A_246  : i32 {
        %broadcast_in_dim3A_268 = arith.constant 0.000000e+00 : f32
        %broadcast_in_dim3A_269 = vector.broadcast %broadcast_in_dim3A_268 : f32 to vector<16xf32>
        %broadcast_in_dim3A_270 = arith.constant 0.000000e+00 : f32
        %broadcast_in_dim3A_271 = vector.broadcast %broadcast_in_dim3A_270 : f32 to vector<16xf32>
        %broadcast_in_dim3A_272 = arith.constant 0.000000e+00 : f32
        %broadcast_in_dim3A_273 = vector.broadcast %broadcast_in_dim3A_272 : f32 to vector<16xf32>
        %broadcast_in_dim3A_274 = arith.constant 0.000000e+00 : f32
        %broadcast_in_dim3A_275 = vector.broadcast %broadcast_in_dim3A_274 : f32 to vector<16xf32>
        %get3A_276 = arith.constant 1 : i32
        %get3A_277 = arith.index_cast %get3A_276 : i32 to index
        %get3A_278 = arith.index_cast %scan3A_267 : i32 to index
        %get3A_279 = arith.constant 0 : index
        %get3A_280 = tpu.vector_load %arg12[%get3A_277, %get3A_278, %get3A_279] {strides = array<i32>} : memref<2x32x512xf32, #tpu.memory_space<vmem>>, vector<16xf32>,
        %get3A_281 = arith.constant 1 : i32
        %get3A_282 = arith.index_cast %get3A_281 : i32 to index
        %get3A_283 = arith.index_cast %scan3A_267 : i32 to index
        %get3A_284 = arith.constant 0 : index
        %get3A_285 = tpu.vector_load %arg13[%get3A_282, %get3A_283, %get3A_284] {strides = array<i32>} : memref<2x32x512xf32, #tpu.memory_space<vmem>>, vector<16xf32>,
        %add3A_286 = arith.addf %get3A_280, %get3A_285 : vector<16xf32>
        %exp3A = math.exp %add3A_286 : vector<16xf32>
        %add3A_287 = arith.addf %broadcast_in_dim3A_269, %exp3A : vector<16xf32>
        %get3A_288 = arith.constant 1 : i32
        %get3A_289 = arith.index_cast %get3A_288 : i32 to index
        %get3A_290 = arith.index_cast %scan3A_267 : i32 to index
        %get3A_291 = arith.constant 16 : index
        %get3A_292 = tpu.vector_load %arg12[%get3A_289, %get3A_290, %get3A_291] {strides = array<i32>} : memref<2x32x512xf32, #tpu.memory_space<vmem>>, vector<16xf32>,
        %get3A_293 = arith.constant 1 : i32
        %get3A_294 = arith.index_cast %get3A_293 : i32 to index
        %get3A_295 = arith.index_cast %scan3A_267 : i32 to index
        %get3A_296 = arith.constant 16 : index
        %get3A_297 = tpu.vector_load %arg13[%get3A_294, %get3A_295, %get3A_296] {strides = array<i32>} : memref<2x32x512xf32, #tpu.memory_space<vmem>>, vector<16xf32>,
        %add3A_298 = arith.addf %get3A_292, %get3A_297 : vector<16xf32>
        %exp3A_299 = math.exp %add3A_298 : vector<16xf32>
        %add3A_300 = arith.addf %broadcast_in_dim3A_271, %exp3A_299 : vector<16xf32>
        %get3A_301 = arith.constant 1 : i32
        %get3A_302 = arith.index_cast %get3A_301 : i32 to index
        %get3A_303 = arith.index_cast %scan3A_267 : i32 to index
        %get3A_304 = arith.constant 32 : index
        %get3A_305 = tpu.vector_load %arg12[%get3A_302, %get3A_303, %get3A_304] {strides = array<i32>} : memref<2x32x512xf32, #tpu.memory_space<vmem>>, vector<16xf32>,
        %get3A_306 = arith.constant 1 : i32
        %get3A_307 = arith.index_cast %get3A_306 : i32 to index
        %get3A_308 = arith.index_cast %scan3A_267 : i32 to index
        %get3A_309 = arith.constant 32 : index
        %get3A_310 = tpu.vector_load %arg13[%get3A_307, %get3A_308, %get3A_309] {strides = array<i32>} : memref<2x32x512xf32, #tpu.memory_space<vmem>>, vector<16xf32>,
        %add3A_311 = arith.addf %get3A_305, %get3A_310 : vector<16xf32>
        %exp3A_312 = math.exp %add3A_311 : vector<16xf32>
        %add3A_313 = arith.addf %broadcast_in_dim3A_273, %exp3A_312 : vector<16xf32>
        %get3A_314 = arith.constant 1 : i32
        %get3A_315 = arith.index_cast %get3A_314 : i32 to index
        %get3A_316 = arith.index_cast %scan3A_267 : i32 to index
        %get3A_317 = arith.constant 48 : index
        %get3A_318 = tpu.vector_load %arg12[%get3A_315, %get3A_316, %get3A_317] {strides = array<i32>} : memref<2x32x512xf32, #tpu.memory_space<vmem>>, vector<16xf32>,
        %get3A_319 = arith.constant 1 : i32
        %get3A_320 = arith.index_cast %get3A_319 : i32 to index
        %get3A_321 = arith.index_cast %scan3A_267 : i32 to index
        %get3A_322 = arith.constant 48 : index
        %get3A_323 = tpu.vector_load %arg13[%get3A_320, %get3A_321, %get3A_322] {strides = array<i32>} : memref<2x32x512xf32, #tpu.memory_space<vmem>>, vector<16xf32>,
        %add3A_324 = arith.addf %get3A_318, %get3A_323 : vector<16xf32>
        %exp3A_325 = math.exp %add3A_324 : vector<16xf32>
        %add3A_326 = arith.addf %broadcast_in_dim3A_275, %exp3A_325 : vector<16xf32>
        %get3A_327 = arith.constant 1 : i32
        %get3A_328 = arith.index_cast %get3A_327 : i32 to index
        %get3A_329 = arith.index_cast %scan3A_267 : i32 to index
        %get3A_330 = arith.constant 64 : index
        %get3A_331 = tpu.vector_load %arg12[%get3A_328, %get3A_329, %get3A_330] {strides = array<i32>} : memref<2x32x512xf32, #tpu.memory_space<vmem>>, vector<16xf32>,
        %get3A_332 = arith.constant 1 : i32
        %get3A_333 = arith.index_cast %get3A_332 : i32 to index
        %get3A_334 = arith.index_cast %scan3A_267 : i32 to index
        %get3A_335 = arith.constant 64 : index
        %get3A_336 = tpu.vector_load %arg13[%get3A_333, %get3A_334, %get3A_335] {strides = array<i32>} : memref<2x32x512xf32, #tpu.memory_space<vmem>>, vector<16xf32>,
        %add3A_337 = arith.addf %get3A_331, %get3A_336 : vector<16xf32>
        %exp3A_338 = math.exp %add3A_337 : vector<16xf32>
        %add3A_339 = arith.addf %add3A_287, %exp3A_338 : vector<16xf32>
        %get3A_340 = arith.constant 1 : i32
        %get3A_341 = arith.index_cast %get3A_340 : i32 to index
        %get3A_342 = arith.index_cast %scan3A_267 : i32 to index
        %get3A_343 = arith.constant 80 : index
        %get3A_344 = tpu.vector_load %arg12[%get3A_341, %get3A_342, %get3A_343] {strides = array<i32>} : memref<2x32x512xf32, #tpu.memory_space<vmem>>, vector<16xf32>,
        %get3A_345 = arith.constant 1 : i32
        %get3A_346 = arith.index_cast %get3A_345 : i32 to index
        %get3A_347 = arith.index_cast %scan3A_267 : i32 to index
        %get3A_348 = arith.constant 80 : index
        %get3A_349 = tpu.vector_load %arg13[%get3A_346, %get3A_347, %get3A_348] {strides = array<i32>} : memref<2x32x512xf32, #tpu.memory_space<vmem>>, vector<16xf32>,
        %add3A_350 = arith.addf %get3A_344, %get3A_349 : vector<16xf32>
        %exp3A_351 = math.exp %add3A_350 : vector<16xf32>
        %add3A_352 = arith.addf %add3A_300, %exp3A_351 : vector<16xf32>
        %get3A_353 = arith.constant 1 : i32
        %get3A_354 = arith.index_cast %get3A_353 : i32 to index
        %get3A_355 = arith.index_cast %scan3A_267 : i32 to index
        %get3A_356 = arith.constant 96 : index
        %get3A_357 = tpu.vector_load %arg12[%get3A_354, %get3A_355, %get3A_356] {strides = array<i32>} : memref<2x32x512xf32, #tpu.memory_space<vmem>>, vector<16xf32>,
        %get3A_358 = arith.constant 1 : i32
        %get3A_359 = arith.index_cast %get3A_358 : i32 to index
        %get3A_360 = arith.index_cast %scan3A_267 : i32 to index
        %get3A_361 = arith.constant 96 : index
        %get3A_362 = tpu.vector_load %arg13[%get3A_359, %get3A_360, %get3A_361] {strides = array<i32>} : memref<2x32x512xf32, #tpu.memory_space<vmem>>, vector<16xf32>,
        %add3A_363 = arith.addf %get3A_357, %get3A_362 : vector<16xf32>
        %exp3A_364 = math.exp %add3A_363 : vector<16xf32>
        %add3A_365 = arith.addf %add3A_313, %exp3A_364 : vector<16xf32>
        %get3A_366 = arith.constant 1 : i32
        %get3A_367 = arith.index_cast %get3A_366 : i32 to index
        %get3A_368 = arith.index_cast %scan3A_267 : i32 to index
        %get3A_369 = arith.constant 112 : index
        %get3A_370 = tpu.vector_load %arg12[%get3A_367, %get3A_368, %get3A_369] {strides = array<i32>} : memref<2x32x512xf32, #tpu.memory_space<vmem>>, vector<16xf32>,
        %get3A_371 = arith.constant 1 : i32
        %get3A_372 = arith.index_cast %get3A_371 : i32 to index
        %get3A_373 = arith.index_cast %scan3A_267 : i32 to index
        %get3A_374 = arith.constant 112 : index
        %get3A_375 = tpu.vector_load %arg13[%get3A_372, %get3A_373, %get3A_374] {strides = array<i32>} : memref<2x32x512xf32, #tpu.memory_space<vmem>>, vector<16xf32>,
        %add3A_376 = arith.addf %get3A_370, %get3A_375 : vector<16xf32>
        %exp3A_377 = math.exp %add3A_376 : vector<16xf32>
        %add3A_378 = arith.addf %add3A_326, %exp3A_377 : vector<16xf32>
        %get3A_379 = arith.constant 1 : i32
        %get3A_380 = arith.index_cast %get3A_379 : i32 to index
        %get3A_381 = arith.index_cast %scan3A_267 : i32 to index
        %get3A_382 = arith.constant 128 : index
        %get3A_383 = tpu.vector_load %arg12[%get3A_380, %get3A_381, %get3A_382] {strides = array<i32>} : memref<2x32x512xf32, #tpu.memory_space<vmem>>, vector<16xf32>,
        %get3A_384 = arith.constant 1 : i32
        %get3A_385 = arith.index_cast %get3A_384 : i32 to index
        %get3A_386 = arith.index_cast %scan3A_267 : i32 to index
        %get3A_387 = arith.constant 128 : index
        %get3A_388 = tpu.vector_load %arg13[%get3A_385, %get3A_386, %get3A_387] {strides = array<i32>} : memref<2x32x512xf32, #tpu.memory_space<vmem>>, vector<16xf32>,
        %add3A_389 = arith.addf %get3A_383, %get3A_388 : vector<16xf32>
        %exp3A_390 = math.exp %add3A_389 : vector<16xf32>
        %add3A_391 = arith.addf %add3A_339, %exp3A_390 : vector<16xf32>
        %get3A_392 = arith.constant 1 : i32
        %get3A_393 = arith.index_cast %get3A_392 : i32 to index
        %get3A_394 = arith.index_cast %scan3A_267 : i32 to index
        %get3A_395 = arith.constant 144 : index
        %get3A_396 = tpu.vector_load %arg12[%get3A_393, %get3A_394, %get3A_395] {strides = array<i32>} : memref<2x32x512xf32, #tpu.memory_space<vmem>>, vector<16xf32>,
        %get3A_397 = arith.constant 1 : i32
        %get3A_398 = arith.index_cast %get3A_397 : i32 to index
        %get3A_399 = arith.index_cast %scan3A_267 : i32 to index
        %get3A_400 = arith.constant 144 : index
        %get3A_401 = tpu.vector_load %arg13[%get3A_398, %get3A_399, %get3A_400] {strides = array<i32>} : memref<2x32x512xf32, #tpu.memory_space<vmem>>, vector<16xf32>,
        %add3A_402 = arith.addf %get3A_396, %get3A_401 : vector<16xf32>
        %exp3A_403 = math.exp %add3A_402 : vector<16xf32>
        %add3A_404 = arith.addf %add3A_352, %exp3A_403 : vector<16xf32>
        %get3A_405 = arith.constant 1 : i32
        %get3A_406 = arith.index_cast %get3A_405 : i32 to index
        %get3A_407 = arith.index_cast %scan3A_267 : i32 to index
        %get3A_408 = arith.constant 160 : index
        %get3A_409 = tpu.vector_load %arg12[%get3A_406, %get3A_407, %get3A_408] {strides = array<i32>} : memref<2x32x512xf32, #tpu.memory_space<vmem>>, vector<16xf32>,
        %get3A_410 = arith.constant 1 : i32
        %get3A_411 = arith.index_cast %get3A_410 : i32 to index
        %get3A_412 = arith.index_cast %scan3A_267 : i32 to index
        %get3A_413 = arith.constant 160 : index
        %get3A_414 = tpu.vector_load %arg13[%get3A_411, %get3A_412, %get3A_413] {strides = array<i32>} : memref<2x32x512xf32, #tpu.memory_space<vmem>>, vector<16xf32>,
        %add3A_415 = arith.addf %get3A_409, %get3A_414 : vector<16xf32>
        %exp3A_416 = math.exp %add3A_415 : vector<16xf32>
        %add3A_417 = arith.addf %add3A_365, %exp3A_416 : vector<16xf32>
        %get3A_418 = arith.constant 1 : i32
        %get3A_419 = arith.index_cast %get3A_418 : i32 to index
        %get3A_420 = arith.index_cast %scan3A_267 : i32 to index
        %get3A_421 = arith.constant 176 : index
        %get3A_422 = tpu.vector_load %arg12[%get3A_419, %get3A_420, %get3A_421] {strides = array<i32>} : memref<2x32x512xf32, #tpu.memory_space<vmem>>, vector<16xf32>,
        %get3A_423 = arith.constant 1 : i32
        %get3A_424 = arith.index_cast %get3A_423 : i32 to index
        %get3A_425 = arith.index_cast %scan3A_267 : i32 to index
        %get3A_426 = arith.constant 176 : index
        %get3A_427 = tpu.vector_load %arg13[%get3A_424, %get3A_425, %get3A_426] {strides = array<i32>} : memref<2x32x512xf32, #tpu.memory_space<vmem>>, vector<16xf32>,
        %add3A_428 = arith.addf %get3A_422, %get3A_427 : vector<16xf32>
        %exp3A_429 = math.exp %add3A_428 : vector<16xf32>
        %add3A_430 = arith.addf %add3A_378, %exp3A_429 : vector<16xf32>
        %get3A_431 = arith.constant 1 : i32
        %get3A_432 = arith.index_cast %get3A_431 : i32 to index
        %get3A_433 = arith.index_cast %scan3A_267 : i32 to index
        %get3A_434 = arith.constant 192 : index
        %get3A_435 = tpu.vector_load %arg12[%get3A_432, %get3A_433, %get3A_434] {strides = array<i32>} : memref<2x32x512xf32, #tpu.memory_space<vmem>>, vector<16xf32>,
        %get3A_436 = arith.constant 1 : i32
        %get3A_437 = arith.index_cast %get3A_436 : i32 to index
        %get3A_438 = arith.index_cast %scan3A_267 : i32 to index
        %get3A_439 = arith.constant 192 : index
        %get3A_440 = tpu.vector_load %arg13[%get3A_437, %get3A_438, %get3A_439] {strides = array<i32>} : memref<2x32x512xf32, #tpu.memory_space<vmem>>, vector<16xf32>,
        %add3A_441 = arith.addf %get3A_435, %get3A_440 : vector<16xf32>
        %exp3A_442 = math.exp %add3A_441 : vector<16xf32>
        %add3A_443 = arith.addf %add3A_391, %exp3A_442 : vector<16xf32>
        %get3A_444 = arith.constant 1 : i32
        %get3A_445 = arith.index_cast %get3A_444 : i32 to index
        %get3A_446 = arith.index_cast %scan3A_267 : i32 to index
        %get3A_447 = arith.constant 208 : index
        %get3A_448 = tpu.vector_load %arg12[%get3A_445, %get3A_446, %get3A_447] {strides = array<i32>} : memref<2x32x512xf32, #tpu.memory_space<vmem>>, vector<16xf32>,
        %get3A_449 = arith.constant 1 : i32
        %get3A_450 = arith.index_cast %get3A_449 : i32 to index
        %get3A_451 = arith.index_cast %scan3A_267 : i32 to index
        %get3A_452 = arith.constant 208 : index
        %get3A_453 = tpu.vector_load %arg13[%get3A_450, %get3A_451, %get3A_452] {strides = array<i32>} : memref<2x32x512xf32, #tpu.memory_space<vmem>>, vector<16xf32>,
        %add3A_454 = arith.addf %get3A_448, %get3A_453 : vector<16xf32>
        %exp3A_455 = math.exp %add3A_454 : vector<16xf32>
        %add3A_456 = arith.addf %add3A_404, %exp3A_455 : vector<16xf32>
        %get3A_457 = arith.constant 1 : i32
        %get3A_458 = arith.index_cast %get3A_457 : i32 to index
        %get3A_459 = arith.index_cast %scan3A_267 : i32 to index
        %get3A_460 = arith.constant 224 : index
        %get3A_461 = tpu.vector_load %arg12[%get3A_458, %get3A_459, %get3A_460] {strides = array<i32>} : memref<2x32x512xf32, #tpu.memory_space<vmem>>, vector<16xf32>,
        %get3A_462 = arith.constant 1 : i32
        %get3A_463 = arith.index_cast %get3A_462 : i32 to index
        %get3A_464 = arith.index_cast %scan3A_267 : i32 to index
        %get3A_465 = arith.constant 224 : index
        %get3A_466 = tpu.vector_load %arg13[%get3A_463, %get3A_464, %get3A_465] {strides = array<i32>} : memref<2x32x512xf32, #tpu.memory_space<vmem>>, vector<16xf32>,
        %add3A_467 = arith.addf %get3A_461, %get3A_466 : vector<16xf32>
        %exp3A_468 = math.exp %add3A_467 : vector<16xf32>
        %add3A_469 = arith.addf %add3A_417, %exp3A_468 : vector<16xf32>
        %get3A_470 = arith.constant 1 : i32
        %get3A_471 = arith.index_cast %get3A_470 : i32 to index
        %get3A_472 = arith.index_cast %scan3A_267 : i32 to index
        %get3A_473 = arith.constant 240 : index
        %get3A_474 = tpu.vector_load %arg12[%get3A_471, %get3A_472, %get3A_473] {strides = array<i32>} : memref<2x32x512xf32, #tpu.memory_space<vmem>>, vector<16xf32>,
        %get3A_475 = arith.constant 1 : i32
        %get3A_476 = arith.index_cast %get3A_475 : i32 to index
        %get3A_477 = arith.index_cast %scan3A_267 : i32 to index
        %get3A_478 = arith.constant 240 : index
        %get3A_479 = tpu.vector_load %arg13[%get3A_476, %get3A_477, %get3A_478] {strides = array<i32>} : memref<2x32x512xf32, #tpu.memory_space<vmem>>, vector<16xf32>,
        %add3A_480 = arith.addf %get3A_474, %get3A_479 : vector<16xf32>
        %exp3A_481 = math.exp %add3A_480 : vector<16xf32>
        %add3A_482 = arith.addf %add3A_430, %exp3A_481 : vector<16xf32>
        %get3A_483 = arith.constant 1 : i32
        %get3A_484 = arith.index_cast %get3A_483 : i32 to index
        %get3A_485 = arith.index_cast %scan3A_267 : i32 to index
        %get3A_486 = arith.constant 256 : index
        %get3A_487 = tpu.vector_load %arg12[%get3A_484, %get3A_485, %get3A_486] {strides = array<i32>} : memref<2x32x512xf32, #tpu.memory_space<vmem>>, vector<16xf32>,
        %get3A_488 = arith.constant 1 : i32
        %get3A_489 = arith.index_cast %get3A_488 : i32 to index
        %get3A_490 = arith.index_cast %scan3A_267 : i32 to index
        %get3A_491 = arith.constant 256 : index
        %get3A_492 = tpu.vector_load %arg13[%get3A_489, %get3A_490, %get3A_491] {strides = array<i32>} : memref<2x32x512xf32, #tpu.memory_space<vmem>>, vector<16xf32>,
        %add3A_493 = arith.addf %get3A_487, %get3A_492 : vector<16xf32>
        %exp3A_494 = math.exp %add3A_493 : vector<16xf32>
        %add3A_495 = arith.addf %add3A_443, %exp3A_494 : vector<16xf32>
        %get3A_496 = arith.constant 1 : i32
        %get3A_497 = arith.index_cast %get3A_496 : i32 to index
        %get3A_498 = arith.index_cast %scan3A_267 : i32 to index
        %get3A_499 = arith.constant 272 : index
        %get3A_500 = tpu.vector_load %arg12[%get3A_497, %get3A_498, %get3A_499] {strides = array<i32>} : memref<2x32x512xf32, #tpu.memory_space<vmem>>, vector<16xf32>,
        %get3A_501 = arith.constant 1 : i32
        %get3A_502 = arith.index_cast %get3A_501 : i32 to index
        %get3A_503 = arith.index_cast %scan3A_267 : i32 to index
        %get3A_504 = arith.constant 272 : index
        %get3A_505 = tpu.vector_load %arg13[%get3A_502, %get3A_503, %get3A_504] {strides = array<i32>} : memref<2x32x512xf32, #tpu.memory_space<vmem>>, vector<16xf32>,
        %add3A_506 = arith.addf %get3A_500, %get3A_505 : vector<16xf32>
        %exp3A_507 = math.exp %add3A_506 : vector<16xf32>
        %add3A_508 = arith.addf %add3A_456, %exp3A_507 : vector<16xf32>
        %get3A_509 = arith.constant 1 : i32
        %get3A_510 = arith.index_cast %get3A_509 : i32 to index
        %get3A_511 = arith.index_cast %scan3A_267 : i32 to index
        %get3A_512 = arith.constant 288 : index
        %get3A_513 = tpu.vector_load %arg12[%get3A_510, %get3A_511, %get3A_512] {strides = array<i32>} : memref<2x32x512xf32, #tpu.memory_space<vmem>>, vector<16xf32>,
        %get3A_514 = arith.constant 1 : i32
        %get3A_515 = arith.index_cast %get3A_514 : i32 to index
        %get3A_516 = arith.index_cast %scan3A_267 : i32 to index
        %get3A_517 = arith.constant 288 : index
        %get3A_518 = tpu.vector_load %arg13[%get3A_515, %get3A_516, %get3A_517] {strides = array<i32>} : memref<2x32x512xf32, #tpu.memory_space<vmem>>, vector<16xf32>,
        %add3A_519 = arith.addf %get3A_513, %get3A_518 : vector<16xf32>
        %exp3A_520 = math.exp %add3A_519 : vector<16xf32>
        %add3A_521 = arith.addf %add3A_469, %exp3A_520 : vector<16xf32>
        %get3A_522 = arith.constant 1 : i32
        %get3A_523 = arith.index_cast %get3A_522 : i32 to index
        %get3A_524 = arith.index_cast %scan3A_267 : i32 to index
        %get3A_525 = arith.constant 304 : index
        %get3A_526 = tpu.vector_load %arg12[%get3A_523, %get3A_524, %get3A_525] {strides = array<i32>} : memref<2x32x512xf32, #tpu.memory_space<vmem>>, vector<16xf32>,
        %get3A_527 = arith.constant 1 : i32
        %get3A_528 = arith.index_cast %get3A_527 : i32 to index
        %get3A_529 = arith.index_cast %scan3A_267 : i32 to index
        %get3A_530 = arith.constant 304 : index
        %get3A_531 = tpu.vector_load %arg13[%get3A_528, %get3A_529, %get3A_530] {strides = array<i32>} : memref<2x32x512xf32, #tpu.memory_space<vmem>>, vector<16xf32>,
        %add3A_532 = arith.addf %get3A_526, %get3A_531 : vector<16xf32>
        %exp3A_533 = math.exp %add3A_532 : vector<16xf32>
        %add3A_534 = arith.addf %add3A_482, %exp3A_533 : vector<16xf32>
        %get3A_535 = arith.constant 1 : i32
        %get3A_536 = arith.index_cast %get3A_535 : i32 to index
        %get3A_537 = arith.index_cast %scan3A_267 : i32 to index
        %get3A_538 = arith.constant 320 : index
        %get3A_539 = tpu.vector_load %arg12[%get3A_536, %get3A_537, %get3A_538] {strides = array<i32>} : memref<2x32x512xf32, #tpu.memory_space<vmem>>, vector<16xf32>,
        %get3A_540 = arith.constant 1 : i32
        %get3A_541 = arith.index_cast %get3A_540 : i32 to index
        %get3A_542 = arith.index_cast %scan3A_267 : i32 to index
        %get3A_543 = arith.constant 320 : index
        %get3A_544 = tpu.vector_load %arg13[%get3A_541, %get3A_542, %get3A_543] {strides = array<i32>} : memref<2x32x512xf32, #tpu.memory_space<vmem>>, vector<16xf32>,
        %add3A_545 = arith.addf %get3A_539, %get3A_544 : vector<16xf32>
        %exp3A_546 = math.exp %add3A_545 : vector<16xf32>
        %add3A_547 = arith.addf %add3A_495, %exp3A_546 : vector<16xf32>
        %get3A_548 = arith.constant 1 : i32
        %get3A_549 = arith.index_cast %get3A_548 : i32 to index
        %get3A_550 = arith.index_cast %scan3A_267 : i32 to index
        %get3A_551 = arith.constant 336 : index
        %get3A_552 = tpu.vector_load %arg12[%get3A_549, %get3A_550, %get3A_551] {strides = array<i32>} : memref<2x32x512xf32, #tpu.memory_space<vmem>>, vector<16xf32>,
        %get3A_553 = arith.constant 1 : i32
        %get3A_554 = arith.index_cast %get3A_553 : i32 to index
        %get3A_555 = arith.index_cast %scan3A_267 : i32 to index
        %get3A_556 = arith.constant 336 : index
        %get3A_557 = tpu.vector_load %arg13[%get3A_554, %get3A_555, %get3A_556] {strides = array<i32>} : memref<2x32x512xf32, #tpu.memory_space<vmem>>, vector<16xf32>,
        %add3A_558 = arith.addf %get3A_552, %get3A_557 : vector<16xf32>
        %exp3A_559 = math.exp %add3A_558 : vector<16xf32>
        %add3A_560 = arith.addf %add3A_508, %exp3A_559 : vector<16xf32>
        %get3A_561 = arith.constant 1 : i32
        %get3A_562 = arith.index_cast %get3A_561 : i32 to index
        %get3A_563 = arith.index_cast %scan3A_267 : i32 to index
        %get3A_564 = arith.constant 352 : index
        %get3A_565 = tpu.vector_load %arg12[%get3A_562, %get3A_563, %get3A_564] {strides = array<i32>} : memref<2x32x512xf32, #tpu.memory_space<vmem>>, vector<16xf32>,
        %get3A_566 = arith.constant 1 : i32
        %get3A_567 = arith.index_cast %get3A_566 : i32 to index
        %get3A_568 = arith.index_cast %scan3A_267 : i32 to index
        %get3A_569 = arith.constant 352 : index
        %get3A_570 = tpu.vector_load %arg13[%get3A_567, %get3A_568, %get3A_569] {strides = array<i32>} : memref<2x32x512xf32, #tpu.memory_space<vmem>>, vector<16xf32>,
        %add3A_571 = arith.addf %get3A_565, %get3A_570 : vector<16xf32>
        %exp3A_572 = math.exp %add3A_571 : vector<16xf32>
        %add3A_573 = arith.addf %add3A_521, %exp3A_572 : vector<16xf32>
        %get3A_574 = arith.constant 1 : i32
        %get3A_575 = arith.index_cast %get3A_574 : i32 to index
        %get3A_576 = arith.index_cast %scan3A_267 : i32 to index
        %get3A_577 = arith.constant 368 : index
        %get3A_578 = tpu.vector_load %arg12[%get3A_575, %get3A_576, %get3A_577] {strides = array<i32>} : memref<2x32x512xf32, #tpu.memory_space<vmem>>, vector<16xf32>,
        %get3A_579 = arith.constant 1 : i32
        %get3A_580 = arith.index_cast %get3A_579 : i32 to index
        %get3A_581 = arith.index_cast %scan3A_267 : i32 to index
        %get3A_582 = arith.constant 368 : index
        %get3A_583 = tpu.vector_load %arg13[%get3A_580, %get3A_581, %get3A_582] {strides = array<i32>} : memref<2x32x512xf32, #tpu.memory_space<vmem>>, vector<16xf32>,
        %add3A_584 = arith.addf %get3A_578, %get3A_583 : vector<16xf32>
        %exp3A_585 = math.exp %add3A_584 : vector<16xf32>
        %add3A_586 = arith.addf %add3A_534, %exp3A_585 : vector<16xf32>
        %get3A_587 = arith.constant 1 : i32
        %get3A_588 = arith.index_cast %get3A_587 : i32 to index
        %get3A_589 = arith.index_cast %scan3A_267 : i32 to index
        %get3A_590 = arith.constant 384 : index
        %get3A_591 = tpu.vector_load %arg12[%get3A_588, %get3A_589, %get3A_590] {strides = array<i32>} : memref<2x32x512xf32, #tpu.memory_space<vmem>>, vector<16xf32>,
        %get3A_592 = arith.constant 1 : i32
        %get3A_593 = arith.index_cast %get3A_592 : i32 to index
        %get3A_594 = arith.index_cast %scan3A_267 : i32 to index
        %get3A_595 = arith.constant 384 : index
        %get3A_596 = tpu.vector_load %arg13[%get3A_593, %get3A_594, %get3A_595] {strides = array<i32>} : memref<2x32x512xf32, #tpu.memory_space<vmem>>, vector<16xf32>,
        %add3A_597 = arith.addf %get3A_591, %get3A_596 : vector<16xf32>
        %exp3A_598 = math.exp %add3A_597 : vector<16xf32>
        %add3A_599 = arith.addf %add3A_547, %exp3A_598 : vector<16xf32>
        %get3A_600 = arith.constant 1 : i32
        %get3A_601 = arith.index_cast %get3A_600 : i32 to index
        %get3A_602 = arith.index_cast %scan3A_267 : i32 to index
        %get3A_603 = arith.constant 400 : index
        %get3A_604 = tpu.vector_load %arg12[%get3A_601, %get3A_602, %get3A_603] {strides = array<i32>} : memref<2x32x512xf32, #tpu.memory_space<vmem>>, vector<16xf32>,
        %get3A_605 = arith.constant 1 : i32
        %get3A_606 = arith.index_cast %get3A_605 : i32 to index
        %get3A_607 = arith.index_cast %scan3A_267 : i32 to index
        %get3A_608 = arith.constant 400 : index
        %get3A_609 = tpu.vector_load %arg13[%get3A_606, %get3A_607, %get3A_608] {strides = array<i32>} : memref<2x32x512xf32, #tpu.memory_space<vmem>>, vector<16xf32>,
        %add3A_610 = arith.addf %get3A_604, %get3A_609 : vector<16xf32>
        %exp3A_611 = math.exp %add3A_610 : vector<16xf32>
        %add3A_612 = arith.addf %add3A_560, %exp3A_611 : vector<16xf32>
        %get3A_613 = arith.constant 1 : i32
        %get3A_614 = arith.index_cast %get3A_613 : i32 to index
        %get3A_615 = arith.index_cast %scan3A_267 : i32 to index
        %get3A_616 = arith.constant 416 : index
        %get3A_617 = tpu.vector_load %arg12[%get3A_614, %get3A_615, %get3A_616] {strides = array<i32>} : memref<2x32x512xf32, #tpu.memory_space<vmem>>, vector<16xf32>,
        %get3A_618 = arith.constant 1 : i32
        %get3A_619 = arith.index_cast %get3A_618 : i32 to index
        %get3A_620 = arith.index_cast %scan3A_267 : i32 to index
        %get3A_621 = arith.constant 416 : index
        %get3A_622 = tpu.vector_load %arg13[%get3A_619, %get3A_620, %get3A_621] {strides = array<i32>} : memref<2x32x512xf32, #tpu.memory_space<vmem>>, vector<16xf32>,
        %add3A_623 = arith.addf %get3A_617, %get3A_622 : vector<16xf32>
        %exp3A_624 = math.exp %add3A_623 : vector<16xf32>
        %add3A_625 = arith.addf %add3A_573, %exp3A_624 : vector<16xf32>
        %get3A_626 = arith.constant 1 : i32
        %get3A_627 = arith.index_cast %get3A_626 : i32 to index
        %get3A_628 = arith.index_cast %scan3A_267 : i32 to index
        %get3A_629 = arith.constant 432 : index
        %get3A_630 = tpu.vector_load %arg12[%get3A_627, %get3A_628, %get3A_629] {strides = array<i32>} : memref<2x32x512xf32, #tpu.memory_space<vmem>>, vector<16xf32>,
        %get3A_631 = arith.constant 1 : i32
        %get3A_632 = arith.index_cast %get3A_631 : i32 to index
        %get3A_633 = arith.index_cast %scan3A_267 : i32 to index
        %get3A_634 = arith.constant 432 : index
        %get3A_635 = tpu.vector_load %arg13[%get3A_632, %get3A_633, %get3A_634] {strides = array<i32>} : memref<2x32x512xf32, #tpu.memory_space<vmem>>, vector<16xf32>,
        %add3A_636 = arith.addf %get3A_630, %get3A_635 : vector<16xf32>
        %exp3A_637 = math.exp %add3A_636 : vector<16xf32>
        %add3A_638 = arith.addf %add3A_586, %exp3A_637 : vector<16xf32>
        %get3A_639 = arith.constant 1 : i32
        %get3A_640 = arith.index_cast %get3A_639 : i32 to index
        %get3A_641 = arith.index_cast %scan3A_267 : i32 to index
        %get3A_642 = arith.constant 448 : index
        %get3A_643 = tpu.vector_load %arg12[%get3A_640, %get3A_641, %get3A_642] {strides = array<i32>} : memref<2x32x512xf32, #tpu.memory_space<vmem>>, vector<16xf32>,
        %get3A_644 = arith.constant 1 : i32
        %get3A_645 = arith.index_cast %get3A_644 : i32 to index
        %get3A_646 = arith.index_cast %scan3A_267 : i32 to index
        %get3A_647 = arith.constant 448 : index
        %get3A_648 = tpu.vector_load %arg13[%get3A_645, %get3A_646, %get3A_647] {strides = array<i32>} : memref<2x32x512xf32, #tpu.memory_space<vmem>>, vector<16xf32>,
        %add3A_649 = arith.addf %get3A_643, %get3A_648 : vector<16xf32>
        %exp3A_650 = math.exp %add3A_649 : vector<16xf32>
        %add3A_651 = arith.addf %add3A_599, %exp3A_650 : vector<16xf32>
        %get3A_652 = arith.constant 1 : i32
        %get3A_653 = arith.index_cast %get3A_652 : i32 to index
        %get3A_654 = arith.index_cast %scan3A_267 : i32 to index
        %get3A_655 = arith.constant 464 : index
        %get3A_656 = tpu.vector_load %arg12[%get3A_653, %get3A_654, %get3A_655] {strides = array<i32>} : memref<2x32x512xf32, #tpu.memory_space<vmem>>, vector<16xf32>,
        %get3A_657 = arith.constant 1 : i32
        %get3A_658 = arith.index_cast %get3A_657 : i32 to index
        %get3A_659 = arith.index_cast %scan3A_267 : i32 to index
        %get3A_660 = arith.constant 464 : index
        %get3A_661 = tpu.vector_load %arg13[%get3A_658, %get3A_659, %get3A_660] {strides = array<i32>} : memref<2x32x512xf32, #tpu.memory_space<vmem>>, vector<16xf32>,
        %add3A_662 = arith.addf %get3A_656, %get3A_661 : vector<16xf32>
        %exp3A_663 = math.exp %add3A_662 : vector<16xf32>
        %add3A_664 = arith.addf %add3A_612, %exp3A_663 : vector<16xf32>
        %get3A_665 = arith.constant 1 : i32
        %get3A_666 = arith.index_cast %get3A_665 : i32 to index
        %get3A_667 = arith.index_cast %scan3A_267 : i32 to index
        %get3A_668 = arith.constant 480 : index
        %get3A_669 = tpu.vector_load %arg12[%get3A_666, %get3A_667, %get3A_668] {strides = array<i32>} : memref<2x32x512xf32, #tpu.memory_space<vmem>>, vector<16xf32>,
        %get3A_670 = arith.constant 1 : i32
        %get3A_671 = arith.index_cast %get3A_670 : i32 to index
        %get3A_672 = arith.index_cast %scan3A_267 : i32 to index
        %get3A_673 = arith.constant 480 : index
        %get3A_674 = tpu.vector_load %arg13[%get3A_671, %get3A_672, %get3A_673] {strides = array<i32>} : memref<2x32x512xf32, #tpu.memory_space<vmem>>, vector<16xf32>,
        %add3A_675 = arith.addf %get3A_669, %get3A_674 : vector<16xf32>
        %exp3A_676 = math.exp %add3A_675 : vector<16xf32>
        %add3A_677 = arith.addf %add3A_625, %exp3A_676 : vector<16xf32>
        %get3A_678 = arith.constant 1 : i32
        %get3A_679 = arith.index_cast %get3A_678 : i32 to index
        %get3A_680 = arith.index_cast %scan3A_267 : i32 to index
        %get3A_681 = arith.constant 496 : index
        %get3A_682 = tpu.vector_load %arg12[%get3A_679, %get3A_680, %get3A_681] {strides = array<i32>} : memref<2x32x512xf32, #tpu.memory_space<vmem>>, vector<16xf32>,
        %get3A_683 = arith.constant 1 : i32
        %get3A_684 = arith.index_cast %get3A_683 : i32 to index
        %get3A_685 = arith.index_cast %scan3A_267 : i32 to index
        %get3A_686 = arith.constant 496 : index
        %get3A_687 = tpu.vector_load %arg13[%get3A_684, %get3A_685, %get3A_686] {strides = array<i32>} : memref<2x32x512xf32, #tpu.memory_space<vmem>>, vector<16xf32>,
        %add3A_688 = arith.addf %get3A_682, %get3A_687 : vector<16xf32>
        %exp3A_689 = math.exp %add3A_688 : vector<16xf32>
        %add3A_690 = arith.addf %add3A_638, %exp3A_689 : vector<16xf32>
        %add3A_691 = arith.addf %add3A_651, %add3A_664 : vector<16xf32>
        %add3A_692 = arith.addf %add3A_677, %add3A_690 : vector<16xf32>
        %add3A_693 = arith.addf %add3A_691, %add3A_692 : vector<16xf32>
        %reduce_sum3A = arith.constant true
        %reduce_sum3A_694 = vector.broadcast %reduce_sum3A : i1 to vector<16xi1>
        %reduce_sum3A_695 = tpu.scan <sum>, %add3A_693 masked %reduce_sum3A_694 : vector<16xf32>, vector<16xi1> -> vector<16xf32>
        %reduce_sum3A_696 = vector.extract %reduce_sum3A_695[15] : f32 from vector<16xf32>
        %broadcast_in_dim3A_697 = vector.broadcast %reduce_sum3A_696 : f32 to vector<16xf32>
        %bitcast3A = vector.bitcast %broadcast_in_dim3A_697 : vector<16xf32> to vector<16xi32>
        %shift_right_arithmetic3A = arith.constant 23 : i32
        %shift_right_arithmetic3A_698 = vector.broadcast %shift_right_arithmetic3A : i32 to vector<16xi32>
        %shift_right_arithmetic3A_699 = arith.shrsi %bitcast3A, %shift_right_arithmetic3A_698 : vector<16xi32>
        %and3A = arith.constant 255 : i32
        %and3A_700 = vector.broadcast %and3A : i32 to vector<16xi32>
        %and3A_701 = arith.andi %shift_right_arithmetic3A_699, %and3A_700 : vector<16xi32>
        %sub3A_702 = arith.constant 127 : i32
        %sub3A_703 = vector.broadcast %sub3A_702 : i32 to vector<16xi32>
        %sub3A_704 = arith.subi %and3A_701, %sub3A_703 : vector<16xi32>
        %and3A_705 = arith.constant 8388607 : i32
        %and3A_706 = vector.broadcast %and3A_705 : i32 to vector<16xi32>
        %and3A_707 = arith.andi %bitcast3A, %and3A_706 : vector<16xi32>
        %or3A = arith.constant 1065353216 : i32
        %or3A_708 = vector.broadcast %or3A : i32 to vector<16xi32>
        %or3A_709 = arith.ori %and3A_707, %or3A_708 : vector<16xi32>
        %bitcast3A_710 = vector.bitcast %or3A_709 : vector<16xi32> to vector<16xf32>
        %broadcast_in_dim3A_711 = arith.constant -0.0248259846 : f32
        %broadcast_in_dim3A_712 = vector.broadcast %broadcast_in_dim3A_711 : f32 to vector<16xf32>
        %mul3A_713 = arith.mulf %broadcast_in_dim3A_712, %bitcast3A_710 : vector<16xf32>
        %add3A_714 = arith.constant 0.26686278 : f32
        %add3A_715 = vector.broadcast %add3A_714 : f32 to vector<16xf32>
        %add3A_716 = arith.addf %mul3A_713, %add3A_715 : vector<16xf32>
        %mul3A_717 = arith.mulf %add3A_716, %bitcast3A_710 : vector<16xf32>
        %add3A_718 = arith.constant -1.23427987 : f32
        %add3A_719 = vector.broadcast %add3A_718 : f32 to vector<16xf32>
        %add3A_720 = arith.addf %mul3A_717, %add3A_719 : vector<16xf32>
        %mul3A_721 = arith.mulf %add3A_720, %bitcast3A_710 : vector<16xf32>
        %add3A_722 = arith.constant 3.218870e+00 : f32
        %add3A_723 = vector.broadcast %add3A_722 : f32 to vector<16xf32>
        %add3A_724 = arith.addf %mul3A_721, %add3A_723 : vector<16xf32>
        %mul3A_725 = arith.mulf %add3A_724, %bitcast3A_710 : vector<16xf32>
        %add3A_726 = arith.constant -5.26415539 : f32
        %add3A_727 = vector.broadcast %add3A_726 : f32 to vector<16xf32>
        %add3A_728 = arith.addf %mul3A_725, %add3A_727 : vector<16xf32>
        %mul3A_729 = arith.mulf %add3A_728, %bitcast3A_710 : vector<16xf32>
        %add3A_730 = arith.constant 6.06585884 : f32
        %add3A_731 = vector.broadcast %add3A_730 : f32 to vector<16xf32>
        %add3A_732 = arith.addf %mul3A_729, %add3A_731 : vector<16xf32>
        %mul3A_733 = arith.mulf %add3A_732, %bitcast3A_710 : vector<16xf32>
        %add3A_734 = arith.constant -3.02832508 : f32
        %add3A_735 = vector.broadcast %add3A_734 : f32 to vector<16xf32>
        %add3A_736 = arith.addf %mul3A_733, %add3A_735 : vector<16xf32>
        %convert_element_type3A_737 = arith.sitofp %sub3A_704 : vector<16xi32> to vector<16xf32>
        %add3A_738 = arith.addf %convert_element_type3A_737, %add3A_736 : vector<16xf32>
        %mul3A_739 = arith.constant 0.693147182 : f32
        %mul3A_740 = vector.broadcast %mul3A_739 : f32 to vector<16xf32>
        %mul3A_741 = arith.mulf %add3A_738, %mul3A_740 : vector<16xf32>
        %sub3A_742 = arith.subf %add3A_286, %mul3A_741 : vector<16xf32>
        %swap3A_743 = arith.constant 1 : i32
        %swap3A_744 = arith.index_cast %swap3A_743 : i32 to index
        %swap3A_745 = arith.index_cast %scan3A_267 : i32 to index
        %swap3A_746 = arith.constant 0 : index
        %swap3A_747 = tpu.vector_load %arg12[%swap3A_744, %swap3A_745, %swap3A_746] {strides = array<i32>} : memref<2x32x512xf32, #tpu.memory_space<vmem>>, vector<16xf32>,
        tpu.vector_store %arg12[%swap3A_744, %swap3A_745, %swap3A_746], %sub3A_742 {strides = array<i32>} : memref<2x32x512xf32, #tpu.memory_space<vmem>>, vector<16xf32>,
        %sub3A_748 = arith.subf %add3A_298, %mul3A_741 : vector<16xf32>
        %swap3A_749 = arith.constant 1 : i32
        %swap3A_750 = arith.index_cast %swap3A_749 : i32 to index
        %swap3A_751 = arith.index_cast %scan3A_267 : i32 to index
        %swap3A_752 = arith.constant 16 : index
        %swap3A_753 = tpu.vector_load %arg12[%swap3A_750, %swap3A_751, %swap3A_752] {strides = array<i32>} : memref<2x32x512xf32, #tpu.memory_space<vmem>>, vector<16xf32>,
        tpu.vector_store %arg12[%swap3A_750, %swap3A_751, %swap3A_752], %sub3A_748 {strides = array<i32>} : memref<2x32x512xf32, #tpu.memory_space<vmem>>, vector<16xf32>,
        %sub3A_754 = arith.subf %add3A_311, %mul3A_741 : vector<16xf32>
        %swap3A_755 = arith.constant 1 : i32
        %swap3A_756 = arith.index_cast %swap3A_755 : i32 to index
        %swap3A_757 = arith.index_cast %scan3A_267 : i32 to index
        %swap3A_758 = arith.constant 32 : index
        %swap3A_759 = tpu.vector_load %arg12[%swap3A_756, %swap3A_757, %swap3A_758] {strides = array<i32>} : memref<2x32x512xf32, #tpu.memory_space<vmem>>, vector<16xf32>,
        tpu.vector_store %arg12[%swap3A_756, %swap3A_757, %swap3A_758], %sub3A_754 {strides = array<i32>} : memref<2x32x512xf32, #tpu.memory_space<vmem>>, vector<16xf32>,
        %sub3A_760 = arith.subf %add3A_324, %mul3A_741 : vector<16xf32>
        %swap3A_761 = arith.constant 1 : i32
        %swap3A_762 = arith.index_cast %swap3A_761 : i32 to index
        %swap3A_763 = arith.index_cast %scan3A_267 : i32 to index
        %swap3A_764 = arith.constant 48 : index
        %swap3A_765 = tpu.vector_load %arg12[%swap3A_762, %swap3A_763, %swap3A_764] {strides = array<i32>} : memref<2x32x512xf32, #tpu.memory_space<vmem>>, vector<16xf32>,
        tpu.vector_store %arg12[%swap3A_762, %swap3A_763, %swap3A_764], %sub3A_760 {strides = array<i32>} : memref<2x32x512xf32, #tpu.memory_space<vmem>>, vector<16xf32>,
        %sub3A_766 = arith.subf %add3A_337, %mul3A_741 : vector<16xf32>
        %swap3A_767 = arith.constant 1 : i32
        %swap3A_768 = arith.index_cast %swap3A_767 : i32 to index
        %swap3A_769 = arith.index_cast %scan3A_267 : i32 to index
        %swap3A_770 = arith.constant 64 : index
        %swap3A_771 = tpu.vector_load %arg12[%swap3A_768, %swap3A_769, %swap3A_770] {strides = array<i32>} : memref<2x32x512xf32, #tpu.memory_space<vmem>>, vector<16xf32>,
        tpu.vector_store %arg12[%swap3A_768, %swap3A_769, %swap3A_770], %sub3A_766 {strides = array<i32>} : memref<2x32x512xf32, #tpu.memory_space<vmem>>, vector<16xf32>,
        %sub3A_772 = arith.subf %add3A_350, %mul3A_741 : vector<16xf32>
        %swap3A_773 = arith.constant 1 : i32
        %swap3A_774 = arith.index_cast %swap3A_773 : i32 to index
        %swap3A_775 = arith.index_cast %scan3A_267 : i32 to index
        %swap3A_776 = arith.constant 80 : index
        %swap3A_777 = tpu.vector_load %arg12[%swap3A_774, %swap3A_775, %swap3A_776] {strides = array<i32>} : memref<2x32x512xf32, #tpu.memory_space<vmem>>, vector<16xf32>,
        tpu.vector_store %arg12[%swap3A_774, %swap3A_775, %swap3A_776], %sub3A_772 {strides = array<i32>} : memref<2x32x512xf32, #tpu.memory_space<vmem>>, vector<16xf32>,
        %sub3A_778 = arith.subf %add3A_363, %mul3A_741 : vector<16xf32>
        %swap3A_779 = arith.constant 1 : i32
        %swap3A_780 = arith.index_cast %swap3A_779 : i32 to index
        %swap3A_781 = arith.index_cast %scan3A_267 : i32 to index
        %swap3A_782 = arith.constant 96 : index
        %swap3A_783 = tpu.vector_load %arg12[%swap3A_780, %swap3A_781, %swap3A_782] {strides = array<i32>} : memref<2x32x512xf32, #tpu.memory_space<vmem>>, vector<16xf32>,
        tpu.vector_store %arg12[%swap3A_780, %swap3A_781, %swap3A_782], %sub3A_778 {strides = array<i32>} : memref<2x32x512xf32, #tpu.memory_space<vmem>>, vector<16xf32>,
        %sub3A_784 = arith.subf %add3A_376, %mul3A_741 : vector<16xf32>
        %swap3A_785 = arith.constant 1 : i32
        %swap3A_786 = arith.index_cast %swap3A_785 : i32 to index
        %swap3A_787 = arith.index_cast %scan3A_267 : i32 to index
        %swap3A_788 = arith.constant 112 : index
        %swap3A_789 = tpu.vector_load %arg12[%swap3A_786, %swap3A_787, %swap3A_788] {strides = array<i32>} : memref<2x32x512xf32, #tpu.memory_space<vmem>>, vector<16xf32>,
        tpu.vector_store %arg12[%swap3A_786, %swap3A_787, %swap3A_788], %sub3A_784 {strides = array<i32>} : memref<2x32x512xf32, #tpu.memory_space<vmem>>, vector<16xf32>,
        %sub3A_790 = arith.subf %add3A_389, %mul3A_741 : vector<16xf32>
        %swap3A_791 = arith.constant 1 : i32
        %swap3A_792 = arith.index_cast %swap3A_791 : i32 to index
        %swap3A_793 = arith.index_cast %scan3A_267 : i32 to index
        %swap3A_794 = arith.constant 128 : index
        %swap3A_795 = tpu.vector_load %arg12[%swap3A_792, %swap3A_793, %swap3A_794] {strides = array<i32>} : memref<2x32x512xf32, #tpu.memory_space<vmem>>, vector<16xf32>,
        tpu.vector_store %arg12[%swap3A_792, %swap3A_793, %swap3A_794], %sub3A_790 {strides = array<i32>} : memref<2x32x512xf32, #tpu.memory_space<vmem>>, vector<16xf32>,
        %sub3A_796 = arith.subf %add3A_402, %mul3A_741 : vector<16xf32>
        %swap3A_797 = arith.constant 1 : i32
        %swap3A_798 = arith.index_cast %swap3A_797 : i32 to index
        %swap3A_799 = arith.index_cast %scan3A_267 : i32 to index
        %swap3A_800 = arith.constant 144 : index
        %swap3A_801 = tpu.vector_load %arg12[%swap3A_798, %swap3A_799, %swap3A_800] {strides = array<i32>} : memref<2x32x512xf32, #tpu.memory_space<vmem>>, vector<16xf32>,
        tpu.vector_store %arg12[%swap3A_798, %swap3A_799, %swap3A_800], %sub3A_796 {strides = array<i32>} : memref<2x32x512xf32, #tpu.memory_space<vmem>>, vector<16xf32>,
        %sub3A_802 = arith.subf %add3A_415, %mul3A_741 : vector<16xf32>
        %swap3A_803 = arith.constant 1 : i32
        %swap3A_804 = arith.index_cast %swap3A_803 : i32 to index
        %swap3A_805 = arith.index_cast %scan3A_267 : i32 to index
        %swap3A_806 = arith.constant 160 : index
        %swap3A_807 = tpu.vector_load %arg12[%swap3A_804, %swap3A_805, %swap3A_806] {strides = array<i32>} : memref<2x32x512xf32, #tpu.memory_space<vmem>>, vector<16xf32>,
        tpu.vector_store %arg12[%swap3A_804, %swap3A_805, %swap3A_806], %sub3A_802 {strides = array<i32>} : memref<2x32x512xf32, #tpu.memory_space<vmem>>, vector<16xf32>,
        %sub3A_808 = arith.subf %add3A_428, %mul3A_741 : vector<16xf32>
        %swap3A_809 = arith.constant 1 : i32
        %swap3A_810 = arith.index_cast %swap3A_809 : i32 to index
        %swap3A_811 = arith.index_cast %scan3A_267 : i32 to index
        %swap3A_812 = arith.constant 176 : index
        %swap3A_813 = tpu.vector_load %arg12[%swap3A_810, %swap3A_811, %swap3A_812] {strides = array<i32>} : memref<2x32x512xf32, #tpu.memory_space<vmem>>, vector<16xf32>,
        tpu.vector_store %arg12[%swap3A_810, %swap3A_811, %swap3A_812], %sub3A_808 {strides = array<i32>} : memref<2x32x512xf32, #tpu.memory_space<vmem>>, vector<16xf32>,
        %sub3A_814 = arith.subf %add3A_441, %mul3A_741 : vector<16xf32>
        %swap3A_815 = arith.constant 1 : i32
        %swap3A_816 = arith.index_cast %swap3A_815 : i32 to index
        %swap3A_817 = arith.index_cast %scan3A_267 : i32 to index
        %swap3A_818 = arith.constant 192 : index
        %swap3A_819 = tpu.vector_load %arg12[%swap3A_816, %swap3A_817, %swap3A_818] {strides = array<i32>} : memref<2x32x512xf32, #tpu.memory_space<vmem>>, vector<16xf32>,
        tpu.vector_store %arg12[%swap3A_816, %swap3A_817, %swap3A_818], %sub3A_814 {strides = array<i32>} : memref<2x32x512xf32, #tpu.memory_space<vmem>>, vector<16xf32>,
        %sub3A_820 = arith.subf %add3A_454, %mul3A_741 : vector<16xf32>
        %swap3A_821 = arith.constant 1 : i32
        %swap3A_822 = arith.index_cast %swap3A_821 : i32 to index
        %swap3A_823 = arith.index_cast %scan3A_267 : i32 to index
        %swap3A_824 = arith.constant 208 : index
        %swap3A_825 = tpu.vector_load %arg12[%swap3A_822, %swap3A_823, %swap3A_824] {strides = array<i32>} : memref<2x32x512xf32, #tpu.memory_space<vmem>>, vector<16xf32>,
        tpu.vector_store %arg12[%swap3A_822, %swap3A_823, %swap3A_824], %sub3A_820 {strides = array<i32>} : memref<2x32x512xf32, #tpu.memory_space<vmem>>, vector<16xf32>,
        %sub3A_826 = arith.subf %add3A_467, %mul3A_741 : vector<16xf32>
        %swap3A_827 = arith.constant 1 : i32
        %swap3A_828 = arith.index_cast %swap3A_827 : i32 to index
        %swap3A_829 = arith.index_cast %scan3A_267 : i32 to index
        %swap3A_830 = arith.constant 224 : index
        %swap3A_831 = tpu.vector_load %arg12[%swap3A_828, %swap3A_829, %swap3A_830] {strides = array<i32>} : memref<2x32x512xf32, #tpu.memory_space<vmem>>, vector<16xf32>,
        tpu.vector_store %arg12[%swap3A_828, %swap3A_829, %swap3A_830], %sub3A_826 {strides = array<i32>} : memref<2x32x512xf32, #tpu.memory_space<vmem>>, vector<16xf32>,
        %sub3A_832 = arith.subf %add3A_480, %mul3A_741 : vector<16xf32>
        %swap3A_833 = arith.constant 1 : i32
        %swap3A_834 = arith.index_cast %swap3A_833 : i32 to index
        %swap3A_835 = arith.index_cast %scan3A_267 : i32 to index
        %swap3A_836 = arith.constant 240 : index
        %swap3A_837 = tpu.vector_load %arg12[%swap3A_834, %swap3A_835, %swap3A_836] {strides = array<i32>} : memref<2x32x512xf32, #tpu.memory_space<vmem>>, vector<16xf32>,
        tpu.vector_store %arg12[%swap3A_834, %swap3A_835, %swap3A_836], %sub3A_832 {strides = array<i32>} : memref<2x32x512xf32, #tpu.memory_space<vmem>>, vector<16xf32>,
        %sub3A_838 = arith.subf %add3A_493, %mul3A_741 : vector<16xf32>
        %swap3A_839 = arith.constant 1 : i32
        %swap3A_840 = arith.index_cast %swap3A_839 : i32 to index
        %swap3A_841 = arith.index_cast %scan3A_267 : i32 to index
        %swap3A_842 = arith.constant 256 : index
        %swap3A_843 = tpu.vector_load %arg12[%swap3A_840, %swap3A_841, %swap3A_842] {strides = array<i32>} : memref<2x32x512xf32, #tpu.memory_space<vmem>>, vector<16xf32>,
        tpu.vector_store %arg12[%swap3A_840, %swap3A_841, %swap3A_842], %sub3A_838 {strides = array<i32>} : memref<2x32x512xf32, #tpu.memory_space<vmem>>, vector<16xf32>,
        %sub3A_844 = arith.subf %add3A_506, %mul3A_741 : vector<16xf32>
        %swap3A_845 = arith.constant 1 : i32
        %swap3A_846 = arith.index_cast %swap3A_845 : i32 to index
        %swap3A_847 = arith.index_cast %scan3A_267 : i32 to index
        %swap3A_848 = arith.constant 272 : index
        %swap3A_849 = tpu.vector_load %arg12[%swap3A_846, %swap3A_847, %swap3A_848] {strides = array<i32>} : memref<2x32x512xf32, #tpu.memory_space<vmem>>, vector<16xf32>,
        tpu.vector_store %arg12[%swap3A_846, %swap3A_847, %swap3A_848], %sub3A_844 {strides = array<i32>} : memref<2x32x512xf32, #tpu.memory_space<vmem>>, vector<16xf32>,
        %sub3A_850 = arith.subf %add3A_519, %mul3A_741 : vector<16xf32>
        %swap3A_851 = arith.constant 1 : i32
        %swap3A_852 = arith.index_cast %swap3A_851 : i32 to index
        %swap3A_853 = arith.index_cast %scan3A_267 : i32 to index
        %swap3A_854 = arith.constant 288 : index
        %swap3A_855 = tpu.vector_load %arg12[%swap3A_852, %swap3A_853, %swap3A_854] {strides = array<i32>} : memref<2x32x512xf32, #tpu.memory_space<vmem>>, vector<16xf32>,
        tpu.vector_store %arg12[%swap3A_852, %swap3A_853, %swap3A_854], %sub3A_850 {strides = array<i32>} : memref<2x32x512xf32, #tpu.memory_space<vmem>>, vector<16xf32>,
        %sub3A_856 = arith.subf %add3A_532, %mul3A_741 : vector<16xf32>
        %swap3A_857 = arith.constant 1 : i32
        %swap3A_858 = arith.index_cast %swap3A_857 : i32 to index
        %swap3A_859 = arith.index_cast %scan3A_267 : i32 to index
        %swap3A_860 = arith.constant 304 : index
        %swap3A_861 = tpu.vector_load %arg12[%swap3A_858, %swap3A_859, %swap3A_860] {strides = array<i32>} : memref<2x32x512xf32, #tpu.memory_space<vmem>>, vector<16xf32>,
        tpu.vector_store %arg12[%swap3A_858, %swap3A_859, %swap3A_860], %sub3A_856 {strides = array<i32>} : memref<2x32x512xf32, #tpu.memory_space<vmem>>, vector<16xf32>,
        %sub3A_862 = arith.subf %add3A_545, %mul3A_741 : vector<16xf32>
        %swap3A_863 = arith.constant 1 : i32
        %swap3A_864 = arith.index_cast %swap3A_863 : i32 to index
        %swap3A_865 = arith.index_cast %scan3A_267 : i32 to index
        %swap3A_866 = arith.constant 320 : index
        %swap3A_867 = tpu.vector_load %arg12[%swap3A_864, %swap3A_865, %swap3A_866] {strides = array<i32>} : memref<2x32x512xf32, #tpu.memory_space<vmem>>, vector<16xf32>,
        tpu.vector_store %arg12[%swap3A_864, %swap3A_865, %swap3A_866], %sub3A_862 {strides = array<i32>} : memref<2x32x512xf32, #tpu.memory_space<vmem>>, vector<16xf32>,
        %sub3A_868 = arith.subf %add3A_558, %mul3A_741 : vector<16xf32>
        %swap3A_869 = arith.constant 1 : i32
        %swap3A_870 = arith.index_cast %swap3A_869 : i32 to index
        %swap3A_871 = arith.index_cast %scan3A_267 : i32 to index
        %swap3A_872 = arith.constant 336 : index
        %swap3A_873 = tpu.vector_load %arg12[%swap3A_870, %swap3A_871, %swap3A_872] {strides = array<i32>} : memref<2x32x512xf32, #tpu.memory_space<vmem>>, vector<16xf32>,
        tpu.vector_store %arg12[%swap3A_870, %swap3A_871, %swap3A_872], %sub3A_868 {strides = array<i32>} : memref<2x32x512xf32, #tpu.memory_space<vmem>>, vector<16xf32>,
        %sub3A_874 = arith.subf %add3A_571, %mul3A_741 : vector<16xf32>
        %swap3A_875 = arith.constant 1 : i32
        %swap3A_876 = arith.index_cast %swap3A_875 : i32 to index
        %swap3A_877 = arith.index_cast %scan3A_267 : i32 to index
        %swap3A_878 = arith.constant 352 : index
        %swap3A_879 = tpu.vector_load %arg12[%swap3A_876, %swap3A_877, %swap3A_878] {strides = array<i32>} : memref<2x32x512xf32, #tpu.memory_space<vmem>>, vector<16xf32>,
        tpu.vector_store %arg12[%swap3A_876, %swap3A_877, %swap3A_878], %sub3A_874 {strides = array<i32>} : memref<2x32x512xf32, #tpu.memory_space<vmem>>, vector<16xf32>,
        %sub3A_880 = arith.subf %add3A_584, %mul3A_741 : vector<16xf32>
        %swap3A_881 = arith.constant 1 : i32
        %swap3A_882 = arith.index_cast %swap3A_881 : i32 to index
        %swap3A_883 = arith.index_cast %scan3A_267 : i32 to index
        %swap3A_884 = arith.constant 368 : index
        %swap3A_885 = tpu.vector_load %arg12[%swap3A_882, %swap3A_883, %swap3A_884] {strides = array<i32>} : memref<2x32x512xf32, #tpu.memory_space<vmem>>, vector<16xf32>,
        tpu.vector_store %arg12[%swap3A_882, %swap3A_883, %swap3A_884], %sub3A_880 {strides = array<i32>} : memref<2x32x512xf32, #tpu.memory_space<vmem>>, vector<16xf32>,
        %sub3A_886 = arith.subf %add3A_597, %mul3A_741 : vector<16xf32>
        %swap3A_887 = arith.constant 1 : i32
        %swap3A_888 = arith.index_cast %swap3A_887 : i32 to index
        %swap3A_889 = arith.index_cast %scan3A_267 : i32 to index
        %swap3A_890 = arith.constant 384 : index
        %swap3A_891 = tpu.vector_load %arg12[%swap3A_888, %swap3A_889, %swap3A_890] {strides = array<i32>} : memref<2x32x512xf32, #tpu.memory_space<vmem>>, vector<16xf32>,
        tpu.vector_store %arg12[%swap3A_888, %swap3A_889, %swap3A_890], %sub3A_886 {strides = array<i32>} : memref<2x32x512xf32, #tpu.memory_space<vmem>>, vector<16xf32>,
        %sub3A_892 = arith.subf %add3A_610, %mul3A_741 : vector<16xf32>
        %swap3A_893 = arith.constant 1 : i32
        %swap3A_894 = arith.index_cast %swap3A_893 : i32 to index
        %swap3A_895 = arith.index_cast %scan3A_267 : i32 to index
        %swap3A_896 = arith.constant 400 : index
        %swap3A_897 = tpu.vector_load %arg12[%swap3A_894, %swap3A_895, %swap3A_896] {strides = array<i32>} : memref<2x32x512xf32, #tpu.memory_space<vmem>>, vector<16xf32>,
        tpu.vector_store %arg12[%swap3A_894, %swap3A_895, %swap3A_896], %sub3A_892 {strides = array<i32>} : memref<2x32x512xf32, #tpu.memory_space<vmem>>, vector<16xf32>,
        %sub3A_898 = arith.subf %add3A_623, %mul3A_741 : vector<16xf32>
        %swap3A_899 = arith.constant 1 : i32
        %swap3A_900 = arith.index_cast %swap3A_899 : i32 to index
        %swap3A_901 = arith.index_cast %scan3A_267 : i32 to index
        %swap3A_902 = arith.constant 416 : index
        %swap3A_903 = tpu.vector_load %arg12[%swap3A_900, %swap3A_901, %swap3A_902] {strides = array<i32>} : memref<2x32x512xf32, #tpu.memory_space<vmem>>, vector<16xf32>,
        tpu.vector_store %arg12[%swap3A_900, %swap3A_901, %swap3A_902], %sub3A_898 {strides = array<i32>} : memref<2x32x512xf32, #tpu.memory_space<vmem>>, vector<16xf32>,
        %sub3A_904 = arith.subf %add3A_636, %mul3A_741 : vector<16xf32>
        %swap3A_905 = arith.constant 1 : i32
        %swap3A_906 = arith.index_cast %swap3A_905 : i32 to index
        %swap3A_907 = arith.index_cast %scan3A_267 : i32 to index
        %swap3A_908 = arith.constant 432 : index
        %swap3A_909 = tpu.vector_load %arg12[%swap3A_906, %swap3A_907, %swap3A_908] {strides = array<i32>} : memref<2x32x512xf32, #tpu.memory_space<vmem>>, vector<16xf32>,
        tpu.vector_store %arg12[%swap3A_906, %swap3A_907, %swap3A_908], %sub3A_904 {strides = array<i32>} : memref<2x32x512xf32, #tpu.memory_space<vmem>>, vector<16xf32>,
        %sub3A_910 = arith.subf %add3A_649, %mul3A_741 : vector<16xf32>
        %swap3A_911 = arith.constant 1 : i32
        %swap3A_912 = arith.index_cast %swap3A_911 : i32 to index
        %swap3A_913 = arith.index_cast %scan3A_267 : i32 to index
        %swap3A_914 = arith.constant 448 : index
        %swap3A_915 = tpu.vector_load %arg12[%swap3A_912, %swap3A_913, %swap3A_914] {strides = array<i32>} : memref<2x32x512xf32, #tpu.memory_space<vmem>>, vector<16xf32>,
        tpu.vector_store %arg12[%swap3A_912, %swap3A_913, %swap3A_914], %sub3A_910 {strides = array<i32>} : memref<2x32x512xf32, #tpu.memory_space<vmem>>, vector<16xf32>,
        %sub3A_916 = arith.subf %add3A_662, %mul3A_741 : vector<16xf32>
        %swap3A_917 = arith.constant 1 : i32
        %swap3A_918 = arith.index_cast %swap3A_917 : i32 to index
        %swap3A_919 = arith.index_cast %scan3A_267 : i32 to index
        %swap3A_920 = arith.constant 464 : index
        %swap3A_921 = tpu.vector_load %arg12[%swap3A_918, %swap3A_919, %swap3A_920] {strides = array<i32>} : memref<2x32x512xf32, #tpu.memory_space<vmem>>, vector<16xf32>,
        tpu.vector_store %arg12[%swap3A_918, %swap3A_919, %swap3A_920], %sub3A_916 {strides = array<i32>} : memref<2x32x512xf32, #tpu.memory_space<vmem>>, vector<16xf32>,
        %sub3A_922 = arith.subf %add3A_675, %mul3A_741 : vector<16xf32>
        %swap3A_923 = arith.constant 1 : i32
        %swap3A_924 = arith.index_cast %swap3A_923 : i32 to index
        %swap3A_925 = arith.index_cast %scan3A_267 : i32 to index
        %swap3A_926 = arith.constant 480 : index
        %swap3A_927 = tpu.vector_load %arg12[%swap3A_924, %swap3A_925, %swap3A_926] {strides = array<i32>} : memref<2x32x512xf32, #tpu.memory_space<vmem>>, vector<16xf32>,
        tpu.vector_store %arg12[%swap3A_924, %swap3A_925, %swap3A_926], %sub3A_922 {strides = array<i32>} : memref<2x32x512xf32, #tpu.memory_space<vmem>>, vector<16xf32>,
        %sub3A_928 = arith.subf %add3A_688, %mul3A_741 : vector<16xf32>
        %swap3A_929 = arith.constant 1 : i32
        %swap3A_930 = arith.index_cast %swap3A_929 : i32 to index
        %swap3A_931 = arith.index_cast %scan3A_267 : i32 to index
        %swap3A_932 = arith.constant 496 : index
        %swap3A_933 = tpu.vector_load %arg12[%swap3A_930, %swap3A_931, %swap3A_932] {strides = array<i32>} : memref<2x32x512xf32, #tpu.memory_space<vmem>>, vector<16xf32>,
        tpu.vector_store %arg12[%swap3A_930, %swap3A_931, %swap3A_932], %sub3A_928 {strides = array<i32>} : memref<2x32x512xf32, #tpu.memory_space<vmem>>, vector<16xf32>,
        %scan3A_934 = arith.constant 1 : i32
        %scan3A_935 = arith.addi %scan3A_267, %scan3A_934 : i32
        %broadcast_in_dim3A_936 = arith.constant 0.000000e+00 : f32
        %broadcast_in_dim3A_937 = vector.broadcast %broadcast_in_dim3A_936 : f32 to vector<16xf32>
        %broadcast_in_dim3A_938 = arith.constant 0.000000e+00 : f32
        %broadcast_in_dim3A_939 = vector.broadcast %broadcast_in_dim3A_938 : f32 to vector<16xf32>
        %broadcast_in_dim3A_940 = arith.constant 0.000000e+00 : f32
        %broadcast_in_dim3A_941 = vector.broadcast %broadcast_in_dim3A_940 : f32 to vector<16xf32>
        %broadcast_in_dim3A_942 = arith.constant 0.000000e+00 : f32
        %broadcast_in_dim3A_943 = vector.broadcast %broadcast_in_dim3A_942 : f32 to vector<16xf32>
        %get3A_944 = arith.constant 1 : i32
        %get3A_945 = arith.index_cast %get3A_944 : i32 to index
        %get3A_946 = arith.index_cast %scan3A_935 : i32 to index
        %get3A_947 = arith.constant 0 : index
        %get3A_948 = tpu.vector_load %arg12[%get3A_945, %get3A_946, %get3A_947] {strides = array<i32>} : memref<2x32x512xf32, #tpu.memory_space<vmem>>, vector<16xf32>,
        %get3A_949 = arith.constant 1 : i32
        %get3A_950 = arith.index_cast %get3A_949 : i32 to index
        %get3A_951 = arith.index_cast %scan3A_935 : i32 to index
        %get3A_952 = arith.constant 0 : index
        %get3A_953 = tpu.vector_load %arg13[%get3A_950, %get3A_951, %get3A_952] {strides = array<i32>} : memref<2x32x512xf32, #tpu.memory_space<vmem>>, vector<16xf32>,
        %add3A_954 = arith.addf %get3A_948, %get3A_953 : vector<16xf32>
        %exp3A_955 = math.exp %add3A_954 : vector<16xf32>
        %add3A_956 = arith.addf %broadcast_in_dim3A_937, %exp3A_955 : vector<16xf32>
        %get3A_957 = arith.constant 1 : i32
        %get3A_958 = arith.index_cast %get3A_957 : i32 to index
        %get3A_959 = arith.index_cast %scan3A_935 : i32 to index
        %get3A_960 = arith.constant 16 : index
        %get3A_961 = tpu.vector_load %arg12[%get3A_958, %get3A_959, %get3A_960] {strides = array<i32>} : memref<2x32x512xf32, #tpu.memory_space<vmem>>, vector<16xf32>,
        %get3A_962 = arith.constant 1 : i32
        %get3A_963 = arith.index_cast %get3A_962 : i32 to index
        %get3A_964 = arith.index_cast %scan3A_935 : i32 to index
        %get3A_965 = arith.constant 16 : index
        %get3A_966 = tpu.vector_load %arg13[%get3A_963, %get3A_964, %get3A_965] {strides = array<i32>} : memref<2x32x512xf32, #tpu.memory_space<vmem>>, vector<16xf32>,
        %add3A_967 = arith.addf %get3A_961, %get3A_966 : vector<16xf32>
        %exp3A_968 = math.exp %add3A_967 : vector<16xf32>
        %add3A_969 = arith.addf %broadcast_in_dim3A_939, %exp3A_968 : vector<16xf32>
        %get3A_970 = arith.constant 1 : i32
        %get3A_971 = arith.index_cast %get3A_970 : i32 to index
        %get3A_972 = arith.index_cast %scan3A_935 : i32 to index
        %get3A_973 = arith.constant 32 : index
        %get3A_974 = tpu.vector_load %arg12[%get3A_971, %get3A_972, %get3A_973] {strides = array<i32>} : memref<2x32x512xf32, #tpu.memory_space<vmem>>, vector<16xf32>,
        %get3A_975 = arith.constant 1 : i32
        %get3A_976 = arith.index_cast %get3A_975 : i32 to index
        %get3A_977 = arith.index_cast %scan3A_935 : i32 to index
        %get3A_978 = arith.constant 32 : index
        %get3A_979 = tpu.vector_load %arg13[%get3A_976, %get3A_977, %get3A_978] {strides = array<i32>} : memref<2x32x512xf32, #tpu.memory_space<vmem>>, vector<16xf32>,
        %add3A_980 = arith.addf %get3A_974, %get3A_979 : vector<16xf32>
        %exp3A_981 = math.exp %add3A_980 : vector<16xf32>
        %add3A_982 = arith.addf %broadcast_in_dim3A_941, %exp3A_981 : vector<16xf32>
        %get3A_983 = arith.constant 1 : i32
        %get3A_984 = arith.index_cast %get3A_983 : i32 to index
        %get3A_985 = arith.index_cast %scan3A_935 : i32 to index
        %get3A_986 = arith.constant 48 : index
        %get3A_987 = tpu.vector_load %arg12[%get3A_984, %get3A_985, %get3A_986] {strides = array<i32>} : memref<2x32x512xf32, #tpu.memory_space<vmem>>, vector<16xf32>,
        %get3A_988 = arith.constant 1 : i32
        %get3A_989 = arith.index_cast %get3A_988 : i32 to index
        %get3A_990 = arith.index_cast %scan3A_935 : i32 to index
        %get3A_991 = arith.constant 48 : index
        %get3A_992 = tpu.vector_load %arg13[%get3A_989, %get3A_990, %get3A_991] {strides = array<i32>} : memref<2x32x512xf32, #tpu.memory_space<vmem>>, vector<16xf32>,
        %add3A_993 = arith.addf %get3A_987, %get3A_992 : vector<16xf32>
        %exp3A_994 = math.exp %add3A_993 : vector<16xf32>
        %add3A_995 = arith.addf %broadcast_in_dim3A_943, %exp3A_994 : vector<16xf32>
        %get3A_996 = arith.constant 1 : i32
        %get3A_997 = arith.index_cast %get3A_996 : i32 to index
        %get3A_998 = arith.index_cast %scan3A_935 : i32 to index
        %get3A_999 = arith.constant 64 : index
        %get3A_1000 = tpu.vector_load %arg12[%get3A_997, %get3A_998, %get3A_999] {strides = array<i32>} : memref<2x32x512xf32, #tpu.memory_space<vmem>>, vector<16xf32>,
        %get3A_1001 = arith.constant 1 : i32
        %get3A_1002 = arith.index_cast %get3A_1001 : i32 to index
        %get3A_1003 = arith.index_cast %scan3A_935 : i32 to index
        %get3A_1004 = arith.constant 64 : index
        %get3A_1005 = tpu.vector_load %arg13[%get3A_1002, %get3A_1003, %get3A_1004] {strides = array<i32>} : memref<2x32x512xf32, #tpu.memory_space<vmem>>, vector<16xf32>,
        %add3A_1006 = arith.addf %get3A_1000, %get3A_1005 : vector<16xf32>
        %exp3A_1007 = math.exp %add3A_1006 : vector<16xf32>
        %add3A_1008 = arith.addf %add3A_956, %exp3A_1007 : vector<16xf32>
        %get3A_1009 = arith.constant 1 : i32
        %get3A_1010 = arith.index_cast %get3A_1009 : i32 to index
        %get3A_1011 = arith.index_cast %scan3A_935 : i32 to index
        %get3A_1012 = arith.constant 80 : index
        %get3A_1013 = tpu.vector_load %arg12[%get3A_1010, %get3A_1011, %get3A_1012] {strides = array<i32>} : memref<2x32x512xf32, #tpu.memory_space<vmem>>, vector<16xf32>,
        %get3A_1014 = arith.constant 1 : i32
        %get3A_1015 = arith.index_cast %get3A_1014 : i32 to index
        %get3A_1016 = arith.index_cast %scan3A_935 : i32 to index
        %get3A_1017 = arith.constant 80 : index
        %get3A_1018 = tpu.vector_load %arg13[%get3A_1015, %get3A_1016, %get3A_1017] {strides = array<i32>} : memref<2x32x512xf32, #tpu.memory_space<vmem>>, vector<16xf32>,
        %add3A_1019 = arith.addf %get3A_1013, %get3A_1018 : vector<16xf32>
        %exp3A_1020 = math.exp %add3A_1019 : vector<16xf32>
        %add3A_1021 = arith.addf %add3A_969, %exp3A_1020 : vector<16xf32>
        %get3A_1022 = arith.constant 1 : i32
        %get3A_1023 = arith.index_cast %get3A_1022 : i32 to index
        %get3A_1024 = arith.index_cast %scan3A_935 : i32 to index
        %get3A_1025 = arith.constant 96 : index
        %get3A_1026 = tpu.vector_load %arg12[%get3A_1023, %get3A_1024, %get3A_1025] {strides = array<i32>} : memref<2x32x512xf32, #tpu.memory_space<vmem>>, vector<16xf32>,
        %get3A_1027 = arith.constant 1 : i32
        %get3A_1028 = arith.index_cast %get3A_1027 : i32 to index
        %get3A_1029 = arith.index_cast %scan3A_935 : i32 to index
        %get3A_1030 = arith.constant 96 : index
        %get3A_1031 = tpu.vector_load %arg13[%get3A_1028, %get3A_1029, %get3A_1030] {strides = array<i32>} : memref<2x32x512xf32, #tpu.memory_space<vmem>>, vector<16xf32>,
        %add3A_1032 = arith.addf %get3A_1026, %get3A_1031 : vector<16xf32>
        %exp3A_1033 = math.exp %add3A_1032 : vector<16xf32>
        %add3A_1034 = arith.addf %add3A_982, %exp3A_1033 : vector<16xf32>
        %get3A_1035 = arith.constant 1 : i32
        %get3A_1036 = arith.index_cast %get3A_1035 : i32 to index
        %get3A_1037 = arith.index_cast %scan3A_935 : i32 to index
        %get3A_1038 = arith.constant 112 : index
        %get3A_1039 = tpu.vector_load %arg12[%get3A_1036, %get3A_1037, %get3A_1038] {strides = array<i32>} : memref<2x32x512xf32, #tpu.memory_space<vmem>>, vector<16xf32>,
        %get3A_1040 = arith.constant 1 : i32
        %get3A_1041 = arith.index_cast %get3A_1040 : i32 to index
        %get3A_1042 = arith.index_cast %scan3A_935 : i32 to index
        %get3A_1043 = arith.constant 112 : index
        %get3A_1044 = tpu.vector_load %arg13[%get3A_1041, %get3A_1042, %get3A_1043] {strides = array<i32>} : memref<2x32x512xf32, #tpu.memory_space<vmem>>, vector<16xf32>,
        %add3A_1045 = arith.addf %get3A_1039, %get3A_1044 : vector<16xf32>
        %exp3A_1046 = math.exp %add3A_1045 : vector<16xf32>
        %add3A_1047 = arith.addf %add3A_995, %exp3A_1046 : vector<16xf32>
        %get3A_1048 = arith.constant 1 : i32
        %get3A_1049 = arith.index_cast %get3A_1048 : i32 to index
        %get3A_1050 = arith.index_cast %scan3A_935 : i32 to index
        %get3A_1051 = arith.constant 128 : index
        %get3A_1052 = tpu.vector_load %arg12[%get3A_1049, %get3A_1050, %get3A_1051] {strides = array<i32>} : memref<2x32x512xf32, #tpu.memory_space<vmem>>, vector<16xf32>,
        %get3A_1053 = arith.constant 1 : i32
        %get3A_1054 = arith.index_cast %get3A_1053 : i32 to index
        %get3A_1055 = arith.index_cast %scan3A_935 : i32 to index
        %get3A_1056 = arith.constant 128 : index
        %get3A_1057 = tpu.vector_load %arg13[%get3A_1054, %get3A_1055, %get3A_1056] {strides = array<i32>} : memref<2x32x512xf32, #tpu.memory_space<vmem>>, vector<16xf32>,
        %add3A_1058 = arith.addf %get3A_1052, %get3A_1057 : vector<16xf32>
        %exp3A_1059 = math.exp %add3A_1058 : vector<16xf32>
        %add3A_1060 = arith.addf %add3A_1008, %exp3A_1059 : vector<16xf32>
        %get3A_1061 = arith.constant 1 : i32
        %get3A_1062 = arith.index_cast %get3A_1061 : i32 to index
        %get3A_1063 = arith.index_cast %scan3A_935 : i32 to index
        %get3A_1064 = arith.constant 144 : index
        %get3A_1065 = tpu.vector_load %arg12[%get3A_1062, %get3A_1063, %get3A_1064] {strides = array<i32>} : memref<2x32x512xf32, #tpu.memory_space<vmem>>, vector<16xf32>,
        %get3A_1066 = arith.constant 1 : i32
        %get3A_1067 = arith.index_cast %get3A_1066 : i32 to index
        %get3A_1068 = arith.index_cast %scan3A_935 : i32 to index
        %get3A_1069 = arith.constant 144 : index
        %get3A_1070 = tpu.vector_load %arg13[%get3A_1067, %get3A_1068, %get3A_1069] {strides = array<i32>} : memref<2x32x512xf32, #tpu.memory_space<vmem>>, vector<16xf32>,
        %add3A_1071 = arith.addf %get3A_1065, %get3A_1070 : vector<16xf32>
        %exp3A_1072 = math.exp %add3A_1071 : vector<16xf32>
        %add3A_1073 = arith.addf %add3A_1021, %exp3A_1072 : vector<16xf32>
        %get3A_1074 = arith.constant 1 : i32
        %get3A_1075 = arith.index_cast %get3A_1074 : i32 to index
        %get3A_1076 = arith.index_cast %scan3A_935 : i32 to index
        %get3A_1077 = arith.constant 160 : index
        %get3A_1078 = tpu.vector_load %arg12[%get3A_1075, %get3A_1076, %get3A_1077] {strides = array<i32>} : memref<2x32x512xf32, #tpu.memory_space<vmem>>, vector<16xf32>,
        %get3A_1079 = arith.constant 1 : i32
        %get3A_1080 = arith.index_cast %get3A_1079 : i32 to index
        %get3A_1081 = arith.index_cast %scan3A_935 : i32 to index
        %get3A_1082 = arith.constant 160 : index
        %get3A_1083 = tpu.vector_load %arg13[%get3A_1080, %get3A_1081, %get3A_1082] {strides = array<i32>} : memref<2x32x512xf32, #tpu.memory_space<vmem>>, vector<16xf32>,
        %add3A_1084 = arith.addf %get3A_1078, %get3A_1083 : vector<16xf32>
        %exp3A_1085 = math.exp %add3A_1084 : vector<16xf32>
        %add3A_1086 = arith.addf %add3A_1034, %exp3A_1085 : vector<16xf32>
        %get3A_1087 = arith.constant 1 : i32
        %get3A_1088 = arith.index_cast %get3A_1087 : i32 to index
        %get3A_1089 = arith.index_cast %scan3A_935 : i32 to index
        %get3A_1090 = arith.constant 176 : index
        %get3A_1091 = tpu.vector_load %arg12[%get3A_1088, %get3A_1089, %get3A_1090] {strides = array<i32>} : memref<2x32x512xf32, #tpu.memory_space<vmem>>, vector<16xf32>,
        %get3A_1092 = arith.constant 1 : i32
        %get3A_1093 = arith.index_cast %get3A_1092 : i32 to index
        %get3A_1094 = arith.index_cast %scan3A_935 : i32 to index
        %get3A_1095 = arith.constant 176 : index
        %get3A_1096 = tpu.vector_load %arg13[%get3A_1093, %get3A_1094, %get3A_1095] {strides = array<i32>} : memref<2x32x512xf32, #tpu.memory_space<vmem>>, vector<16xf32>,
        %add3A_1097 = arith.addf %get3A_1091, %get3A_1096 : vector<16xf32>
        %exp3A_1098 = math.exp %add3A_1097 : vector<16xf32>
        %add3A_1099 = arith.addf %add3A_1047, %exp3A_1098 : vector<16xf32>
        %get3A_1100 = arith.constant 1 : i32
        %get3A_1101 = arith.index_cast %get3A_1100 : i32 to index
        %get3A_1102 = arith.index_cast %scan3A_935 : i32 to index
        %get3A_1103 = arith.constant 192 : index
        %get3A_1104 = tpu.vector_load %arg12[%get3A_1101, %get3A_1102, %get3A_1103] {strides = array<i32>} : memref<2x32x512xf32, #tpu.memory_space<vmem>>, vector<16xf32>,
        %get3A_1105 = arith.constant 1 : i32
        %get3A_1106 = arith.index_cast %get3A_1105 : i32 to index
        %get3A_1107 = arith.index_cast %scan3A_935 : i32 to index
        %get3A_1108 = arith.constant 192 : index
        %get3A_1109 = tpu.vector_load %arg13[%get3A_1106, %get3A_1107, %get3A_1108] {strides = array<i32>} : memref<2x32x512xf32, #tpu.memory_space<vmem>>, vector<16xf32>,
        %add3A_1110 = arith.addf %get3A_1104, %get3A_1109 : vector<16xf32>
        %exp3A_1111 = math.exp %add3A_1110 : vector<16xf32>
        %add3A_1112 = arith.addf %add3A_1060, %exp3A_1111 : vector<16xf32>
        %get3A_1113 = arith.constant 1 : i32
        %get3A_1114 = arith.index_cast %get3A_1113 : i32 to index
        %get3A_1115 = arith.index_cast %scan3A_935 : i32 to index
        %get3A_1116 = arith.constant 208 : index
        %get3A_1117 = tpu.vector_load %arg12[%get3A_1114, %get3A_1115, %get3A_1116] {strides = array<i32>} : memref<2x32x512xf32, #tpu.memory_space<vmem>>, vector<16xf32>,
        %get3A_1118 = arith.constant 1 : i32
        %get3A_1119 = arith.index_cast %get3A_1118 : i32 to index
        %get3A_1120 = arith.index_cast %scan3A_935 : i32 to index
        %get3A_1121 = arith.constant 208 : index
        %get3A_1122 = tpu.vector_load %arg13[%get3A_1119, %get3A_1120, %get3A_1121] {strides = array<i32>} : memref<2x32x512xf32, #tpu.memory_space<vmem>>, vector<16xf32>,
        %add3A_1123 = arith.addf %get3A_1117, %get3A_1122 : vector<16xf32>
        %exp3A_1124 = math.exp %add3A_1123 : vector<16xf32>
        %add3A_1125 = arith.addf %add3A_1073, %exp3A_1124 : vector<16xf32>
        %get3A_1126 = arith.constant 1 : i32
        %get3A_1127 = arith.index_cast %get3A_1126 : i32 to index
        %get3A_1128 = arith.index_cast %scan3A_935 : i32 to index
        %get3A_1129 = arith.constant 224 : index
        %get3A_1130 = tpu.vector_load %arg12[%get3A_1127, %get3A_1128, %get3A_1129] {strides = array<i32>} : memref<2x32x512xf32, #tpu.memory_space<vmem>>, vector<16xf32>,
        %get3A_1131 = arith.constant 1 : i32
        %get3A_1132 = arith.index_cast %get3A_1131 : i32 to index
        %get3A_1133 = arith.index_cast %scan3A_935 : i32 to index
        %get3A_1134 = arith.constant 224 : index
        %get3A_1135 = tpu.vector_load %arg13[%get3A_1132, %get3A_1133, %get3A_1134] {strides = array<i32>} : memref<2x32x512xf32, #tpu.memory_space<vmem>>, vector<16xf32>,
        %add3A_1136 = arith.addf %get3A_1130, %get3A_1135 : vector<16xf32>
        %exp3A_1137 = math.exp %add3A_1136 : vector<16xf32>
        %add3A_1138 = arith.addf %add3A_1086, %exp3A_1137 : vector<16xf32>
        %get3A_1139 = arith.constant 1 : i32
        %get3A_1140 = arith.index_cast %get3A_1139 : i32 to index
        %get3A_1141 = arith.index_cast %scan3A_935 : i32 to index
        %get3A_1142 = arith.constant 240 : index
        %get3A_1143 = tpu.vector_load %arg12[%get3A_1140, %get3A_1141, %get3A_1142] {strides = array<i32>} : memref<2x32x512xf32, #tpu.memory_space<vmem>>, vector<16xf32>,
        %get3A_1144 = arith.constant 1 : i32
        %get3A_1145 = arith.index_cast %get3A_1144 : i32 to index
        %get3A_1146 = arith.index_cast %scan3A_935 : i32 to index
        %get3A_1147 = arith.constant 240 : index
        %get3A_1148 = tpu.vector_load %arg13[%get3A_1145, %get3A_1146, %get3A_1147] {strides = array<i32>} : memref<2x32x512xf32, #tpu.memory_space<vmem>>, vector<16xf32>,
        %add3A_1149 = arith.addf %get3A_1143, %get3A_1148 : vector<16xf32>
        %exp3A_1150 = math.exp %add3A_1149 : vector<16xf32>
        %add3A_1151 = arith.addf %add3A_1099, %exp3A_1150 : vector<16xf32>
        %get3A_1152 = arith.constant 1 : i32
        %get3A_1153 = arith.index_cast %get3A_1152 : i32 to index
        %get3A_1154 = arith.index_cast %scan3A_935 : i32 to index
        %get3A_1155 = arith.constant 256 : index
        %get3A_1156 = tpu.vector_load %arg12[%get3A_1153, %get3A_1154, %get3A_1155] {strides = array<i32>} : memref<2x32x512xf32, #tpu.memory_space<vmem>>, vector<16xf32>,
        %get3A_1157 = arith.constant 1 : i32
        %get3A_1158 = arith.index_cast %get3A_1157 : i32 to index
        %get3A_1159 = arith.index_cast %scan3A_935 : i32 to index
        %get3A_1160 = arith.constant 256 : index
        %get3A_1161 = tpu.vector_load %arg13[%get3A_1158, %get3A_1159, %get3A_1160] {strides = array<i32>} : memref<2x32x512xf32, #tpu.memory_space<vmem>>, vector<16xf32>,
        %add3A_1162 = arith.addf %get3A_1156, %get3A_1161 : vector<16xf32>
        %exp3A_1163 = math.exp %add3A_1162 : vector<16xf32>
        %add3A_1164 = arith.addf %add3A_1112, %exp3A_1163 : vector<16xf32>
        %get3A_1165 = arith.constant 1 : i32
        %get3A_1166 = arith.index_cast %get3A_1165 : i32 to index
        %get3A_1167 = arith.index_cast %scan3A_935 : i32 to index
        %get3A_1168 = arith.constant 272 : index
        %get3A_1169 = tpu.vector_load %arg12[%get3A_1166, %get3A_1167, %get3A_1168] {strides = array<i32>} : memref<2x32x512xf32, #tpu.memory_space<vmem>>, vector<16xf32>,
        %get3A_1170 = arith.constant 1 : i32
        %get3A_1171 = arith.index_cast %get3A_1170 : i32 to index
        %get3A_1172 = arith.index_cast %scan3A_935 : i32 to index
        %get3A_1173 = arith.constant 272 : index
        %get3A_1174 = tpu.vector_load %arg13[%get3A_1171, %get3A_1172, %get3A_1173] {strides = array<i32>} : memref<2x32x512xf32, #tpu.memory_space<vmem>>, vector<16xf32>,
        %add3A_1175 = arith.addf %get3A_1169, %get3A_1174 : vector<16xf32>
        %exp3A_1176 = math.exp %add3A_1175 : vector<16xf32>
        %add3A_1177 = arith.addf %add3A_1125, %exp3A_1176 : vector<16xf32>
        %get3A_1178 = arith.constant 1 : i32
        %get3A_1179 = arith.index_cast %get3A_1178 : i32 to index
        %get3A_1180 = arith.index_cast %scan3A_935 : i32 to index
        %get3A_1181 = arith.constant 288 : index
        %get3A_1182 = tpu.vector_load %arg12[%get3A_1179, %get3A_1180, %get3A_1181] {strides = array<i32>} : memref<2x32x512xf32, #tpu.memory_space<vmem>>, vector<16xf32>,
        %get3A_1183 = arith.constant 1 : i32
        %get3A_1184 = arith.index_cast %get3A_1183 : i32 to index
        %get3A_1185 = arith.index_cast %scan3A_935 : i32 to index
        %get3A_1186 = arith.constant 288 : index
        %get3A_1187 = tpu.vector_load %arg13[%get3A_1184, %get3A_1185, %get3A_1186] {strides = array<i32>} : memref<2x32x512xf32, #tpu.memory_space<vmem>>, vector<16xf32>,
        %add3A_1188 = arith.addf %get3A_1182, %get3A_1187 : vector<16xf32>
        %exp3A_1189 = math.exp %add3A_1188 : vector<16xf32>
        %add3A_1190 = arith.addf %add3A_1138, %exp3A_1189 : vector<16xf32>
        %get3A_1191 = arith.constant 1 : i32
        %get3A_1192 = arith.index_cast %get3A_1191 : i32 to index
        %get3A_1193 = arith.index_cast %scan3A_935 : i32 to index
        %get3A_1194 = arith.constant 304 : index
        %get3A_1195 = tpu.vector_load %arg12[%get3A_1192, %get3A_1193, %get3A_1194] {strides = array<i32>} : memref<2x32x512xf32, #tpu.memory_space<vmem>>, vector<16xf32>,
        %get3A_1196 = arith.constant 1 : i32
        %get3A_1197 = arith.index_cast %get3A_1196 : i32 to index
        %get3A_1198 = arith.index_cast %scan3A_935 : i32 to index
        %get3A_1199 = arith.constant 304 : index
        %get3A_1200 = tpu.vector_load %arg13[%get3A_1197, %get3A_1198, %get3A_1199] {strides = array<i32>} : memref<2x32x512xf32, #tpu.memory_space<vmem>>, vector<16xf32>,
        %add3A_1201 = arith.addf %get3A_1195, %get3A_1200 : vector<16xf32>
        %exp3A_1202 = math.exp %add3A_1201 : vector<16xf32>
        %add3A_1203 = arith.addf %add3A_1151, %exp3A_1202 : vector<16xf32>
        %get3A_1204 = arith.constant 1 : i32
        %get3A_1205 = arith.index_cast %get3A_1204 : i32 to index
        %get3A_1206 = arith.index_cast %scan3A_935 : i32 to index
        %get3A_1207 = arith.constant 320 : index
        %get3A_1208 = tpu.vector_load %arg12[%get3A_1205, %get3A_1206, %get3A_1207] {strides = array<i32>} : memref<2x32x512xf32, #tpu.memory_space<vmem>>, vector<16xf32>,
        %get3A_1209 = arith.constant 1 : i32
        %get3A_1210 = arith.index_cast %get3A_1209 : i32 to index
        %get3A_1211 = arith.index_cast %scan3A_935 : i32 to index
        %get3A_1212 = arith.constant 320 : index
        %get3A_1213 = tpu.vector_load %arg13[%get3A_1210, %get3A_1211, %get3A_1212] {strides = array<i32>} : memref<2x32x512xf32, #tpu.memory_space<vmem>>, vector<16xf32>,
        %add3A_1214 = arith.addf %get3A_1208, %get3A_1213 : vector<16xf32>
        %exp3A_1215 = math.exp %add3A_1214 : vector<16xf32>
        %add3A_1216 = arith.addf %add3A_1164, %exp3A_1215 : vector<16xf32>
        %get3A_1217 = arith.constant 1 : i32
        %get3A_1218 = arith.index_cast %get3A_1217 : i32 to index
        %get3A_1219 = arith.index_cast %scan3A_935 : i32 to index
        %get3A_1220 = arith.constant 336 : index
        %get3A_1221 = tpu.vector_load %arg12[%get3A_1218, %get3A_1219, %get3A_1220] {strides = array<i32>} : memref<2x32x512xf32, #tpu.memory_space<vmem>>, vector<16xf32>,
        %get3A_1222 = arith.constant 1 : i32
        %get3A_1223 = arith.index_cast %get3A_1222 : i32 to index
        %get3A_1224 = arith.index_cast %scan3A_935 : i32 to index
        %get3A_1225 = arith.constant 336 : index
        %get3A_1226 = tpu.vector_load %arg13[%get3A_1223, %get3A_1224, %get3A_1225] {strides = array<i32>} : memref<2x32x512xf32, #tpu.memory_space<vmem>>, vector<16xf32>,
        %add3A_1227 = arith.addf %get3A_1221, %get3A_1226 : vector<16xf32>
        %exp3A_1228 = math.exp %add3A_1227 : vector<16xf32>
        %add3A_1229 = arith.addf %add3A_1177, %exp3A_1228 : vector<16xf32>
        %get3A_1230 = arith.constant 1 : i32
        %get3A_1231 = arith.index_cast %get3A_1230 : i32 to index
        %get3A_1232 = arith.index_cast %scan3A_935 : i32 to index
        %get3A_1233 = arith.constant 352 : index
        %get3A_1234 = tpu.vector_load %arg12[%get3A_1231, %get3A_1232, %get3A_1233] {strides = array<i32>} : memref<2x32x512xf32, #tpu.memory_space<vmem>>, vector<16xf32>,
        %get3A_1235 = arith.constant 1 : i32
        %get3A_1236 = arith.index_cast %get3A_1235 : i32 to index
        %get3A_1237 = arith.index_cast %scan3A_935 : i32 to index
        %get3A_1238 = arith.constant 352 : index
        %get3A_1239 = tpu.vector_load %arg13[%get3A_1236, %get3A_1237, %get3A_1238] {strides = array<i32>} : memref<2x32x512xf32, #tpu.memory_space<vmem>>, vector<16xf32>,
        %add3A_1240 = arith.addf %get3A_1234, %get3A_1239 : vector<16xf32>
        %exp3A_1241 = math.exp %add3A_1240 : vector<16xf32>
        %add3A_1242 = arith.addf %add3A_1190, %exp3A_1241 : vector<16xf32>
        %get3A_1243 = arith.constant 1 : i32
        %get3A_1244 = arith.index_cast %get3A_1243 : i32 to index
        %get3A_1245 = arith.index_cast %scan3A_935 : i32 to index
        %get3A_1246 = arith.constant 368 : index
        %get3A_1247 = tpu.vector_load %arg12[%get3A_1244, %get3A_1245, %get3A_1246] {strides = array<i32>} : memref<2x32x512xf32, #tpu.memory_space<vmem>>, vector<16xf32>,
        %get3A_1248 = arith.constant 1 : i32
        %get3A_1249 = arith.index_cast %get3A_1248 : i32 to index
        %get3A_1250 = arith.index_cast %scan3A_935 : i32 to index
        %get3A_1251 = arith.constant 368 : index
        %get3A_1252 = tpu.vector_load %arg13[%get3A_1249, %get3A_1250, %get3A_1251] {strides = array<i32>} : memref<2x32x512xf32, #tpu.memory_space<vmem>>, vector<16xf32>,
        %add3A_1253 = arith.addf %get3A_1247, %get3A_1252 : vector<16xf32>
        %exp3A_1254 = math.exp %add3A_1253 : vector<16xf32>
        %add3A_1255 = arith.addf %add3A_1203, %exp3A_1254 : vector<16xf32>
        %get3A_1256 = arith.constant 1 : i32
        %get3A_1257 = arith.index_cast %get3A_1256 : i32 to index
        %get3A_1258 = arith.index_cast %scan3A_935 : i32 to index
        %get3A_1259 = arith.constant 384 : index
        %get3A_1260 = tpu.vector_load %arg12[%get3A_1257, %get3A_1258, %get3A_1259] {strides = array<i32>} : memref<2x32x512xf32, #tpu.memory_space<vmem>>, vector<16xf32>,
        %get3A_1261 = arith.constant 1 : i32
        %get3A_1262 = arith.index_cast %get3A_1261 : i32 to index
        %get3A_1263 = arith.index_cast %scan3A_935 : i32 to index
        %get3A_1264 = arith.constant 384 : index
        %get3A_1265 = tpu.vector_load %arg13[%get3A_1262, %get3A_1263, %get3A_1264] {strides = array<i32>} : memref<2x32x512xf32, #tpu.memory_space<vmem>>, vector<16xf32>,
        %add3A_1266 = arith.addf %get3A_1260, %get3A_1265 : vector<16xf32>
        %exp3A_1267 = math.exp %add3A_1266 : vector<16xf32>
        %add3A_1268 = arith.addf %add3A_1216, %exp3A_1267 : vector<16xf32>
        %get3A_1269 = arith.constant 1 : i32
        %get3A_1270 = arith.index_cast %get3A_1269 : i32 to index
        %get3A_1271 = arith.index_cast %scan3A_935 : i32 to index
        %get3A_1272 = arith.constant 400 : index
        %get3A_1273 = tpu.vector_load %arg12[%get3A_1270, %get3A_1271, %get3A_1272] {strides = array<i32>} : memref<2x32x512xf32, #tpu.memory_space<vmem>>, vector<16xf32>,
        %get3A_1274 = arith.constant 1 : i32
        %get3A_1275 = arith.index_cast %get3A_1274 : i32 to index
        %get3A_1276 = arith.index_cast %scan3A_935 : i32 to index
        %get3A_1277 = arith.constant 400 : index
        %get3A_1278 = tpu.vector_load %arg13[%get3A_1275, %get3A_1276, %get3A_1277] {strides = array<i32>} : memref<2x32x512xf32, #tpu.memory_space<vmem>>, vector<16xf32>,
        %add3A_1279 = arith.addf %get3A_1273, %get3A_1278 : vector<16xf32>
        %exp3A_1280 = math.exp %add3A_1279 : vector<16xf32>
        %add3A_1281 = arith.addf %add3A_1229, %exp3A_1280 : vector<16xf32>
        %get3A_1282 = arith.constant 1 : i32
        %get3A_1283 = arith.index_cast %get3A_1282 : i32 to index
        %get3A_1284 = arith.index_cast %scan3A_935 : i32 to index
        %get3A_1285 = arith.constant 416 : index
        %get3A_1286 = tpu.vector_load %arg12[%get3A_1283, %get3A_1284, %get3A_1285] {strides = array<i32>} : memref<2x32x512xf32, #tpu.memory_space<vmem>>, vector<16xf32>,
        %get3A_1287 = arith.constant 1 : i32
        %get3A_1288 = arith.index_cast %get3A_1287 : i32 to index
        %get3A_1289 = arith.index_cast %scan3A_935 : i32 to index
        %get3A_1290 = arith.constant 416 : index
        %get3A_1291 = tpu.vector_load %arg13[%get3A_1288, %get3A_1289, %get3A_1290] {strides = array<i32>} : memref<2x32x512xf32, #tpu.memory_space<vmem>>, vector<16xf32>,
        %add3A_1292 = arith.addf %get3A_1286, %get3A_1291 : vector<16xf32>
        %exp3A_1293 = math.exp %add3A_1292 : vector<16xf32>
        %add3A_1294 = arith.addf %add3A_1242, %exp3A_1293 : vector<16xf32>
        %get3A_1295 = arith.constant 1 : i32
        %get3A_1296 = arith.index_cast %get3A_1295 : i32 to index
        %get3A_1297 = arith.index_cast %scan3A_935 : i32 to index
        %get3A_1298 = arith.constant 432 : index
        %get3A_1299 = tpu.vector_load %arg12[%get3A_1296, %get3A_1297, %get3A_1298] {strides = array<i32>} : memref<2x32x512xf32, #tpu.memory_space<vmem>>, vector<16xf32>,
        %get3A_1300 = arith.constant 1 : i32
        %get3A_1301 = arith.index_cast %get3A_1300 : i32 to index
        %get3A_1302 = arith.index_cast %scan3A_935 : i32 to index
        %get3A_1303 = arith.constant 432 : index
        %get3A_1304 = tpu.vector_load %arg13[%get3A_1301, %get3A_1302, %get3A_1303] {strides = array<i32>} : memref<2x32x512xf32, #tpu.memory_space<vmem>>, vector<16xf32>,
        %add3A_1305 = arith.addf %get3A_1299, %get3A_1304 : vector<16xf32>
        %exp3A_1306 = math.exp %add3A_1305 : vector<16xf32>
        %add3A_1307 = arith.addf %add3A_1255, %exp3A_1306 : vector<16xf32>
        %get3A_1308 = arith.constant 1 : i32
        %get3A_1309 = arith.index_cast %get3A_1308 : i32 to index
        %get3A_1310 = arith.index_cast %scan3A_935 : i32 to index
        %get3A_1311 = arith.constant 448 : index
        %get3A_1312 = tpu.vector_load %arg12[%get3A_1309, %get3A_1310, %get3A_1311] {strides = array<i32>} : memref<2x32x512xf32, #tpu.memory_space<vmem>>, vector<16xf32>,
        %get3A_1313 = arith.constant 1 : i32
        %get3A_1314 = arith.index_cast %get3A_1313 : i32 to index
        %get3A_1315 = arith.index_cast %scan3A_935 : i32 to index
        %get3A_1316 = arith.constant 448 : index
        %get3A_1317 = tpu.vector_load %arg13[%get3A_1314, %get3A_1315, %get3A_1316] {strides = array<i32>} : memref<2x32x512xf32, #tpu.memory_space<vmem>>, vector<16xf32>,
        %add3A_1318 = arith.addf %get3A_1312, %get3A_1317 : vector<16xf32>
        %exp3A_1319 = math.exp %add3A_1318 : vector<16xf32>
        %add3A_1320 = arith.addf %add3A_1268, %exp3A_1319 : vector<16xf32>
        %get3A_1321 = arith.constant 1 : i32
        %get3A_1322 = arith.index_cast %get3A_1321 : i32 to index
        %get3A_1323 = arith.index_cast %scan3A_935 : i32 to index
        %get3A_1324 = arith.constant 464 : index
        %get3A_1325 = tpu.vector_load %arg12[%get3A_1322, %get3A_1323, %get3A_1324] {strides = array<i32>} : memref<2x32x512xf32, #tpu.memory_space<vmem>>, vector<16xf32>,
        %get3A_1326 = arith.constant 1 : i32
        %get3A_1327 = arith.index_cast %get3A_1326 : i32 to index
        %get3A_1328 = arith.index_cast %scan3A_935 : i32 to index
        %get3A_1329 = arith.constant 464 : index
        %get3A_1330 = tpu.vector_load %arg13[%get3A_1327, %get3A_1328, %get3A_1329] {strides = array<i32>} : memref<2x32x512xf32, #tpu.memory_space<vmem>>, vector<16xf32>,
        %add3A_1331 = arith.addf %get3A_1325, %get3A_1330 : vector<16xf32>
        %exp3A_1332 = math.exp %add3A_1331 : vector<16xf32>
        %add3A_1333 = arith.addf %add3A_1281, %exp3A_1332 : vector<16xf32>
        %get3A_1334 = arith.constant 1 : i32
        %get3A_1335 = arith.index_cast %get3A_1334 : i32 to index
        %get3A_1336 = arith.index_cast %scan3A_935 : i32 to index
        %get3A_1337 = arith.constant 480 : index
        %get3A_1338 = tpu.vector_load %arg12[%get3A_1335, %get3A_1336, %get3A_1337] {strides = array<i32>} : memref<2x32x512xf32, #tpu.memory_space<vmem>>, vector<16xf32>,
        %get3A_1339 = arith.constant 1 : i32
        %get3A_1340 = arith.index_cast %get3A_1339 : i32 to index
        %get3A_1341 = arith.index_cast %scan3A_935 : i32 to index
        %get3A_1342 = arith.constant 480 : index
        %get3A_1343 = tpu.vector_load %arg13[%get3A_1340, %get3A_1341, %get3A_1342] {strides = array<i32>} : memref<2x32x512xf32, #tpu.memory_space<vmem>>, vector<16xf32>,
        %add3A_1344 = arith.addf %get3A_1338, %get3A_1343 : vector<16xf32>
        %exp3A_1345 = math.exp %add3A_1344 : vector<16xf32>
        %add3A_1346 = arith.addf %add3A_1294, %exp3A_1345 : vector<16xf32>
        %get3A_1347 = arith.constant 1 : i32
        %get3A_1348 = arith.index_cast %get3A_1347 : i32 to index
        %get3A_1349 = arith.index_cast %scan3A_935 : i32 to index
        %get3A_1350 = arith.constant 496 : index
        %get3A_1351 = tpu.vector_load %arg12[%get3A_1348, %get3A_1349, %get3A_1350] {strides = array<i32>} : memref<2x32x512xf32, #tpu.memory_space<vmem>>, vector<16xf32>,
        %get3A_1352 = arith.constant 1 : i32
        %get3A_1353 = arith.index_cast %get3A_1352 : i32 to index
        %get3A_1354 = arith.index_cast %scan3A_935 : i32 to index
        %get3A_1355 = arith.constant 496 : index
        %get3A_1356 = tpu.vector_load %arg13[%get3A_1353, %get3A_1354, %get3A_1355] {strides = array<i32>} : memref<2x32x512xf32, #tpu.memory_space<vmem>>, vector<16xf32>,
        %add3A_1357 = arith.addf %get3A_1351, %get3A_1356 : vector<16xf32>
        %exp3A_1358 = math.exp %add3A_1357 : vector<16xf32>
        %add3A_1359 = arith.addf %add3A_1307, %exp3A_1358 : vector<16xf32>
        %add3A_1360 = arith.addf %add3A_1320, %add3A_1333 : vector<16xf32>
        %add3A_1361 = arith.addf %add3A_1346, %add3A_1359 : vector<16xf32>
        %add3A_1362 = arith.addf %add3A_1360, %add3A_1361 : vector<16xf32>
        %reduce_sum3A_1363 = arith.constant true
        %reduce_sum3A_1364 = vector.broadcast %reduce_sum3A_1363 : i1 to vector<16xi1>
        %reduce_sum3A_1365 = tpu.scan <sum>, %add3A_1362 masked %reduce_sum3A_1364 : vector<16xf32>, vector<16xi1> -> vector<16xf32>
        %reduce_sum3A_1366 = vector.extract %reduce_sum3A_1365[15] : f32 from vector<16xf32>
        %broadcast_in_dim3A_1367 = vector.broadcast %reduce_sum3A_1366 : f32 to vector<16xf32>
        %bitcast3A_1368 = vector.bitcast %broadcast_in_dim3A_1367 : vector<16xf32> to vector<16xi32>
        %shift_right_arithmetic3A_1369 = arith.constant 23 : i32
        %shift_right_arithmetic3A_1370 = vector.broadcast %shift_right_arithmetic3A_1369 : i32 to vector<16xi32>
        %shift_right_arithmetic3A_1371 = arith.shrsi %bitcast3A_1368, %shift_right_arithmetic3A_1370 : vector<16xi32>
        %and3A_1372 = arith.constant 255 : i32
        %and3A_1373 = vector.broadcast %and3A_1372 : i32 to vector<16xi32>
        %and3A_1374 = arith.andi %shift_right_arithmetic3A_1371, %and3A_1373 : vector<16xi32>
        %sub3A_1375 = arith.constant 127 : i32
        %sub3A_1376 = vector.broadcast %sub3A_1375 : i32 to vector<16xi32>
        %sub3A_1377 = arith.subi %and3A_1374, %sub3A_1376 : vector<16xi32>
        %and3A_1378 = arith.constant 8388607 : i32
        %and3A_1379 = vector.broadcast %and3A_1378 : i32 to vector<16xi32>
        %and3A_1380 = arith.andi %bitcast3A_1368, %and3A_1379 : vector<16xi32>
        %or3A_1381 = arith.constant 1065353216 : i32
        %or3A_1382 = vector.broadcast %or3A_1381 : i32 to vector<16xi32>
        %or3A_1383 = arith.ori %and3A_1380, %or3A_1382 : vector<16xi32>
        %bitcast3A_1384 = vector.bitcast %or3A_1383 : vector<16xi32> to vector<16xf32>
        %broadcast_in_dim3A_1385 = arith.constant -0.0248259846 : f32
        %broadcast_in_dim3A_1386 = vector.broadcast %broadcast_in_dim3A_1385 : f32 to vector<16xf32>
        %mul3A_1387 = arith.mulf %broadcast_in_dim3A_1386, %bitcast3A_1384 : vector<16xf32>
        %add3A_1388 = arith.constant 0.26686278 : f32
        %add3A_1389 = vector.broadcast %add3A_1388 : f32 to vector<16xf32>
        %add3A_1390 = arith.addf %mul3A_1387, %add3A_1389 : vector<16xf32>
        %mul3A_1391 = arith.mulf %add3A_1390, %bitcast3A_1384 : vector<16xf32>
        %add3A_1392 = arith.constant -1.23427987 : f32
        %add3A_1393 = vector.broadcast %add3A_1392 : f32 to vector<16xf32>
        %add3A_1394 = arith.addf %mul3A_1391, %add3A_1393 : vector<16xf32>
        %mul3A_1395 = arith.mulf %add3A_1394, %bitcast3A_1384 : vector<16xf32>
        %add3A_1396 = arith.constant 3.218870e+00 : f32
        %add3A_1397 = vector.broadcast %add3A_1396 : f32 to vector<16xf32>
        %add3A_1398 = arith.addf %mul3A_1395, %add3A_1397 : vector<16xf32>
        %mul3A_1399 = arith.mulf %add3A_1398, %bitcast3A_1384 : vector<16xf32>
        %add3A_1400 = arith.constant -5.26415539 : f32
        %add3A_1401 = vector.broadcast %add3A_1400 : f32 to vector<16xf32>
        %add3A_1402 = arith.addf %mul3A_1399, %add3A_1401 : vector<16xf32>
        %mul3A_1403 = arith.mulf %add3A_1402, %bitcast3A_1384 : vector<16xf32>
        %add3A_1404 = arith.constant 6.06585884 : f32
        %add3A_1405 = vector.broadcast %add3A_1404 : f32 to vector<16xf32>
        %add3A_1406 = arith.addf %mul3A_1403, %add3A_1405 : vector<16xf32>
        %mul3A_1407 = arith.mulf %add3A_1406, %bitcast3A_1384 : vector<16xf32>
        %add3A_1408 = arith.constant -3.02832508 : f32
        %add3A_1409 = vector.broadcast %add3A_1408 : f32 to vector<16xf32>
        %add3A_1410 = arith.addf %mul3A_1407, %add3A_1409 : vector<16xf32>
        %convert_element_type3A_1411 = arith.sitofp %sub3A_1377 : vector<16xi32> to vector<16xf32>
        %add3A_1412 = arith.addf %convert_element_type3A_1411, %add3A_1410 : vector<16xf32>
        %mul3A_1413 = arith.constant 0.693147182 : f32
        %mul3A_1414 = vector.broadcast %mul3A_1413 : f32 to vector<16xf32>
        %mul3A_1415 = arith.mulf %add3A_1412, %mul3A_1414 : vector<16xf32>
        %sub3A_1416 = arith.subf %add3A_954, %mul3A_1415 : vector<16xf32>
        %swap3A_1417 = arith.constant 1 : i32
        %swap3A_1418 = arith.index_cast %swap3A_1417 : i32 to index
        %swap3A_1419 = arith.index_cast %scan3A_935 : i32 to index
        %swap3A_1420 = arith.constant 0 : index
        %swap3A_1421 = tpu.vector_load %arg12[%swap3A_1418, %swap3A_1419, %swap3A_1420] {strides = array<i32>} : memref<2x32x512xf32, #tpu.memory_space<vmem>>, vector<16xf32>,
        tpu.vector_store %arg12[%swap3A_1418, %swap3A_1419, %swap3A_1420], %sub3A_1416 {strides = array<i32>} : memref<2x32x512xf32, #tpu.memory_space<vmem>>, vector<16xf32>,
        %sub3A_1422 = arith.subf %add3A_967, %mul3A_1415 : vector<16xf32>
        %swap3A_1423 = arith.constant 1 : i32
        %swap3A_1424 = arith.index_cast %swap3A_1423 : i32 to index
        %swap3A_1425 = arith.index_cast %scan3A_935 : i32 to index
        %swap3A_1426 = arith.constant 16 : index
        %swap3A_1427 = tpu.vector_load %arg12[%swap3A_1424, %swap3A_1425, %swap3A_1426] {strides = array<i32>} : memref<2x32x512xf32, #tpu.memory_space<vmem>>, vector<16xf32>,
        tpu.vector_store %arg12[%swap3A_1424, %swap3A_1425, %swap3A_1426], %sub3A_1422 {strides = array<i32>} : memref<2x32x512xf32, #tpu.memory_space<vmem>>, vector<16xf32>,
        %sub3A_1428 = arith.subf %add3A_980, %mul3A_1415 : vector<16xf32>
        %swap3A_1429 = arith.constant 1 : i32
        %swap3A_1430 = arith.index_cast %swap3A_1429 : i32 to index
        %swap3A_1431 = arith.index_cast %scan3A_935 : i32 to index
        %swap3A_1432 = arith.constant 32 : index
        %swap3A_1433 = tpu.vector_load %arg12[%swap3A_1430, %swap3A_1431, %swap3A_1432] {strides = array<i32>} : memref<2x32x512xf32, #tpu.memory_space<vmem>>, vector<16xf32>,
        tpu.vector_store %arg12[%swap3A_1430, %swap3A_1431, %swap3A_1432], %sub3A_1428 {strides = array<i32>} : memref<2x32x512xf32, #tpu.memory_space<vmem>>, vector<16xf32>,
        %sub3A_1434 = arith.subf %add3A_993, %mul3A_1415 : vector<16xf32>
        %swap3A_1435 = arith.constant 1 : i32
        %swap3A_1436 = arith.index_cast %swap3A_1435 : i32 to index
        %swap3A_1437 = arith.index_cast %scan3A_935 : i32 to index
        %swap3A_1438 = arith.constant 48 : index
        %swap3A_1439 = tpu.vector_load %arg12[%swap3A_1436, %swap3A_1437, %swap3A_1438] {strides = array<i32>} : memref<2x32x512xf32, #tpu.memory_space<vmem>>, vector<16xf32>,
        tpu.vector_store %arg12[%swap3A_1436, %swap3A_1437, %swap3A_1438], %sub3A_1434 {strides = array<i32>} : memref<2x32x512xf32, #tpu.memory_space<vmem>>, vector<16xf32>,
        %sub3A_1440 = arith.subf %add3A_1006, %mul3A_1415 : vector<16xf32>
        %swap3A_1441 = arith.constant 1 : i32
        %swap3A_1442 = arith.index_cast %swap3A_1441 : i32 to index
        %swap3A_1443 = arith.index_cast %scan3A_935 : i32 to index
        %swap3A_1444 = arith.constant 64 : index
        %swap3A_1445 = tpu.vector_load %arg12[%swap3A_1442, %swap3A_1443, %swap3A_1444] {strides = array<i32>} : memref<2x32x512xf32, #tpu.memory_space<vmem>>, vector<16xf32>,
        tpu.vector_store %arg12[%swap3A_1442, %swap3A_1443, %swap3A_1444], %sub3A_1440 {strides = array<i32>} : memref<2x32x512xf32, #tpu.memory_space<vmem>>, vector<16xf32>,
        %sub3A_1446 = arith.subf %add3A_1019, %mul3A_1415 : vector<16xf32>
        %swap3A_1447 = arith.constant 1 : i32
        %swap3A_1448 = arith.index_cast %swap3A_1447 : i32 to index
        %swap3A_1449 = arith.index_cast %scan3A_935 : i32 to index
        %swap3A_1450 = arith.constant 80 : index
        %swap3A_1451 = tpu.vector_load %arg12[%swap3A_1448, %swap3A_1449, %swap3A_1450] {strides = array<i32>} : memref<2x32x512xf32, #tpu.memory_space<vmem>>, vector<16xf32>,
        tpu.vector_store %arg12[%swap3A_1448, %swap3A_1449, %swap3A_1450], %sub3A_1446 {strides = array<i32>} : memref<2x32x512xf32, #tpu.memory_space<vmem>>, vector<16xf32>,
        %sub3A_1452 = arith.subf %add3A_1032, %mul3A_1415 : vector<16xf32>
        %swap3A_1453 = arith.constant 1 : i32
        %swap3A_1454 = arith.index_cast %swap3A_1453 : i32 to index
        %swap3A_1455 = arith.index_cast %scan3A_935 : i32 to index
        %swap3A_1456 = arith.constant 96 : index
        %swap3A_1457 = tpu.vector_load %arg12[%swap3A_1454, %swap3A_1455, %swap3A_1456] {strides = array<i32>} : memref<2x32x512xf32, #tpu.memory_space<vmem>>, vector<16xf32>,
        tpu.vector_store %arg12[%swap3A_1454, %swap3A_1455, %swap3A_1456], %sub3A_1452 {strides = array<i32>} : memref<2x32x512xf32, #tpu.memory_space<vmem>>, vector<16xf32>,
        %sub3A_1458 = arith.subf %add3A_1045, %mul3A_1415 : vector<16xf32>
        %swap3A_1459 = arith.constant 1 : i32
        %swap3A_1460 = arith.index_cast %swap3A_1459 : i32 to index
        %swap3A_1461 = arith.index_cast %scan3A_935 : i32 to index
        %swap3A_1462 = arith.constant 112 : index
        %swap3A_1463 = tpu.vector_load %arg12[%swap3A_1460, %swap3A_1461, %swap3A_1462] {strides = array<i32>} : memref<2x32x512xf32, #tpu.memory_space<vmem>>, vector<16xf32>,
        tpu.vector_store %arg12[%swap3A_1460, %swap3A_1461, %swap3A_1462], %sub3A_1458 {strides = array<i32>} : memref<2x32x512xf32, #tpu.memory_space<vmem>>, vector<16xf32>,
        %sub3A_1464 = arith.subf %add3A_1058, %mul3A_1415 : vector<16xf32>
        %swap3A_1465 = arith.constant 1 : i32
        %swap3A_1466 = arith.index_cast %swap3A_1465 : i32 to index
        %swap3A_1467 = arith.index_cast %scan3A_935 : i32 to index
        %swap3A_1468 = arith.constant 128 : index
        %swap3A_1469 = tpu.vector_load %arg12[%swap3A_1466, %swap3A_1467, %swap3A_1468] {strides = array<i32>} : memref<2x32x512xf32, #tpu.memory_space<vmem>>, vector<16xf32>,
        tpu.vector_store %arg12[%swap3A_1466, %swap3A_1467, %swap3A_1468], %sub3A_1464 {strides = array<i32>} : memref<2x32x512xf32, #tpu.memory_space<vmem>>, vector<16xf32>,
        %sub3A_1470 = arith.subf %add3A_1071, %mul3A_1415 : vector<16xf32>
        %swap3A_1471 = arith.constant 1 : i32
        %swap3A_1472 = arith.index_cast %swap3A_1471 : i32 to index
        %swap3A_1473 = arith.index_cast %scan3A_935 : i32 to index
        %swap3A_1474 = arith.constant 144 : index
        %swap3A_1475 = tpu.vector_load %arg12[%swap3A_1472, %swap3A_1473, %swap3A_1474] {strides = array<i32>} : memref<2x32x512xf32, #tpu.memory_space<vmem>>, vector<16xf32>,
        tpu.vector_store %arg12[%swap3A_1472, %swap3A_1473, %swap3A_1474], %sub3A_1470 {strides = array<i32>} : memref<2x32x512xf32, #tpu.memory_space<vmem>>, vector<16xf32>,
        %sub3A_1476 = arith.subf %add3A_1084, %mul3A_1415 : vector<16xf32>
        %swap3A_1477 = arith.constant 1 : i32
        %swap3A_1478 = arith.index_cast %swap3A_1477 : i32 to index
        %swap3A_1479 = arith.index_cast %scan3A_935 : i32 to index
        %swap3A_1480 = arith.constant 160 : index
        %swap3A_1481 = tpu.vector_load %arg12[%swap3A_1478, %swap3A_1479, %swap3A_1480] {strides = array<i32>} : memref<2x32x512xf32, #tpu.memory_space<vmem>>, vector<16xf32>,
        tpu.vector_store %arg12[%swap3A_1478, %swap3A_1479, %swap3A_1480], %sub3A_1476 {strides = array<i32>} : memref<2x32x512xf32, #tpu.memory_space<vmem>>, vector<16xf32>,
        %sub3A_1482 = arith.subf %add3A_1097, %mul3A_1415 : vector<16xf32>
        %swap3A_1483 = arith.constant 1 : i32
        %swap3A_1484 = arith.index_cast %swap3A_1483 : i32 to index
        %swap3A_1485 = arith.index_cast %scan3A_935 : i32 to index
        %swap3A_1486 = arith.constant 176 : index
        %swap3A_1487 = tpu.vector_load %arg12[%swap3A_1484, %swap3A_1485, %swap3A_1486] {strides = array<i32>} : memref<2x32x512xf32, #tpu.memory_space<vmem>>, vector<16xf32>,
        tpu.vector_store %arg12[%swap3A_1484, %swap3A_1485, %swap3A_1486], %sub3A_1482 {strides = array<i32>} : memref<2x32x512xf32, #tpu.memory_space<vmem>>, vector<16xf32>,
        %sub3A_1488 = arith.subf %add3A_1110, %mul3A_1415 : vector<16xf32>
        %swap3A_1489 = arith.constant 1 : i32
        %swap3A_1490 = arith.index_cast %swap3A_1489 : i32 to index
        %swap3A_1491 = arith.index_cast %scan3A_935 : i32 to index
        %swap3A_1492 = arith.constant 192 : index
        %swap3A_1493 = tpu.vector_load %arg12[%swap3A_1490, %swap3A_1491, %swap3A_1492] {strides = array<i32>} : memref<2x32x512xf32, #tpu.memory_space<vmem>>, vector<16xf32>,
        tpu.vector_store %arg12[%swap3A_1490, %swap3A_1491, %swap3A_1492], %sub3A_1488 {strides = array<i32>} : memref<2x32x512xf32, #tpu.memory_space<vmem>>, vector<16xf32>,
        %sub3A_1494 = arith.subf %add3A_1123, %mul3A_1415 : vector<16xf32>
        %swap3A_1495 = arith.constant 1 : i32
        %swap3A_1496 = arith.index_cast %swap3A_1495 : i32 to index
        %swap3A_1497 = arith.index_cast %scan3A_935 : i32 to index
        %swap3A_1498 = arith.constant 208 : index
        %swap3A_1499 = tpu.vector_load %arg12[%swap3A_1496, %swap3A_1497, %swap3A_1498] {strides = array<i32>} : memref<2x32x512xf32, #tpu.memory_space<vmem>>, vector<16xf32>,
        tpu.vector_store %arg12[%swap3A_1496, %swap3A_1497, %swap3A_1498], %sub3A_1494 {strides = array<i32>} : memref<2x32x512xf32, #tpu.memory_space<vmem>>, vector<16xf32>,
        %sub3A_1500 = arith.subf %add3A_1136, %mul3A_1415 : vector<16xf32>
        %swap3A_1501 = arith.constant 1 : i32
        %swap3A_1502 = arith.index_cast %swap3A_1501 : i32 to index
        %swap3A_1503 = arith.index_cast %scan3A_935 : i32 to index
        %swap3A_1504 = arith.constant 224 : index
        %swap3A_1505 = tpu.vector_load %arg12[%swap3A_1502, %swap3A_1503, %swap3A_1504] {strides = array<i32>} : memref<2x32x512xf32, #tpu.memory_space<vmem>>, vector<16xf32>,
        tpu.vector_store %arg12[%swap3A_1502, %swap3A_1503, %swap3A_1504], %sub3A_1500 {strides = array<i32>} : memref<2x32x512xf32, #tpu.memory_space<vmem>>, vector<16xf32>,
        %sub3A_1506 = arith.subf %add3A_1149, %mul3A_1415 : vector<16xf32>
        %swap3A_1507 = arith.constant 1 : i32
        %swap3A_1508 = arith.index_cast %swap3A_1507 : i32 to index
        %swap3A_1509 = arith.index_cast %scan3A_935 : i32 to index
        %swap3A_1510 = arith.constant 240 : index
        %swap3A_1511 = tpu.vector_load %arg12[%swap3A_1508, %swap3A_1509, %swap3A_1510] {strides = array<i32>} : memref<2x32x512xf32, #tpu.memory_space<vmem>>, vector<16xf32>,
        tpu.vector_store %arg12[%swap3A_1508, %swap3A_1509, %swap3A_1510], %sub3A_1506 {strides = array<i32>} : memref<2x32x512xf32, #tpu.memory_space<vmem>>, vector<16xf32>,
        %sub3A_1512 = arith.subf %add3A_1162, %mul3A_1415 : vector<16xf32>
        %swap3A_1513 = arith.constant 1 : i32
        %swap3A_1514 = arith.index_cast %swap3A_1513 : i32 to index
        %swap3A_1515 = arith.index_cast %scan3A_935 : i32 to index
        %swap3A_1516 = arith.constant 256 : index
        %swap3A_1517 = tpu.vector_load %arg12[%swap3A_1514, %swap3A_1515, %swap3A_1516] {strides = array<i32>} : memref<2x32x512xf32, #tpu.memory_space<vmem>>, vector<16xf32>,
        tpu.vector_store %arg12[%swap3A_1514, %swap3A_1515, %swap3A_1516], %sub3A_1512 {strides = array<i32>} : memref<2x32x512xf32, #tpu.memory_space<vmem>>, vector<16xf32>,
        %sub3A_1518 = arith.subf %add3A_1175, %mul3A_1415 : vector<16xf32>
        %swap3A_1519 = arith.constant 1 : i32
        %swap3A_1520 = arith.index_cast %swap3A_1519 : i32 to index
        %swap3A_1521 = arith.index_cast %scan3A_935 : i32 to index
        %swap3A_1522 = arith.constant 272 : index
        %swap3A_1523 = tpu.vector_load %arg12[%swap3A_1520, %swap3A_1521, %swap3A_1522] {strides = array<i32>} : memref<2x32x512xf32, #tpu.memory_space<vmem>>, vector<16xf32>,
        tpu.vector_store %arg12[%swap3A_1520, %swap3A_1521, %swap3A_1522], %sub3A_1518 {strides = array<i32>} : memref<2x32x512xf32, #tpu.memory_space<vmem>>, vector<16xf32>,
        %sub3A_1524 = arith.subf %add3A_1188, %mul3A_1415 : vector<16xf32>
        %swap3A_1525 = arith.constant 1 : i32
        %swap3A_1526 = arith.index_cast %swap3A_1525 : i32 to index
        %swap3A_1527 = arith.index_cast %scan3A_935 : i32 to index
        %swap3A_1528 = arith.constant 288 : index
        %swap3A_1529 = tpu.vector_load %arg12[%swap3A_1526, %swap3A_1527, %swap3A_1528] {strides = array<i32>} : memref<2x32x512xf32, #tpu.memory_space<vmem>>, vector<16xf32>,
        tpu.vector_store %arg12[%swap3A_1526, %swap3A_1527, %swap3A_1528], %sub3A_1524 {strides = array<i32>} : memref<2x32x512xf32, #tpu.memory_space<vmem>>, vector<16xf32>,
        %sub3A_1530 = arith.subf %add3A_1201, %mul3A_1415 : vector<16xf32>
        %swap3A_1531 = arith.constant 1 : i32
        %swap3A_1532 = arith.index_cast %swap3A_1531 : i32 to index
        %swap3A_1533 = arith.index_cast %scan3A_935 : i32 to index
        %swap3A_1534 = arith.constant 304 : index
        %swap3A_1535 = tpu.vector_load %arg12[%swap3A_1532, %swap3A_1533, %swap3A_1534] {strides = array<i32>} : memref<2x32x512xf32, #tpu.memory_space<vmem>>, vector<16xf32>,
        tpu.vector_store %arg12[%swap3A_1532, %swap3A_1533, %swap3A_1534], %sub3A_1530 {strides = array<i32>} : memref<2x32x512xf32, #tpu.memory_space<vmem>>, vector<16xf32>,
        %sub3A_1536 = arith.subf %add3A_1214, %mul3A_1415 : vector<16xf32>
        %swap3A_1537 = arith.constant 1 : i32
        %swap3A_1538 = arith.index_cast %swap3A_1537 : i32 to index
        %swap3A_1539 = arith.index_cast %scan3A_935 : i32 to index
        %swap3A_1540 = arith.constant 320 : index
        %swap3A_1541 = tpu.vector_load %arg12[%swap3A_1538, %swap3A_1539, %swap3A_1540] {strides = array<i32>} : memref<2x32x512xf32, #tpu.memory_space<vmem>>, vector<16xf32>,
        tpu.vector_store %arg12[%swap3A_1538, %swap3A_1539, %swap3A_1540], %sub3A_1536 {strides = array<i32>} : memref<2x32x512xf32, #tpu.memory_space<vmem>>, vector<16xf32>,
        %sub3A_1542 = arith.subf %add3A_1227, %mul3A_1415 : vector<16xf32>
        %swap3A_1543 = arith.constant 1 : i32
        %swap3A_1544 = arith.index_cast %swap3A_1543 : i32 to index
        %swap3A_1545 = arith.index_cast %scan3A_935 : i32 to index
        %swap3A_1546 = arith.constant 336 : index
        %swap3A_1547 = tpu.vector_load %arg12[%swap3A_1544, %swap3A_1545, %swap3A_1546] {strides = array<i32>} : memref<2x32x512xf32, #tpu.memory_space<vmem>>, vector<16xf32>,
        tpu.vector_store %arg12[%swap3A_1544, %swap3A_1545, %swap3A_1546], %sub3A_1542 {strides = array<i32>} : memref<2x32x512xf32, #tpu.memory_space<vmem>>, vector<16xf32>,
        %sub3A_1548 = arith.subf %add3A_1240, %mul3A_1415 : vector<16xf32>
        %swap3A_1549 = arith.constant 1 : i32
        %swap3A_1550 = arith.index_cast %swap3A_1549 : i32 to index
        %swap3A_1551 = arith.index_cast %scan3A_935 : i32 to index
        %swap3A_1552 = arith.constant 352 : index
        %swap3A_1553 = tpu.vector_load %arg12[%swap3A_1550, %swap3A_1551, %swap3A_1552] {strides = array<i32>} : memref<2x32x512xf32, #tpu.memory_space<vmem>>, vector<16xf32>,
        tpu.vector_store %arg12[%swap3A_1550, %swap3A_1551, %swap3A_1552], %sub3A_1548 {strides = array<i32>} : memref<2x32x512xf32, #tpu.memory_space<vmem>>, vector<16xf32>,
        %sub3A_1554 = arith.subf %add3A_1253, %mul3A_1415 : vector<16xf32>
        %swap3A_1555 = arith.constant 1 : i32
        %swap3A_1556 = arith.index_cast %swap3A_1555 : i32 to index
        %swap3A_1557 = arith.index_cast %scan3A_935 : i32 to index
        %swap3A_1558 = arith.constant 368 : index
        %swap3A_1559 = tpu.vector_load %arg12[%swap3A_1556, %swap3A_1557, %swap3A_1558] {strides = array<i32>} : memref<2x32x512xf32, #tpu.memory_space<vmem>>, vector<16xf32>,
        tpu.vector_store %arg12[%swap3A_1556, %swap3A_1557, %swap3A_1558], %sub3A_1554 {strides = array<i32>} : memref<2x32x512xf32, #tpu.memory_space<vmem>>, vector<16xf32>,
        %sub3A_1560 = arith.subf %add3A_1266, %mul3A_1415 : vector<16xf32>
        %swap3A_1561 = arith.constant 1 : i32
        %swap3A_1562 = arith.index_cast %swap3A_1561 : i32 to index
        %swap3A_1563 = arith.index_cast %scan3A_935 : i32 to index
        %swap3A_1564 = arith.constant 384 : index
        %swap3A_1565 = tpu.vector_load %arg12[%swap3A_1562, %swap3A_1563, %swap3A_1564] {strides = array<i32>} : memref<2x32x512xf32, #tpu.memory_space<vmem>>, vector<16xf32>,
        tpu.vector_store %arg12[%swap3A_1562, %swap3A_1563, %swap3A_1564], %sub3A_1560 {strides = array<i32>} : memref<2x32x512xf32, #tpu.memory_space<vmem>>, vector<16xf32>,
        %sub3A_1566 = arith.subf %add3A_1279, %mul3A_1415 : vector<16xf32>
        %swap3A_1567 = arith.constant 1 : i32
        %swap3A_1568 = arith.index_cast %swap3A_1567 : i32 to index
        %swap3A_1569 = arith.index_cast %scan3A_935 : i32 to index
        %swap3A_1570 = arith.constant 400 : index
        %swap3A_1571 = tpu.vector_load %arg12[%swap3A_1568, %swap3A_1569, %swap3A_1570] {strides = array<i32>} : memref<2x32x512xf32, #tpu.memory_space<vmem>>, vector<16xf32>,
        tpu.vector_store %arg12[%swap3A_1568, %swap3A_1569, %swap3A_1570], %sub3A_1566 {strides = array<i32>} : memref<2x32x512xf32, #tpu.memory_space<vmem>>, vector<16xf32>,
        %sub3A_1572 = arith.subf %add3A_1292, %mul3A_1415 : vector<16xf32>
        %swap3A_1573 = arith.constant 1 : i32
        %swap3A_1574 = arith.index_cast %swap3A_1573 : i32 to index
        %swap3A_1575 = arith.index_cast %scan3A_935 : i32 to index
        %swap3A_1576 = arith.constant 416 : index
        %swap3A_1577 = tpu.vector_load %arg12[%swap3A_1574, %swap3A_1575, %swap3A_1576] {strides = array<i32>} : memref<2x32x512xf32, #tpu.memory_space<vmem>>, vector<16xf32>,
        tpu.vector_store %arg12[%swap3A_1574, %swap3A_1575, %swap3A_1576], %sub3A_1572 {strides = array<i32>} : memref<2x32x512xf32, #tpu.memory_space<vmem>>, vector<16xf32>,
        %sub3A_1578 = arith.subf %add3A_1305, %mul3A_1415 : vector<16xf32>
        %swap3A_1579 = arith.constant 1 : i32
        %swap3A_1580 = arith.index_cast %swap3A_1579 : i32 to index
        %swap3A_1581 = arith.index_cast %scan3A_935 : i32 to index
        %swap3A_1582 = arith.constant 432 : index
        %swap3A_1583 = tpu.vector_load %arg12[%swap3A_1580, %swap3A_1581, %swap3A_1582] {strides = array<i32>} : memref<2x32x512xf32, #tpu.memory_space<vmem>>, vector<16xf32>,
        tpu.vector_store %arg12[%swap3A_1580, %swap3A_1581, %swap3A_1582], %sub3A_1578 {strides = array<i32>} : memref<2x32x512xf32, #tpu.memory_space<vmem>>, vector<16xf32>,
        %sub3A_1584 = arith.subf %add3A_1318, %mul3A_1415 : vector<16xf32>
        %swap3A_1585 = arith.constant 1 : i32
        %swap3A_1586 = arith.index_cast %swap3A_1585 : i32 to index
        %swap3A_1587 = arith.index_cast %scan3A_935 : i32 to index
        %swap3A_1588 = arith.constant 448 : index
        %swap3A_1589 = tpu.vector_load %arg12[%swap3A_1586, %swap3A_1587, %swap3A_1588] {strides = array<i32>} : memref<2x32x512xf32, #tpu.memory_space<vmem>>, vector<16xf32>,
        tpu.vector_store %arg12[%swap3A_1586, %swap3A_1587, %swap3A_1588], %sub3A_1584 {strides = array<i32>} : memref<2x32x512xf32, #tpu.memory_space<vmem>>, vector<16xf32>,
        %sub3A_1590 = arith.subf %add3A_1331, %mul3A_1415 : vector<16xf32>
        %swap3A_1591 = arith.constant 1 : i32
        %swap3A_1592 = arith.index_cast %swap3A_1591 : i32 to index
        %swap3A_1593 = arith.index_cast %scan3A_935 : i32 to index
        %swap3A_1594 = arith.constant 464 : index
        %swap3A_1595 = tpu.vector_load %arg12[%swap3A_1592, %swap3A_1593, %swap3A_1594] {strides = array<i32>} : memref<2x32x512xf32, #tpu.memory_space<vmem>>, vector<16xf32>,
        tpu.vector_store %arg12[%swap3A_1592, %swap3A_1593, %swap3A_1594], %sub3A_1590 {strides = array<i32>} : memref<2x32x512xf32, #tpu.memory_space<vmem>>, vector<16xf32>,
        %sub3A_1596 = arith.subf %add3A_1344, %mul3A_1415 : vector<16xf32>
        %swap3A_1597 = arith.constant 1 : i32
        %swap3A_1598 = arith.index_cast %swap3A_1597 : i32 to index
        %swap3A_1599 = arith.index_cast %scan3A_935 : i32 to index
        %swap3A_1600 = arith.constant 480 : index
        %swap3A_1601 = tpu.vector_load %arg12[%swap3A_1598, %swap3A_1599, %swap3A_1600] {strides = array<i32>} : memref<2x32x512xf32, #tpu.memory_space<vmem>>, vector<16xf32>,
        tpu.vector_store %arg12[%swap3A_1598, %swap3A_1599, %swap3A_1600], %sub3A_1596 {strides = array<i32>} : memref<2x32x512xf32, #tpu.memory_space<vmem>>, vector<16xf32>,
        %sub3A_1602 = arith.subf %add3A_1357, %mul3A_1415 : vector<16xf32>
        %swap3A_1603 = arith.constant 1 : i32
        %swap3A_1604 = arith.index_cast %swap3A_1603 : i32 to index
        %swap3A_1605 = arith.index_cast %scan3A_935 : i32 to index
        %swap3A_1606 = arith.constant 496 : index
        %swap3A_1607 = tpu.vector_load %arg12[%swap3A_1604, %swap3A_1605, %swap3A_1606] {strides = array<i32>} : memref<2x32x512xf32, #tpu.memory_space<vmem>>, vector<16xf32>,
        tpu.vector_store %arg12[%swap3A_1604, %swap3A_1605, %swap3A_1606], %sub3A_1602 {strides = array<i32>} : memref<2x32x512xf32, #tpu.memory_space<vmem>>, vector<16xf32>,
      }
      %scan3A_247 = arith.constant 32 : i32
      %add3A_248 = arith.constant 1 : i32
      %add3A_249 = arith.addi %mul3A_98, %add3A_248 : i32
      %mul3A_250 = arith.constant 32 : i32
      %mul3A_251 = arith.muli %add3A_249, %mul3A_250 : i32
      %dma_start3A_252 = arith.constant 1 : i32
      %dma_start3A_253 = arith.constant 0 : i32
      %dma_start3A_254 = arith.constant 0 : i32
      %dma_start3A_255 = tpu.memref_slice %arg12[%dma_start3A_252, %dma_start3A_253, %dma_start3A_254] : memref<2x32x512xf32, #tpu.memory_space<vmem>> -> memref<1x32x512xf32, #tpu.memory_space<vmem>>
      %dma_start3A_256 = tpu.memref_squeeze %dma_start3A_255 : memref<1x32x512xf32, #tpu.memory_space<vmem>> -> memref<32x512xf32, #tpu.memory_space<vmem>>
      %dma_start3A_257 = arith.constant 0 : i32
      %dma_start3A_258 = tpu.memref_slice %arg6[%add3A, %mul3A_251, %dma_start3A_257] : memref<32x2048x512xf32, #tpu.memory_space<hbm>> -> memref<1x32x512xf32, #tpu.memory_space<hbm>>
      %dma_start3A_259 = tpu.memref_squeeze %dma_start3A_258 : memref<1x32x512xf32, #tpu.memory_space<hbm>> -> memref<32x512xf32, #tpu.memory_space<hbm>>
      %dma_start3A_260 = arith.constant 0 : i32
      %dma_start3A_261 = tpu.memref_slice %arg6[%add3A, %mul3A_251, %dma_start3A_260] : memref<32x2048x512xf32, #tpu.memory_space<hbm>> -> memref<1x32x512xf32, #tpu.memory_space<hbm>>
      %dma_start3A_262 = tpu.memref_squeeze %dma_start3A_261 : memref<1x32x512xf32, #tpu.memory_space<hbm>> -> memref<32x512xf32, #tpu.memory_space<hbm>>
      %dma_start3A_263 = arith.constant 0 : i32
      %dma_start3A_264 = arith.constant 0 : i32
      %dma_start3A_265 = tpu.memref_slice %arg12[%dma_start3A_252, %dma_start3A_263, %dma_start3A_264] : memref<2x32x512xf32, #tpu.memory_space<vmem>> -> memref<1x32x512xf32, #tpu.memory_space<vmem>>
      %dma_start3A_266 = tpu.memref_squeeze %dma_start3A_265 : memref<1x32x512xf32, #tpu.memory_space<vmem>> -> memref<32x512xf32, #tpu.memory_space<vmem>>
      tpu.enqueue_dma source(%dma_start3A_266 : memref<32x512xf32, #tpu.memory_space<vmem>>) target(%dma_start3A_262 : memref<32x512xf32, #tpu.memory_space<hbm>>) target_semaphore(%arg17 : memref<!tpu.dma_semaphore, #tpu.memory_space<semaphore_mem>>)
    }
    %scan3A_62 = arith.constant 32 : i32
    %dma_wait3A = arith.constant 0 : i32
    %dma_wait3A_63 = arith.constant 0 : i32
    %dma_wait3A_64 = arith.constant 0 : i32
    %dma_wait3A_65 = tpu.memref_slice %arg12[%dma_wait3A, %dma_wait3A_63, %dma_wait3A_64] : memref<2x32x512xf32, #tpu.memory_space<vmem>> -> memref<1x32x512xf32, #tpu.memory_space<vmem>>
    %dma_wait3A_66 = tpu.memref_squeeze %dma_wait3A_65 : memref<1x32x512xf32, #tpu.memory_space<vmem>> -> memref<32x512xf32, #tpu.memory_space<vmem>>
    %dma_wait3A_67 = arith.constant 1984 : i32
    %dma_wait3A_68 = arith.constant 0 : i32
    %dma_wait3A_69 = tpu.memref_slice %arg6[%add3A, %dma_wait3A_67, %dma_wait3A_68] : memref<32x2048x512xf32, #tpu.memory_space<hbm>> -> memref<1x32x512xf32, #tpu.memory_space<hbm>>
    %dma_wait3A_70 = tpu.memref_squeeze %dma_wait3A_69 : memref<1x32x512xf32, #tpu.memory_space<hbm>> -> memref<32x512xf32, #tpu.memory_space<hbm>>
    %dma_wait3A_71 = arith.constant 1984 : i32
    %dma_wait3A_72 = arith.constant 0 : i32
    %dma_wait3A_73 = tpu.memref_slice %arg6[%add3A, %dma_wait3A_71, %dma_wait3A_72] : memref<32x2048x512xf32, #tpu.memory_space<hbm>> -> memref<1x32x512xf32, #tpu.memory_space<hbm>>
    %dma_wait3A_74 = tpu.memref_squeeze %dma_wait3A_73 : memref<1x32x512xf32, #tpu.memory_space<hbm>> -> memref<32x512xf32, #tpu.memory_space<hbm>>
    %dma_wait3A_75 = arith.constant 0 : i32
    %dma_wait3A_76 = arith.constant 0 : i32
    %dma_wait3A_77 = tpu.memref_slice %arg12[%dma_wait3A, %dma_wait3A_75, %dma_wait3A_76] : memref<2x32x512xf32, #tpu.memory_space<vmem>> -> memref<1x32x512xf32, #tpu.memory_space<vmem>>
    %dma_wait3A_78 = tpu.memref_squeeze %dma_wait3A_77 : memref<1x32x512xf32, #tpu.memory_space<vmem>> -> memref<32x512xf32, #tpu.memory_space<vmem>>
    tpu.wait_dma2 semaphore(%arg16 : memref<!tpu.dma_semaphore, #tpu.memory_space<semaphore_mem>>) src(%dma_wait3A_78 : memref<32x512xf32, #tpu.memory_space<vmem>>) dst(%dma_wait3A_74 : memref<32x512xf32, #tpu.memory_space<hbm>>)
    %dma_wait3A_79 = arith.constant 1 : i32
    %dma_wait3A_80 = arith.constant 0 : i32
    %dma_wait3A_81 = arith.constant 0 : i32
    %dma_wait3A_82 = tpu.memref_slice %arg12[%dma_wait3A_79, %dma_wait3A_80, %dma_wait3A_81] : memref<2x32x512xf32, #tpu.memory_space<vmem>> -> memref<1x32x512xf32, #tpu.memory_space<vmem>>
    %dma_wait3A_83 = tpu.memref_squeeze %dma_wait3A_82 : memref<1x32x512xf32, #tpu.memory_space<vmem>> -> memref<32x512xf32, #tpu.memory_space<vmem>>
    %dma_wait3A_84 = arith.constant 2016 : i32
    %dma_wait3A_85 = arith.constant 0 : i32
    %dma_wait3A_86 = tpu.memref_slice %arg6[%add3A, %dma_wait3A_84, %dma_wait3A_85] : memref<32x2048x512xf32, #tpu.memory_space<hbm>> -> memref<1x32x512xf32, #tpu.memory_space<hbm>>
    %dma_wait3A_87 = tpu.memref_squeeze %dma_wait3A_86 : memref<1x32x512xf32, #tpu.memory_space<hbm>> -> memref<32x512xf32, #tpu.memory_space<hbm>>
    %dma_wait3A_88 = arith.constant 2016 : i32
    %dma_wait3A_89 = arith.constant 0 : i32
    %dma_wait3A_90 = tpu.memref_slice %arg6[%add3A, %dma_wait3A_88, %dma_wait3A_89] : memref<32x2048x512xf32, #tpu.memory_space<hbm>> -> memref<1x32x512xf32, #tpu.memory_space<hbm>>
    %dma_wait3A_91 = tpu.memref_squeeze %dma_wait3A_90 : memref<1x32x512xf32, #tpu.memory_space<hbm>> -> memref<32x512xf32, #tpu.memory_space<hbm>>
    %dma_wait3A_92 = arith.constant 0 : i32
    %dma_wait3A_93 = arith.constant 0 : i32
    %dma_wait3A_94 = tpu.memref_slice %arg12[%dma_wait3A_79, %dma_wait3A_92, %dma_wait3A_93] : memref<2x32x512xf32, #tpu.memory_space<vmem>> -> memref<1x32x512xf32, #tpu.memory_space<vmem>>
    %dma_wait3A_95 = tpu.memref_squeeze %dma_wait3A_94 : memref<1x32x512xf32, #tpu.memory_space<vmem>> -> memref<32x512xf32, #tpu.memory_space<vmem>>
    tpu.wait_dma2 semaphore(%arg17 : memref<!tpu.dma_semaphore, #tpu.memory_space<semaphore_mem>>) src(%dma_wait3A_95 : memref<32x512xf32, #tpu.memory_space<vmem>>) dst(%dma_wait3A_91 : memref<32x512xf32, #tpu.memory_space<hbm>>)
    return
  }
}

</mosaic_0001>

<sc_bundles>
// kernel: kernel.3.cloned.1.call-start
scs
__scs_entry_jumppad:
0x0: {  	(pc) =	sbr.rel $0x88, $3  }
0x1: {  	(tag) =	ssettag $0x0;
	lr =	simm.s32 $0x1  }
0x2: {  	[smem:$0x3F9D] =	sst lr;
	_ =	strace $0xD0000000  }
0x3: {  	_ = 	snop  }
0x4: {  	_ = 	snop  }
0x5: {  	_ = 	snop  }
0x6: {  	_ = 	snop  }
0x7: {  	_ = 	snop  }
__scs_overlays_trampoline_lowered:
0x8: {  	[smem:$0x3FAC] =	sst s0  }
0x9: {  	[smem:$0x3FAD] =	sst s1  }
0xa: {  	[smem:$0x3FAE] =	sst s2  }
0xb: {  	[smem:$0x3FAF] =	sst s3  }
0xc: {  	[smem:$0x3FB0] =	sst s4  }
0xd: {  	[smem:$0x3FB1] =	sst s5  }
0xe: {  	[smem:$0x3FB2] =	sst s6  }
0xf: {  	[smem:$0x3FB3] =	sst s7  }
0x10: {  	[smem:$0x3FB4] =	sst s8  }
0x11: {  	[smem:$0x3FB5] =	sst s9;
	s0 =	simm.s32 @!p0 $0x0  }
0x12: {  	s1 =	sld [smem:$0x3F9B];
	s0 =	simm.s32 @p0 $0x1  }
0x13: {  	[smem:$0x3FB6] =	sst s0;
	s0 =	simm.s32 @!p1 $0x0  }
0x14: {  	s2 =	sld [smem:$0x3F9A];
	s0 =	simm.s32 @p1 $0x1  }
0x15: {  	[smem:$0x3FB7] =	sst s0;
	s0 =	simm.s32 @!p2 $0x0  }
0x16: {  	s3 =	sld [smem:$0x3FDB];
	s0 =	simm.s32 @p2 $0x1  }
0x17: {  	s4 =	simm.s32 $0x1BF5;
	[smem:$0x3FB9] =	sst s0  }
0x18: {  	s0 =	sld [smem:$0x3F9C];
	_ =	swait.ge [sflag:s4], $0x0  }
0x19: {  	s7 =	sld [smem:$0x3F9D]  }
0x1a: {  	s8 =	sadd.s32 $0xFFFFE003, lr  }
0x1b: {  	s9 =	sadd.s32 $0xFFFFFEF7, lr;
	s5 =	simm.s32 $0xFFFFFFFF;
	p2 =	slt.u32 s8, $0xFFFFF086  }
0x1c: {  	p1 =	slt.u32 s9, $0xF7A;
	s5 =	simm.s32 @!p2 $0x0  }
0x1d: {  	s5 =	simm.s32 @p1 $0x1;
	p0 =	seq.s32 s7, s2  }
0x1e: {  	s7 =	smul.u32 @!p0 $0xF7A, s2;
	p2 =	seq.s32 @!p0 s5, $0x0  }
0x1f: {  	s9 =	smul.u32 $0xF7A, s1;
	s8 =	simm.s32 @!p0 $0x1BF5;
	p2 =	por !p2, p0  }
0x20: {  	[sflag:s8] =	ssyncset.s32 @!p0 $0xFFFFF086;
	s6 =	sadd.s32 @!p0 s3, s7;
	s7 =	simm.s32 @!p0 $0x108  }
0x21: {  	s3 =	sadd.s32 s3, s9;
	s6 =	sadd.s32 @!p0 $0x88, s6;
	s7 =	simm.s32 @p2 $0x1082  }
0x22: {  	[simem:s7], [sflag:s8] =	dma.local @!p0 [hbm:s6], $0xF7A  }
0x23: {  	s9 =	sor.u32 $0xD0000000, s2;
	s6 =	simm.s32 $0x108;
	_ =	swait.ge @!p0 [sflag:s8], $0x0  }
0x24: {  	s3 =	sadd.s32 $0x88, s3;
	s6 =	simm.s32 @!p1 $0x1082;
	[sflag:s4] =	ssyncset.s32 $0xFFFFF086  }
0x25: {  	[simem:s6], [sflag:s4] =	dma.local [hbm:s3], $0xF7A  }
0x26: {  	[smem:$0x3F9D] =	sst s1;
	(tag) =	ssettag s2;
	_ =	strace s9  }
0x27: {  	s1 =	sld [smem:$0x3FAD]  }
0x28: {  	s2 =	sld [smem:$0x3FAE]  }
0x29: {  	s4 =	sld [smem:$0x3FB0]  }
0x2a: {  	p0 =	seq.s32 s5, $0x0;
	s5 =	sld [smem:$0x3FB1]  }
0x2b: {  	s6 =	sld [smem:$0x3FB2]  }
0x2c: {  	s7 =	sld [smem:$0x3FB3]  }
0x2d: {  	s3 =	simm.s32 $0x108;
	s8 =	sld [smem:$0x3FB4]  }
0x2e: {  	s3 =	simm.s32 @!p0 $0x1082;
	s9 =	sld [smem:$0x3FB5]  }
0x2f: {  	lr =	sadd.s32 s0, s3;
	s0 =	sld [smem:$0x3FAC]  }
0x30: {  	s3 =	sld [smem:$0x3FAF]  }
0x31: {  	[smem:$0x3FB8] =	sst s10  }
0x32: {  	s10 =	sld [smem:$0x3FB6];
	_ =	sdelay $0x3  }
0x33: {  	p0 =	seq.s32 s10, $0x1;
	s10 =	sld [smem:$0x3FB8];
	_ =	sdelay $0x3  }
0x34: {  	[smem:$0x3FB8] =	sst s10  }
0x35: {  	s10 =	sld [smem:$0x3FB7];
	_ =	sdelay $0x3  }
0x36: {  	p1 =	seq.s32 s10, $0x1;
	s10 =	sld [smem:$0x3FB8];
	_ =	sdelay $0x3  }
0x37: {  	[smem:$0x3FB8] =	sst s10  }
0x38: {  	s10 =	sld [smem:$0x3FB9]  }
0x39: {  	_ = 	snop;
	(pc) =	sbr.ind lr, $3  }
0x3a: {  	_ = 	snop  }
0x3b: {  	_ = 	snop  }
0x3c: {  	p2 =	seq.s32 s10, $0x1;
	s10 =	sld [smem:$0x3FB8]  }
0x3d: {  	_ =	shalt  }
0x3e: {  	_ =	shalt  }
0x3f: {  	_ =	shalt  }
0x40: {  	_ =	shalt  }
0x41: {  	_ =	shalt  }
0x42: {  	_ =	shalt  }
0x43: {  	_ =	shalt  }
0x44: {  	_ =	shalt  }
0x45: {  	_ =	shalt  }
0x46: {  	_ =	shalt  }
0x47: {  	_ =	shalt  }
0x48: {  	_ =	shalt  }
0x49: {  	_ =	shalt  }
0x4a: {  	_ =	shalt  }
0x4b: {  	_ =	shalt  }
0x4c: {  	_ =	shalt  }
0x4d: {  	_ =	shalt  }
0x4e: {  	_ =	shalt  }
0x4f: {  	_ =	shalt  }
0x50: {  	_ =	shalt  }
0x51: {  	_ =	shalt  }
0x52: {  	_ =	shalt  }
0x53: {  	_ =	shalt  }
0x54: {  	_ =	shalt  }
0x55: {  	_ =	shalt  }
0x56: {  	_ =	shalt  }
0x57: {  	_ =	shalt  }
0x58: {  	_ =	shalt  }
0x59: {  	_ =	shalt  }
0x5a: {  	_ =	shalt  }
0x5b: {  	_ =	shalt  }
0x5c: {  	_ =	shalt  }
0x5d: {  	_ =	shalt  }
0x5e: {  	_ =	shalt  }
0x5f: {  	_ =	shalt  }
0x60: {  	_ =	shalt  }
0x61: {  	_ =	shalt  }
0x62: {  	_ =	shalt  }
0x63: {  	_ =	shalt  }
0x64: {  	_ =	shalt  }
0x65: {  	_ =	shalt  }
0x66: {  	_ =	shalt  }
0x67: {  	_ =	shalt  }
0x68: {  	_ =	shalt  }
0x69: {  	_ =	shalt  }
0x6a: {  	_ =	shalt  }
0x6b: {  	_ =	shalt  }
0x6c: {  	_ =	shalt  }
0x6d: {  	_ =	shalt  }
0x6e: {  	_ =	shalt  }
0x6f: {  	_ =	shalt  }
0x70: {  	_ =	shalt  }
0x71: {  	_ =	shalt  }
0x72: {  	_ =	shalt  }
0x73: {  	_ =	shalt  }
0x74: {  	_ =	shalt  }
0x75: {  	_ =	shalt  }
0x76: {  	_ =	shalt  }
0x77: {  	_ =	shalt  }
0x78: {  	_ =	shalt  }
0x79: {  	_ =	shalt  }
0x7a: {  	_ =	shalt  }
0x7b: {  	_ =	shalt  }
0x7c: {  	_ =	shalt  }
0x7d: {  	_ =	shalt  }
0x7e: {  	_ =	shalt  }
0x7f: {  	_ =	shalt  }
0x80: {  	_ =	shalt  }
0x81: {  	_ =	shalt  }
0x82: {  	_ =	shalt  }
0x83: {  	_ =	shalt  }
0x84: {  	_ =	shalt  }
0x85: {  	_ =	shalt  }
0x86: {  	_ =	shalt  }
0x87: {  	_ =	shalt  }
.Lfunc_end0:
.L_simem_size_0:
called_computation_lowered:
.L_overlay_start_0:
0x88: {  	s2 =	sld [smem:$0x3FD9]  }
0x89: {  	s3 =	sld [smem:$0x3FFE];
	_ =	sdelay $0x1  }
0x8a: {  	s1 =	srdreg.scid  }
0x8b: {  	s0 =	sand.u32 $0x1, s1  }
0x8c: {  	s18 =	sshll.u32 s0, $0xA;
	s2 =	sadd.s32 s3, s2  }
0x8d: {  	s2 =	sadd.s32 s2, s18  }
0x8e: {  	[smem:$0x3FC4] =	sst s2  }
0x8f: {  	_ = 	snop  }
0x90: {  	s2 =	sld [smem:$0x3FC9]  }
0x91: {  	s19 =	sld [smem:$0x3FC8]  }
0x92: {  	s4 =	sld [smem:$0x3FC7]  }
0x93: {  	s5 =	sld [smem:$0x3FC6]  }
0x94: {  	s6 =	sld [smem:$0x3FD0];
	(tm) =	ssettm $0x1  }
0x95: {  	s7 =	sld [smem:$0x3FFB];
	_ =	sdelay $0x3  }
0x96: {  	_ =	strace s7  }
0x97: {  	s7 =	sld [smem:$0x3FFC];
	_ =	sdelay $0x3  }
0x98: {  	_ =	strace s7  }
0x99: {  	s7 =	sld [smem:$0x3FFD];
	_ =	sdelay $0x3  }
0x9a: {  	_ =	strace s7  }
0x9b: {  	_ =	strace $0x8FFFFFFF  }
0x9c: {  	s20 =	sld [smem:$0x3FDB];
	_ =	sdelay $0x1  }
0x9d: {  	s8 =	simm.s32 $_scs_section_size  }
0x9e: {  	s9 =	simm.s32 $_size__tile_overlayer_lowered;
	s10 =	simm.s32 $_tile_overlayer_lowered  }
0x9f: {  	s23 =	simm.s32 $0x1BFF;
	s22 =	sshll.u32 s10, $0x1;
	s7 =	sadd.s32 s8, s20  }
0xa0: {  	s11 =	simm.s32 $0x0;
	s21 =	sshll.u32 s9, $0x1;
	s9 =	sadd.s32 s22, s7  }
0xa1: {  	[timem:s11], [sflag:s23] =	dma.local [hbm:s9], s21  }
0xa2: {  	_ =	swait.ge [sflag:s23], s21  }
0xa3: {  	s8 =	ssub.s32 $0x0, s21;
	[sflag:s23] =	ssyncset.done $0x0  }
0xa4: {  	[sflag:s23] =	ssyncadd.s32 s8;
	_ =	sdelay $0x1  }
0xa5: {  	s24 =	simm.s32 $0x1B8B  }
0xa6: {  	_ =	swait.ge [sflag:s24], $0x1  }
0xa7: {  	[sflag:s24] =	ssyncset.done $0x0  }
0xa8: {  	s25 =	simm.s32 $0x1B8E;
	[sflag:s24] =	ssyncadd.s32 $0xFFFFFFFF  }
0xa9: {  	s26 =	simm.s32 $execute0_lowered;
	[smem:$0x3FD2] =	sst s25  }
0xaa: {  	s8 =	sshll.u32 s26, $0x1;
	_ =	strace $0x80000046;
	[dreg:$0x1] =	wrdreg $0xFFFFFFFF  }
0xab: {  	s28 =	simm.s32 $_size_execute0_lowered;
	s7 =	sadd.s32 s7, s8;
	[dreg:$0x0] =	wrdreg $0x0  }
0xac: {  	s8 =	sshll.u32 s28, $0x1;
	[dreg:$0x2] =	wrdreg s7  }
0xad: {  	[dreg:$0x3] =	wrdreg s8  }
0xae: {  	[dreg:$0x4] =	wrdreg $0xC0  }
0xaf: {  	_ =	task [dreg:s11], $0x5FFFF  }
0xb0: {  	[dreg:$0x1] =	wrdreg $0xFFFFFFFF  }
0xb1: {  	[dreg:$0x0] =	wrdreg $0x60  }
0xb2: {  	[dreg:$0x2] =	wrdreg s5  }
0xb3: {  	[dreg:$0x3] =	wrdreg s2  }
0xb4: {  	[dreg:$0x4] =	wrdreg s19  }
0xb5: {  	[dreg:$0x5] =	wrdreg s4  }
0xb6: {  	[dreg:$0x6] =	wrdreg s6  }
0xb7: {  	[dreg:$0x7] =	wrdreg $0x9  }
0xb8: {  	_ =	task.clear_ibuf [dreg:s11], $0x8FFFF;
	_ =	strace $0x90000046  }
0xb9: {  	s29 =	simm.s32 $0x9;
	_ =	strace $0x80000048  }
0xba: {  	_ =	swait.ge [sflag:s29], $0x1  }
0xbb: {  	[sflag:s29] =	ssyncadd.s32 $0xFFFFFFFF  }
0xbc: {  	_ =	strace $0x90000048  }
0xbd: {  	_ =	sfence  }
0xbe: {  	s30 =	sld [smem:$0x0];
	_ =	sdelay $0x2  }
0xbf: {  	s31 =	sshll.u32 s1, $0xD;
	s1 =	sshrl.u32 s1, $0x2  }
0xc0: {  	s3 =	sand.u32 $0x4000, s31;
	s1 =	sadd.s32 s1, s30  }
0xc1: {  	s0 =	sor.u32 s3, s0;
	s1 =	sshll.u32 s1, $0x11  }
0xc2: {  	s0 =	sor.u32 s1, s0  }
0xc3: {  	s0 =	sadd.s32 $0x8F2B, s0  }
0xc4: {  	[sflag:s0] =	ssyncadd.remote.s32 $0x1  }
0xc5: {  	_ =	sfence.sel $0xFFFF  }
0xc6: {  	[dreg:$0x0] =	wrdreg $0xFFFFFFFF;
	(pc) =	sbr.abs _section_cstart, $3  }
0xc7: {  	[dreg:$0x1] =	wrdreg $0xFFFFFFFF  }
0xc8: {  	_ =	task.clear_ibuf [dreg:s11], $0x2FFFF;
	_ =	strace $0x9FFFFFFF  }
0xc9: {  	(tm) =	ssettm $0x7FFFFFFF  }
tec
execute0_lowered:
.L_overlay_start_1:
0x0: {  	(tag) =	ssettag $0x1  }
0x1: {  	s0 =	rddreg [dreg:$0x0]  }
0x2: {  	s1 =	rddreg [dreg:$0x1]  }
0x3: {  	s2 =	rddreg [dreg:$0x2]  }
0x4: {  	s3 =	srdreg.scid;
	s7 =	stileid.u32  }
0x5: {  	s4 =	rddreg [dreg:$0x4];
	s6 =	simm.s32 $0x0;
	s17 =	simm.s32 $0x1280  }
0x6: {  	s20 =	simm.s32 $0xF280;
	s21 =	simm.s32 $0xFA80;
	s22 =	simm.s32 $0x10280  }
0x7: {  	s23 =	simm.s32 $0x10A80;
	s24 =	simm.s32 $0x1;
	s25 =	simm.s32 $0x2  }
0x8: {  	s3 =	sand.u32 $0x1, s3;
	s5 =	sshll.u32 s7, $0x1;
	s26 =	sshll.u32 s7, $0x9  }
0x9: {  	[smem:$0x7FF] =	sst s6;
	s8 =	sor.u32 s3, s5;
	s3 =	ssub.s32 $0x2, s3  }
0xa: {  	s9 =	sadd.s32 $0x100, s0;
	s28 =	sshll.u32 s8, $0x4;
	s29 =	sshrl.u32 s3, $0x1  }
0xb: {  	_ =	strace $0x80000047;
	s5 =	sor.u32 s26, s28;
	s3 =	ssub.s32 s3, s29  }
0xc: {  	[dreg:$0x6] =	wrdreg s8;
	s5 =	sand.u32 $0x1870, s5;
	s31 =	smax.u32 s3, $0x1  }
0xd: {  	v2 =	vlaneseq.u32;
	s10 =	sshll.u32 s8, $0x14;
	s1 =	sadd.s32 s1, s5;
	[dreg:$0x9] =	wrdreg s31  }
0xe: {  	vm0 =	vmmov $0xffff;
	v1 =	vshrl.u32 v2, $0x3;
	s26 =	simm.s32 $0x3;
	s30 =	sadd.s32 s2, s5;
	[dreg:$0x7] =	wrdreg s1  }
0xf: {  	v0 =	vand.u32 $0x7, v2;
	v2 =	vor.u32 $0x8, v2;
	v1 =	vmul.u32 $0x8, v1;
	s3 =	simm.s32 $0x5280;
	s5 =	simm.s32 $0x0;
	[dreg:$0x8] =	wrdreg s30  }
.LBB2_1:
0x10: {  	[dreg:$0xa] =	wrdreg s5  }
0x11: {  	s1 =	rddreg [dreg:$0x7]  }
0x12: {  	s2 =	simm.s32 $0x80;
	s14 =	simm.s32 $0x400;
	s7 =	simm.s32 $0x5  }
0x13: {  	[tilespmem:s6], [sflag:$0x5] =	stream.strided.gather [hbm4b:s1+s2], $0x800, s14, s2, $0x38;
	[tilespmem:$0x11280] =	vst v63  }
0x14: {  	_ =	swait.ge [sflag:s7], $0x800  }
0x15: {  	[sflag:s7] =	ssyncset.done $0x0  }
0x16: {  	s8 =	simm.s32 $0x800;
	s15 =	rddreg [dreg:$0x8];
	[sflag:s7] =	ssyncadd.s32 $0xFFFFF800  }
0x17: {  	[tilespmem:s8], [sflag:$0x5] =	stream.strided.gather [hbm4b:s15+s2], $0x800, s14, s2, $0x38;
	[tilespmem:$0x11280] =	vst v63  }
0x18: {  	_ =	swait.ge [sflag:s7], $0x800  }
0x19: {  	[sflag:s7] =	ssyncset.done $0x0  }
0x1a: {  	[sflag:s7] =	ssyncadd.s32 $0xFFFFF800  }
0x1b: {  	s18 =	simm.s32 $0x1000;
	s16 =	rddreg [dreg:$0x3]  }
0x1c: {  	[tilespmem:s18], [sflag:$0x5] =	stream.linear.gather [hbm4b:s16+s6], $0x20, $0x38;
	[tilespmem:$0x11280] =	vst v63  }
0x1d: {  	_ =	swait.ge [sflag:s7], $0x20  }
0x1e: {  	[sflag:s7] =	ssyncset.done $0x0  }
0x1f: {  	s19 =	rddreg [dreg:$0x6];
	[sflag:s7] =	ssyncadd.s32 $0xFFFFFFE0  }
0x20: {  	v3 =	vld [tilespmem:s19+$0x1000];
	_ =	sdelay $0x4  }
0x21: {  	(v2sf) =	vpush v3, $0x0;
	_ =	sdelay $0xb  }
0x22: {  	v3 =	vld [tilespmem:$0x0];
	_ =	sdelay $0x2  }
0x23: {  	s29 =	spop (v2sf)  }
0x24: {  	s1 =	sshll.u32 s29, $0x9  }
0x25: {  	v3 =	vadd.s32 s1, v3  }
0x26: {  	[tilespmem:$0x1080] =	vst v3  }
0x27: {  	v3 =	vld [tilespmem:$0x1080];
	_ =	sdelay $0x4  }
0x28: {  	v4 =	vshll.u32 v3, $0x2  }
0x29: {  	v5 =	vld [tilespmem:$0x800];
	v3 =	vand.u32 $0x7, v3;
	v4 =	vand.u32 $0xFFFFFFE0, v4  }
0x2a: {  	v6 =	vld [tilespmem:$0x10];
	v3 =	vor.u32 v3, v4  }
0x2b: {  	v4 =	vld [tilespmem:$0x810];
	v7 =	vperm.xlane v3, v0;
	_ =	sdelay $0x1  }
0x2c: {  	s2 =	ssub.s32 $0x6600, s1;
	v7 =	vadd.s32 v1, v7  }
0x2d: {  	v5 =	vadd.s32 s2, v5  }
0x2e: {  	[tilespmem:$0x1180] =	vst v5;
	v5 =	vadd.s32 s1, v6;
	v3 =	vperm.xlane v3, v2  }
0x2f: {  	[tilespmem:$0x1090] =	vst v5;
	v4 =	vadd.s32 s2, v4  }
0x30: {  	v3 =	vadd.s32 v1, v3;
	[tilespmem:$0x1190] =	vst v4  }
0x31: {  	[tilespmem:s17], [sflag:$0x1] =	stream.indirect_vreg.gather [hbm4b:s0+s6], $0x80, v7, vm0, $0xb8;
	[tilespmem:$0x11280] =	vst v63  }
0x32: {  	s30 =	simm.s32 $0x1A80  }
0x33: {  	[tilespmem:s30], [sflag:$0x1] =	stream.indirect_vreg.gather [hbm4b:s9+s6], $0x80, v7, vm0, $0xb8;
	[tilespmem:$0x11280] =	vst v63  }
0x34: {  	s31 =	simm.s32 $0x2280  }
0x35: {  	[tilespmem:s31], [sflag:$0x1] =	stream.indirect_vreg.gather [hbm4b:s0+s6], $0x80, v3, vm0, $0xb8;
	[tilespmem:$0x11280] =	vst v63  }
0x36: {  	s7 =	simm.s32 $0x2A80  }
0x37: {  	[tilespmem:s7], [sflag:$0x1] =	stream.indirect_vreg.gather [hbm4b:s9+s6], $0x80, v3, vm0, $0xb8;
	[tilespmem:$0x11280] =	vst v63  }
0x38: {  	v3 =	vld [tilespmem:$0x1090];
	_ =	sdelay $0x4  }
0x39: {  	v4 =	vshll.u32 v3, $0x2  }
0x3a: {  	v3 =	vand.u32 $0x7, v3;
	v4 =	vand.u32 $0xFFFFFFE0, v4  }
0x3b: {  	v3 =	vor.u32 v3, v4  }
0x3c: {  	v4 =	vperm.xlane v3, v0;
	_ =	sdelay $0x1  }
0x3d: {  	v4 =	vadd.s32 v1, v4;
	_ =	sdelay $0x1  }
0x3e: {  	v3 =	vperm.xlane v3, v2;
	_ =	sdelay $0x1  }
0x3f: {  	s8 =	simm.s32 $0x3280;
	v3 =	vadd.s32 v1, v3  }
0x40: {  	[tilespmem:s8], [sflag:$0x1] =	stream.indirect_vreg.gather [hbm4b:s0+s6], $0x80, v4, vm0, $0xb8;
	[tilespmem:$0x11280] =	vst v63  }
0x41: {  	s11 =	simm.s32 $0x3A80  }
0x42: {  	[tilespmem:s11], [sflag:$0x1] =	stream.indirect_vreg.gather [hbm4b:s9+s6], $0x80, v4, vm0, $0xb8;
	[tilespmem:$0x11280] =	vst v63  }
0x43: {  	s12 =	simm.s32 $0x4280  }
0x44: {  	[tilespmem:s12], [sflag:$0x1] =	stream.indirect_vreg.gather [hbm4b:s0+s6], $0x80, v3, vm0, $0xb8;
	[tilespmem:$0x11280] =	vst v63  }
0x45: {  	s13 =	simm.s32 $0x4A80  }
0x46: {  	[tilespmem:s13], [sflag:$0x1] =	stream.indirect_vreg.gather [hbm4b:s9+s6], $0x80, v3, vm0, $0xb8;
	[tilespmem:$0x11280] =	vst v63  }
0x47: {  	v3 =	vld [tilespmem:$0x1180];
	_ =	sdelay $0x4  }
0x48: {  	v4 =	vshll.u32 v3, $0x2  }
0x49: {  	v3 =	vand.u32 $0x7, v3;
	v4 =	vand.u32 $0xFFFFFFE0, v4  }
0x4a: {  	v3 =	vor.u32 v3, v4  }
0x4b: {  	v4 =	vperm.xlane v3, v0;
	_ =	sdelay $0x1  }
0x4c: {  	v4 =	vadd.s32 v1, v4;
	_ =	sdelay $0x1  }
0x4d: {  	v3 =	vperm.xlane v3, v2;
	_ =	sdelay $0x1  }
0x4e: {  	s14 =	simm.s32 $0x9280;
	v3 =	vadd.s32 v1, v3  }
0x4f: {  	[tilespmem:s14], [sflag:$0x1] =	stream.indirect_vreg.gather [hbm4b:s0+s6], $0x80, v4, vm0, $0xb8;
	[tilespmem:$0x11280] =	vst v63  }
0x50: {  	s15 =	simm.s32 $0x9A80  }
0x51: {  	[tilespmem:s15], [sflag:$0x1] =	stream.indirect_vreg.gather [hbm4b:s9+s6], $0x80, v4, vm0, $0xb8;
	[tilespmem:$0x11280] =	vst v63  }
0x52: {  	s16 =	simm.s32 $0xA280  }
0x53: {  	[tilespmem:s16], [sflag:$0x1] =	stream.indirect_vreg.gather [hbm4b:s0+s6], $0x80, v3, vm0, $0xb8;
	[tilespmem:$0x11280] =	vst v63  }
0x54: {  	s18 =	simm.s32 $0xAA80  }
0x55: {  	[tilespmem:s18], [sflag:$0x1] =	stream.indirect_vreg.gather [hbm4b:s9+s6], $0x80, v3, vm0, $0xb8;
	[tilespmem:$0x11280] =	vst v63  }
0x56: {  	v3 =	vld [tilespmem:$0x1190];
	_ =	sdelay $0x4  }
0x57: {  	v4 =	vshll.u32 v3, $0x2  }
0x58: {  	v3 =	vand.u32 $0x7, v3;
	v4 =	vand.u32 $0xFFFFFFE0, v4  }
0x59: {  	v3 =	vor.u32 v3, v4  }
0x5a: {  	v4 =	vperm.xlane v3, v0;
	_ =	sdelay $0x1  }
0x5b: {  	v4 =	vadd.s32 v1, v4;
	_ =	sdelay $0x1  }
0x5c: {  	v3 =	vperm.xlane v3, v2;
	_ =	sdelay $0x1  }
0x5d: {  	s19 =	simm.s32 $0xB280;
	v3 =	vadd.s32 v1, v3  }
0x5e: {  	[tilespmem:s19], [sflag:$0x1] =	stream.indirect_vreg.gather [hbm4b:s0+s6], $0x80, v4, vm0, $0xb8;
	[tilespmem:$0x11280] =	vst v63  }
0x5f: {  	s29 =	simm.s32 $0xBA80  }
0x60: {  	[tilespmem:s29], [sflag:$0x1] =	stream.indirect_vreg.gather [hbm4b:s9+s6], $0x80, v4, vm0, $0xb8;
	[tilespmem:$0x11280] =	vst v63  }
0x61: {  	s30 =	simm.s32 $0xC280  }
0x62: {  	[tilespmem:s30], [sflag:$0x1] =	stream.indirect_vreg.gather [hbm4b:s0+s6], $0x80, v3, vm0, $0xb8;
	[tilespmem:$0x11280] =	vst v63  }
0x63: {  	s28 =	simm.s32 $0x0;
	s31 =	simm.s32 $0xCA80  }
0x64: {  	v4 =	vmov s2;
	[tilespmem:s31], [sflag:$0x1] =	stream.indirect_vreg.gather [hbm4b:s9+s6], $0x80, v3, vm0, $0xb8;
	v3 =	vmov s1;
	[tilespmem:$0x11280] =	vst v63  }
.LBB2_2:
0x65: {  	p0 =	seq.s32 s28, $0x0  }
0x66: {  	s1 =	simm.s32 @!p0 $0x4  }
0x67: {  	_ =	swait.ge @!p0 [sflag:s1], $0x4000  }
0x68: {  	s30 =	sshll.u32 s28, $0x6;
	[sflag:s1] =	ssyncset.done @!p0 $0x0  }
0x69: {  	s29 =	sor.u32 $0x20, s30;
	[sflag:s1] =	ssyncadd.s32 @!p0 $0xFFFFC000  }
0x6a: {  	v5 =	vld [tilespmem:s29+$0x0];
	_ =	sdelay $0x4  }
0x6b: {  	v5 =	vadd.s32 v3, v5  }
0x6c: {  	v6 =	vld [tilespmem:s30+$0x820];
	[tilespmem:$0x1100] =	vst v5  }
0x6d: {  	v5 =	vld [tilespmem:$0x1100];
	_ =	sdelay $0x4  }
0x6e: {  	v6 =	vadd.s32 v4, v6;
	v7 =	vshll.u32 v5, $0x2  }
0x6f: {  	s2 =	sor.u32 $0x30, s30;
	[tilespmem:$0x1200] =	vst v6;
	v5 =	vand.u32 $0x7, v5;
	v6 =	vand.u32 $0xFFFFFFE0, v7  }
0x70: {  	v7 =	vld [tilespmem:s2+$0x0];
	v5 =	vor.u32 v5, v6  }
0x71: {  	v6 =	vld [tilespmem:s30+$0x830];
	v8 =	vperm.xlane v5, v0;
	_ =	sdelay $0x1  }
0x72: {  	v8 =	vadd.s32 v1, v8;
	_ =	sdelay $0x1  }
0x73: {  	v5 =	vperm.xlane v5, v2;
	v7 =	vadd.s32 v3, v7  }
0x74: {  	[tilespmem:$0x1110] =	vst v7;
	v6 =	vadd.s32 v4, v6  }
0x75: {  	s31 =	simm.s32 $0x0;
	v5 =	vadd.s32 v1, v5;
	[tilespmem:$0x1210] =	vst v6  }
0x76: {  	[tilespmem:s3], [sflag:$0x2] =	stream.indirect_vreg.gather [hbm4b:s0+s31], $0x80, v8, vm0, $0xb8;
	[tilespmem:$0x11280] =	vst v63  }
0x77: {  	s5 =	simm.s32 $0x5A80  }
0x78: {  	[tilespmem:s5], [sflag:$0x2] =	stream.indirect_vreg.gather [hbm4b:s9+s31], $0x80, v8, vm0, $0xb8;
	[tilespmem:$0x11280] =	vst v63  }
0x79: {  	s7 =	simm.s32 $0x6280  }
0x7a: {  	[tilespmem:s7], [sflag:$0x2] =	stream.indirect_vreg.gather [hbm4b:s0+s31], $0x80, v5, vm0, $0xb8;
	[tilespmem:$0x11280] =	vst v63  }
0x7b: {  	s8 =	simm.s32 $0x6A80  }
0x7c: {  	[tilespmem:s8], [sflag:$0x2] =	stream.indirect_vreg.gather [hbm4b:s9+s31], $0x80, v5, vm0, $0xb8;
	[tilespmem:$0x11280] =	vst v63  }
0x7d: {  	v5 =	vld [tilespmem:$0x1110];
	_ =	sdelay $0x4  }
0x7e: {  	v6 =	vshll.u32 v5, $0x2  }
0x7f: {  	v5 =	vand.u32 $0x7, v5;
	v6 =	vand.u32 $0xFFFFFFE0, v6  }
0x80: {  	v5 =	vor.u32 v5, v6  }
0x81: {  	v6 =	vperm.xlane v5, v0;
	_ =	sdelay $0x1  }
0x82: {  	v6 =	vadd.s32 v1, v6;
	_ =	sdelay $0x1  }
0x83: {  	v5 =	vperm.xlane v5, v2;
	_ =	sdelay $0x1  }
0x84: {  	s11 =	simm.s32 $0x7280;
	v5 =	vadd.s32 v1, v5  }
0x85: {  	[tilespmem:s11], [sflag:$0x2] =	stream.indirect_vreg.gather [hbm4b:s0+s31], $0x80, v6, vm0, $0xb8;
	[tilespmem:$0x11280] =	vst v63  }
0x86: {  	s12 =	simm.s32 $0x7A80  }
0x87: {  	[tilespmem:s12], [sflag:$0x2] =	stream.indirect_vreg.gather [hbm4b:s9+s31], $0x80, v6, vm0, $0xb8;
	[tilespmem:$0x11280] =	vst v63  }
0x88: {  	s13 =	simm.s32 $0x8280  }
0x89: {  	[tilespmem:s13], [sflag:$0x2] =	stream.indirect_vreg.gather [hbm4b:s0+s31], $0x80, v5, vm0, $0xb8;
	[tilespmem:$0x11280] =	vst v63  }
0x8a: {  	s14 =	simm.s32 $0x8A80  }
0x8b: {  	[tilespmem:s14], [sflag:$0x2] =	stream.indirect_vreg.gather [hbm4b:s9+s31], $0x80, v5, vm0, $0xb8;
	[tilespmem:$0x11280] =	vst v63  }
0x8c: {  	v5 =	vld [tilespmem:$0x1200];
	_ =	sdelay $0x4  }
0x8d: {  	v6 =	vshll.u32 v5, $0x2  }
0x8e: {  	v5 =	vand.u32 $0x7, v5;
	v6 =	vand.u32 $0xFFFFFFE0, v6  }
0x8f: {  	v5 =	vor.u32 v5, v6  }
0x90: {  	v6 =	vperm.xlane v5, v0;
	_ =	sdelay $0x1  }
0x91: {  	v6 =	vadd.s32 v1, v6;
	_ =	sdelay $0x1  }
0x92: {  	v5 =	vperm.xlane v5, v2;
	_ =	sdelay $0x1  }
0x93: {  	s15 =	simm.s32 $0xD280;
	v5 =	vadd.s32 v1, v5  }
0x94: {  	[tilespmem:s15], [sflag:$0x2] =	stream.indirect_vreg.gather [hbm4b:s0+s31], $0x80, v6, vm0, $0xb8;
	[tilespmem:$0x11280] =	vst v63  }
0x95: {  	s16 =	simm.s32 $0xDA80  }
0x96: {  	[tilespmem:s16], [sflag:$0x2] =	stream.indirect_vreg.gather [hbm4b:s9+s31], $0x80, v6, vm0, $0xb8;
	[tilespmem:$0x11280] =	vst v63  }
0x97: {  	s18 =	simm.s32 $0xE280  }
0x98: {  	[tilespmem:s18], [sflag:$0x2] =	stream.indirect_vreg.gather [hbm4b:s0+s31], $0x80, v5, vm0, $0xb8;
	[tilespmem:$0x11280] =	vst v63  }
0x99: {  	s19 =	simm.s32 $0xEA80  }
0x9a: {  	[tilespmem:s19], [sflag:$0x2] =	stream.indirect_vreg.gather [hbm4b:s9+s31], $0x80, v5, vm0, $0xb8;
	[tilespmem:$0x11280] =	vst v63  }
0x9b: {  	v5 =	vld [tilespmem:$0x1210];
	_ =	sdelay $0x4  }
0x9c: {  	v6 =	vshll.u32 v5, $0x2  }
0x9d: {  	v5 =	vand.u32 $0x7, v5;
	v6 =	vand.u32 $0xFFFFFFE0, v6  }
0x9e: {  	v5 =	vor.u32 v5, v6  }
0x9f: {  	v6 =	vperm.xlane v5, v0;
	_ =	sdelay $0x1  }
0xa0: {  	v6 =	vadd.s32 v1, v6;
	_ =	sdelay $0x1  }
0xa1: {  	v5 =	vperm.xlane v5, v2;
	_ =	sdelay $0x1  }
0xa2: {  	v5 =	vadd.s32 v1, v5  }
0xa3: {  	[tilespmem:s20], [sflag:$0x2] =	stream.indirect_vreg.gather [hbm4b:s0+s31], $0x80, v6, vm0, $0xb8;
	[tilespmem:$0x11280] =	vst v63  }
0xa4: {  	_ = 	snop  }
0xa5: {  	[tilespmem:s21], [sflag:$0x2] =	stream.indirect_vreg.gather [hbm4b:s9+s31], $0x80, v6, vm0, $0xb8;
	[tilespmem:$0x11280] =	vst v63  }
0xa6: {  	_ = 	snop  }
0xa7: {  	[tilespmem:s22], [sflag:$0x2] =	stream.indirect_vreg.gather [hbm4b:s0+s31], $0x80, v5, vm0, $0xb8;
	[tilespmem:$0x11280] =	vst v63  }
0xa8: {  	_ = 	snop  }
0xa9: {  	[tilespmem:s23], [sflag:$0x2] =	stream.indirect_vreg.gather [hbm4b:s9+s31], $0x80, v5, vm0, $0xb8;
	[tilespmem:$0x11280] =	vst v63  }
0xaa: {  	_ =	swait.ge [sflag:s24], $0x4000  }
0xab: {  	[sflag:s24] =	ssyncset.done $0x0  }
0xac: {  	[sflag:s24] =	ssyncadd.s32 $0xFFFFC000  }
0xad: {  	_ =	swait.ge [sflag:s24], $0x4000  }
0xae: {  	s1 =	simm.s32 $0x0;
	[sflag:s24] =	ssyncset.done $0x0  }
0xaf: {  	s2 =	simm.s32 $0xFFFFFFFE;
	s15 =	simm.s32 $0x0;
	[sflag:s24] =	ssyncadd.s32 $0xFFFFC000  }
.LBB2_3:
0xb0: {  	s5 =	sand.u32 $0x3000, s1;
	s7 =	sand.u32 $0x300, s15  }
0xb1: {  	s16 =	sor.u32 s7, s5  }
0xb2: {  	v5 =	vld [tilespmem:s16+$0x1280]  }
0xb3: {  	v6 =	vld [tilespmem:s16+$0x9280]  }
0xb4: {  	v7 =	vld [tilespmem:s16+$0x1290]  }
0xb5: {  	v8 =	vld [tilespmem:s16+$0x9290]  }
0xb6: {  	v9 =	vld [tilespmem:s16+$0x12A0]  }
0xb7: {  	v10 =	vld [tilespmem:s16+$0x92A0]  }
0xb8: {  	v11 =	vld [tilespmem:s16+$0x12B0]  }
0xb9: {  	v12 =	vld [tilespmem:s16+$0x92B0]  }
0xba: {  	v13 =	vld [tilespmem:s16+$0x12C0]  }
0xbb: {  	v14 =	vld [tilespmem:s16+$0x92C0]  }
0xbc: {  	v15 =	vld [tilespmem:s16+$0x12D0]  }
0xbd: {  	v16 =	vld [tilespmem:s16+$0x92D0]  }
0xbe: {  	v17 =	vld [tilespmem:s16+$0x12E0]  }
0xbf: {  	v18 =	vld [tilespmem:s16+$0x92E0]  }
0xc0: {  	v19 =	vld [tilespmem:s16+$0x12F0]  }
0xc1: {  	v20 =	vld [tilespmem:s16+$0x92F0]  }
0xc2: {  	v21 =	vld [tilespmem:s16+$0x1680]  }
0xc3: {  	v22 =	vld [tilespmem:s16+$0x9680]  }
0xc4: {  	v23 =	vld [tilespmem:s16+$0x1690]  }
0xc5: {  	v24 =	vld [tilespmem:s16+$0x9690]  }
0xc6: {  	v25 =	vld [tilespmem:s16+$0x16A0]  }
0xc7: {  	v26 =	vld [tilespmem:s16+$0x96A0]  }
0xc8: {  	v27 =	vld [tilespmem:s16+$0x16B0]  }
0xc9: {  	v28 =	vld [tilespmem:s16+$0x96B0]  }
0xca: {  	v29 =	vld [tilespmem:s16+$0x16C0]  }
0xcb: {  	v30 =	vld [tilespmem:s16+$0x96C0]  }
0xcc: {  	v31 =	vld [tilespmem:s16+$0x16D0]  }
0xcd: {  	v32 =	vld [tilespmem:s16+$0x96D0]  }
0xce: {  	v33 =	vld [tilespmem:s16+$0x16E0]  }
0xcf: {  	v35 =	vld [tilespmem:s16+$0x96E0]  }
0xd0: {  	v36 =	vld [tilespmem:s16+$0x16F0]  }
0xd1: {  	v37 =	vld [tilespmem:s16+$0x1A80]  }
0xd2: {  	v38 =	vld [tilespmem:s16+$0x9A80]  }
0xd3: {  	v39 =	vld [tilespmem:s16+$0x1A90];
	v5 =	vadd.f32 v6, v5  }
0xd4: {  	v40 =	vld [tilespmem:s16+$0x9A90];
	v6 =	vadd.f32 v8, v7  }
0xd5: {  	v41 =	vld [tilespmem:s16+$0x1AA0];
	v7 =	vadd.f32 v10, v9;
	v34 =	vmul.f32 $1.442695020e+00, v5  }
0xd6: {  	v42 =	vld [tilespmem:s16+$0x9AA0];
	v8 =	vadd.f32 v12, v11;
	v52 =	vmul.f32 $1.442695020e+00, v6  }
0xd7: {  	v43 =	vld [tilespmem:s16+$0x1AB0];
	v9 =	vadd.f32 v14, v13;
	v53 =	vmul.f32 $1.442695020e+00, v7;
	(erf) = vpow2.f32 v34  }
0xd8: {  	v44 =	vld [tilespmem:s16+$0x9AB0];
	v10 =	vadd.f32 v16, v15;
	v12 =	vmul.f32 $1.442695020e+00, v8;
	(erf) = vpow2.f32 v52  }
0xd9: {  	v45 =	vld [tilespmem:s16+$0x1AC0];
	v54 =	vmul.f32 $1.442695020e+00, v9;
	(erf) = vpow2.f32 v53  }
0xda: {  	s12 =	sand.u32 $0x3, s31;
	v46 =	vld [tilespmem:s16+$0x9AC0];
	v55 =	vmul.f32 $1.442695020e+00, v10;
	(erf) = vpow2.f32 v12  }
0xdb: {  	s5 =	sshll.u32 s12, $0x8;
	v47 =	vld [tilespmem:s16+$0x1AD0];
	(erf) = vpow2.f32 v54  }
0xdc: {  	v49 =	vld [tilespmem:s16+$0x9AD0];
	s12 =	sadd.s32 s5, s1;
	v11 =	vadd.f32 v18, v17;
	v13 =	vadd.f32 v22, v21;
	(erf) = vpow2.f32 v55  }
0xdd: {  	v51 =	vld [tilespmem:s16+$0x1AE0];
	s13 =	sor.u32 $0xC00, s12;
	v14 =	vadd.f32 v24, v23;
	v15 =	vadd.f32 v26, v25  }
0xde: {  	v17 =	vadd.f32 v30, v29;
	v29 =	vld [tilespmem:s13+$0x9280];
	v23 =	vmul.f32 $1.442695020e+00, v13;
	v12 =	vadd.f32 v20, v19  }
0xdf: {  	s7 =	sor.u32 $0xC10, s12;
	v16 =	vadd.f32 v28, v27;
	v24 =	vmul.f32 $1.442695020e+00, v14;
	v34 =	vld [tilespmem:s16+$0x96F0];
	v20 =	vmul.f32 $1.442695020e+00, v11  }
0xe0: {  	v30 =	vld [tilespmem:s7+$0x1280];
	v25 =	vmul.f32 $1.442695020e+00, v15;
	v22 =	vmul.f32 $1.442695020e+00, v12;
	v56 =	vpop (erf)  }
0xe1: {  	s8 =	sor.u32 $0xC20, s12;
	v18 =	vadd.f32 v32, v31;
	v31 =	vld [tilespmem:s7+$0x9280];
	v26 =	vmul.f32 $1.442695020e+00, v16;
	v57 =	vpop (erf);
	(erf) = vpow2.f32 v20  }
0xe2: {  	v32 =	vld [tilespmem:s8+$0x1280];
	v21 =	vadd.f32 v38, v37;
	v27 =	vmul.f32 $1.442695020e+00, v17;
	v60 =	vpop (erf);
	(erf) = vpow2.f32 v22  }
0xe3: {  	v53 =	vld [tilespmem:s16+$0x9AE0];
	v19 =	vadd.f32 v35, v33;
	v58 =	vadd.f32 $0.0e+00, v56;
	v61 =	vpop (erf);
	(erf) = vpow2.f32 v23  }
0xe4: {  	s11 =	sor.u32 $0xC30, s12;
	v33 =	vld [tilespmem:s8+$0x9280];
	v20 =	vadd.f32 v34, v36;
	v59 =	vadd.f32 $0.0e+00, v57;
	v62 =	vpop (erf);
	(erf) = vpow2.f32 v24  }
0xe5: {  	v35 =	vld [tilespmem:s11+$0x9280];
	v22 =	vadd.f32 v40, v39;
	v48 =	vadd.f32 $0.0e+00, v60;
	v63 =	vpop (erf);
	(erf) = vpow2.f32 v25  }
0xe6: {  	v55 =	vld [tilespmem:s16+$0x1AF0];
	v52 =	vadd.f32 v62, v58;
	v58 =	vmul.f32 $1.442695020e+00, v18;
	(erf) = vpow2.f32 v26  }
0xe7: {  	v56 =	vld [tilespmem:s16+$0x9AF0];
	v54 =	vadd.f32 v63, v59;
	v59 =	vmul.f32 $1.442695020e+00, v19;
	(erf) = vpow2.f32 v27  }
0xe8: {  	s5 =	sor.u32 $0xC40, s12;
	v34 =	vld [tilespmem:s11+$0x1280];
	v60 =	vmul.f32 $1.442695020e+00, v20;
	v23 =	vadd.f32 v42, v41;
	(erf) = vpow2.f32 v58  }
0xe9: {  	v36 =	vld [tilespmem:s5+$0x1280];
	v50 =	vadd.f32 $0.0e+00, v61;
	v61 =	vmul.f32 $1.442695020e+00, v21;
	(erf) = vpow2.f32 v59  }
0xea: {  	v57 =	vld [tilespmem:s13+$0x1280];
	v24 =	vadd.f32 v44, v43;
	v62 =	vmul.f32 $1.442695020e+00, v22;
	v37 =	vpop (erf);
	(erf) = vpow2.f32 v60  }
0xeb: {  	s14 =	sor.u32 $0xC50, s12;
	v39 =	vld [tilespmem:s5+$0x9280];
	v25 =	vadd.f32 v46, v45;
	v63 =	vmul.f32 $1.442695020e+00, v23;
	v38 =	vpop (erf);
	(erf) = vpow2.f32 v61  }
0xec: {  	v42 =	vld [tilespmem:s14+$0x1280];
	v26 =	vadd.f32 v49, v47;
	v58 =	vmul.f32 $1.442695020e+00, v24;
	v40 =	vpop (erf);
	(erf) = vpow2.f32 v62  }
0xed: {  	s18 =	sor.u32 $0xC60, s12;
	v45 =	vld [tilespmem:s14+$0x9280];
	v27 =	vadd.f32 v53, v51;
	v59 =	vmul.f32 $1.442695020e+00, v25;
	v43 =	vpop (erf);
	(erf) = vpow2.f32 v63  }
0xee: {  	s19 =	sor.u32 $0xC70, s12;
	v28 =	vadd.f32 v56, v55;
	v47 =	vld [tilespmem:s18+$0x1280];
	v60 =	vmul.f32 $1.442695020e+00, v26;
	v46 =	vpop (erf);
	(erf) = vpow2.f32 v58  }
0xef: {  	v55 =	vld [tilespmem:s19+$0x1280];
	v29 =	vadd.f32 v29, v57;
	v61 =	vmul.f32 $1.442695020e+00, v27;
	v49 =	vpop (erf);
	(erf) = vpow2.f32 v59  }
0xf0: {  	v30 =	vadd.f32 v31, v30;
	v51 =	vld [tilespmem:s18+$0x9280];
	v62 =	vmul.f32 $1.442695020e+00, v28;
	v53 =	vpop (erf);
	(erf) = vpow2.f32 v60  }
0xf1: {  	v31 =	vadd.f32 v33, v32;
	v57 =	vld [tilespmem:s19+$0x9280];
	v63 =	vmul.f32 $1.442695020e+00, v29;
	v56 =	vpop (erf);
	(erf) = vpow2.f32 v61  }
0xf2: {  	v32 =	vadd.f32 v35, v34;
	v60 =	vmul.f32 $1.442695020e+00, v30;
	v58 =	vpop (erf);
	(erf) = vpow2.f32 v62  }
0xf3: {  	v33 =	vadd.f32 v39, v36;
	v61 =	vmul.f32 $1.442695020e+00, v31;
	v59 =	vpop (erf);
	(erf) = vpow2.f32 v63  }
0xf4: {  	v34 =	vadd.f32 v45, v42;
	v62 =	vmul.f32 $1.442695020e+00, v32;
	v39 =	vpop (erf);
	(erf) = vpow2.f32 v60  }
0xf5: {  	v35 =	vadd.f32 v51, v47;
	v63 =	vmul.f32 $1.442695020e+00, v33;
	v41 =	vpop (erf);
	(erf) = vpow2.f32 v61  }
0xf6: {  	v45 =	vmul.f32 $1.442695020e+00, v34;
	v36 =	vadd.f32 v57, v55;
	v44 =	vpop (erf);
	(erf) = vpow2.f32 v62  }
0xf7: {  	v37 =	vadd.f32 v37, v48;
	v60 =	vmul.f32 $1.442695020e+00, v35;
	v47 =	vpop (erf);
	(erf) = vpow2.f32 v63  }
0xf8: {  	v38 =	vadd.f32 v38, v50;
	v62 =	vmul.f32 $1.442695020e+00, v36;
	v61 =	vpop (erf);
	(erf) = vpow2.f32 v45  }
0xf9: {  	v40 =	vadd.f32 v40, v52;
	v43 =	vadd.f32 v43, v54;
	v63 =	vpop (erf);
	(erf) = vpow2.f32 v60  }
0xfa: {  	v37 =	vadd.f32 v46, v37;
	v38 =	vadd.f32 v49, v38;
	v52 =	vpop (erf);
	(erf) = vpow2.f32 v62  }
0xfb: {  	v40 =	vadd.f32 v53, v40;
	v43 =	vadd.f32 v56, v43;
	v54 =	vpop (erf)  }
0xfc: {  	v37 =	vadd.f32 v58, v37;
	v38 =	vadd.f32 v59, v38;
	v55 =	vpop (erf)  }
0xfd: {  	v39 =	vadd.f32 v39, v40;
	v56 =	vadd.f32 v41, v43;
	v57 =	vpop (erf)  }
0xfe: {  	v37 =	vadd.f32 v44, v37;
	v38 =	vadd.f32 v47, v38;
	v58 =	vpop (erf)  }
0xff: {  	v39 =	vadd.f32 v61, v39;
	v40 =	vadd.f32 v63, v56;
	v59 =	vpop (erf)  }
0x100: {  	v37 =	vadd.f32 v52, v37;
	v38 =	vadd.f32 v54, v38;
	v60 =	vpop (erf)  }
0x101: {  	v39 =	vadd.f32 v55, v39;
	v40 =	vadd.f32 v57, v40;
	v61 =	vpop (erf)  }
0x102: {  	v37 =	vadd.f32 v58, v37;
	v38 =	vadd.f32 v59, v38;
	v62 =	vpop (erf)  }
0x103: {  	v39 =	vadd.f32 v60, v39;
	v40 =	vadd.f32 v61, v40;
	v63 =	vpop (erf)  }
0x104: {  	v37 =	vadd.f32 v62, v37;
	v38 =	vadd.f32 v63, v38;
	_ =	sdelay $0x1  }
0x105: {  	v39 =	vadd.f32 v40, v39;
	v37 =	vadd.f32 v38, v37;
	_ =	sdelay $0x1  }
0x106: {  	v37 =	vadd.f32 v37, v39;
	_ =	sdelay $0x1  }
0x107: {  	(xrf2) =	vadd.scan.msk.f32 $0xffff, v37;
	_ =	sdelay $0x9  }
0x108: {  	v37, _, _ =	vpop (xrf2)  }
0x109: {  	v37 =	vbroadcast v37, $0xF;
	_ =	sdelay $0x1  }
0x10a: {  	v41 =	vand.u32 $0x7FFFFF, v37  }
0x10b: {  	v38 =	vor.u32 $0x3F800000, v41  }
0x10c: {  	v42 =	vmul.f32 $2.482598460e-02, v38;
	_ =	sdelay $0x1  }
0x10d: {  	v39 =	vsub.f32 $2.668627800e-01, v42;
	_ =	sdelay $0x1  }
0x10e: {  	v39 =	vmul.f32 v38, v39;
	_ =	sdelay $0x1  }
0x10f: {  	v39 =	vadd.f32 $-1.234279870e+00, v39;
	_ =	sdelay $0x1  }
0x110: {  	v39 =	vmul.f32 v38, v39;
	_ =	sdelay $0x1  }
0x111: {  	v39 =	vadd.f32 $3.218869920e+00, v39;
	_ =	sdelay $0x1  }
0x112: {  	v39 =	vmul.f32 v38, v39;
	_ =	sdelay $0x1  }
0x113: {  	v39 =	vadd.f32 $-5.264155390e+00, v39;
	_ =	sdelay $0x1  }
0x114: {  	v39 =	vmul.f32 v38, v39;
	_ =	sdelay $0x1  }
0x115: {  	v39 =	vadd.f32 $6.065858840e+00, v39  }
0x116: {  	v37 =	vshrl.u32 v37, $0x17  }
0x117: {  	v37 =	vand.u32 $0xFF, v37;
	v38 =	vmul.f32 v38, v39  }
0x118: {  	v37 =	vadd.s32 $0xFFFFFF81, v37  }
0x119: {  	v37 =	vcvt.s32.f32 v37;
	v38 =	vadd.f32 $-3.028325080e+00, v38;
	_ =	sdelay $0x1  }
0x11a: {  	v37 =	vadd.f32 v37, v38;
	_ =	sdelay $0x1  }
0x11b: {  	v37 =	vmul.f32 $6.931471820e-01, v37;
	_ =	sdelay $0x1  }
0x11c: {  	v5 =	vsub.f32 v5, v37  }
0x11d: {  	v6 =	vsub.f32 v6, v37  }
0x11e: {  	[tilespmem:s16+$0x1280] =	vst v5;
	v5 =	vsub.f32 v7, v37  }
0x11f: {  	[tilespmem:s16+$0x1290] =	vst v6;
	v6 =	vsub.f32 v8, v37  }
0x120: {  	[tilespmem:s16+$0x12A0] =	vst v5;
	v5 =	vsub.f32 v9, v37  }
0x121: {  	[tilespmem:s16+$0x12B0] =	vst v6;
	v6 =	vsub.f32 v10, v37  }
0x122: {  	[tilespmem:s16+$0x12C0] =	vst v5;
	v5 =	vsub.f32 v11, v37  }
0x123: {  	[tilespmem:s16+$0x12D0] =	vst v6;
	v6 =	vsub.f32 v12, v37  }
0x124: {  	[tilespmem:s16+$0x12E0] =	vst v5;
	v5 =	vsub.f32 v13, v37  }
0x125: {  	[tilespmem:s16+$0x12F0] =	vst v6;
	v6 =	vsub.f32 v14, v37  }
0x126: {  	[tilespmem:s16+$0x1680] =	vst v5;
	v5 =	vsub.f32 v15, v37  }
0x127: {  	[tilespmem:s16+$0x1690] =	vst v6;
	v6 =	vsub.f32 v16, v37  }
0x128: {  	[tilespmem:s16+$0x16A0] =	vst v5;
	v5 =	vsub.f32 v17, v37  }
0x129: {  	[tilespmem:s16+$0x16B0] =	vst v6;
	v6 =	vsub.f32 v18, v37  }
0x12a: {  	[tilespmem:s16+$0x16C0] =	vst v5;
	v5 =	vsub.f32 v19, v37  }
0x12b: {  	[tilespmem:s16+$0x16D0] =	vst v6;
	v6 =	vsub.f32 v20, v37  }
0x12c: {  	[tilespmem:s16+$0x16E0] =	vst v5;
	v5 =	vsub.f32 v21, v37  }
0x12d: {  	[tilespmem:s16+$0x16F0] =	vst v6;
	v6 =	vsub.f32 v22, v37  }
0x12e: {  	[tilespmem:s16+$0x1A80] =	vst v5;
	v5 =	vsub.f32 v23, v37  }
0x12f: {  	[tilespmem:s16+$0x1A90] =	vst v6;
	v6 =	vsub.f32 v24, v37  }
0x130: {  	[tilespmem:s16+$0x1AA0] =	vst v5;
	v5 =	vsub.f32 v25, v37  }
0x131: {  	[tilespmem:s16+$0x1AB0] =	vst v6;
	v6 =	vsub.f32 v26, v37  }
0x132: {  	[tilespmem:s16+$0x1AC0] =	vst v5;
	v5 =	vsub.f32 v27, v37  }
0x133: {  	[tilespmem:s16+$0x1AD0] =	vst v6;
	v6 =	vsub.f32 v28, v37  }
0x134: {  	[tilespmem:s16+$0x1AE0] =	vst v5;
	v5 =	vsub.f32 v29, v37  }
0x135: {  	[tilespmem:s16+$0x1AF0] =	vst v6;
	v6 =	vsub.f32 v30, v37  }
0x136: {  	[tilespmem:s13+$0x1280] =	vst v5;
	v5 =	vsub.f32 v31, v37  }
0x137: {  	[tilespmem:s7+$0x1280] =	vst v6;
	v6 =	vsub.f32 v32, v37  }
0x138: {  	[tilespmem:s8+$0x1280] =	vst v5;
	v5 =	vsub.f32 v33, v37  }
0x139: {  	[tilespmem:s11+$0x1280] =	vst v6;
	v6 =	vsub.f32 v34, v37  }
0x13a: {  	[tilespmem:s5+$0x1280] =	vst v5;
	v5 =	vsub.f32 v35, v37  }
0x13b: {  	[tilespmem:s14+$0x1280] =	vst v6;
	v6 =	vsub.f32 v36, v37  }
0x13c: {  	[tilespmem:s18+$0x1280] =	vst v5  }
0x13d: {  	[tilespmem:s19+$0x1280] =	vst v6  }
0x13e: {  	v5 =	vld [tilespmem:s16+$0x1300]  }
0x13f: {  	v6 =	vld [tilespmem:s16+$0x9300]  }
0x140: {  	v7 =	vld [tilespmem:s16+$0x1310]  }
0x141: {  	v43 =	vld [tilespmem:s16+$0x9310]  }
0x142: {  	v44 =	vld [tilespmem:s16+$0x1320]  }
0x143: {  	v45 =	vld [tilespmem:s16+$0x9320]  }
0x144: {  	v46 =	vld [tilespmem:s16+$0x1330]  }
0x145: {  	v47 =	vld [tilespmem:s16+$0x9330]  }
0x146: {  	v48 =	vld [tilespmem:s16+$0x1340]  }
0x147: {  	v49 =	vld [tilespmem:s16+$0x9340]  }
0x148: {  	v50 =	vld [tilespmem:s16+$0x1350]  }
0x149: {  	v51 =	vld [tilespmem:s16+$0x9350]  }
0x14a: {  	v52 =	vld [tilespmem:s16+$0x1360]  }
0x14b: {  	v53 =	vld [tilespmem:s16+$0x9360]  }
0x14c: {  	v54 =	vld [tilespmem:s16+$0x1370]  }
0x14d: {  	v55 =	vld [tilespmem:s16+$0x9370]  }
0x14e: {  	v21 =	vld [tilespmem:s16+$0x1700]  }
0x14f: {  	v22 =	vld [tilespmem:s16+$0x9700]  }
0x150: {  	v23 =	vld [tilespmem:s16+$0x1710]  }
0x151: {  	v24 =	vld [tilespmem:s16+$0x9710]  }
0x152: {  	v25 =	vld [tilespmem:s16+$0x1720]  }
0x153: {  	v26 =	vld [tilespmem:s16+$0x9720]  }
0x154: {  	v27 =	vld [tilespmem:s16+$0x1730]  }
0x155: {  	v28 =	vld [tilespmem:s16+$0x9730]  }
0x156: {  	v29 =	vld [tilespmem:s16+$0x1740]  }
0x157: {  	v30 =	vld [tilespmem:s16+$0x9740]  }
0x158: {  	v31 =	vld [tilespmem:s16+$0x1750]  }
0x159: {  	v32 =	vld [tilespmem:s16+$0x9750]  }
0x15a: {  	v34 =	vld [tilespmem:s16+$0x1760]  }
0x15b: {  	v35 =	vld [tilespmem:s16+$0x9760]  }
0x15c: {  	v33 =	vld [tilespmem:s16+$0x1770]  }
0x15d: {  	v36 =	vld [tilespmem:s16+$0x9770];
	v5 =	vadd.f32 v6, v5  }
0x15e: {  	v37 =	vld [tilespmem:s16+$0x1B00];
	v6 =	vadd.f32 v43, v7  }
0x15f: {  	v38 =	vld [tilespmem:s16+$0x9B00];
	v7 =	vadd.f32 v45, v44;
	v56 =	vmul.f32 $1.442695020e+00, v5  }
0x160: {  	v39 =	vld [tilespmem:s16+$0x1B10];
	v8 =	vadd.f32 v47, v46;
	v57 =	vmul.f32 $1.442695020e+00, v6  }
0x161: {  	v40 =	vld [tilespmem:s16+$0x9B10];
	v9 =	vadd.f32 v49, v48;
	v58 =	vmul.f32 $1.442695020e+00, v7;
	(erf) = vpow2.f32 v56  }
0x162: {  	v41 =	vld [tilespmem:s16+$0x1B20];
	v59 =	vmul.f32 $1.442695020e+00, v8;
	(erf) = vpow2.f32 v57  }
0x163: {  	v42 =	vld [tilespmem:s16+$0x9B20];
	v60 =	vmul.f32 $1.442695020e+00, v9;
	(erf) = vpow2.f32 v58  }
0x164: {  	v43 =	vld [tilespmem:s16+$0x1B30];
	(erf) = vpow2.f32 v59  }
0x165: {  	v44 =	vld [tilespmem:s16+$0x9B30];
	(erf) = vpow2.f32 v60  }
0x166: {  	v45 =	vld [tilespmem:s16+$0x1B40];
	v10 =	vadd.f32 v51, v50  }
0x167: {  	v47 =	vld [tilespmem:s16+$0x9B40];
	v11 =	vadd.f32 v53, v52;
	v12 =	vadd.f32 v55, v54  }
0x168: {  	v49 =	vld [tilespmem:s16+$0x1B50];
	v13 =	vadd.f32 v22, v21;
	v14 =	vadd.f32 v24, v23  }
0x169: {  	v51 =	vld [tilespmem:s16+$0x9B50];
	v16 =	vadd.f32 v28, v27;
	v17 =	vadd.f32 v30, v29;
	v15 =	vmul.f32 $1.442695020e+00, v10  }
0x16a: {  	v53 =	vld [tilespmem:s16+$0x1B60];
	v19 =	vadd.f32 v35, v34;
	v20 =	vmul.f32 $1.442695020e+00, v11;
	v22 =	vmul.f32 $1.442695020e+00, v12;
	v61 =	vpop (erf)  }
0x16b: {  	v54 =	vld [tilespmem:s16+$0x9B60];
	v21 =	vadd.f32 v38, v37;
	v24 =	vmul.f32 $1.442695020e+00, v13;
	(erf) = vpow2.f32 v15;
	v62 =	vpop (erf)  }
0x16c: {  	s13 =	sadd.s32 $0x80, s12;
	v55 =	vld [tilespmem:s16+$0x1B70];
	v57 =	vmul.f32 $1.442695020e+00, v14;
	v15 =	vadd.f32 v26, v25;
	(erf) = vpow2.f32 v20;
	v46 =	vpop (erf)  }
0x16d: {  	s12 =	sor.u32 $0xC00, s13;
	v28 =	vld [tilespmem:s16+$0x9B70];
	v59 =	vmul.f32 $1.442695020e+00, v16;
	v63 =	vadd.f32 $0.0e+00, v61;
	(erf) = vpow2.f32 v22;
	v48 =	vpop (erf)  }
0x16e: {  	v29 =	vld [tilespmem:s12+$0x1280];
	v23 =	vadd.f32 v42, v41;
	v58 =	vmul.f32 $1.442695020e+00, v15;
	(erf) = vpow2.f32 v24;
	v18 =	vpop (erf)  }
0x16f: {  	s8 =	sor.u32 $0xC20, s13;
	v30 =	vld [tilespmem:s12+$0x9280];
	(erf) = vpow2.f32 v57;
	v52 =	vadd.f32 v18, v63;
	v18 =	vadd.f32 v32, v31  }
0x170: {  	s5 =	sor.u32 $0xC30, s13;
	v34 =	vld [tilespmem:s8+$0x9280];
	v27 =	vadd.f32 v54, v53;
	v60 =	vmul.f32 $1.442695020e+00, v17;
	(erf) = vpow2.f32 v58  }
0x171: {  	v35 =	vld [tilespmem:s5+$0x1280];
	v20 =	vadd.f32 v36, v33;
	(erf) = vpow2.f32 v59;
	v61 =	vmul.f32 $1.442695020e+00, v18  }
0x172: {  	s19 =	sor.u32 $0xC60, s13;
	v37 =	vld [tilespmem:s5+$0x9280];
	v50 =	vadd.f32 $0.0e+00, v62;
	v62 =	vmul.f32 $1.442695020e+00, v19;
	(erf) = vpow2.f32 v60  }
0x173: {  	v53 =	vld [tilespmem:s19+$0x1280];
	v22 =	vadd.f32 v40, v39;
	v63 =	vmul.f32 $1.442695020e+00, v20;
	(erf) = vpow2.f32 v61  }
0x174: {  	s7 =	sor.u32 $0xC10, s13;
	v28 =	vadd.f32 v28, v55;
	v55 =	vld [tilespmem:s19+$0x9280];
	v40 =	vmul.f32 $1.442695020e+00, v21;
	(erf) = vpow2.f32 v62  }
0x175: {  	v24 =	vadd.f32 v44, v43;
	v56 =	vmul.f32 $1.442695020e+00, v22;
	v31 =	vld [tilespmem:s7+$0x1280];
	v36 =	vpop (erf);
	(erf) = vpow2.f32 v63  }
0x176: {  	v25 =	vadd.f32 v47, v45;
	v57 =	vmul.f32 $1.442695020e+00, v23;
	v32 =	vld [tilespmem:s7+$0x9280];
	v38 =	vpop (erf);
	(erf) = vpow2.f32 v40  }
0x177: {  	s14 =	sor.u32 $0xC50, s13;
	v26 =	vadd.f32 v51, v49;
	v33 =	vld [tilespmem:s8+$0x1280];
	v58 =	vmul.f32 $1.442695020e+00, v24;
	v41 =	vpop (erf);
	(erf) = vpow2.f32 v56  }
0x178: {  	s11 =	sor.u32 $0xC40, s13;
	v45 =	vld [tilespmem:s14+$0x1280];
	v59 =	vmul.f32 $1.442695020e+00, v25;
	v44 =	vpop (erf);
	(erf) = vpow2.f32 v57  }
0x179: {  	v43 =	vld [tilespmem:s11+$0x9280];
	v60 =	vmul.f32 $1.442695020e+00, v26;
	v47 =	vpop (erf);
	(erf) = vpow2.f32 v58  }
0x17a: {  	v29 =	vadd.f32 v30, v29;
	v61 =	vmul.f32 $1.442695020e+00, v27;
	v40 =	vld [tilespmem:s11+$0x1280];
	v51 =	vpop (erf);
	(erf) = vpow2.f32 v59  }
0x17b: {  	s18 =	sor.u32 $0xC70, s13;
	v49 =	vld [tilespmem:s14+$0x9280];
	v62 =	vmul.f32 $1.442695020e+00, v28;
	v30 =	vadd.f32 v32, v31;
	v54 =	vpop (erf);
	(erf) = vpow2.f32 v60  }
0x17c: {  	v31 =	vadd.f32 v34, v33;
	v63 =	vmul.f32 $1.442695020e+00, v29;
	v57 =	vld [tilespmem:s18+$0x1280];
	v56 =	vpop (erf);
	(erf) = vpow2.f32 v61  }
0x17d: {  	v32 =	vadd.f32 v37, v35;
	v59 =	vmul.f32 $1.442695020e+00, v30;
	v60 =	vld [tilespmem:s18+$0x9280];
	v58 =	vpop (erf);
	(erf) = vpow2.f32 v62  }
0x17e: {  	v34 =	vmul.f32 $1.442695020e+00, v31;
	v61 =	vadd.f32 v36, v50;
	v50 =	vpop (erf);
	(erf) = vpow2.f32 v63  }
0x17f: {  	v35 =	vmul.f32 $1.442695020e+00, v32;
	v33 =	vadd.f32 v43, v40;
	v39 =	vpop (erf);
	(erf) = vpow2.f32 v59  }
0x180: {  	v48 =	vadd.f32 $0.0e+00, v48;
	v40 =	vpop (erf);
	(erf) = vpow2.f32 v34;
	v34 =	vadd.f32 v49, v45  }
0x181: {  	v63 =	vmul.f32 $1.442695020e+00, v33;
	v45 =	vpop (erf);
	(erf) = vpow2.f32 v35;
	v35 =	vadd.f32 v55, v53  }
0x182: {  	v62 =	vadd.f32 $0.0e+00, v46;
	v36 =	vadd.f32 v60, v57;
	v49 =	vpop (erf);
	v55 =	vmul.f32 $1.442695020e+00, v34  }
0x183: {  	v41 =	vadd.f32 v41, v48;
	v43 =	vpop (erf);
	(erf) = vpow2.f32 v63;
	v57 =	vmul.f32 $1.442695020e+00, v35  }
0x184: {  	v38 =	vadd.f32 v38, v62;
	v60 =	vmul.f32 $1.442695020e+00, v36;
	v59 =	vpop (erf);
	(erf) = vpow2.f32 v55  }
0x185: {  	v44 =	vadd.f32 v44, v52;
	v42 =	vadd.f32 v47, v61;
	v61 =	vpop (erf);
	(erf) = vpow2.f32 v57  }
0x186: {  	v41 =	vadd.f32 v54, v41;
	v38 =	vadd.f32 v51, v38;
	v62 =	vpop (erf);
	(erf) = vpow2.f32 v60  }
0x187: {  	v44 =	vadd.f32 v56, v44;
	v42 =	vadd.f32 v58, v42;
	v63 =	vpop (erf)  }
0x188: {  	v39 =	vadd.f32 v39, v41;
	v38 =	vadd.f32 v50, v38;
	v54 =	vpop (erf)  }
0x189: {  	v40 =	vadd.f32 v40, v44;
	v42 =	vadd.f32 v45, v42;
	v55 =	vpop (erf)  }
0x18a: {  	v39 =	vadd.f32 v43, v39;
	v38 =	vadd.f32 v49, v38;
	v56 =	vpop (erf)  }
0x18b: {  	v40 =	vadd.f32 v59, v40;
	v42 =	vadd.f32 v61, v42;
	v57 =	vpop (erf)  }
0x18c: {  	v38 =	vadd.f32 v62, v38;
	v37 =	vadd.f32 v63, v39;
	v58 =	vpop (erf)  }
0x18d: {  	v40 =	vadd.f32 v54, v40;
	v41 =	vadd.f32 v55, v42;
	v59 =	vpop (erf)  }
0x18e: {  	v38 =	vadd.f32 v56, v38;
	v37 =	vadd.f32 v57, v37;
	v60 =	vpop (erf)  }
0x18f: {  	v40 =	vadd.f32 v58, v40;
	v39 =	vadd.f32 v59, v41;
	v61 =	vpop (erf)  }
0x190: {  	v38 =	vadd.f32 v60, v38;
	v37 =	vadd.f32 v61, v37;
	_ =	sdelay $0x1  }
0x191: {  	v39 =	vadd.f32 v39, v40;
	v37 =	vadd.f32 v37, v38;
	_ =	sdelay $0x1  }
0x192: {  	v37 =	vadd.f32 v37, v39;
	_ =	sdelay $0x1  }
0x193: {  	(xrf2) =	vadd.scan.msk.f32 $0xffff, v37;
	_ =	sdelay $0x9  }
0x194: {  	v37, _, _ =	vpop (xrf2)  }
0x195: {  	v37 =	vbroadcast v37, $0xF;
	_ =	sdelay $0x1  }
0x196: {  	v62 =	vand.u32 $0x7FFFFF, v37  }
0x197: {  	v38 =	vor.u32 $0x3F800000, v62  }
0x198: {  	v63 =	vmul.f32 $2.482598460e-02, v38;
	_ =	sdelay $0x1  }
0x199: {  	v39 =	vsub.f32 $2.668627800e-01, v63;
	_ =	sdelay $0x1  }
0x19a: {  	v39 =	vmul.f32 v38, v39;
	_ =	sdelay $0x1  }
0x19b: {  	v39 =	vadd.f32 $-1.234279870e+00, v39;
	_ =	sdelay $0x1  }
0x19c: {  	v39 =	vmul.f32 v38, v39;
	_ =	sdelay $0x1  }
0x19d: {  	v39 =	vadd.f32 $3.218869920e+00, v39;
	_ =	sdelay $0x1  }
0x19e: {  	v39 =	vmul.f32 v38, v39;
	_ =	sdelay $0x1  }
0x19f: {  	v39 =	vadd.f32 $-5.264155390e+00, v39;
	_ =	sdelay $0x1  }
0x1a0: {  	v39 =	vmul.f32 v38, v39;
	_ =	sdelay $0x1  }
0x1a1: {  	v39 =	vadd.f32 $6.065858840e+00, v39  }
0x1a2: {  	v37 =	vshrl.u32 v37, $0x17  }
0x1a3: {  	v37 =	vand.u32 $0xFF, v37;
	v38 =	vmul.f32 v38, v39  }
0x1a4: {  	v37 =	vadd.s32 $0xFFFFFF81, v37  }
0x1a5: {  	v37 =	vcvt.s32.f32 v37;
	v38 =	vadd.f32 $-3.028325080e+00, v38;
	_ =	sdelay $0x1  }
0x1a6: {  	v37 =	vadd.f32 v37, v38;
	_ =	sdelay $0x1  }
0x1a7: {  	v37 =	vmul.f32 $6.931471820e-01, v37;
	_ =	sdelay $0x1  }
0x1a8: {  	v5 =	vsub.f32 v5, v37  }
0x1a9: {  	v6 =	vsub.f32 v6, v37  }
0x1aa: {  	[tilespmem:s16+$0x1300] =	vst v5;
	v5 =	vsub.f32 v7, v37  }
0x1ab: {  	[tilespmem:s16+$0x1310] =	vst v6;
	v6 =	vsub.f32 v8, v37  }
0x1ac: {  	[tilespmem:s16+$0x1320] =	vst v5;
	v5 =	vsub.f32 v9, v37  }
0x1ad: {  	[tilespmem:s16+$0x1330] =	vst v6;
	v6 =	vsub.f32 v10, v37  }
0x1ae: {  	[tilespmem:s16+$0x1340] =	vst v5;
	v5 =	vsub.f32 v11, v37  }
0x1af: {  	[tilespmem:s16+$0x1350] =	vst v6;
	v6 =	vsub.f32 v12, v37  }
0x1b0: {  	[tilespmem:s16+$0x1360] =	vst v5;
	v5 =	vsub.f32 v13, v37  }
0x1b1: {  	[tilespmem:s16+$0x1370] =	vst v6;
	v6 =	vsub.f32 v14, v37  }
0x1b2: {  	[tilespmem:s16+$0x1700] =	vst v5;
	v5 =	vsub.f32 v15, v37  }
0x1b3: {  	[tilespmem:s16+$0x1710] =	vst v6;
	v6 =	vsub.f32 v16, v37  }
0x1b4: {  	[tilespmem:s16+$0x1720] =	vst v5;
	v5 =	vsub.f32 v17, v37  }
0x1b5: {  	[tilespmem:s16+$0x1730] =	vst v6;
	v6 =	vsub.f32 v18, v37  }
0x1b6: {  	[tilespmem:s16+$0x1740] =	vst v5;
	v5 =	vsub.f32 v19, v37  }
0x1b7: {  	[tilespmem:s16+$0x1750] =	vst v6;
	v6 =	vsub.f32 v20, v37  }
0x1b8: {  	[tilespmem:s16+$0x1760] =	vst v5;
	v5 =	vsub.f32 v21, v37  }
0x1b9: {  	[tilespmem:s16+$0x1770] =	vst v6;
	v6 =	vsub.f32 v22, v37  }
0x1ba: {  	[tilespmem:s16+$0x1B00] =	vst v5;
	v5 =	vsub.f32 v23, v37  }
0x1bb: {  	[tilespmem:s16+$0x1B10] =	vst v6;
	v6 =	vsub.f32 v24, v37  }
0x1bc: {  	[tilespmem:s16+$0x1B20] =	vst v5;
	v5 =	vsub.f32 v25, v37  }
0x1bd: {  	[tilespmem:s16+$0x1B30] =	vst v6;
	v6 =	vsub.f32 v26, v37  }
0x1be: {  	[tilespmem:s16+$0x1B40] =	vst v5;
	v5 =	vsub.f32 v27, v37  }
0x1bf: {  	[tilespmem:s16+$0x1B50] =	vst v6;
	v6 =	vsub.f32 v28, v37  }
0x1c0: {  	[tilespmem:s16+$0x1B60] =	vst v5;
	v5 =	vsub.f32 v29, v37  }
0x1c1: {  	[tilespmem:s16+$0x1B70] =	vst v6;
	v6 =	vsub.f32 v30, v37  }
0x1c2: {  	[tilespmem:s12+$0x1280] =	vst v5;
	v5 =	vsub.f32 v31, v37  }
0x1c3: {  	s2 =	sadd.s32 $0x2, s2;
	[tilespmem:s7+$0x1280] =	vst v6;
	v6 =	vsub.f32 v32, v37  }
0x1c4: {  	p0 =	slt.u32 s2, $0x1E;
	[tilespmem:s8+$0x1280] =	vst v5;
	v5 =	vsub.f32 v33, v37  }
.Ltmp0:
0x1c5: {  	[tilespmem:s5+$0x1280] =	vst v6;
	v6 =	vsub.f32 v34, v37;
	(pc) =	sbr.rel @p0 .LBB2_3-.Ltmp0, $4  }
0x1c6: {  	[tilespmem:s11+$0x1280] =	vst v5;
	v5 =	vsub.f32 v35, v37  }
0x1c7: {  	[tilespmem:s14+$0x1280] =	vst v6;
	v6 =	vsub.f32 v36, v37  }
0x1c8: {  	[tilespmem:s19+$0x1280] =	vst v5  }
0x1c9: {  	s15 =	sadd.s32 $0x100, s15;
	s31 =	sadd.s32 $0x1, s31;
	s1 =	sadd.s32 $0x400, s1;
	[tilespmem:s18+$0x1280] =	vst v6  }
0x1ca: {  	p0 =	seq.s32 s28, $0x1F  }
.Ltmp1:
0x1cb: {  	s1 =	sshll.u32 s28, $0xF;
	(pc) =	sbr.rel @p0 .LBB2_6-.Ltmp1, $4  }
0x1cc: {  	s1 =	sadd.s32 s10, s1  }
0x1cd: {  	s1 =	sshrl.u32 s1, $0x3  }
0x1ce: {  	s1 =	sadd.s32 s4, s1  }
0x1cf: {  	[hbm4b:s1+s6] =	stream.linear.scatter [tilespmem:s17], [sflag:$0x3], $0x4000, $0x38;
	[tilespmem:$0x11280] =	vst v63  }
0x1d0: {  	_ =	swait.ge [sflag:s26], $0x4000  }
0x1d1: {  	[sflag:s26] =	ssyncset.done $0x0  }
0x1d2: {  	[sflag:s26] =	ssyncadd.s32 $0xFFFFC000  }
0x1d3: {  	v5 =	vld [tilespmem:s30+$0x40];
	_ =	sdelay $0x4  }
0x1d4: {  	v5 =	vadd.s32 v3, v5  }
0x1d5: {  	v6 =	vld [tilespmem:s30+$0x840];
	[tilespmem:$0x1080] =	vst v5  }
0x1d6: {  	v5 =	vld [tilespmem:$0x1080];
	_ =	sdelay $0x4  }
0x1d7: {  	v6 =	vadd.s32 v4, v6;
	v7 =	vshll.u32 v5, $0x2  }
0x1d8: {  	[tilespmem:$0x1180] =	vst v6;
	v5 =	vand.u32 $0x7, v5;
	v6 =	vand.u32 $0xFFFFFFE0, v7  }
0x1d9: {  	v7 =	vld [tilespmem:s30+$0x50];
	v5 =	vor.u32 v5, v6  }
0x1da: {  	v6 =	vld [tilespmem:s30+$0x850];
	v8 =	vperm.xlane v5, v0;
	_ =	sdelay $0x1  }
0x1db: {  	v8 =	vadd.s32 v1, v8;
	_ =	sdelay $0x1  }
0x1dc: {  	v5 =	vperm.xlane v5, v2;
	v7 =	vadd.s32 v3, v7  }
0x1dd: {  	[tilespmem:$0x1090] =	vst v7;
	v6 =	vadd.s32 v4, v6  }
0x1de: {  	v5 =	vadd.s32 v1, v5;
	[tilespmem:$0x1190] =	vst v6  }
0x1df: {  	[tilespmem:s17], [sflag:$0x1] =	stream.indirect_vreg.gather [hbm4b:s0+s6], $0x80, v8, vm0, $0xb8;
	[tilespmem:$0x11280] =	vst v63  }
0x1e0: {  	s1 =	simm.s32 $0x1A80  }
0x1e1: {  	[tilespmem:s1], [sflag:$0x1] =	stream.indirect_vreg.gather [hbm4b:s9+s6], $0x80, v8, vm0, $0xb8;
	[tilespmem:$0x11280] =	vst v63  }
0x1e2: {  	s2 =	simm.s32 $0x2280  }
0x1e3: {  	[tilespmem:s2], [sflag:$0x1] =	stream.indirect_vreg.gather [hbm4b:s0+s6], $0x80, v5, vm0, $0xb8;
	[tilespmem:$0x11280] =	vst v63  }
0x1e4: {  	s5 =	simm.s32 $0x2A80  }
0x1e5: {  	[tilespmem:s5], [sflag:$0x1] =	stream.indirect_vreg.gather [hbm4b:s9+s6], $0x80, v5, vm0, $0xb8;
	[tilespmem:$0x11280] =	vst v63  }
0x1e6: {  	v5 =	vld [tilespmem:$0x1090];
	_ =	sdelay $0x4  }
0x1e7: {  	v6 =	vshll.u32 v5, $0x2  }
0x1e8: {  	v5 =	vand.u32 $0x7, v5;
	v6 =	vand.u32 $0xFFFFFFE0, v6  }
0x1e9: {  	v5 =	vor.u32 v5, v6  }
0x1ea: {  	v6 =	vperm.xlane v5, v0;
	_ =	sdelay $0x1  }
0x1eb: {  	v6 =	vadd.s32 v1, v6;
	_ =	sdelay $0x1  }
0x1ec: {  	v5 =	vperm.xlane v5, v2;
	_ =	sdelay $0x1  }
0x1ed: {  	s7 =	simm.s32 $0x3280;
	v5 =	vadd.s32 v1, v5  }
0x1ee: {  	[tilespmem:s7], [sflag:$0x1] =	stream.indirect_vreg.gather [hbm4b:s0+s6], $0x80, v6, vm0, $0xb8;
	[tilespmem:$0x11280] =	vst v63  }
0x1ef: {  	s8 =	simm.s32 $0x3A80  }
0x1f0: {  	[tilespmem:s8], [sflag:$0x1] =	stream.indirect_vreg.gather [hbm4b:s9+s6], $0x80, v6, vm0, $0xb8;
	[tilespmem:$0x11280] =	vst v63  }
0x1f1: {  	s11 =	simm.s32 $0x4280  }
0x1f2: {  	[tilespmem:s11], [sflag:$0x1] =	stream.indirect_vreg.gather [hbm4b:s0+s6], $0x80, v5, vm0, $0xb8;
	[tilespmem:$0x11280] =	vst v63  }
0x1f3: {  	s12 =	simm.s32 $0x4A80  }
0x1f4: {  	[tilespmem:s12], [sflag:$0x1] =	stream.indirect_vreg.gather [hbm4b:s9+s6], $0x80, v5, vm0, $0xb8;
	[tilespmem:$0x11280] =	vst v63  }
0x1f5: {  	v5 =	vld [tilespmem:$0x1180];
	_ =	sdelay $0x4  }
0x1f6: {  	v6 =	vshll.u32 v5, $0x2  }
0x1f7: {  	v5 =	vand.u32 $0x7, v5;
	v6 =	vand.u32 $0xFFFFFFE0, v6  }
0x1f8: {  	v5 =	vor.u32 v5, v6  }
0x1f9: {  	v6 =	vperm.xlane v5, v0;
	_ =	sdelay $0x1  }
0x1fa: {  	v6 =	vadd.s32 v1, v6;
	_ =	sdelay $0x1  }
0x1fb: {  	v5 =	vperm.xlane v5, v2;
	_ =	sdelay $0x1  }
0x1fc: {  	s13 =	simm.s32 $0x9280;
	v5 =	vadd.s32 v1, v5  }
0x1fd: {  	[tilespmem:s13], [sflag:$0x1] =	stream.indirect_vreg.gather [hbm4b:s0+s6], $0x80, v6, vm0, $0xb8;
	[tilespmem:$0x11280] =	vst v63  }
0x1fe: {  	s14 =	simm.s32 $0x9A80  }
0x1ff: {  	[tilespmem:s14], [sflag:$0x1] =	stream.indirect_vreg.gather [hbm4b:s9+s6], $0x80, v6, vm0, $0xb8;
	[tilespmem:$0x11280] =	vst v63  }
0x200: {  	s15 =	simm.s32 $0xA280  }
0x201: {  	[tilespmem:s15], [sflag:$0x1] =	stream.indirect_vreg.gather [hbm4b:s0+s6], $0x80, v5, vm0, $0xb8;
	[tilespmem:$0x11280] =	vst v63  }
0x202: {  	s16 =	simm.s32 $0xAA80  }
0x203: {  	[tilespmem:s16], [sflag:$0x1] =	stream.indirect_vreg.gather [hbm4b:s9+s6], $0x80, v5, vm0, $0xb8;
	[tilespmem:$0x11280] =	vst v63  }
0x204: {  	v5 =	vld [tilespmem:$0x1190];
	_ =	sdelay $0x4  }
0x205: {  	v6 =	vshll.u32 v5, $0x2  }
0x206: {  	v5 =	vand.u32 $0x7, v5;
	v6 =	vand.u32 $0xFFFFFFE0, v6  }
0x207: {  	v5 =	vor.u32 v5, v6  }
0x208: {  	v6 =	vperm.xlane v5, v0;
	_ =	sdelay $0x1  }
0x209: {  	v6 =	vadd.s32 v1, v6;
	_ =	sdelay $0x1  }
0x20a: {  	v5 =	vperm.xlane v5, v2;
	_ =	sdelay $0x1  }
0x20b: {  	s18 =	simm.s32 $0xB280;
	v5 =	vadd.s32 v1, v5  }
0x20c: {  	[tilespmem:s18], [sflag:$0x1] =	stream.indirect_vreg.gather [hbm4b:s0+s6], $0x80, v6, vm0, $0xb8;
	[tilespmem:$0x11280] =	vst v63  }
0x20d: {  	s19 =	simm.s32 $0xBA80  }
0x20e: {  	[tilespmem:s19], [sflag:$0x1] =	stream.indirect_vreg.gather [hbm4b:s9+s6], $0x80, v6, vm0, $0xb8;
	[tilespmem:$0x11280] =	vst v63  }
0x20f: {  	s30 =	simm.s32 $0xC280  }
0x210: {  	[tilespmem:s30], [sflag:$0x1] =	stream.indirect_vreg.gather [hbm4b:s0+s6], $0x80, v5, vm0, $0xb8;
	[tilespmem:$0x11280] =	vst v63  }
0x211: {  	s31 =	simm.s32 $0xCA80  }
0x212: {  	[tilespmem:s31], [sflag:$0x1] =	stream.indirect_vreg.gather [hbm4b:s9+s6], $0x80, v5, vm0, $0xb8;
	[tilespmem:$0x11280] =	vst v63  }
.LBB2_6:
0x213: {  	_ =	swait.ge [sflag:s25], $0x4000  }
0x214: {  	[sflag:s25] =	ssyncset.done $0x0  }
0x215: {  	[sflag:s25] =	ssyncadd.s32 $0xFFFFC000  }
0x216: {  	s30 =	simm.s32 $0xFFFFFFFE;
	_ =	swait.ge [sflag:s25], $0x4000  }
0x217: {  	s31 =	simm.s32 $0x80;
	s2 =	simm.s32 $0x0;
	[sflag:s25] =	ssyncset.done $0x0  }
0x218: {  	s1 =	simm.s32 $0x0;
	s15 =	simm.s32 $0x0;
	[sflag:s25] =	ssyncadd.s32 $0xFFFFC000  }
.LBB2_7:
0x219: {  	s5 =	sand.u32 $0x3000, s2;
	s7 =	sand.u32 $0x300, s15  }
0x21a: {  	s16 =	sor.u32 s7, s5  }
0x21b: {  	v5 =	vld [tilespmem:s16+$0x5280]  }
0x21c: {  	v6 =	vld [tilespmem:s16+$0xD280]  }
0x21d: {  	v7 =	vld [tilespmem:s16+$0x5290]  }
0x21e: {  	v8 =	vld [tilespmem:s16+$0xD290]  }
0x21f: {  	v9 =	vld [tilespmem:s16+$0x52A0]  }
0x220: {  	v10 =	vld [tilespmem:s16+$0xD2A0]  }
0x221: {  	v11 =	vld [tilespmem:s16+$0x52B0]  }
0x222: {  	v12 =	vld [tilespmem:s16+$0xD2B0]  }
0x223: {  	v13 =	vld [tilespmem:s16+$0x52C0]  }
0x224: {  	v14 =	vld [tilespmem:s16+$0xD2C0]  }
0x225: {  	v15 =	vld [tilespmem:s16+$0x52D0]  }
0x226: {  	v16 =	vld [tilespmem:s16+$0xD2D0]  }
0x227: {  	v17 =	vld [tilespmem:s16+$0x52E0]  }
0x228: {  	v18 =	vld [tilespmem:s16+$0xD2E0]  }
0x229: {  	v19 =	vld [tilespmem:s16+$0x52F0]  }
0x22a: {  	v20 =	vld [tilespmem:s16+$0xD2F0]  }
0x22b: {  	v21 =	vld [tilespmem:s16+$0x5680]  }
0x22c: {  	v22 =	vld [tilespmem:s16+$0xD680]  }
0x22d: {  	v23 =	vld [tilespmem:s16+$0x5690]  }
0x22e: {  	v24 =	vld [tilespmem:s16+$0xD690]  }
0x22f: {  	v25 =	vld [tilespmem:s16+$0x56A0]  }
0x230: {  	v26 =	vld [tilespmem:s16+$0xD6A0]  }
0x231: {  	v27 =	vld [tilespmem:s16+$0x56B0]  }
0x232: {  	v28 =	vld [tilespmem:s16+$0xD6B0]  }
0x233: {  	v29 =	vld [tilespmem:s16+$0x56C0]  }
0x234: {  	v30 =	vld [tilespmem:s16+$0xD6C0]  }
0x235: {  	v31 =	vld [tilespmem:s16+$0x56D0]  }
0x236: {  	v32 =	vld [tilespmem:s16+$0xD6D0]  }
0x237: {  	v33 =	vld [tilespmem:s16+$0x56E0]  }
0x238: {  	v35 =	vld [tilespmem:s16+$0xD6E0]  }
0x239: {  	v36 =	vld [tilespmem:s16+$0x56F0]  }
0x23a: {  	v37 =	vld [tilespmem:s16+$0x5A80]  }
0x23b: {  	v38 =	vld [tilespmem:s16+$0xDA80]  }
0x23c: {  	v39 =	vld [tilespmem:s16+$0x5A90];
	v5 =	vadd.f32 v6, v5  }
0x23d: {  	v40 =	vld [tilespmem:s16+$0xDA90];
	v6 =	vadd.f32 v8, v7  }
0x23e: {  	v41 =	vld [tilespmem:s16+$0x5AA0];
	v7 =	vadd.f32 v10, v9;
	v34 =	vmul.f32 $1.442695020e+00, v5  }
0x23f: {  	v42 =	vld [tilespmem:s16+$0xDAA0];
	v8 =	vadd.f32 v12, v11;
	v52 =	vmul.f32 $1.442695020e+00, v6  }
0x240: {  	v43 =	vld [tilespmem:s16+$0x5AB0];
	v9 =	vadd.f32 v14, v13;
	v53 =	vmul.f32 $1.442695020e+00, v7;
	(erf) = vpow2.f32 v34  }
0x241: {  	v44 =	vld [tilespmem:s16+$0xDAB0];
	v10 =	vadd.f32 v16, v15;
	v12 =	vmul.f32 $1.442695020e+00, v8;
	(erf) = vpow2.f32 v52  }
0x242: {  	v45 =	vld [tilespmem:s16+$0x5AC0];
	v54 =	vmul.f32 $1.442695020e+00, v9;
	(erf) = vpow2.f32 v53  }
0x243: {  	v46 =	vld [tilespmem:s16+$0xDAC0];
	v55 =	vmul.f32 $1.442695020e+00, v10;
	(erf) = vpow2.f32 v12  }
0x244: {  	v47 =	vld [tilespmem:s16+$0x5AD0];
	(erf) = vpow2.f32 v54  }
0x245: {  	s18 =	sor.u32 s15, s2;
	v49 =	vld [tilespmem:s16+$0xDAD0];
	v11 =	vadd.f32 v18, v17;
	v13 =	vadd.f32 v22, v21;
	(erf) = vpow2.f32 v55  }
0x246: {  	s12 =	sor.u32 $0x4C00, s18;
	v51 =	vld [tilespmem:s16+$0x5AE0];
	v14 =	vadd.f32 v24, v23;
	v15 =	vadd.f32 v26, v25  }
0x247: {  	v17 =	vadd.f32 v30, v29;
	v29 =	vld [tilespmem:s12+$0x9280];
	v23 =	vmul.f32 $1.442695020e+00, v13;
	v12 =	vadd.f32 v20, v19  }
0x248: {  	s5 =	sor.u32 $0x4C10, s18;
	v16 =	vadd.f32 v28, v27;
	v24 =	vmul.f32 $1.442695020e+00, v14;
	v34 =	vld [tilespmem:s16+$0xD6F0];
	v20 =	vmul.f32 $1.442695020e+00, v11  }
0x249: {  	v30 =	vld [tilespmem:s5+$0x1280];
	v25 =	vmul.f32 $1.442695020e+00, v15;
	v22 =	vmul.f32 $1.442695020e+00, v12;
	v56 =	vpop (erf)  }
0x24a: {  	s8 =	sor.u32 $0x4C20, s18;
	v18 =	vadd.f32 v32, v31;
	v31 =	vld [tilespmem:s5+$0x9280];
	v26 =	vmul.f32 $1.442695020e+00, v16;
	v57 =	vpop (erf);
	(erf) = vpow2.f32 v20  }
0x24b: {  	v32 =	vld [tilespmem:s8+$0x1280];
	v21 =	vadd.f32 v38, v37;
	v27 =	vmul.f32 $1.442695020e+00, v17;
	v60 =	vpop (erf);
	(erf) = vpow2.f32 v22  }
0x24c: {  	v53 =	vld [tilespmem:s16+$0xDAE0];
	v19 =	vadd.f32 v35, v33;
	v58 =	vadd.f32 $0.0e+00, v56;
	v61 =	vpop (erf);
	(erf) = vpow2.f32 v23  }
0x24d: {  	s11 =	sor.u32 $0x4C30, s18;
	v33 =	vld [tilespmem:s8+$0x9280];
	v20 =	vadd.f32 v34, v36;
	v59 =	vadd.f32 $0.0e+00, v57;
	v62 =	vpop (erf);
	(erf) = vpow2.f32 v24  }
0x24e: {  	v35 =	vld [tilespmem:s11+$0x9280];
	v22 =	vadd.f32 v40, v39;
	v48 =	vadd.f32 $0.0e+00, v60;
	v63 =	vpop (erf);
	(erf) = vpow2.f32 v25  }
0x24f: {  	v55 =	vld [tilespmem:s16+$0x5AF0];
	v52 =	vadd.f32 v62, v58;
	v58 =	vmul.f32 $1.442695020e+00, v18;
	(erf) = vpow2.f32 v26  }
0x250: {  	v56 =	vld [tilespmem:s16+$0xDAF0];
	v54 =	vadd.f32 v63, v59;
	v59 =	vmul.f32 $1.442695020e+00, v19;
	(erf) = vpow2.f32 v27  }
0x251: {  	s19 =	sor.u32 $0x4C40, s18;
	v34 =	vld [tilespmem:s11+$0x1280];
	v60 =	vmul.f32 $1.442695020e+00, v20;
	v23 =	vadd.f32 v42, v41;
	(erf) = vpow2.f32 v58  }
0x252: {  	v36 =	vld [tilespmem:s19+$0x1280];
	v50 =	vadd.f32 $0.0e+00, v61;
	v61 =	vmul.f32 $1.442695020e+00, v21;
	(erf) = vpow2.f32 v59  }
0x253: {  	v57 =	vld [tilespmem:s12+$0x1280];
	v24 =	vadd.f32 v44, v43;
	v62 =	vmul.f32 $1.442695020e+00, v22;
	v37 =	vpop (erf);
	(erf) = vpow2.f32 v60  }
0x254: {  	s13 =	sor.u32 $0x4C50, s18;
	v39 =	vld [tilespmem:s19+$0x9280];
	v25 =	vadd.f32 v46, v45;
	v63 =	vmul.f32 $1.442695020e+00, v23;
	v38 =	vpop (erf);
	(erf) = vpow2.f32 v61  }
0x255: {  	v42 =	vld [tilespmem:s13+$0x1280];
	v26 =	vadd.f32 v49, v47;
	v58 =	vmul.f32 $1.442695020e+00, v24;
	v40 =	vpop (erf);
	(erf) = vpow2.f32 v62  }
0x256: {  	s14 =	sor.u32 $0x4C60, s18;
	v45 =	vld [tilespmem:s13+$0x9280];
	v27 =	vadd.f32 v53, v51;
	v59 =	vmul.f32 $1.442695020e+00, v25;
	v43 =	vpop (erf);
	(erf) = vpow2.f32 v63  }
0x257: {  	s18 =	sor.u32 $0x4C70, s18;
	v28 =	vadd.f32 v56, v55;
	v47 =	vld [tilespmem:s14+$0x1280];
	v60 =	vmul.f32 $1.442695020e+00, v26;
	v46 =	vpop (erf);
	(erf) = vpow2.f32 v58  }
0x258: {  	v55 =	vld [tilespmem:s18+$0x1280];
	v29 =	vadd.f32 v29, v57;
	v61 =	vmul.f32 $1.442695020e+00, v27;
	v49 =	vpop (erf);
	(erf) = vpow2.f32 v59  }
0x259: {  	v30 =	vadd.f32 v31, v30;
	v51 =	vld [tilespmem:s14+$0x9280];
	v62 =	vmul.f32 $1.442695020e+00, v28;
	v53 =	vpop (erf);
	(erf) = vpow2.f32 v60  }
0x25a: {  	v31 =	vadd.f32 v33, v32;
	v57 =	vld [tilespmem:s18+$0x9280];
	v63 =	vmul.f32 $1.442695020e+00, v29;
	v56 =	vpop (erf);
	(erf) = vpow2.f32 v61  }
0x25b: {  	v32 =	vadd.f32 v35, v34;
	v60 =	vmul.f32 $1.442695020e+00, v30;
	v58 =	vpop (erf);
	(erf) = vpow2.f32 v62  }
0x25c: {  	v33 =	vadd.f32 v39, v36;
	v61 =	vmul.f32 $1.442695020e+00, v31;
	v59 =	vpop (erf);
	(erf) = vpow2.f32 v63  }
0x25d: {  	v34 =	vadd.f32 v45, v42;
	v62 =	vmul.f32 $1.442695020e+00, v32;
	v39 =	vpop (erf);
	(erf) = vpow2.f32 v60  }
0x25e: {  	v35 =	vadd.f32 v51, v47;
	v63 =	vmul.f32 $1.442695020e+00, v33;
	v41 =	vpop (erf);
	(erf) = vpow2.f32 v61  }
0x25f: {  	v45 =	vmul.f32 $1.442695020e+00, v34;
	v36 =	vadd.f32 v57, v55;
	v44 =	vpop (erf);
	(erf) = vpow2.f32 v62  }
0x260: {  	v37 =	vadd.f32 v37, v48;
	v60 =	vmul.f32 $1.442695020e+00, v35;
	v47 =	vpop (erf);
	(erf) = vpow2.f32 v63  }
0x261: {  	v38 =	vadd.f32 v38, v50;
	v62 =	vmul.f32 $1.442695020e+00, v36;
	v61 =	vpop (erf);
	(erf) = vpow2.f32 v45  }
0x262: {  	v40 =	vadd.f32 v40, v52;
	v43 =	vadd.f32 v43, v54;
	v63 =	vpop (erf);
	(erf) = vpow2.f32 v60  }
0x263: {  	v37 =	vadd.f32 v46, v37;
	v38 =	vadd.f32 v49, v38;
	v52 =	vpop (erf);
	(erf) = vpow2.f32 v62  }
0x264: {  	v40 =	vadd.f32 v53, v40;
	v43 =	vadd.f32 v56, v43;
	v54 =	vpop (erf)  }
0x265: {  	v37 =	vadd.f32 v58, v37;
	v38 =	vadd.f32 v59, v38;
	v55 =	vpop (erf)  }
0x266: {  	v39 =	vadd.f32 v39, v40;
	v56 =	vadd.f32 v41, v43;
	v57 =	vpop (erf)  }
0x267: {  	v37 =	vadd.f32 v44, v37;
	v38 =	vadd.f32 v47, v38;
	v58 =	vpop (erf)  }
0x268: {  	v39 =	vadd.f32 v61, v39;
	v40 =	vadd.f32 v63, v56;
	v59 =	vpop (erf)  }
0x269: {  	v37 =	vadd.f32 v52, v37;
	v38 =	vadd.f32 v54, v38;
	v60 =	vpop (erf)  }
0x26a: {  	v39 =	vadd.f32 v55, v39;
	v40 =	vadd.f32 v57, v40;
	v61 =	vpop (erf)  }
0x26b: {  	v37 =	vadd.f32 v58, v37;
	v38 =	vadd.f32 v59, v38;
	v62 =	vpop (erf)  }
0x26c: {  	v39 =	vadd.f32 v60, v39;
	v40 =	vadd.f32 v61, v40;
	v63 =	vpop (erf)  }
0x26d: {  	v37 =	vadd.f32 v62, v37;
	v38 =	vadd.f32 v63, v38;
	_ =	sdelay $0x1  }
0x26e: {  	v39 =	vadd.f32 v40, v39;
	v37 =	vadd.f32 v38, v37;
	_ =	sdelay $0x1  }
0x26f: {  	v37 =	vadd.f32 v37, v39;
	_ =	sdelay $0x1  }
0x270: {  	(xrf2) =	vadd.scan.msk.f32 $0xffff, v37;
	_ =	sdelay $0x9  }
0x271: {  	v37, _, _ =	vpop (xrf2)  }
0x272: {  	v37 =	vbroadcast v37, $0xF;
	_ =	sdelay $0x1  }
0x273: {  	v41 =	vand.u32 $0x7FFFFF, v37  }
0x274: {  	v38 =	vor.u32 $0x3F800000, v41  }
0x275: {  	v42 =	vmul.f32 $2.482598460e-02, v38;
	_ =	sdelay $0x1  }
0x276: {  	v39 =	vsub.f32 $2.668627800e-01, v42;
	_ =	sdelay $0x1  }
0x277: {  	v39 =	vmul.f32 v38, v39;
	_ =	sdelay $0x1  }
0x278: {  	v39 =	vadd.f32 $-1.234279870e+00, v39;
	_ =	sdelay $0x1  }
0x279: {  	v39 =	vmul.f32 v38, v39;
	_ =	sdelay $0x1  }
0x27a: {  	v39 =	vadd.f32 $3.218869920e+00, v39;
	_ =	sdelay $0x1  }
0x27b: {  	v39 =	vmul.f32 v38, v39;
	_ =	sdelay $0x1  }
0x27c: {  	v39 =	vadd.f32 $-5.264155390e+00, v39;
	_ =	sdelay $0x1  }
0x27d: {  	v39 =	vmul.f32 v38, v39;
	_ =	sdelay $0x1  }
0x27e: {  	v39 =	vadd.f32 $6.065858840e+00, v39  }
0x27f: {  	v37 =	vshrl.u32 v37, $0x17  }
0x280: {  	v37 =	vand.u32 $0xFF, v37;
	v38 =	vmul.f32 v38, v39  }
0x281: {  	v37 =	vadd.s32 $0xFFFFFF81, v37  }
0x282: {  	v37 =	vcvt.s32.f32 v37;
	v38 =	vadd.f32 $-3.028325080e+00, v38;
	_ =	sdelay $0x1  }
0x283: {  	v37 =	vadd.f32 v37, v38;
	_ =	sdelay $0x1  }
0x284: {  	v37 =	vmul.f32 $6.931471820e-01, v37;
	_ =	sdelay $0x1  }
0x285: {  	v5 =	vsub.f32 v5, v37  }
0x286: {  	v6 =	vsub.f32 v6, v37  }
0x287: {  	[tilespmem:s16+$0x5280] =	vst v5;
	v5 =	vsub.f32 v7, v37  }
0x288: {  	[tilespmem:s16+$0x5290] =	vst v6;
	v6 =	vsub.f32 v8, v37  }
0x289: {  	[tilespmem:s16+$0x52A0] =	vst v5;
	v5 =	vsub.f32 v9, v37  }
0x28a: {  	[tilespmem:s16+$0x52B0] =	vst v6;
	v6 =	vsub.f32 v10, v37  }
0x28b: {  	[tilespmem:s16+$0x52C0] =	vst v5;
	v5 =	vsub.f32 v11, v37  }
0x28c: {  	[tilespmem:s16+$0x52D0] =	vst v6;
	v6 =	vsub.f32 v12, v37  }
0x28d: {  	[tilespmem:s16+$0x52E0] =	vst v5;
	v5 =	vsub.f32 v13, v37  }
0x28e: {  	[tilespmem:s16+$0x52F0] =	vst v6;
	v6 =	vsub.f32 v14, v37  }
0x28f: {  	[tilespmem:s16+$0x5680] =	vst v5;
	v5 =	vsub.f32 v15, v37  }
0x290: {  	[tilespmem:s16+$0x5690] =	vst v6;
	v6 =	vsub.f32 v16, v37  }
0x291: {  	[tilespmem:s16+$0x56A0] =	vst v5;
	v5 =	vsub.f32 v17, v37  }
0x292: {  	[tilespmem:s16+$0x56B0] =	vst v6;
	v6 =	vsub.f32 v18, v37  }
0x293: {  	[tilespmem:s16+$0x56C0] =	vst v5;
	v5 =	vsub.f32 v19, v37  }
0x294: {  	[tilespmem:s16+$0x56D0] =	vst v6;
	v6 =	vsub.f32 v20, v37  }
0x295: {  	[tilespmem:s16+$0x56E0] =	vst v5;
	v5 =	vsub.f32 v21, v37  }
0x296: {  	[tilespmem:s16+$0x56F0] =	vst v6;
	v6 =	vsub.f32 v22, v37  }
0x297: {  	[tilespmem:s16+$0x5A80] =	vst v5;
	v5 =	vsub.f32 v23, v37  }
0x298: {  	[tilespmem:s16+$0x5A90] =	vst v6;
	v6 =	vsub.f32 v24, v37  }
0x299: {  	[tilespmem:s16+$0x5AA0] =	vst v5;
	v5 =	vsub.f32 v25, v37  }
0x29a: {  	[tilespmem:s16+$0x5AB0] =	vst v6;
	v6 =	vsub.f32 v26, v37  }
0x29b: {  	[tilespmem:s16+$0x5AC0] =	vst v5;
	v5 =	vsub.f32 v27, v37  }
0x29c: {  	[tilespmem:s16+$0x5AD0] =	vst v6;
	v6 =	vsub.f32 v28, v37  }
0x29d: {  	[tilespmem:s16+$0x5AE0] =	vst v5;
	v5 =	vsub.f32 v29, v37  }
0x29e: {  	[tilespmem:s16+$0x5AF0] =	vst v6;
	v6 =	vsub.f32 v30, v37  }
0x29f: {  	[tilespmem:s12+$0x1280] =	vst v5;
	v5 =	vsub.f32 v31, v37  }
0x2a0: {  	[tilespmem:s5+$0x1280] =	vst v6;
	v6 =	vsub.f32 v32, v37  }
0x2a1: {  	[tilespmem:s8+$0x1280] =	vst v5;
	v5 =	vsub.f32 v33, v37  }
0x2a2: {  	[tilespmem:s11+$0x1280] =	vst v6;
	v6 =	vsub.f32 v34, v37  }
0x2a3: {  	[tilespmem:s19+$0x1280] =	vst v5;
	v5 =	vsub.f32 v35, v37  }
0x2a4: {  	[tilespmem:s13+$0x1280] =	vst v6;
	v6 =	vsub.f32 v36, v37  }
0x2a5: {  	[tilespmem:s14+$0x1280] =	vst v5  }
0x2a6: {  	[tilespmem:s18+$0x1280] =	vst v6  }
0x2a7: {  	v5 =	vld [tilespmem:s16+$0x5300]  }
0x2a8: {  	v6 =	vld [tilespmem:s16+$0xD300]  }
0x2a9: {  	v7 =	vld [tilespmem:s16+$0x5310]  }
0x2aa: {  	v43 =	vld [tilespmem:s16+$0xD310]  }
0x2ab: {  	v44 =	vld [tilespmem:s16+$0x5320]  }
0x2ac: {  	v45 =	vld [tilespmem:s16+$0xD320]  }
0x2ad: {  	v46 =	vld [tilespmem:s16+$0x5330]  }
0x2ae: {  	v47 =	vld [tilespmem:s16+$0xD330]  }
0x2af: {  	v48 =	vld [tilespmem:s16+$0x5340]  }
0x2b0: {  	v49 =	vld [tilespmem:s16+$0xD340]  }
0x2b1: {  	v50 =	vld [tilespmem:s16+$0x5350]  }
0x2b2: {  	v51 =	vld [tilespmem:s16+$0xD350]  }
0x2b3: {  	v52 =	vld [tilespmem:s16+$0x5360]  }
0x2b4: {  	v53 =	vld [tilespmem:s16+$0xD360]  }
0x2b5: {  	v54 =	vld [tilespmem:s16+$0x5370]  }
0x2b6: {  	v55 =	vld [tilespmem:s16+$0xD370]  }
0x2b7: {  	v21 =	vld [tilespmem:s16+$0x5700]  }
0x2b8: {  	v22 =	vld [tilespmem:s16+$0xD700]  }
0x2b9: {  	v23 =	vld [tilespmem:s16+$0x5710]  }
0x2ba: {  	v24 =	vld [tilespmem:s16+$0xD710]  }
0x2bb: {  	v25 =	vld [tilespmem:s16+$0x5720]  }
0x2bc: {  	v26 =	vld [tilespmem:s16+$0xD720]  }
0x2bd: {  	v27 =	vld [tilespmem:s16+$0x5730]  }
0x2be: {  	v28 =	vld [tilespmem:s16+$0xD730]  }
0x2bf: {  	v29 =	vld [tilespmem:s16+$0x5740]  }
0x2c0: {  	v30 =	vld [tilespmem:s16+$0xD740]  }
0x2c1: {  	v31 =	vld [tilespmem:s16+$0x5750]  }
0x2c2: {  	v32 =	vld [tilespmem:s16+$0xD750]  }
0x2c3: {  	v34 =	vld [tilespmem:s16+$0x5760]  }
0x2c4: {  	v35 =	vld [tilespmem:s16+$0xD760]  }
0x2c5: {  	v33 =	vld [tilespmem:s16+$0x5770]  }
0x2c6: {  	v36 =	vld [tilespmem:s16+$0xD770];
	v5 =	vadd.f32 v6, v5  }
0x2c7: {  	v37 =	vld [tilespmem:s16+$0x5B00];
	v6 =	vadd.f32 v43, v7  }
0x2c8: {  	v38 =	vld [tilespmem:s16+$0xDB00];
	v7 =	vadd.f32 v45, v44;
	v56 =	vmul.f32 $1.442695020e+00, v5  }
0x2c9: {  	v39 =	vld [tilespmem:s16+$0x5B10];
	v8 =	vadd.f32 v47, v46;
	v57 =	vmul.f32 $1.442695020e+00, v6  }
0x2ca: {  	v40 =	vld [tilespmem:s16+$0xDB10];
	v9 =	vadd.f32 v49, v48;
	v58 =	vmul.f32 $1.442695020e+00, v7;
	(erf) = vpow2.f32 v56  }
0x2cb: {  	v41 =	vld [tilespmem:s16+$0x5B20];
	v59 =	vmul.f32 $1.442695020e+00, v8;
	(erf) = vpow2.f32 v57  }
0x2cc: {  	v42 =	vld [tilespmem:s16+$0xDB20];
	v60 =	vmul.f32 $1.442695020e+00, v9;
	(erf) = vpow2.f32 v58  }
0x2cd: {  	v43 =	vld [tilespmem:s16+$0x5B30];
	(erf) = vpow2.f32 v59  }
0x2ce: {  	v44 =	vld [tilespmem:s16+$0xDB30];
	(erf) = vpow2.f32 v60  }
0x2cf: {  	v45 =	vld [tilespmem:s16+$0x5B40];
	v10 =	vadd.f32 v51, v50  }
0x2d0: {  	v47 =	vld [tilespmem:s16+$0xDB40];
	v11 =	vadd.f32 v53, v52;
	v12 =	vadd.f32 v55, v54  }
0x2d1: {  	v49 =	vld [tilespmem:s16+$0x5B50];
	v13 =	vadd.f32 v22, v21;
	v14 =	vadd.f32 v24, v23  }
0x2d2: {  	v51 =	vld [tilespmem:s16+$0xDB50];
	v16 =	vadd.f32 v28, v27;
	v17 =	vadd.f32 v30, v29;
	v15 =	vmul.f32 $1.442695020e+00, v10  }
0x2d3: {  	s11 =	sand.u32 $0x3, s1;
	v53 =	vld [tilespmem:s16+$0x5B60];
	v19 =	vadd.f32 v35, v34;
	v20 =	vmul.f32 $1.442695020e+00, v11;
	v22 =	vmul.f32 $1.442695020e+00, v12;
	v61 =	vpop (erf)  }
0x2d4: {  	s5 =	sshll.u32 s11, $0x8;
	v54 =	vld [tilespmem:s16+$0xDB60];
	v21 =	vadd.f32 v38, v37;
	v24 =	vmul.f32 $1.442695020e+00, v13;
	(erf) = vpow2.f32 v15;
	v62 =	vpop (erf)  }
0x2d5: {  	s12 =	sadd.s32 s5, s31;
	v55 =	vld [tilespmem:s16+$0x5B70];
	v57 =	vmul.f32 $1.442695020e+00, v14;
	v15 =	vadd.f32 v26, v25;
	(erf) = vpow2.f32 v20;
	v46 =	vpop (erf)  }
0x2d6: {  	s13 =	sor.u32 $0x4C00, s12;
	v28 =	vld [tilespmem:s16+$0xDB70];
	v59 =	vmul.f32 $1.442695020e+00, v16;
	v63 =	vadd.f32 $0.0e+00, v61;
	(erf) = vpow2.f32 v22;
	v48 =	vpop (erf)  }
0x2d7: {  	v29 =	vld [tilespmem:s13+$0x1280];
	v23 =	vadd.f32 v42, v41;
	v58 =	vmul.f32 $1.442695020e+00, v15;
	(erf) = vpow2.f32 v24;
	v18 =	vpop (erf)  }
0x2d8: {  	s8 =	sor.u32 $0x4C20, s12;
	v30 =	vld [tilespmem:s13+$0x9280];
	(erf) = vpow2.f32 v57;
	v52 =	vadd.f32 v18, v63;
	v18 =	vadd.f32 v32, v31  }
0x2d9: {  	s11 =	sor.u32 $0x4C30, s12;
	v34 =	vld [tilespmem:s8+$0x9280];
	v27 =	vadd.f32 v54, v53;
	v60 =	vmul.f32 $1.442695020e+00, v17;
	(erf) = vpow2.f32 v58  }
0x2da: {  	v35 =	vld [tilespmem:s11+$0x1280];
	v20 =	vadd.f32 v36, v33;
	(erf) = vpow2.f32 v59;
	v61 =	vmul.f32 $1.442695020e+00, v18  }
0x2db: {  	s19 =	sor.u32 $0x4C60, s12;
	v37 =	vld [tilespmem:s11+$0x9280];
	v50 =	vadd.f32 $0.0e+00, v62;
	v62 =	vmul.f32 $1.442695020e+00, v19;
	(erf) = vpow2.f32 v60  }
0x2dc: {  	v53 =	vld [tilespmem:s19+$0x1280];
	v22 =	vadd.f32 v40, v39;
	v63 =	vmul.f32 $1.442695020e+00, v20;
	(erf) = vpow2.f32 v61  }
0x2dd: {  	s7 =	sor.u32 $0x4C10, s12;
	v28 =	vadd.f32 v28, v55;
	v55 =	vld [tilespmem:s19+$0x9280];
	v40 =	vmul.f32 $1.442695020e+00, v21;
	(erf) = vpow2.f32 v62  }
0x2de: {  	v24 =	vadd.f32 v44, v43;
	v56 =	vmul.f32 $1.442695020e+00, v22;
	v31 =	vld [tilespmem:s7+$0x1280];
	v36 =	vpop (erf);
	(erf) = vpow2.f32 v63  }
0x2df: {  	v25 =	vadd.f32 v47, v45;
	v57 =	vmul.f32 $1.442695020e+00, v23;
	v32 =	vld [tilespmem:s7+$0x9280];
	v38 =	vpop (erf);
	(erf) = vpow2.f32 v40  }
0x2e0: {  	s14 =	sor.u32 $0x4C50, s12;
	v26 =	vadd.f32 v51, v49;
	v33 =	vld [tilespmem:s8+$0x1280];
	v58 =	vmul.f32 $1.442695020e+00, v24;
	v41 =	vpop (erf);
	(erf) = vpow2.f32 v56  }
0x2e1: {  	s5 =	sor.u32 $0x4C40, s12;
	v45 =	vld [tilespmem:s14+$0x1280];
	v59 =	vmul.f32 $1.442695020e+00, v25;
	v44 =	vpop (erf);
	(erf) = vpow2.f32 v57  }
0x2e2: {  	v43 =	vld [tilespmem:s5+$0x9280];
	v60 =	vmul.f32 $1.442695020e+00, v26;
	v47 =	vpop (erf);
	(erf) = vpow2.f32 v58  }
0x2e3: {  	v29 =	vadd.f32 v30, v29;
	v61 =	vmul.f32 $1.442695020e+00, v27;
	v40 =	vld [tilespmem:s5+$0x1280];
	v51 =	vpop (erf);
	(erf) = vpow2.f32 v59  }
0x2e4: {  	s18 =	sor.u32 $0x4C70, s12;
	v49 =	vld [tilespmem:s14+$0x9280];
	v62 =	vmul.f32 $1.442695020e+00, v28;
	v30 =	vadd.f32 v32, v31;
	v54 =	vpop (erf);
	(erf) = vpow2.f32 v60  }
0x2e5: {  	v31 =	vadd.f32 v34, v33;
	v63 =	vmul.f32 $1.442695020e+00, v29;
	v57 =	vld [tilespmem:s18+$0x1280];
	v56 =	vpop (erf);
	(erf) = vpow2.f32 v61  }
0x2e6: {  	v32 =	vadd.f32 v37, v35;
	v59 =	vmul.f32 $1.442695020e+00, v30;
	v60 =	vld [tilespmem:s18+$0x9280];
	v58 =	vpop (erf);
	(erf) = vpow2.f32 v62  }
0x2e7: {  	v34 =	vmul.f32 $1.442695020e+00, v31;
	v61 =	vadd.f32 v36, v50;
	v50 =	vpop (erf);
	(erf) = vpow2.f32 v63  }
0x2e8: {  	v35 =	vmul.f32 $1.442695020e+00, v32;
	v33 =	vadd.f32 v43, v40;
	v39 =	vpop (erf);
	(erf) = vpow2.f32 v59  }
0x2e9: {  	v48 =	vadd.f32 $0.0e+00, v48;
	v40 =	vpop (erf);
	(erf) = vpow2.f32 v34;
	v34 =	vadd.f32 v49, v45  }
0x2ea: {  	v63 =	vmul.f32 $1.442695020e+00, v33;
	v45 =	vpop (erf);
	(erf) = vpow2.f32 v35;
	v35 =	vadd.f32 v55, v53  }
0x2eb: {  	v62 =	vadd.f32 $0.0e+00, v46;
	v36 =	vadd.f32 v60, v57;
	v49 =	vpop (erf);
	v55 =	vmul.f32 $1.442695020e+00, v34  }
0x2ec: {  	v41 =	vadd.f32 v41, v48;
	v43 =	vpop (erf);
	(erf) = vpow2.f32 v63;
	v57 =	vmul.f32 $1.442695020e+00, v35  }
0x2ed: {  	v38 =	vadd.f32 v38, v62;
	v60 =	vmul.f32 $1.442695020e+00, v36;
	v59 =	vpop (erf);
	(erf) = vpow2.f32 v55  }
0x2ee: {  	v44 =	vadd.f32 v44, v52;
	v42 =	vadd.f32 v47, v61;
	v61 =	vpop (erf);
	(erf) = vpow2.f32 v57  }
0x2ef: {  	v41 =	vadd.f32 v54, v41;
	v38 =	vadd.f32 v51, v38;
	v62 =	vpop (erf);
	(erf) = vpow2.f32 v60  }
0x2f0: {  	v44 =	vadd.f32 v56, v44;
	v42 =	vadd.f32 v58, v42;
	v63 =	vpop (erf)  }
0x2f1: {  	v39 =	vadd.f32 v39, v41;
	v38 =	vadd.f32 v50, v38;
	v54 =	vpop (erf)  }
0x2f2: {  	v40 =	vadd.f32 v40, v44;
	v42 =	vadd.f32 v45, v42;
	v55 =	vpop (erf)  }
0x2f3: {  	v39 =	vadd.f32 v43, v39;
	v38 =	vadd.f32 v49, v38;
	v56 =	vpop (erf)  }
0x2f4: {  	v40 =	vadd.f32 v59, v40;
	v42 =	vadd.f32 v61, v42;
	v57 =	vpop (erf)  }
0x2f5: {  	v38 =	vadd.f32 v62, v38;
	v37 =	vadd.f32 v63, v39;
	v58 =	vpop (erf)  }
0x2f6: {  	v40 =	vadd.f32 v54, v40;
	v41 =	vadd.f32 v55, v42;
	v59 =	vpop (erf)  }
0x2f7: {  	v38 =	vadd.f32 v56, v38;
	v37 =	vadd.f32 v57, v37;
	v60 =	vpop (erf)  }
0x2f8: {  	v40 =	vadd.f32 v58, v40;
	v39 =	vadd.f32 v59, v41;
	v61 =	vpop (erf)  }
0x2f9: {  	v38 =	vadd.f32 v60, v38;
	v37 =	vadd.f32 v61, v37;
	_ =	sdelay $0x1  }
0x2fa: {  	v39 =	vadd.f32 v39, v40;
	v37 =	vadd.f32 v37, v38;
	_ =	sdelay $0x1  }
0x2fb: {  	v37 =	vadd.f32 v37, v39;
	_ =	sdelay $0x1  }
0x2fc: {  	(xrf2) =	vadd.scan.msk.f32 $0xffff, v37;
	_ =	sdelay $0x9  }
0x2fd: {  	v37, _, _ =	vpop (xrf2)  }
0x2fe: {  	v37 =	vbroadcast v37, $0xF;
	_ =	sdelay $0x1  }
0x2ff: {  	v62 =	vand.u32 $0x7FFFFF, v37  }
0x300: {  	v38 =	vor.u32 $0x3F800000, v62  }
0x301: {  	v63 =	vmul.f32 $2.482598460e-02, v38;
	_ =	sdelay $0x1  }
0x302: {  	v39 =	vsub.f32 $2.668627800e-01, v63;
	_ =	sdelay $0x1  }
0x303: {  	v39 =	vmul.f32 v38, v39;
	_ =	sdelay $0x1  }
0x304: {  	v39 =	vadd.f32 $-1.234279870e+00, v39;
	_ =	sdelay $0x1  }
0x305: {  	v39 =	vmul.f32 v38, v39;
	_ =	sdelay $0x1  }
0x306: {  	v39 =	vadd.f32 $3.218869920e+00, v39;
	_ =	sdelay $0x1  }
0x307: {  	v39 =	vmul.f32 v38, v39;
	_ =	sdelay $0x1  }
0x308: {  	v39 =	vadd.f32 $-5.264155390e+00, v39;
	_ =	sdelay $0x1  }
0x309: {  	v39 =	vmul.f32 v38, v39;
	_ =	sdelay $0x1  }
0x30a: {  	v39 =	vadd.f32 $6.065858840e+00, v39  }
0x30b: {  	v37 =	vshrl.u32 v37, $0x17  }
0x30c: {  	v37 =	vand.u32 $0xFF, v37;
	v38 =	vmul.f32 v38, v39  }
0x30d: {  	v37 =	vadd.s32 $0xFFFFFF81, v37  }
0x30e: {  	v37 =	vcvt.s32.f32 v37;
	v38 =	vadd.f32 $-3.028325080e+00, v38;
	_ =	sdelay $0x1  }
0x30f: {  	v37 =	vadd.f32 v37, v38;
	_ =	sdelay $0x1  }
0x310: {  	v37 =	vmul.f32 $6.931471820e-01, v37;
	_ =	sdelay $0x1  }
0x311: {  	v5 =	vsub.f32 v5, v37  }
0x312: {  	v6 =	vsub.f32 v6, v37  }
0x313: {  	[tilespmem:s16+$0x5300] =	vst v5;
	v5 =	vsub.f32 v7, v37  }
0x314: {  	[tilespmem:s16+$0x5310] =	vst v6;
	v6 =	vsub.f32 v8, v37  }
0x315: {  	[tilespmem:s16+$0x5320] =	vst v5;
	v5 =	vsub.f32 v9, v37  }
0x316: {  	[tilespmem:s16+$0x5330] =	vst v6;
	v6 =	vsub.f32 v10, v37  }
0x317: {  	[tilespmem:s16+$0x5340] =	vst v5;
	v5 =	vsub.f32 v11, v37  }
0x318: {  	[tilespmem:s16+$0x5350] =	vst v6;
	v6 =	vsub.f32 v12, v37  }
0x319: {  	[tilespmem:s16+$0x5360] =	vst v5;
	v5 =	vsub.f32 v13, v37  }
0x31a: {  	[tilespmem:s16+$0x5370] =	vst v6;
	v6 =	vsub.f32 v14, v37  }
0x31b: {  	[tilespmem:s16+$0x5700] =	vst v5;
	v5 =	vsub.f32 v15, v37  }
0x31c: {  	[tilespmem:s16+$0x5710] =	vst v6;
	v6 =	vsub.f32 v16, v37  }
0x31d: {  	[tilespmem:s16+$0x5720] =	vst v5;
	v5 =	vsub.f32 v17, v37  }
0x31e: {  	[tilespmem:s16+$0x5730] =	vst v6;
	v6 =	vsub.f32 v18, v37  }
0x31f: {  	[tilespmem:s16+$0x5740] =	vst v5;
	v5 =	vsub.f32 v19, v37  }
0x320: {  	[tilespmem:s16+$0x5750] =	vst v6;
	v6 =	vsub.f32 v20, v37  }
0x321: {  	[tilespmem:s16+$0x5760] =	vst v5;
	v5 =	vsub.f32 v21, v37  }
0x322: {  	[tilespmem:s16+$0x5770] =	vst v6;
	v6 =	vsub.f32 v22, v37  }
0x323: {  	[tilespmem:s16+$0x5B00] =	vst v5;
	v5 =	vsub.f32 v23, v37  }
0x324: {  	[tilespmem:s16+$0x5B10] =	vst v6;
	v6 =	vsub.f32 v24, v37  }
0x325: {  	[tilespmem:s16+$0x5B20] =	vst v5;
	v5 =	vsub.f32 v25, v37  }
0x326: {  	[tilespmem:s16+$0x5B30] =	vst v6;
	v6 =	vsub.f32 v26, v37  }
0x327: {  	[tilespmem:s16+$0x5B40] =	vst v5;
	v5 =	vsub.f32 v27, v37  }
0x328: {  	[tilespmem:s16+$0x5B50] =	vst v6;
	v6 =	vsub.f32 v28, v37  }
0x329: {  	[tilespmem:s16+$0x5B60] =	vst v5;
	v5 =	vsub.f32 v29, v37  }
0x32a: {  	[tilespmem:s16+$0x5B70] =	vst v6;
	v6 =	vsub.f32 v30, v37  }
0x32b: {  	[tilespmem:s13+$0x1280] =	vst v5;
	v5 =	vsub.f32 v31, v37  }
0x32c: {  	s30 =	sadd.s32 $0x2, s30;
	[tilespmem:s7+$0x1280] =	vst v6;
	v6 =	vsub.f32 v32, v37  }
0x32d: {  	p0 =	slt.u32 s30, $0x1E;
	[tilespmem:s8+$0x1280] =	vst v5;
	v5 =	vsub.f32 v33, v37  }
.Ltmp2:
0x32e: {  	[tilespmem:s11+$0x1280] =	vst v6;
	v6 =	vsub.f32 v34, v37;
	(pc) =	sbr.rel @p0 .LBB2_7-.Ltmp2, $4  }
0x32f: {  	[tilespmem:s5+$0x1280] =	vst v5;
	v5 =	vsub.f32 v35, v37  }
0x330: {  	[tilespmem:s14+$0x1280] =	vst v6;
	v6 =	vsub.f32 v36, v37  }
0x331: {  	s15 =	sadd.s32 $0x100, s15;
	[tilespmem:s19+$0x1280] =	vst v5  }
0x332: {  	s2 =	sadd.s32 $0x400, s2;
	s1 =	sadd.s32 $0x1, s1;
	s31 =	sadd.s32 $0x400, s31;
	[tilespmem:s18+$0x1280] =	vst v6  }
0x333: {  	s28 =	sadd.s32 $0x1, s28  }
0x334: {  	p0 =	sne.s32 s28, $0x20  }
.Ltmp3:
0x335: {  	s1 =	sshll.u32 s29, $0x9;
	(pc) =	sbr.rel @p0 .LBB2_2-.Ltmp3, $4  }
0x336: {  	s1 =	sadd.s32 s10, s1  }
0x337: {  	s1 =	sshrl.u32 s1, $0x3  }
0x338: {  	s1 =	sadd.s32 s4, s1  }
0x339: {  	[hbm4b:s1+s6] =	stream.linear.scatter [tilespmem:s3], [sflag:$0x4], $0x4000, $0x38;
	[tilespmem:$0x11280] =	vst v63  }
0x33a: {  	_ =	swait.ge [sflag:s26], $0x4000  }
0x33b: {  	[sflag:s26] =	ssyncset.done $0x0  }
0x33c: {  	s2 =	simm.s32 $0x4;
	[sflag:s26] =	ssyncadd.s32 $0xFFFFC000  }
0x33d: {  	_ =	swait.ge [sflag:s2], $0x4000  }
0x33e: {  	s5 =	rddreg [dreg:$0xa]  }
0x33f: {  	s1 =	rddreg [dreg:$0x9];
	s5 =	sadd.s32 $0x1, s5  }
0x340: {  	p0 =	sne.s32 s5, s1  }
.Ltmp4:
0x341: {  	_ = 	snop;
	(pc) =	sbr.rel @p0 .LBB2_1-.Ltmp4, $3  }
0x342: {  	_ =	sdelay $0x1  }
0x343: {  	[sflag:s2] =	ssyncset.done $0x0  }
0x344: {  	[sflag:s2] =	ssyncadd.s32 $0xFFFFC000  }
0x345: {  	_ =	sfence.sel $0x180000  }
0x346: {  	[bflag:$0x0] =	sbarrier.arrive $0xFFFF  }
0x347: {  	_ =	strace $0x90000047  }
0x348: {  	s0 =	stileid.u32;
	[bflag:$0x2] =	sbarrier.arrive $0xFFFF  }
0x349: {  	p0 =	sne.s32 s0, $0x0;
	s0 =	rddreg [dreg:$0x5]  }
0x34a: {  	s0 =	sadd.s32 @!p0 $0x100000, s0  }
0x34b: {  	[sflag:s0] =	ssyncadd.tile.s32 @!p0 $0x1;
	_ =	shalt  }
.Lfunc_end2:
_tile_overlayer_lowered:
.L_overlay_start_2:
0x34c: {  	(tag) =	ssettag $0x2  }
0x34d: {  	s0 =	rddreg [dreg:$0x0];
	s2 =	stileid.u32  }
0x34e: {  	s1 =	rddreg [dreg:$0x1];
	p0 =	sne.s32 s2, $0x0  }
0x34f: {  	s3 =	rddreg [dreg:$0x2];
	[bflag:$0x3] =	sbarrier.arrive $0xFFFF;
	s2 =	simm.s32 @!p0 $0x1C05  }
0x350: {  	[timem:s3], [sflag:s2] =	dma.local @!p0 [hbm:s0], s1  }
0x351: {  	s0 =	simm.s32 @!p0 $0x5  }
0x352: {  	_ =	swait.ge @!p0 [sflag:s0], s1  }
0x353: {  	s1 =	ssub.s32 @!p0 $0x0, s1;
	[sflag:s0] =	ssyncset.done @!p0 $0x0  }
0x354: {  	[sflag:s0] =	ssyncadd.s32 @!p0 s1  }
0x355: {  	[bflag:$0x3] =	sbarrier.arrive $0xFFFF  }
0x356: {  	_ =	shalt  }

</sc_bundles>
